<compile_context>
chip_gen: v7x
topology: tpu7x:2x2x1
jax: 0.10.2.dev20260603
libtpu: 0.0.44.dev20260713+nightly
codegen_flags: <defaults>
</compile_context>

<pallas_src>
import dataclasses

import jax
import jax.numpy as jnp
from jax import lax
from jax.experimental import pallas as pl
from jax.experimental.pallas import tpu as pltpu
from jax.experimental.pallas import tpu_sc as plsc

NLAB = 33
LANES = 16
NLAB_PAD = 48
ACC_PAD = NLAB_PAD * LANES
NW = 32
ROWS = 51200
MINOR = 160
BROWS = 40
BROWS2 = 128
BLK = BROWS * MINOR
PROW = 2 * NLAB_PAD

_MESH = plsc.VectorSubcoreMesh(core_axis_name="c", subcore_axis_name="s")

_CP = pltpu.CompilerParams(use_tc_tiling_on_sc=True)
if "needs_layout_passes" in pltpu.CompilerParams.__dataclass_fields__:
    _CP = dataclasses.replace(_CP, needs_layout_passes=False)


def _pass1_body(lm_hbm, n_hbm, g_hbm, m_hbm, tbl_hbm,
                pk_hbm, part_hbm, tbl_v, sums_v, cnts_v, prow_v):
    nblk = lm_hbm.shape[0] // BROWS
    wid = lax.axis_index("s") * 2 + lax.axis_index("c")
    pltpu.sync_copy(tbl_hbm, tbl_v)

    zero = jnp.zeros((LANES,), jnp.float32)

    @pl.loop(0, ACC_PAD, step=LANES)
    def _(i):
        sums_v[pl.ds(i, LANES)] = zero
        cnts_v[pl.ds(i, LANES)] = zero

    lane = lax.iota(jnp.int32, LANES)
    one = jnp.ones((LANES,), jnp.float32)

    def body(lm_b, n_b, g_b, m_b, pk_b):
        @plsc.parallel_loop(0, BROWS, unroll=2)
        def _(r):
            for v in range(MINOR // LANES):
                sl = (r, pl.ds(v * LANES, LANES))
                lm16 = lm_b[sl]
                ms = plsc.load_gather(tbl_v, [lm16])
                muv = plsc.bitcast(ms & jnp.int32(-65536), jnp.float32)
                sgv = plsc.bitcast(ms << 16, jnp.float32)
                tex = (muv + sgv * n_b[sl]) \
                    * (0.5 + g_b[sl]) * (0.1 + 0.65 * m_b[sl])
                tbits = plsc.bitcast(tex, jnp.int32)
                tbits = (tbits + 0x8000) & jnp.int32(-65536)
                pk_b[pl.ds(r * MINOR + v * LANES, LANES)] = tbits | lm16
                idx = lm16 * LANES + lane
                plsc.addupdate_scatter(sums_v, [idx], tex)
                plsc.addupdate_scatter(cnts_v, [idx], one)

    spec2d = pl.BlockSpec(block_shape=(BROWS, MINOR), index_map=lambda i: (i, 0))
    spec1d = pl.BlockSpec(block_shape=(BLK,), index_map=lambda i: (i,))
    pltpu.emit_pipeline(
        body,
        grid=(nblk,),
        in_specs=[spec2d] * 4,
        out_specs=[spec1d],
        core_axis_name=("c", "s"),
        dimension_semantics=(pltpu.PARALLEL,),
    )(lm_hbm, n_hbm, g_hbm, m_hbm, pk_hbm)

    for j in range(NLAB_PAD // LANES):
        labv = lax.iota(jnp.int32, LANES) + j * LANES
        tot_s = zero
        tot_c = zero
        for k in range(LANES):
            idx = labv * LANES + k
            tot_s = tot_s + plsc.load_gather(sums_v, [idx])
            tot_c = tot_c + plsc.load_gather(cnts_v, [idx])
        prow_v[pl.ds(j * LANES, LANES)] = tot_s
        prow_v[pl.ds(NLAB_PAD + j * LANES, LANES)] = tot_c

    pltpu.sync_copy(prow_v, part_hbm.at[pl.ds(wid * PROW, PROW)])


def _pass2_body(part_hbm, inten_hbm, pk_hbm, out_hbm,
                part_v, inten_v, shift_v):
    nblk = out_hbm.shape[0] // BROWS2
    pltpu.sync_copy(part_hbm, part_v)
    pltpu.sync_copy(inten_hbm, inten_v)

    for j in range(NLAB_PAD // LANES):
        def wbody(w, sc, j=j):
            s, c = sc
            s = s + part_v[pl.ds(w * PROW + j * LANES, LANES)]
            c = c + part_v[pl.ds(w * PROW + NLAB_PAD + j * LANES, LANES)]
            return (s, c)

        s, c = lax.fori_loop(
            0, NW, wbody,
            (jnp.zeros((LANES,), jnp.float32), jnp.zeros((LANES,), jnp.float32)))
        mean = s / jnp.maximum(c, 1.0)
        shift = mean - inten_v[pl.ds(j * LANES, LANES)]
        labv = lax.iota(jnp.int32, LANES) + j * LANES
        shift = jnp.where((labv > 0) & (labv < NLAB), shift, 0.0)
        shift_v[pl.ds(j * LANES, LANES)] = shift

    def body(pk_b, out_b):
        @plsc.parallel_loop(0, BROWS2)
        def _(r):
            for v in range(MINOR // LANES):
                sl = (r, pl.ds(v * LANES, LANES))
                pk = pk_b[pl.ds(r * MINOR + v * LANES, LANES)]
                lm16 = pk & 0xFF
                sv = plsc.load_gather(shift_v, [lm16])
                tex = plsc.bitcast(pk & jnp.int32(-65536), jnp.float32)
                out_b[sl] = tex - sv

    spec2d = pl.BlockSpec(block_shape=(BROWS2, MINOR), index_map=lambda i: (i, 0))
    spec1d = pl.BlockSpec(block_shape=(BROWS2 * MINOR,), index_map=lambda i: (i,))
    pltpu.emit_pipeline(
        body,
        grid=(nblk,),
        in_specs=[spec1d],
        out_specs=[spec2d],
        core_axis_name=("c", "s"),
        dimension_semantics=(pltpu.PARALLEL,),
    )(pk_hbm, out_hbm)


def kernel(label_map, noise, gamma_noise, mul_field, mu, sigma_tbl, intensity_vals):
    shape = label_map.shape
    n = label_map.size
    assert n == ROWS * MINOR

    lm = label_map.astype(jnp.int32).reshape(ROWS, MINOR)
    nz = noise.reshape(ROWS, MINOR)
    gm = gamma_noise.reshape(ROWS, MINOR)
    mf = mul_field.reshape(ROWS, MINOR)
    pad = (0, NLAB_PAD - NLAB)
    mu_b = lax.bitcast_convert_type(
        jnp.pad(mu, pad).astype(jnp.bfloat16), jnp.uint16).astype(jnp.uint32)
    sg_b = lax.bitcast_convert_type(
        jnp.pad(sigma_tbl, pad).astype(jnp.bfloat16), jnp.uint16).astype(jnp.uint32)
    tbl_p = ((mu_b << 16) | sg_b).astype(jnp.int32)
    in_p = jnp.pad(intensity_vals, pad)

    pass1 = pl.kernel(
        _pass1_body,
        out_type=[
            jax.ShapeDtypeStruct((ROWS * MINOR,), jnp.int32),
            jax.ShapeDtypeStruct((NW * PROW,), jnp.float32),
        ],
        mesh=_MESH,
        scratch_types=[
            pltpu.VMEM((NLAB_PAD,), jnp.int32),
            pltpu.VMEM((ACC_PAD,), jnp.float32),
            pltpu.VMEM((ACC_PAD,), jnp.float32),
            pltpu.VMEM((PROW,), jnp.float32),
        ],
        compiler_params=_CP,
    )
    pk, part = pass1(lm, nz, gm, mf, tbl_p)

    pass2 = pl.kernel(
        _pass2_body,
        out_type=jax.ShapeDtypeStruct((ROWS, MINOR), jnp.float32),
        mesh=_MESH,
        scratch_types=[
            pltpu.VMEM((NW * PROW,), jnp.float32),
            pltpu.VMEM((NLAB_PAD,), jnp.float32),
            pltpu.VMEM((NLAB_PAD,), jnp.float32),
        ],
        compiler_params=_CP,
    )
    out = pass2(part, in_p, pk)
    return out.reshape(shape)

# --- scband reference (transcript-rebuilt; emitter-appended) ---
"""Pipeline reference for scband-texturize-labels-84267258347944 (READ-ONLY COPY).

The authoritative reference and input builder live on the scoring server;
editing this copy changes nothing except your own understanding.
"""

import jax, jax.numpy as jnp
import numpy as np

NUM_LABELS = 33  # labels 0..32, 0 = background
SHAPE = (2, 1, 160, 160, 160)

def setup_inputs(seed: int = 0) -> dict:
    key = jax.random.key(seed)
    k1, k2, k3, k4, k5, k6, k7 = jax.random.split(key, 7)
    label_map = jax.random.randint(k1, SHAPE, 0, NUM_LABELS, dtype=jnp.int32)
    # random fields consumed by the stochastic transforms (materialized so the
    # reference is deterministic): gaussian-mixture noise, gamma noise, mul-field
    noise = jax.random.normal(k2, SHAPE, dtype=jnp.float32)
    gamma_noise = jax.random.uniform(k3, SHAPE, dtype=jnp.float32)
    mul_field = jax.random.uniform(k4, SHAPE, dtype=jnp.float32)
    # per-label gaussian mixture params (RandomGaussianMixtureTransform)
    mu = jax.random.uniform(k5, (NUM_LABELS,), dtype=jnp.float32)
    sigma_tbl = jax.random.uniform(k6, (NUM_LABELS,), dtype=jnp.float32) * 2.0  # Uniform(0, sigma=2)
    # per-label target average intensity ~ Uniform(0, intensity=1)
    intensity_vals = jax.random.uniform(k7, (NUM_LABELS,), dtype=jnp.float32)
    return {"label_map": label_map, "noise": noise, "gamma_noise": gamma_noise,
            "mul_field": mul_field, "mu": mu, "sigma_tbl": sigma_tbl,
            "intensity_vals": intensity_vals}

def reference(label_map, noise, gamma_noise, mul_field, mu, sigma_tbl, intensity_vals):
    K = mu.shape[0]
    lm = label_map.astype(jnp.int32)
    # _apply_transform: gaussian mixture per label (gather), gamma noise, mul-field
    tex = jnp.take(mu, lm, axis=0) + jnp.take(sigma_tbl, lm, axis=0) * noise
    tex = tex * (0.5 + gamma_noise)            # RandomGammaNoiseTransform (mult. noise field)
    tex = tex * (0.1 + 0.65 * mul_field)       # MulFieldTransform(vmin=0.1, vmax=0.75)
    # _reassign_intensities: for each label>0, subtract mean(tex[mask] - intensity[label])
    flat = tex.reshape(-1)
    seg = lm.reshape(-1)
    sums = jax.ops.segment_sum(flat, seg, num_segments=K)
    counts = jax.ops.segment_sum(jnp.ones_like(flat), seg, num_segments=K)
    means = sums / jnp.maximum(counts, 1.0)
    shift = means - intensity_vals
    shift = jnp.where(jnp.arange(K) > 0, shift, 0.0)  # background label 0 untouched
    adjusted = tex - jnp.take(shift, lm, axis=0)
    return adjusted

if __name__ == "__main__":
    import jax
    _d = setup_inputs()
    print(jax.jit(kernel)(*tuple(_d.values())))

</pallas_src>

<mosaic_0001>
#map = affine_map<(d0, d1) -> (0)>
#map1 = affine_map<(d0, d1) -> (0, 0)>
module attributes {stable_mosaic.version = 14 : i64} {
  func.func @_pass2_body(%arg0: i32, %arg1: i32, %arg2: memref<3072xf32, #tpu.memory_space<hbm>>, %arg3: memref<48xf32, #tpu.memory_space<hbm>>, %arg4: memref<8192000xi32, #tpu.memory_space<hbm>>, %arg5: memref<51200x160xf32, #tpu.memory_space<hbm>>, %arg6: memref<3072xf32, #tpu.memory_space<vmem>>, %arg7: memref<48xf32, #tpu.memory_space<vmem>>, %arg8: memref<48xf32, #tpu.memory_space<vmem>>) attributes {dimension_semantics = [#tpu.dimension_semantics<core_parallel>, #tpu.dimension_semantics<subcore_parallel>], iteration_bounds = array<i64: 2, 16>, scalar_prefetch = 0 : i64, scratch_operands = 3 : i64, tpu.core_type = #tpu.core_type<sc_vector_subcore>, window_params = [{transform_indices = #map}, {transform_indices = #map}, {transform_indices = #map}, {transform_indices = #map1}]} {
    "tpu.region"() ({
      %run_scoped3A = tpu.sem_alloc : memref<!tpu.dma_semaphore, #tpu.memory_space<semaphore_mem>>
      tpu.enqueue_dma source(%arg2 : memref<3072xf32, #tpu.memory_space<hbm>>) target(%arg6 : memref<3072xf32, #tpu.memory_space<vmem>>) target_semaphore(%run_scoped3A : memref<!tpu.dma_semaphore, #tpu.memory_space<semaphore_mem>>)
      tpu.wait_dma2 semaphore(%run_scoped3A : memref<!tpu.dma_semaphore, #tpu.memory_space<semaphore_mem>>) src(%arg2 : memref<3072xf32, #tpu.memory_space<hbm>>) dst(%arg6 : memref<3072xf32, #tpu.memory_space<vmem>>)
      tpu.yield
    }) : () -> ()
    "tpu.region"() ({
      %run_scoped3A = tpu.sem_alloc : memref<!tpu.dma_semaphore, #tpu.memory_space<semaphore_mem>>
      tpu.enqueue_dma source(%arg3 : memref<48xf32, #tpu.memory_space<hbm>>) target(%arg7 : memref<48xf32, #tpu.memory_space<vmem>>) target_semaphore(%run_scoped3A : memref<!tpu.dma_semaphore, #tpu.memory_space<semaphore_mem>>)
      tpu.wait_dma2 semaphore(%run_scoped3A : memref<!tpu.dma_semaphore, #tpu.memory_space<semaphore_mem>>) src(%arg3 : memref<48xf32, #tpu.memory_space<hbm>>) dst(%arg7 : memref<48xf32, #tpu.memory_space<vmem>>)
      tpu.yield
    }) : () -> ()
    %broadcast_in_dim3A = arith.constant 0.000000e+00 : f32
    %broadcast_in_dim3A_0 = vector.broadcast %broadcast_in_dim3A : f32 to vector<16xf32>
    %broadcast_in_dim3A_1 = arith.constant 0.000000e+00 : f32
    %broadcast_in_dim3A_2 = vector.broadcast %broadcast_in_dim3A_1 : f32 to vector<16xf32>
    %scan3A = arith.constant 0 : i32
    %scan3A_3 = arith.constant 32 : i32
    %scan3A_4 = arith.addi %scan3A, %scan3A_3 : i32
    %scan3A_5 = arith.constant 1 : i32
    %scan3A_6:2 = scf.for %scan3A_106 = %scan3A to %scan3A_4 step %scan3A_5 iter_args(%scan3A_107 = %broadcast_in_dim3A_0, %scan3A_108 = %broadcast_in_dim3A_2) -> (vector<16xf32>, vector<16xf32>)  : i32 {
      %mul3A_109 = arith.constant 96 : i32
      %mul3A_110 = arith.muli %scan3A_106, %mul3A_109 : i32
      %add3A_111 = arith.constant 0 : i32
      %add3A_112 = arith.addi %mul3A_110, %add3A_111 : i32
      %get3A_113 = arith.index_cast %add3A_112 : i32 to index
      %get3A_114 = tpu.vector_load %arg6[%get3A_113] {strides = array<i32>} : memref<3072xf32, #tpu.memory_space<vmem>>, vector<16xf32>,
      %add3A_115 = arith.addf %scan3A_107, %get3A_114 : vector<16xf32>
      %mul3A_116 = arith.constant 96 : i32
      %mul3A_117 = arith.muli %scan3A_106, %mul3A_116 : i32
      %add3A_118 = arith.constant 48 : i32
      %add3A_119 = arith.addi %mul3A_117, %add3A_118 : i32
      %add3A_120 = arith.constant 0 : i32
      %add3A_121 = arith.addi %add3A_119, %add3A_120 : i32
      %get3A_122 = arith.index_cast %add3A_121 : i32 to index
      %get3A_123 = tpu.vector_load %arg6[%get3A_122] {strides = array<i32>} : memref<3072xf32, #tpu.memory_space<vmem>>, vector<16xf32>,
      %add3A_124 = arith.addf %scan3A_108, %get3A_123 : vector<16xf32>
      scf.yield %add3A_115, %add3A_124 : vector<16xf32>, vector<16xf32>
    }
    %scan3A_7 = arith.constant 32 : i32
    %max3A = arith.constant 1.000000e+00 : f32
    %max3A_8 = vector.broadcast %max3A : f32 to vector<16xf32>
    %max3A_9 = arith.maximumf %scan3A_6#1, %max3A_8 : vector<16xf32>
    %div3A = arith.divf %scan3A_6#0, %max3A_9 : vector<16xf32>
    %get3A = arith.constant 0 : index
    %get3A_10 = tpu.vector_load %arg7[%get3A] {strides = array<i32>} : memref<48xf32, #tpu.memory_space<vmem>>, vector<16xf32>,
    %sub3A = arith.subf %div3A, %get3A_10 : vector<16xf32>
    %iota3A = tpu.iota {dimensions = array<i32: 0>} : vector<16xi32>
    %add3A = arith.constant 0 : i32
    %add3A_11 = vector.broadcast %add3A : i32 to vector<16xi32>
    %add3A_12 = arith.addi %iota3A, %add3A_11 : vector<16xi32>
    %gt3A = arith.constant 0 : i32
    %gt3A_13 = vector.broadcast %gt3A : i32 to vector<16xi32>
    %gt3A_14 = arith.cmpi sgt, %add3A_12, %gt3A_13 : vector<16xi32>
    %lt3A = arith.constant 33 : i32
    %lt3A_15 = vector.broadcast %lt3A : i32 to vector<16xi32>
    %lt3A_16 = arith.cmpi slt, %add3A_12, %lt3A_15 : vector<16xi32>
    %and3A = arith.andi %gt3A_14, %lt3A_16 : vector<16xi1>
    %jit3A = arith.constant 0.000000e+00 : f32
    %broadcast_in_dim3A_17 = vector.broadcast %jit3A : f32 to vector<16xf32>
    %select_n3A = arith.select %and3A, %sub3A, %broadcast_in_dim3A_17 : vector<16xi1>, vector<16xf32>
    %swap3A = arith.constant 0 : index
    %swap3A_18 = tpu.vector_load %arg8[%swap3A] {strides = array<i32>} : memref<48xf32, #tpu.memory_space<vmem>>, vector<16xf32>,
    tpu.vector_store %arg8[%swap3A], %select_n3A {strides = array<i32>} : memref<48xf32, #tpu.memory_space<vmem>>, vector<16xf32>,
    %broadcast_in_dim3A_19 = arith.constant 0.000000e+00 : f32
    %broadcast_in_dim3A_20 = vector.broadcast %broadcast_in_dim3A_19 : f32 to vector<16xf32>
    %broadcast_in_dim3A_21 = arith.constant 0.000000e+00 : f32
    %broadcast_in_dim3A_22 = vector.broadcast %broadcast_in_dim3A_21 : f32 to vector<16xf32>
    %scan3A_23 = arith.constant 0 : i32
    %scan3A_24 = arith.constant 32 : i32
    %scan3A_25 = arith.addi %scan3A_23, %scan3A_24 : i32
    %scan3A_26 = arith.constant 1 : i32
    %scan3A_27:2 = scf.for %scan3A_106 = %scan3A_23 to %scan3A_25 step %scan3A_26 iter_args(%scan3A_107 = %broadcast_in_dim3A_20, %scan3A_108 = %broadcast_in_dim3A_22) -> (vector<16xf32>, vector<16xf32>)  : i32 {
      %mul3A_109 = arith.constant 96 : i32
      %mul3A_110 = arith.muli %scan3A_106, %mul3A_109 : i32
      %add3A_111 = arith.constant 16 : i32
      %add3A_112 = arith.addi %mul3A_110, %add3A_111 : i32
      %get3A_113 = arith.index_cast %add3A_112 : i32 to index
      %get3A_114 = tpu.vector_load %arg6[%get3A_113] {strides = array<i32>} : memref<3072xf32, #tpu.memory_space<vmem>>, vector<16xf32>,
      %add3A_115 = arith.addf %scan3A_107, %get3A_114 : vector<16xf32>
      %mul3A_116 = arith.constant 96 : i32
      %mul3A_117 = arith.muli %scan3A_106, %mul3A_116 : i32
      %add3A_118 = arith.constant 48 : i32
      %add3A_119 = arith.addi %mul3A_117, %add3A_118 : i32
      %add3A_120 = arith.constant 16 : i32
      %add3A_121 = arith.addi %add3A_119, %add3A_120 : i32
      %get3A_122 = arith.index_cast %add3A_121 : i32 to index
      %get3A_123 = tpu.vector_load %arg6[%get3A_122] {strides = array<i32>} : memref<3072xf32, #tpu.memory_space<vmem>>, vector<16xf32>,
      %add3A_124 = arith.addf %scan3A_108, %get3A_123 : vector<16xf32>
      scf.yield %add3A_115, %add3A_124 : vector<16xf32>, vector<16xf32>
    }
    %scan3A_28 = arith.constant 32 : i32
    %max3A_29 = arith.constant 1.000000e+00 : f32
    %max3A_30 = vector.broadcast %max3A_29 : f32 to vector<16xf32>
    %max3A_31 = arith.maximumf %scan3A_27#1, %max3A_30 : vector<16xf32>
    %div3A_32 = arith.divf %scan3A_27#0, %max3A_31 : vector<16xf32>
    %get3A_33 = arith.constant 16 : index
    %get3A_34 = tpu.vector_load %arg7[%get3A_33] {strides = array<i32>} : memref<48xf32, #tpu.memory_space<vmem>>, vector<16xf32>,
    %sub3A_35 = arith.subf %div3A_32, %get3A_34 : vector<16xf32>
    %iota3A_36 = tpu.iota {dimensions = array<i32: 0>} : vector<16xi32>
    %add3A_37 = arith.constant 16 : i32
    %add3A_38 = vector.broadcast %add3A_37 : i32 to vector<16xi32>
    %add3A_39 = arith.addi %iota3A_36, %add3A_38 : vector<16xi32>
    %gt3A_40 = arith.constant 0 : i32
    %gt3A_41 = vector.broadcast %gt3A_40 : i32 to vector<16xi32>
    %gt3A_42 = arith.cmpi sgt, %add3A_39, %gt3A_41 : vector<16xi32>
    %lt3A_43 = arith.constant 33 : i32
    %lt3A_44 = vector.broadcast %lt3A_43 : i32 to vector<16xi32>
    %lt3A_45 = arith.cmpi slt, %add3A_39, %lt3A_44 : vector<16xi32>
    %and3A_46 = arith.andi %gt3A_42, %lt3A_45 : vector<16xi1>
    %jit3A_47 = arith.constant 0.000000e+00 : f32
    %broadcast_in_dim3A_48 = vector.broadcast %jit3A_47 : f32 to vector<16xf32>
    %select_n3A_49 = arith.select %and3A_46, %sub3A_35, %broadcast_in_dim3A_48 : vector<16xi1>, vector<16xf32>
    %swap3A_50 = arith.constant 16 : index
    %swap3A_51 = tpu.vector_load %arg8[%swap3A_50] {strides = array<i32>} : memref<48xf32, #tpu.memory_space<vmem>>, vector<16xf32>,
    tpu.vector_store %arg8[%swap3A_50], %select_n3A_49 {strides = array<i32>} : memref<48xf32, #tpu.memory_space<vmem>>, vector<16xf32>,
    %broadcast_in_dim3A_52 = arith.constant 0.000000e+00 : f32
    %broadcast_in_dim3A_53 = vector.broadcast %broadcast_in_dim3A_52 : f32 to vector<16xf32>
    %broadcast_in_dim3A_54 = arith.constant 0.000000e+00 : f32
    %broadcast_in_dim3A_55 = vector.broadcast %broadcast_in_dim3A_54 : f32 to vector<16xf32>
    %scan3A_56 = arith.constant 0 : i32
    %scan3A_57 = arith.constant 32 : i32
    %scan3A_58 = arith.addi %scan3A_56, %scan3A_57 : i32
    %scan3A_59 = arith.constant 1 : i32
    %scan3A_60:2 = scf.for %scan3A_106 = %scan3A_56 to %scan3A_58 step %scan3A_59 iter_args(%scan3A_107 = %broadcast_in_dim3A_53, %scan3A_108 = %broadcast_in_dim3A_55) -> (vector<16xf32>, vector<16xf32>)  : i32 {
      %mul3A_109 = arith.constant 96 : i32
      %mul3A_110 = arith.muli %scan3A_106, %mul3A_109 : i32
      %add3A_111 = arith.constant 32 : i32
      %add3A_112 = arith.addi %mul3A_110, %add3A_111 : i32
      %get3A_113 = arith.index_cast %add3A_112 : i32 to index
      %get3A_114 = tpu.vector_load %arg6[%get3A_113] {strides = array<i32>} : memref<3072xf32, #tpu.memory_space<vmem>>, vector<16xf32>,
      %add3A_115 = arith.addf %scan3A_107, %get3A_114 : vector<16xf32>
      %mul3A_116 = arith.constant 96 : i32
      %mul3A_117 = arith.muli %scan3A_106, %mul3A_116 : i32
      %add3A_118 = arith.constant 48 : i32
      %add3A_119 = arith.addi %mul3A_117, %add3A_118 : i32
      %add3A_120 = arith.constant 32 : i32
      %add3A_121 = arith.addi %add3A_119, %add3A_120 : i32
      %get3A_122 = arith.index_cast %add3A_121 : i32 to index
      %get3A_123 = tpu.vector_load %arg6[%get3A_122] {strides = array<i32>} : memref<3072xf32, #tpu.memory_space<vmem>>, vector<16xf32>,
      %add3A_124 = arith.addf %scan3A_108, %get3A_123 : vector<16xf32>
      scf.yield %add3A_115, %add3A_124 : vector<16xf32>, vector<16xf32>
    }
    %scan3A_61 = arith.constant 32 : i32
    %max3A_62 = arith.constant 1.000000e+00 : f32
    %max3A_63 = vector.broadcast %max3A_62 : f32 to vector<16xf32>
    %max3A_64 = arith.maximumf %scan3A_60#1, %max3A_63 : vector<16xf32>
    %div3A_65 = arith.divf %scan3A_60#0, %max3A_64 : vector<16xf32>
    %get3A_66 = arith.constant 32 : index
    %get3A_67 = tpu.vector_load %arg7[%get3A_66] {strides = array<i32>} : memref<48xf32, #tpu.memory_space<vmem>>, vector<16xf32>,
    %sub3A_68 = arith.subf %div3A_65, %get3A_67 : vector<16xf32>
    %iota3A_69 = tpu.iota {dimensions = array<i32: 0>} : vector<16xi32>
    %add3A_70 = arith.constant 32 : i32
    %add3A_71 = vector.broadcast %add3A_70 : i32 to vector<16xi32>
    %add3A_72 = arith.addi %iota3A_69, %add3A_71 : vector<16xi32>
    %gt3A_73 = arith.constant 0 : i32
    %gt3A_74 = vector.broadcast %gt3A_73 : i32 to vector<16xi32>
    %gt3A_75 = arith.cmpi sgt, %add3A_72, %gt3A_74 : vector<16xi32>
    %lt3A_76 = arith.constant 33 : i32
    %lt3A_77 = vector.broadcast %lt3A_76 : i32 to vector<16xi32>
    %lt3A_78 = arith.cmpi slt, %add3A_72, %lt3A_77 : vector<16xi32>
    %and3A_79 = arith.andi %gt3A_75, %lt3A_78 : vector<16xi1>
    %jit3A_80 = arith.constant 0.000000e+00 : f32
    %broadcast_in_dim3A_81 = vector.broadcast %jit3A_80 : f32 to vector<16xf32>
    %select_n3A_82 = arith.select %and3A_79, %sub3A_68, %broadcast_in_dim3A_81 : vector<16xi1>, vector<16xf32>
    %swap3A_83 = arith.constant 32 : index
    %swap3A_84 = tpu.vector_load %arg8[%swap3A_83] {strides = array<i32>} : memref<48xf32, #tpu.memory_space<vmem>>, vector<16xf32>,
    tpu.vector_store %arg8[%swap3A_83], %select_n3A_82 {strides = array<i32>} : memref<48xf32, #tpu.memory_space<vmem>>, vector<16xf32>,
    %mul3A = arith.constant 1 : i32
    %mul3A_85 = arith.muli %arg1, %mul3A : i32
    %add3A_86 = arith.constant 0 : i32
    %add3A_87 = arith.addi %add3A_86, %mul3A_85 : i32
    %mul3A_88 = arith.constant 16 : i32
    %mul3A_89 = arith.muli %arg0, %mul3A_88 : i32
    %add3A_90 = arith.addi %add3A_87, %mul3A_89 : i32
    %lt3A_91 = arith.constant 16 : i32
    %lt3A_92 = arith.cmpi slt, %add3A_90, %lt3A_91 : i32
    %jit3A_93 = arith.constant 13 : i32
    %jit3A_94 = arith.constant 12 : i32
    %select_n3A_95 = arith.select %lt3A_92, %jit3A_93, %jit3A_94 : i32
    %lt3A_96 = arith.constant 16 : i32
    %lt3A_97 = arith.cmpi slt, %add3A_90, %lt3A_96 : i32
    %mul3A_98 = arith.muli %add3A_90, %select_n3A_95 : i32
    %mul3A_99 = arith.constant 12 : i32
    %mul3A_100 = arith.muli %add3A_90, %mul3A_99 : i32
    %add3A_101 = arith.constant 16 : i32
    %add3A_102 = arith.addi %mul3A_100, %add3A_101 : i32
    %select_n3A_103 = arith.select %lt3A_97, %mul3A_98, %add3A_102 : i32
    %mul3A_104 = arith.constant 1 : i32
    %mul3A_105 = arith.muli %mul3A_104, %select_n3A_95 : i32
    "tpu.region"() ({
      %run_scoped3A = memref.alloca() : memref<40960xi32, #tpu.memory_space<vmem>>
      %run_scoped3A_106 = tpu.sem_alloc : memref<2x!tpu.dma_semaphore, #tpu.memory_space<semaphore_mem>>
      %run_scoped3A_107 = memref.alloca() : memref<2x128x160xf32, #tpu.memory_space<vmem>>
      %run_scoped3A_108 = tpu.sem_alloc : memref<2x!tpu.dma_semaphore, #tpu.memory_space<semaphore_mem>>
      %gt3A_109 = arith.constant 0 : i32
      %gt3A_110 = arith.cmpi sgt, %mul3A_105, %gt3A_109 : i32
      %convert_element_type3A = arith.extui %gt3A_110 : i1 to i32
      %cond3A = arith.constant 0 : i32
      %cond3A_111 = arith.cmpi ne, %convert_element_type3A, %cond3A : i32
      scf.if %cond3A_111 {
        %mul3A_112 = arith.constant 1 : i32
        %mul3A_113 = arith.muli %mul3A_112, %select_n3A_95 : i32
        %sub3A_114 = arith.constant 1 : i32
        %sub3A_115 = arith.subi %mul3A_113, %sub3A_114 : i32
        %eq3A = arith.constant 0 : i32
        %eq3A_116 = arith.cmpi eq, %sub3A_115, %eq3A : i32
        %add3A_117 = arith.constant 0 : i32
        %add3A_118 = arith.addi %add3A_117, %select_n3A_103 : i32
        %select_n3A_119 = arith.constant true
        %select_n3A_120 = arith.constant 0 : i32
        %select_n3A_121 = arith.constant -1 : i32
        %select_n3A_122 = arith.select %select_n3A_119, %select_n3A_121, %select_n3A_120 : i32
        %eq3A_123 = arith.constant -1 : i32
        %eq3A_124 = arith.cmpi eq, %select_n3A_122, %eq3A_123 : i32
        %sub3A_125 = arith.constant 1 : i32
        %sub3A_126 = arith.subi %select_n3A_95, %sub3A_125 : i32
        %select_n3A_127 = arith.select %eq3A_124, %sub3A_126, %select_n3A_122 : i32
        %add3A_128 = arith.addi %select_n3A_127, %select_n3A_103 : i32
        %select_n3A_129 = arith.constant true
        %select_n3A_130 = arith.constant 0 : i32
        %select_n3A_131 = arith.constant 1 : i32
        %select_n3A_132 = arith.select %select_n3A_129, %select_n3A_131, %select_n3A_130 : i32
        %eq3A_133 = arith.cmpi eq, %select_n3A_132, %select_n3A_95 : i32
        %select_n3A_134 = arith.constant 0 : i32
        %select_n3A_135 = arith.select %eq3A_133, %select_n3A_134, %select_n3A_132 : i32
        %add3A_136 = arith.addi %select_n3A_135, %select_n3A_103 : i32
        %add3A_137 = arith.constant 1 : i32
        %add3A_138 = arith.addi %select_n3A_135, %add3A_137 : i32
        %select_n3A_139 = arith.constant true
        %select_n3A_140 = arith.select %select_n3A_139, %add3A_138, %select_n3A_135 : i32
        %eq3A_141 = arith.cmpi eq, %select_n3A_140, %select_n3A_95 : i32
        %select_n3A_142 = arith.constant 0 : i32
        %select_n3A_143 = arith.select %eq3A_141, %select_n3A_142, %select_n3A_140 : i32
        %add3A_144 = arith.addi %select_n3A_143, %select_n3A_103 : i32
        "tpu.trace_start"() <{level = 10 : i32, message = "ep_initialize_0"}> : () -> ()
        %rem3A = arith.constant 0 : i32
        %rem3A_145 = arith.constant 2 : i32
        %rem3A_146 = arith.remui %rem3A, %rem3A_145 : i32
        %mul3A_147 = arith.constant 20480 : i32
        %mul3A_148 = arith.muli %mul3A_147, %add3A_118 : i32
        %mul3A_149 = arith.constant 20480 : i32
        %mul3A_150 = arith.muli %rem3A_146, %mul3A_149 : i32
        %add3A_151 = arith.constant 0 : i32
        %add3A_152 = arith.addi %mul3A_150, %add3A_151 : i32
        %dma_start3A = tpu.memref_slice %run_scoped3A[%add3A_152] : memref<40960xi32, #tpu.memory_space<vmem>> -> memref<20480xi32, #tpu.memory_space<vmem>>
        %dma_start3A_153 = tpu.memref_slice %arg4[%mul3A_148] : memref<8192000xi32, #tpu.memory_space<hbm>> -> memref<20480xi32, #tpu.memory_space<hbm>>
        %dma_start3A_154 = tpu.memref_slice %run_scoped3A_106[%rem3A_146] : memref<2x!tpu.dma_semaphore, #tpu.memory_space<semaphore_mem>> -> memref<1x!tpu.dma_semaphore, #tpu.memory_space<semaphore_mem>>
        %dma_start3A_155 = tpu.memref_squeeze %dma_start3A_154 : memref<1x!tpu.dma_semaphore, #tpu.memory_space<semaphore_mem>> -> memref<!tpu.dma_semaphore, #tpu.memory_space<semaphore_mem>>
        %dma_start3A_156 = tpu.memref_slice %run_scoped3A[%add3A_152] : memref<40960xi32, #tpu.memory_space<vmem>> -> memref<20480xi32, #tpu.memory_space<vmem>>
        %dma_start3A_157 = tpu.memref_slice %arg4[%mul3A_148] : memref<8192000xi32, #tpu.memory_space<hbm>> -> memref<20480xi32, #tpu.memory_space<hbm>>
        tpu.enqueue_dma source(%dma_start3A_157 : memref<20480xi32, #tpu.memory_space<hbm>>) target(%dma_start3A_156 : memref<20480xi32, #tpu.memory_space<vmem>>) target_semaphore(%dma_start3A_155 : memref<!tpu.dma_semaphore, #tpu.memory_space<semaphore_mem>>)
        %add3A_158 = arith.constant 0 : i32
        %add3A_159 = arith.constant 1 : i32
        %add3A_160 = arith.addi %add3A_158, %add3A_159 : i32
        %select_n3A_161 = arith.constant true
        %select_n3A_162 = arith.constant 0 : i32
        %select_n3A_163 = arith.select %select_n3A_161, %add3A_160, %select_n3A_162 : i32
        %while3A = arith.constant 0 : i32
        %while3A_164 = arith.constant 0 : i32
        %while3A_165 = arith.constant 0 : i32
        %while3A_166 = arith.constant 0 : i32
        %while3A_167 = arith.constant 0 : i32
        "tpu.trace_stop"() : () -> ()
        %while3A_168 = arith.subi %mul3A_105, %while3A : i32
        %while3A_169 = arith.addi %while3A, %while3A_168 : i32
        %while3A_170 = arith.constant 1 : i32
        %while3A_171 = arith.divsi %while3A_168, %while3A_170 : i32
        %while3A_172 = arith.muli %while3A_171, %while3A_170 : i32
        %while3A_173 = arith.addi %while3A, %while3A_172 : i32
        %while3A_174 = arith.constant 1 : i32
        %while3A_175:5 = scf.for %while3A_229 = %while3A to %while3A_173 step %while3A_174 iter_args(%while3A_230 = %select_n3A_163, %while3A_231 = %while3A_164, %while3A_232 = %while3A_165, %while3A_233 = %while3A_166, %while3A_234 = %while3A_167) -> (i32, i32, i32, i32, i32)  : i32 {
          %mul3A_235 = arith.constant 1 : i32
          %mul3A_236 = arith.muli %mul3A_235, %select_n3A_95 : i32
          %eq3A_237 = arith.constant 0 : i32
          %eq3A_238 = arith.cmpi eq, %while3A_229, %eq3A_237 : i32
          %sub3A_239 = arith.constant 1 : i32
          %sub3A_240 = arith.subi %mul3A_236, %sub3A_239 : i32
          %eq3A_241 = arith.cmpi eq, %while3A_229, %sub3A_240 : i32
          %add3A_242 = arith.addi %while3A_234, %select_n3A_103 : i32
          %sub3A_243 = arith.constant 1 : i32
          %sub3A_244 = arith.subi %while3A_234, %sub3A_243 : i32
          %select_n3A_245 = arith.constant true
          %select_n3A_246 = arith.select %select_n3A_245, %sub3A_244, %while3A_234 : i32
          %eq3A_247 = arith.constant -1 : i32
          %eq3A_248 = arith.cmpi eq, %select_n3A_246, %eq3A_247 : i32
          %sub3A_249 = arith.constant 1 : i32
          %sub3A_250 = arith.subi %select_n3A_95, %sub3A_249 : i32
          %select_n3A_251 = arith.select %eq3A_248, %sub3A_250, %select_n3A_246 : i32
          %add3A_252 = arith.addi %select_n3A_251, %select_n3A_103 : i32
          %add3A_253 = arith.constant 1 : i32
          %add3A_254 = arith.addi %while3A_234, %add3A_253 : i32
          %select_n3A_255 = arith.constant true
          %select_n3A_256 = arith.select %select_n3A_255, %add3A_254, %while3A_234 : i32
          %eq3A_257 = arith.cmpi eq, %select_n3A_256, %select_n3A_95 : i32
          %select_n3A_258 = arith.constant 0 : i32
          %select_n3A_259 = arith.select %eq3A_257, %select_n3A_258, %select_n3A_256 : i32
          %add3A_260 = arith.addi %select_n3A_259, %select_n3A_103 : i32
          %add3A_261 = arith.constant 1 : i32
          %add3A_262 = arith.addi %select_n3A_259, %add3A_261 : i32
          %select_n3A_263 = arith.constant true
          %select_n3A_264 = arith.select %select_n3A_263, %add3A_262, %select_n3A_259 : i32
          %eq3A_265 = arith.cmpi eq, %select_n3A_264, %select_n3A_95 : i32
          %select_n3A_266 = arith.constant 0 : i32
          %select_n3A_267 = arith.select %eq3A_265, %select_n3A_266, %select_n3A_264 : i32
          %add3A_268 = arith.addi %select_n3A_267, %select_n3A_103 : i32
          %ne3A = arith.cmpi ne, %add3A_242, %add3A_260 : i32
          %or3A = arith.constant false
          %or3A_269 = arith.ori %or3A, %ne3A : i1
          %sub3A_270 = arith.constant 2 : i32
          %sub3A_271 = arith.subi %mul3A_236, %sub3A_270 : i32
          %add3A_272 = arith.constant 1 : i32
          %add3A_273 = arith.addi %sub3A_271, %add3A_272 : i32
          %ge3A = arith.cmpi sge, %while3A_229, %add3A_273 : i32
          %not3A = arith.constant true
          %not3A_274 = arith.xori %ge3A, %not3A : i1
          %and3A_275 = arith.andi %or3A_269, %not3A_274 : i1
          %convert_element_type3A_276 = arith.extui %and3A_275 : i1 to i32
          %cond3A_277 = arith.constant 0 : i32
          %cond3A_278 = arith.cmpi ne, %convert_element_type3A_276, %cond3A_277 : i32
          scf.if %cond3A_278 {
            "tpu.trace_start"() <{level = 10 : i32, message = "ep_copy_in"}> : () -> ()
            %rem3A_385 = arith.constant 2 : i32
            %rem3A_386 = arith.remui %while3A_230, %rem3A_385 : i32
            %mul3A_387 = arith.constant 20480 : i32
            %mul3A_388 = arith.muli %mul3A_387, %add3A_260 : i32
            %mul3A_389 = arith.constant 20480 : i32
            %mul3A_390 = arith.muli %rem3A_386, %mul3A_389 : i32
            %add3A_391 = arith.constant 0 : i32
            %add3A_392 = arith.addi %mul3A_390, %add3A_391 : i32
            %dma_start3A_393 = tpu.memref_slice %run_scoped3A[%add3A_392] : memref<40960xi32, #tpu.memory_space<vmem>> -> memref<20480xi32, #tpu.memory_space<vmem>>
            %dma_start3A_394 = tpu.memref_slice %arg4[%mul3A_388] : memref<8192000xi32, #tpu.memory_space<hbm>> -> memref<20480xi32, #tpu.memory_space<hbm>>
            %dma_start3A_395 = tpu.memref_slice %run_scoped3A_106[%rem3A_386] : memref<2x!tpu.dma_semaphore, #tpu.memory_space<semaphore_mem>> -> memref<1x!tpu.dma_semaphore, #tpu.memory_space<semaphore_mem>>
            %dma_start3A_396 = tpu.memref_squeeze %dma_start3A_395 : memref<1x!tpu.dma_semaphore, #tpu.memory_space<semaphore_mem>> -> memref<!tpu.dma_semaphore, #tpu.memory_space<semaphore_mem>>
            %dma_start3A_397 = tpu.memref_slice %run_scoped3A[%add3A_392] : memref<40960xi32, #tpu.memory_space<vmem>> -> memref<20480xi32, #tpu.memory_space<vmem>>
            %dma_start3A_398 = tpu.memref_slice %arg4[%mul3A_388] : memref<8192000xi32, #tpu.memory_space<hbm>> -> memref<20480xi32, #tpu.memory_space<hbm>>
            tpu.enqueue_dma source(%dma_start3A_398 : memref<20480xi32, #tpu.memory_space<hbm>>) target(%dma_start3A_397 : memref<20480xi32, #tpu.memory_space<vmem>>) target_semaphore(%dma_start3A_396 : memref<!tpu.dma_semaphore, #tpu.memory_space<semaphore_mem>>)
            "tpu.trace_stop"() : () -> ()
          } else {
          }
          %and3A_279 = arith.constant true
          %and3A_280 = arith.andi %and3A_275, %and3A_279 : i1
          %add3A_281 = arith.constant 1 : i32
          %add3A_282 = arith.addi %while3A_230, %add3A_281 : i32
          %select_n3A_283 = arith.select %and3A_280, %add3A_282, %while3A_230 : i32
          %ne3A_284 = arith.cmpi ne, %add3A_242, %add3A_260 : i32
          %or3A_285 = arith.constant false
          %or3A_286 = arith.ori %or3A_285, %ne3A_284 : i1
          %or3A_287 = arith.constant false
          %or3A_288 = arith.ori %or3A_286, %or3A_287 : i1
          %sub3A_289 = arith.constant 2 : i32
          %sub3A_290 = arith.subi %mul3A_236, %sub3A_289 : i32
          %add3A_291 = arith.constant 1 : i32
          %add3A_292 = arith.addi %sub3A_290, %add3A_291 : i32
          %ge3A_293 = arith.cmpi sge, %while3A_229, %add3A_292 : i32
          %not3A_294 = arith.constant true
          %not3A_295 = arith.xori %ge3A_293, %not3A_294 : i1
          %and3A_296 = arith.andi %or3A_288, %not3A_295 : i1
          %ne3A_297 = arith.cmpi ne, %add3A_242, %add3A_252 : i32
          %or3A_298 = arith.constant false
          %or3A_299 = arith.ori %or3A_298, %ne3A_297 : i1
          %or3A_300 = arith.ori %or3A_299, %eq3A_238 : i1
          %convert_element_type3A_301 = arith.extui %or3A_300 : i1 to i32
          %cond3A_302 = arith.constant 0 : i32
          %cond3A_303 = arith.cmpi ne, %convert_element_type3A_301, %cond3A_302 : i32
          scf.if %cond3A_303 {
            "tpu.trace_start"() <{level = 10 : i32, message = "ep_wait_in"}> : () -> ()
            %mul3A_385 = arith.constant 20480 : i32
            %mul3A_386 = arith.muli %mul3A_385, %add3A_242 : i32
            %rem3A_387 = arith.constant 2 : i32
            %rem3A_388 = arith.remui %while3A_231, %rem3A_387 : i32
            %mul3A_389 = arith.constant 20480 : i32
            %mul3A_390 = arith.muli %rem3A_388, %mul3A_389 : i32
            %add3A_391 = arith.constant 0 : i32
            %add3A_392 = arith.addi %mul3A_390, %add3A_391 : i32
            %dma_wait3A = tpu.memref_slice %run_scoped3A[%add3A_392] : memref<40960xi32, #tpu.memory_space<vmem>> -> memref<20480xi32, #tpu.memory_space<vmem>>
            %dma_wait3A_393 = tpu.memref_slice %arg4[%mul3A_386] : memref<8192000xi32, #tpu.memory_space<hbm>> -> memref<20480xi32, #tpu.memory_space<hbm>>
            %dma_wait3A_394 = tpu.memref_slice %run_scoped3A_106[%rem3A_388] : memref<2x!tpu.dma_semaphore, #tpu.memory_space<semaphore_mem>> -> memref<1x!tpu.dma_semaphore, #tpu.memory_space<semaphore_mem>>
            %dma_wait3A_395 = tpu.memref_squeeze %dma_wait3A_394 : memref<1x!tpu.dma_semaphore, #tpu.memory_space<semaphore_mem>> -> memref<!tpu.dma_semaphore, #tpu.memory_space<semaphore_mem>>
            %dma_wait3A_396 = tpu.memref_slice %run_scoped3A[%add3A_392] : memref<40960xi32, #tpu.memory_space<vmem>> -> memref<20480xi32, #tpu.memory_space<vmem>>
            %dma_wait3A_397 = tpu.memref_slice %arg4[%mul3A_386] : memref<8192000xi32, #tpu.memory_space<hbm>> -> memref<20480xi32, #tpu.memory_space<hbm>>
            tpu.wait_dma2 semaphore(%dma_wait3A_395 : memref<!tpu.dma_semaphore, #tpu.memory_space<semaphore_mem>>) src(%dma_wait3A_397 : memref<20480xi32, #tpu.memory_space<hbm>>) dst(%dma_wait3A_396 : memref<20480xi32, #tpu.memory_space<vmem>>)
            "tpu.trace_stop"() : () -> ()
          } else {
          }
          %ne3A_304 = arith.cmpi ne, %add3A_242, %add3A_252 : i32
          %or3A_305 = arith.constant false
          %or3A_306 = arith.ori %or3A_305, %ne3A_304 : i1
          %or3A_307 = arith.constant false
          %or3A_308 = arith.ori %or3A_306, %or3A_307 : i1
          %or3A_309 = arith.ori %or3A_308, %eq3A_238 : i1
          %convert_element_type3A_310 = arith.extui %or3A_309 : i1 to i32
          %cond3A_311 = arith.constant 0 : i32
          %cond3A_312 = arith.cmpi ne, %convert_element_type3A_310, %cond3A_311 : i32
          scf.if %cond3A_312 {
          } else {
          }
          %rem3A_313 = arith.constant 2 : i32
          %rem3A_314 = arith.remui %while3A_231, %rem3A_313 : i32
          %mul3A_315 = arith.constant 20480 : i32
          %mul3A_316 = arith.muli %rem3A_314, %mul3A_315 : i32
          %rem3A_317 = arith.constant 2 : i32
          %rem3A_318 = arith.remui %while3A_232, %rem3A_317 : i32
          %parallel_loop3A = arith.constant 0 : i32
          %parallel_loop3A_319 = arith.constant 128 : i32
          %parallel_loop3A_320 = arith.constant 1 : i32
          "tpu.trace_start"() <{level = 10 : i32, message = "ep_run_kernel"}> : () -> ()
          scf.for %parallel_loop3A_385 = %parallel_loop3A to %parallel_loop3A_319 step %parallel_loop3A_320  : i32 {
            %parallel_loop3A_386 = arith.constant 160 : i32
            %parallel_loop3A_387 = arith.muli %parallel_loop3A_385, %parallel_loop3A_386 : i32
            %parallel_loop3A_388 = arith.constant 0 : i32
            %parallel_loop3A_389 = arith.addi %parallel_loop3A_387, %parallel_loop3A_388 : i32
            %parallel_loop3A_390 = tpu.memref_slice %run_scoped3A[%mul3A_316] : memref<40960xi32, #tpu.memory_space<vmem>> -> memref<20480xi32, #tpu.memory_space<vmem>>
            %parallel_loop3A_391 = arith.index_cast %parallel_loop3A_389 : i32 to index
            %parallel_loop3A_392 = tpu.vector_load %parallel_loop3A_390[%parallel_loop3A_391] {strides = array<i32>} : memref<20480xi32, #tpu.memory_space<vmem>>, vector<16xi32>,
            %parallel_loop3A_393 = arith.constant 255 : i32
            %parallel_loop3A_394 = vector.broadcast %parallel_loop3A_393 : i32 to vector<16xi32>
            %parallel_loop3A_395 = arith.andi %parallel_loop3A_392, %parallel_loop3A_394 : vector<16xi32>
            %parallel_loop3A_396 = tpu.vector_load_idx %arg8[%parallel_loop3A_395] : memref<48xf32, #tpu.memory_space<vmem>>[vector<16xi32>], vector<16xf32>,
            %parallel_loop3A_397 = arith.constant -65536 : i32
            %parallel_loop3A_398 = vector.broadcast %parallel_loop3A_397 : i32 to vector<16xi32>
            %parallel_loop3A_399 = arith.andi %parallel_loop3A_392, %parallel_loop3A_398 : vector<16xi32>
            %parallel_loop3A_400 = vector.bitcast %parallel_loop3A_399 : vector<16xi32> to vector<16xf32>
            %parallel_loop3A_401 = arith.subf %parallel_loop3A_400, %parallel_loop3A_396 : vector<16xf32>
            %parallel_loop3A_402 = arith.constant 0 : i32
            %parallel_loop3A_403 = arith.constant 0 : i32
            %parallel_loop3A_404 = tpu.memref_slice %run_scoped3A_107[%rem3A_318, %parallel_loop3A_402, %parallel_loop3A_403] : memref<2x128x160xf32, #tpu.memory_space<vmem>> -> memref<1x128x160xf32, #tpu.memory_space<vmem>>
            %parallel_loop3A_405 = tpu.memref_squeeze %parallel_loop3A_404 : memref<1x128x160xf32, #tpu.memory_space<vmem>> -> memref<128x160xf32, #tpu.memory_space<vmem>>
            %parallel_loop3A_406 = arith.index_cast %parallel_loop3A_385 : i32 to index
            %parallel_loop3A_407 = arith.constant 0 : index
            %parallel_loop3A_408 = tpu.vector_load %parallel_loop3A_405[%parallel_loop3A_406, %parallel_loop3A_407] {strides = array<i32>} : memref<128x160xf32, #tpu.memory_space<vmem>>, vector<16xf32>,
            tpu.vector_store %parallel_loop3A_405[%parallel_loop3A_406, %parallel_loop3A_407], %parallel_loop3A_401 {strides = array<i32>} : memref<128x160xf32, #tpu.memory_space<vmem>>, vector<16xf32>,
            %parallel_loop3A_409 = arith.constant 160 : i32
            %parallel_loop3A_410 = arith.muli %parallel_loop3A_385, %parallel_loop3A_409 : i32
            %parallel_loop3A_411 = arith.constant 16 : i32
            %parallel_loop3A_412 = arith.addi %parallel_loop3A_410, %parallel_loop3A_411 : i32
            %parallel_loop3A_413 = tpu.memref_slice %run_scoped3A[%mul3A_316] : memref<40960xi32, #tpu.memory_space<vmem>> -> memref<20480xi32, #tpu.memory_space<vmem>>
            %parallel_loop3A_414 = arith.index_cast %parallel_loop3A_412 : i32 to index
            %parallel_loop3A_415 = tpu.vector_load %parallel_loop3A_413[%parallel_loop3A_414] {strides = array<i32>} : memref<20480xi32, #tpu.memory_space<vmem>>, vector<16xi32>,
            %parallel_loop3A_416 = arith.constant 255 : i32
            %parallel_loop3A_417 = vector.broadcast %parallel_loop3A_416 : i32 to vector<16xi32>
            %parallel_loop3A_418 = arith.andi %parallel_loop3A_415, %parallel_loop3A_417 : vector<16xi32>
            %parallel_loop3A_419 = tpu.vector_load_idx %arg8[%parallel_loop3A_418] : memref<48xf32, #tpu.memory_space<vmem>>[vector<16xi32>], vector<16xf32>,
            %parallel_loop3A_420 = arith.constant -65536 : i32
            %parallel_loop3A_421 = vector.broadcast %parallel_loop3A_420 : i32 to vector<16xi32>
            %parallel_loop3A_422 = arith.andi %parallel_loop3A_415, %parallel_loop3A_421 : vector<16xi32>
            %parallel_loop3A_423 = vector.bitcast %parallel_loop3A_422 : vector<16xi32> to vector<16xf32>
            %parallel_loop3A_424 = arith.subf %parallel_loop3A_423, %parallel_loop3A_419 : vector<16xf32>
            %parallel_loop3A_425 = arith.constant 0 : i32
            %parallel_loop3A_426 = arith.constant 0 : i32
            %parallel_loop3A_427 = tpu.memref_slice %run_scoped3A_107[%rem3A_318, %parallel_loop3A_425, %parallel_loop3A_426] : memref<2x128x160xf32, #tpu.memory_space<vmem>> -> memref<1x128x160xf32, #tpu.memory_space<vmem>>
            %parallel_loop3A_428 = tpu.memref_squeeze %parallel_loop3A_427 : memref<1x128x160xf32, #tpu.memory_space<vmem>> -> memref<128x160xf32, #tpu.memory_space<vmem>>
            %parallel_loop3A_429 = arith.index_cast %parallel_loop3A_385 : i32 to index
            %parallel_loop3A_430 = arith.constant 16 : index
            %parallel_loop3A_431 = tpu.vector_load %parallel_loop3A_428[%parallel_loop3A_429, %parallel_loop3A_430] {strides = array<i32>} : memref<128x160xf32, #tpu.memory_space<vmem>>, vector<16xf32>,
            tpu.vector_store %parallel_loop3A_428[%parallel_loop3A_429, %parallel_loop3A_430], %parallel_loop3A_424 {strides = array<i32>} : memref<128x160xf32, #tpu.memory_space<vmem>>, vector<16xf32>,
            %parallel_loop3A_432 = arith.constant 160 : i32
            %parallel_loop3A_433 = arith.muli %parallel_loop3A_385, %parallel_loop3A_432 : i32
            %parallel_loop3A_434 = arith.constant 32 : i32
            %parallel_loop3A_435 = arith.addi %parallel_loop3A_433, %parallel_loop3A_434 : i32
            %parallel_loop3A_436 = tpu.memref_slice %run_scoped3A[%mul3A_316] : memref<40960xi32, #tpu.memory_space<vmem>> -> memref<20480xi32, #tpu.memory_space<vmem>>
            %parallel_loop3A_437 = arith.index_cast %parallel_loop3A_435 : i32 to index
            %parallel_loop3A_438 = tpu.vector_load %parallel_loop3A_436[%parallel_loop3A_437] {strides = array<i32>} : memref<20480xi32, #tpu.memory_space<vmem>>, vector<16xi32>,
            %parallel_loop3A_439 = arith.constant 255 : i32
            %parallel_loop3A_440 = vector.broadcast %parallel_loop3A_439 : i32 to vector<16xi32>
            %parallel_loop3A_441 = arith.andi %parallel_loop3A_438, %parallel_loop3A_440 : vector<16xi32>
            %parallel_loop3A_442 = tpu.vector_load_idx %arg8[%parallel_loop3A_441] : memref<48xf32, #tpu.memory_space<vmem>>[vector<16xi32>], vector<16xf32>,
            %parallel_loop3A_443 = arith.constant -65536 : i32
            %parallel_loop3A_444 = vector.broadcast %parallel_loop3A_443 : i32 to vector<16xi32>
            %parallel_loop3A_445 = arith.andi %parallel_loop3A_438, %parallel_loop3A_444 : vector<16xi32>
            %parallel_loop3A_446 = vector.bitcast %parallel_loop3A_445 : vector<16xi32> to vector<16xf32>
            %parallel_loop3A_447 = arith.subf %parallel_loop3A_446, %parallel_loop3A_442 : vector<16xf32>
            %parallel_loop3A_448 = arith.constant 0 : i32
            %parallel_loop3A_449 = arith.constant 0 : i32
            %parallel_loop3A_450 = tpu.memref_slice %run_scoped3A_107[%rem3A_318, %parallel_loop3A_448, %parallel_loop3A_449] : memref<2x128x160xf32, #tpu.memory_space<vmem>> -> memref<1x128x160xf32, #tpu.memory_space<vmem>>
            %parallel_loop3A_451 = tpu.memref_squeeze %parallel_loop3A_450 : memref<1x128x160xf32, #tpu.memory_space<vmem>> -> memref<128x160xf32, #tpu.memory_space<vmem>>
            %parallel_loop3A_452 = arith.index_cast %parallel_loop3A_385 : i32 to index
            %parallel_loop3A_453 = arith.constant 32 : index
            %parallel_loop3A_454 = tpu.vector_load %parallel_loop3A_451[%parallel_loop3A_452, %parallel_loop3A_453] {strides = array<i32>} : memref<128x160xf32, #tpu.memory_space<vmem>>, vector<16xf32>,
            tpu.vector_store %parallel_loop3A_451[%parallel_loop3A_452, %parallel_loop3A_453], %parallel_loop3A_447 {strides = array<i32>} : memref<128x160xf32, #tpu.memory_space<vmem>>, vector<16xf32>,
            %parallel_loop3A_455 = arith.constant 160 : i32
            %parallel_loop3A_456 = arith.muli %parallel_loop3A_385, %parallel_loop3A_455 : i32
            %parallel_loop3A_457 = arith.constant 48 : i32
            %parallel_loop3A_458 = arith.addi %parallel_loop3A_456, %parallel_loop3A_457 : i32
            %parallel_loop3A_459 = tpu.memref_slice %run_scoped3A[%mul3A_316] : memref<40960xi32, #tpu.memory_space<vmem>> -> memref<20480xi32, #tpu.memory_space<vmem>>
            %parallel_loop3A_460 = arith.index_cast %parallel_loop3A_458 : i32 to index
            %parallel_loop3A_461 = tpu.vector_load %parallel_loop3A_459[%parallel_loop3A_460] {strides = array<i32>} : memref<20480xi32, #tpu.memory_space<vmem>>, vector<16xi32>,
            %parallel_loop3A_462 = arith.constant 255 : i32
            %parallel_loop3A_463 = vector.broadcast %parallel_loop3A_462 : i32 to vector<16xi32>
            %parallel_loop3A_464 = arith.andi %parallel_loop3A_461, %parallel_loop3A_463 : vector<16xi32>
            %parallel_loop3A_465 = tpu.vector_load_idx %arg8[%parallel_loop3A_464] : memref<48xf32, #tpu.memory_space<vmem>>[vector<16xi32>], vector<16xf32>,
            %parallel_loop3A_466 = arith.constant -65536 : i32
            %parallel_loop3A_467 = vector.broadcast %parallel_loop3A_466 : i32 to vector<16xi32>
            %parallel_loop3A_468 = arith.andi %parallel_loop3A_461, %parallel_loop3A_467 : vector<16xi32>
            %parallel_loop3A_469 = vector.bitcast %parallel_loop3A_468 : vector<16xi32> to vector<16xf32>
            %parallel_loop3A_470 = arith.subf %parallel_loop3A_469, %parallel_loop3A_465 : vector<16xf32>
            %parallel_loop3A_471 = arith.constant 0 : i32
            %parallel_loop3A_472 = arith.constant 0 : i32
            %parallel_loop3A_473 = tpu.memref_slice %run_scoped3A_107[%rem3A_318, %parallel_loop3A_471, %parallel_loop3A_472] : memref<2x128x160xf32, #tpu.memory_space<vmem>> -> memref<1x128x160xf32, #tpu.memory_space<vmem>>
            %parallel_loop3A_474 = tpu.memref_squeeze %parallel_loop3A_473 : memref<1x128x160xf32, #tpu.memory_space<vmem>> -> memref<128x160xf32, #tpu.memory_space<vmem>>
            %parallel_loop3A_475 = arith.index_cast %parallel_loop3A_385 : i32 to index
            %parallel_loop3A_476 = arith.constant 48 : index
            %parallel_loop3A_477 = tpu.vector_load %parallel_loop3A_474[%parallel_loop3A_475, %parallel_loop3A_476] {strides = array<i32>} : memref<128x160xf32, #tpu.memory_space<vmem>>, vector<16xf32>,
            tpu.vector_store %parallel_loop3A_474[%parallel_loop3A_475, %parallel_loop3A_476], %parallel_loop3A_470 {strides = array<i32>} : memref<128x160xf32, #tpu.memory_space<vmem>>, vector<16xf32>,
            %parallel_loop3A_478 = arith.constant 160 : i32
            %parallel_loop3A_479 = arith.muli %parallel_loop3A_385, %parallel_loop3A_478 : i32
            %parallel_loop3A_480 = arith.constant 64 : i32
            %parallel_loop3A_481 = arith.addi %parallel_loop3A_479, %parallel_loop3A_480 : i32
            %parallel_loop3A_482 = tpu.memref_slice %run_scoped3A[%mul3A_316] : memref<40960xi32, #tpu.memory_space<vmem>> -> memref<20480xi32, #tpu.memory_space<vmem>>
            %parallel_loop3A_483 = arith.index_cast %parallel_loop3A_481 : i32 to index
            %parallel_loop3A_484 = tpu.vector_load %parallel_loop3A_482[%parallel_loop3A_483] {strides = array<i32>} : memref<20480xi32, #tpu.memory_space<vmem>>, vector<16xi32>,
            %parallel_loop3A_485 = arith.constant 255 : i32
            %parallel_loop3A_486 = vector.broadcast %parallel_loop3A_485 : i32 to vector<16xi32>
            %parallel_loop3A_487 = arith.andi %parallel_loop3A_484, %parallel_loop3A_486 : vector<16xi32>
            %parallel_loop3A_488 = tpu.vector_load_idx %arg8[%parallel_loop3A_487] : memref<48xf32, #tpu.memory_space<vmem>>[vector<16xi32>], vector<16xf32>,
            %parallel_loop3A_489 = arith.constant -65536 : i32
            %parallel_loop3A_490 = vector.broadcast %parallel_loop3A_489 : i32 to vector<16xi32>
            %parallel_loop3A_491 = arith.andi %parallel_loop3A_484, %parallel_loop3A_490 : vector<16xi32>
            %parallel_loop3A_492 = vector.bitcast %parallel_loop3A_491 : vector<16xi32> to vector<16xf32>
            %parallel_loop3A_493 = arith.subf %parallel_loop3A_492, %parallel_loop3A_488 : vector<16xf32>
            %parallel_loop3A_494 = arith.constant 0 : i32
            %parallel_loop3A_495 = arith.constant 0 : i32
            %parallel_loop3A_496 = tpu.memref_slice %run_scoped3A_107[%rem3A_318, %parallel_loop3A_494, %parallel_loop3A_495] : memref<2x128x160xf32, #tpu.memory_space<vmem>> -> memref<1x128x160xf32, #tpu.memory_space<vmem>>
            %parallel_loop3A_497 = tpu.memref_squeeze %parallel_loop3A_496 : memref<1x128x160xf32, #tpu.memory_space<vmem>> -> memref<128x160xf32, #tpu.memory_space<vmem>>
            %parallel_loop3A_498 = arith.index_cast %parallel_loop3A_385 : i32 to index
            %parallel_loop3A_499 = arith.constant 64 : index
            %parallel_loop3A_500 = tpu.vector_load %parallel_loop3A_497[%parallel_loop3A_498, %parallel_loop3A_499] {strides = array<i32>} : memref<128x160xf32, #tpu.memory_space<vmem>>, vector<16xf32>,
            tpu.vector_store %parallel_loop3A_497[%parallel_loop3A_498, %parallel_loop3A_499], %parallel_loop3A_493 {strides = array<i32>} : memref<128x160xf32, #tpu.memory_space<vmem>>, vector<16xf32>,
            %parallel_loop3A_501 = arith.constant 160 : i32
            %parallel_loop3A_502 = arith.muli %parallel_loop3A_385, %parallel_loop3A_501 : i32
            %parallel_loop3A_503 = arith.constant 80 : i32
            %parallel_loop3A_504 = arith.addi %parallel_loop3A_502, %parallel_loop3A_503 : i32
            %parallel_loop3A_505 = tpu.memref_slice %run_scoped3A[%mul3A_316] : memref<40960xi32, #tpu.memory_space<vmem>> -> memref<20480xi32, #tpu.memory_space<vmem>>
            %parallel_loop3A_506 = arith.index_cast %parallel_loop3A_504 : i32 to index
            %parallel_loop3A_507 = tpu.vector_load %parallel_loop3A_505[%parallel_loop3A_506] {strides = array<i32>} : memref<20480xi32, #tpu.memory_space<vmem>>, vector<16xi32>,
            %parallel_loop3A_508 = arith.constant 255 : i32
            %parallel_loop3A_509 = vector.broadcast %parallel_loop3A_508 : i32 to vector<16xi32>
            %parallel_loop3A_510 = arith.andi %parallel_loop3A_507, %parallel_loop3A_509 : vector<16xi32>
            %parallel_loop3A_511 = tpu.vector_load_idx %arg8[%parallel_loop3A_510] : memref<48xf32, #tpu.memory_space<vmem>>[vector<16xi32>], vector<16xf32>,
            %parallel_loop3A_512 = arith.constant -65536 : i32
            %parallel_loop3A_513 = vector.broadcast %parallel_loop3A_512 : i32 to vector<16xi32>
            %parallel_loop3A_514 = arith.andi %parallel_loop3A_507, %parallel_loop3A_513 : vector<16xi32>
            %parallel_loop3A_515 = vector.bitcast %parallel_loop3A_514 : vector<16xi32> to vector<16xf32>
            %parallel_loop3A_516 = arith.subf %parallel_loop3A_515, %parallel_loop3A_511 : vector<16xf32>
            %parallel_loop3A_517 = arith.constant 0 : i32
            %parallel_loop3A_518 = arith.constant 0 : i32
            %parallel_loop3A_519 = tpu.memref_slice %run_scoped3A_107[%rem3A_318, %parallel_loop3A_517, %parallel_loop3A_518] : memref<2x128x160xf32, #tpu.memory_space<vmem>> -> memref<1x128x160xf32, #tpu.memory_space<vmem>>
            %parallel_loop3A_520 = tpu.memref_squeeze %parallel_loop3A_519 : memref<1x128x160xf32, #tpu.memory_space<vmem>> -> memref<128x160xf32, #tpu.memory_space<vmem>>
            %parallel_loop3A_521 = arith.index_cast %parallel_loop3A_385 : i32 to index
            %parallel_loop3A_522 = arith.constant 80 : index
            %parallel_loop3A_523 = tpu.vector_load %parallel_loop3A_520[%parallel_loop3A_521, %parallel_loop3A_522] {strides = array<i32>} : memref<128x160xf32, #tpu.memory_space<vmem>>, vector<16xf32>,
            tpu.vector_store %parallel_loop3A_520[%parallel_loop3A_521, %parallel_loop3A_522], %parallel_loop3A_516 {strides = array<i32>} : memref<128x160xf32, #tpu.memory_space<vmem>>, vector<16xf32>,
            %parallel_loop3A_524 = arith.constant 160 : i32
            %parallel_loop3A_525 = arith.muli %parallel_loop3A_385, %parallel_loop3A_524 : i32
            %parallel_loop3A_526 = arith.constant 96 : i32
            %parallel_loop3A_527 = arith.addi %parallel_loop3A_525, %parallel_loop3A_526 : i32
            %parallel_loop3A_528 = tpu.memref_slice %run_scoped3A[%mul3A_316] : memref<40960xi32, #tpu.memory_space<vmem>> -> memref<20480xi32, #tpu.memory_space<vmem>>
            %parallel_loop3A_529 = arith.index_cast %parallel_loop3A_527 : i32 to index
            %parallel_loop3A_530 = tpu.vector_load %parallel_loop3A_528[%parallel_loop3A_529] {strides = array<i32>} : memref<20480xi32, #tpu.memory_space<vmem>>, vector<16xi32>,
            %parallel_loop3A_531 = arith.constant 255 : i32
            %parallel_loop3A_532 = vector.broadcast %parallel_loop3A_531 : i32 to vector<16xi32>
            %parallel_loop3A_533 = arith.andi %parallel_loop3A_530, %parallel_loop3A_532 : vector<16xi32>
            %parallel_loop3A_534 = tpu.vector_load_idx %arg8[%parallel_loop3A_533] : memref<48xf32, #tpu.memory_space<vmem>>[vector<16xi32>], vector<16xf32>,
            %parallel_loop3A_535 = arith.constant -65536 : i32
            %parallel_loop3A_536 = vector.broadcast %parallel_loop3A_535 : i32 to vector<16xi32>
            %parallel_loop3A_537 = arith.andi %parallel_loop3A_530, %parallel_loop3A_536 : vector<16xi32>
            %parallel_loop3A_538 = vector.bitcast %parallel_loop3A_537 : vector<16xi32> to vector<16xf32>
            %parallel_loop3A_539 = arith.subf %parallel_loop3A_538, %parallel_loop3A_534 : vector<16xf32>
            %parallel_loop3A_540 = arith.constant 0 : i32
            %parallel_loop3A_541 = arith.constant 0 : i32
            %parallel_loop3A_542 = tpu.memref_slice %run_scoped3A_107[%rem3A_318, %parallel_loop3A_540, %parallel_loop3A_541] : memref<2x128x160xf32, #tpu.memory_space<vmem>> -> memref<1x128x160xf32, #tpu.memory_space<vmem>>
            %parallel_loop3A_543 = tpu.memref_squeeze %parallel_loop3A_542 : memref<1x128x160xf32, #tpu.memory_space<vmem>> -> memref<128x160xf32, #tpu.memory_space<vmem>>
            %parallel_loop3A_544 = arith.index_cast %parallel_loop3A_385 : i32 to index
            %parallel_loop3A_545 = arith.constant 96 : index
            %parallel_loop3A_546 = tpu.vector_load %parallel_loop3A_543[%parallel_loop3A_544, %parallel_loop3A_545] {strides = array<i32>} : memref<128x160xf32, #tpu.memory_space<vmem>>, vector<16xf32>,
            tpu.vector_store %parallel_loop3A_543[%parallel_loop3A_544, %parallel_loop3A_545], %parallel_loop3A_539 {strides = array<i32>} : memref<128x160xf32, #tpu.memory_space<vmem>>, vector<16xf32>,
            %parallel_loop3A_547 = arith.constant 160 : i32
            %parallel_loop3A_548 = arith.muli %parallel_loop3A_385, %parallel_loop3A_547 : i32
            %parallel_loop3A_549 = arith.constant 112 : i32
            %parallel_loop3A_550 = arith.addi %parallel_loop3A_548, %parallel_loop3A_549 : i32
            %parallel_loop3A_551 = tpu.memref_slice %run_scoped3A[%mul3A_316] : memref<40960xi32, #tpu.memory_space<vmem>> -> memref<20480xi32, #tpu.memory_space<vmem>>
            %parallel_loop3A_552 = arith.index_cast %parallel_loop3A_550 : i32 to index
            %parallel_loop3A_553 = tpu.vector_load %parallel_loop3A_551[%parallel_loop3A_552] {strides = array<i32>} : memref<20480xi32, #tpu.memory_space<vmem>>, vector<16xi32>,
            %parallel_loop3A_554 = arith.constant 255 : i32
            %parallel_loop3A_555 = vector.broadcast %parallel_loop3A_554 : i32 to vector<16xi32>
            %parallel_loop3A_556 = arith.andi %parallel_loop3A_553, %parallel_loop3A_555 : vector<16xi32>
            %parallel_loop3A_557 = tpu.vector_load_idx %arg8[%parallel_loop3A_556] : memref<48xf32, #tpu.memory_space<vmem>>[vector<16xi32>], vector<16xf32>,
            %parallel_loop3A_558 = arith.constant -65536 : i32
            %parallel_loop3A_559 = vector.broadcast %parallel_loop3A_558 : i32 to vector<16xi32>
            %parallel_loop3A_560 = arith.andi %parallel_loop3A_553, %parallel_loop3A_559 : vector<16xi32>
            %parallel_loop3A_561 = vector.bitcast %parallel_loop3A_560 : vector<16xi32> to vector<16xf32>
            %parallel_loop3A_562 = arith.subf %parallel_loop3A_561, %parallel_loop3A_557 : vector<16xf32>
            %parallel_loop3A_563 = arith.constant 0 : i32
            %parallel_loop3A_564 = arith.constant 0 : i32
            %parallel_loop3A_565 = tpu.memref_slice %run_scoped3A_107[%rem3A_318, %parallel_loop3A_563, %parallel_loop3A_564] : memref<2x128x160xf32, #tpu.memory_space<vmem>> -> memref<1x128x160xf32, #tpu.memory_space<vmem>>
            %parallel_loop3A_566 = tpu.memref_squeeze %parallel_loop3A_565 : memref<1x128x160xf32, #tpu.memory_space<vmem>> -> memref<128x160xf32, #tpu.memory_space<vmem>>
            %parallel_loop3A_567 = arith.index_cast %parallel_loop3A_385 : i32 to index
            %parallel_loop3A_568 = arith.constant 112 : index
            %parallel_loop3A_569 = tpu.vector_load %parallel_loop3A_566[%parallel_loop3A_567, %parallel_loop3A_568] {strides = array<i32>} : memref<128x160xf32, #tpu.memory_space<vmem>>, vector<16xf32>,
            tpu.vector_store %parallel_loop3A_566[%parallel_loop3A_567, %parallel_loop3A_568], %parallel_loop3A_562 {strides = array<i32>} : memref<128x160xf32, #tpu.memory_space<vmem>>, vector<16xf32>,
            %parallel_loop3A_570 = arith.constant 160 : i32
            %parallel_loop3A_571 = arith.muli %parallel_loop3A_385, %parallel_loop3A_570 : i32
            %parallel_loop3A_572 = arith.constant 128 : i32
            %parallel_loop3A_573 = arith.addi %parallel_loop3A_571, %parallel_loop3A_572 : i32
            %parallel_loop3A_574 = tpu.memref_slice %run_scoped3A[%mul3A_316] : memref<40960xi32, #tpu.memory_space<vmem>> -> memref<20480xi32, #tpu.memory_space<vmem>>
            %parallel_loop3A_575 = arith.index_cast %parallel_loop3A_573 : i32 to index
            %parallel_loop3A_576 = tpu.vector_load %parallel_loop3A_574[%parallel_loop3A_575] {strides = array<i32>} : memref<20480xi32, #tpu.memory_space<vmem>>, vector<16xi32>,
            %parallel_loop3A_577 = arith.constant 255 : i32
            %parallel_loop3A_578 = vector.broadcast %parallel_loop3A_577 : i32 to vector<16xi32>
            %parallel_loop3A_579 = arith.andi %parallel_loop3A_576, %parallel_loop3A_578 : vector<16xi32>
            %parallel_loop3A_580 = tpu.vector_load_idx %arg8[%parallel_loop3A_579] : memref<48xf32, #tpu.memory_space<vmem>>[vector<16xi32>], vector<16xf32>,
            %parallel_loop3A_581 = arith.constant -65536 : i32
            %parallel_loop3A_582 = vector.broadcast %parallel_loop3A_581 : i32 to vector<16xi32>
            %parallel_loop3A_583 = arith.andi %parallel_loop3A_576, %parallel_loop3A_582 : vector<16xi32>
            %parallel_loop3A_584 = vector.bitcast %parallel_loop3A_583 : vector<16xi32> to vector<16xf32>
            %parallel_loop3A_585 = arith.subf %parallel_loop3A_584, %parallel_loop3A_580 : vector<16xf32>
            %parallel_loop3A_586 = arith.constant 0 : i32
            %parallel_loop3A_587 = arith.constant 0 : i32
            %parallel_loop3A_588 = tpu.memref_slice %run_scoped3A_107[%rem3A_318, %parallel_loop3A_586, %parallel_loop3A_587] : memref<2x128x160xf32, #tpu.memory_space<vmem>> -> memref<1x128x160xf32, #tpu.memory_space<vmem>>
            %parallel_loop3A_589 = tpu.memref_squeeze %parallel_loop3A_588 : memref<1x128x160xf32, #tpu.memory_space<vmem>> -> memref<128x160xf32, #tpu.memory_space<vmem>>
            %parallel_loop3A_590 = arith.index_cast %parallel_loop3A_385 : i32 to index
            %parallel_loop3A_591 = arith.constant 128 : index
            %parallel_loop3A_592 = tpu.vector_load %parallel_loop3A_589[%parallel_loop3A_590, %parallel_loop3A_591] {strides = array<i32>} : memref<128x160xf32, #tpu.memory_space<vmem>>, vector<16xf32>,
            tpu.vector_store %parallel_loop3A_589[%parallel_loop3A_590, %parallel_loop3A_591], %parallel_loop3A_585 {strides = array<i32>} : memref<128x160xf32, #tpu.memory_space<vmem>>, vector<16xf32>,
            %parallel_loop3A_593 = arith.constant 160 : i32
            %parallel_loop3A_594 = arith.muli %parallel_loop3A_385, %parallel_loop3A_593 : i32
            %parallel_loop3A_595 = arith.constant 144 : i32
            %parallel_loop3A_596 = arith.addi %parallel_loop3A_594, %parallel_loop3A_595 : i32
            %parallel_loop3A_597 = tpu.memref_slice %run_scoped3A[%mul3A_316] : memref<40960xi32, #tpu.memory_space<vmem>> -> memref<20480xi32, #tpu.memory_space<vmem>>
            %parallel_loop3A_598 = arith.index_cast %parallel_loop3A_596 : i32 to index
            %parallel_loop3A_599 = tpu.vector_load %parallel_loop3A_597[%parallel_loop3A_598] {strides = array<i32>} : memref<20480xi32, #tpu.memory_space<vmem>>, vector<16xi32>,
            %parallel_loop3A_600 = arith.constant 255 : i32
            %parallel_loop3A_601 = vector.broadcast %parallel_loop3A_600 : i32 to vector<16xi32>
            %parallel_loop3A_602 = arith.andi %parallel_loop3A_599, %parallel_loop3A_601 : vector<16xi32>
            %parallel_loop3A_603 = tpu.vector_load_idx %arg8[%parallel_loop3A_602] : memref<48xf32, #tpu.memory_space<vmem>>[vector<16xi32>], vector<16xf32>,
            %parallel_loop3A_604 = arith.constant -65536 : i32
            %parallel_loop3A_605 = vector.broadcast %parallel_loop3A_604 : i32 to vector<16xi32>
            %parallel_loop3A_606 = arith.andi %parallel_loop3A_599, %parallel_loop3A_605 : vector<16xi32>
            %parallel_loop3A_607 = vector.bitcast %parallel_loop3A_606 : vector<16xi32> to vector<16xf32>
            %parallel_loop3A_608 = arith.subf %parallel_loop3A_607, %parallel_loop3A_603 : vector<16xf32>
            %parallel_loop3A_609 = arith.constant 0 : i32
            %parallel_loop3A_610 = arith.constant 0 : i32
            %parallel_loop3A_611 = tpu.memref_slice %run_scoped3A_107[%rem3A_318, %parallel_loop3A_609, %parallel_loop3A_610] : memref<2x128x160xf32, #tpu.memory_space<vmem>> -> memref<1x128x160xf32, #tpu.memory_space<vmem>>
            %parallel_loop3A_612 = tpu.memref_squeeze %parallel_loop3A_611 : memref<1x128x160xf32, #tpu.memory_space<vmem>> -> memref<128x160xf32, #tpu.memory_space<vmem>>
            %parallel_loop3A_613 = arith.index_cast %parallel_loop3A_385 : i32 to index
            %parallel_loop3A_614 = arith.constant 144 : index
            %parallel_loop3A_615 = tpu.vector_load %parallel_loop3A_612[%parallel_loop3A_613, %parallel_loop3A_614] {strides = array<i32>} : memref<128x160xf32, #tpu.memory_space<vmem>>, vector<16xf32>,
            tpu.vector_store %parallel_loop3A_612[%parallel_loop3A_613, %parallel_loop3A_614], %parallel_loop3A_608 {strides = array<i32>} : memref<128x160xf32, #tpu.memory_space<vmem>>, vector<16xf32>,
          } {sc.loop_unroll_factor = 1 : i64, sc.parallel_access}
          "tpu.trace_stop"() : () -> ()
          %ne3A_321 = arith.cmpi ne, %add3A_242, %add3A_260 : i32
          %or3A_322 = arith.constant false
          %or3A_323 = arith.ori %or3A_322, %ne3A_321 : i1
          %or3A_324 = arith.ori %or3A_323, %eq3A_241 : i1
          %convert_element_type3A_325 = arith.extui %or3A_324 : i1 to i32
          %cond3A_326 = arith.constant 0 : i32
          %cond3A_327 = arith.cmpi ne, %convert_element_type3A_325, %cond3A_326 : i32
          scf.if %cond3A_327 {
          } else {
          }
          %and3A_328 = arith.constant false
          %and3A_329 = arith.andi %or3A_324, %and3A_328 : i1
          %ne3A_330 = arith.cmpi ne, %add3A_242, %add3A_260 : i32
          %or3A_331 = arith.constant false
          %or3A_332 = arith.ori %or3A_331, %ne3A_330 : i1
          %or3A_333 = arith.constant false
          %or3A_334 = arith.ori %or3A_332, %or3A_333 : i1
          %or3A_335 = arith.ori %or3A_334, %eq3A_241 : i1
          %convert_element_type3A_336 = arith.extui %or3A_335 : i1 to i32
          %cond3A_337 = arith.constant 0 : i32
          %cond3A_338 = arith.cmpi ne, %convert_element_type3A_336, %cond3A_337 : i32
          scf.if %cond3A_338 {
            "tpu.trace_start"() <{level = 10 : i32, message = "ep_copy_out"}> : () -> ()
            %rem3A_385 = arith.constant 2 : i32
            %rem3A_386 = arith.remui %while3A_232, %rem3A_385 : i32
            %mul3A_387 = arith.constant 128 : i32
            %mul3A_388 = arith.muli %mul3A_387, %add3A_242 : i32
            %dma_start3A_389 = arith.constant 0 : i32
            %dma_start3A_390 = arith.constant 0 : i32
            %dma_start3A_391 = tpu.memref_slice %run_scoped3A_107[%rem3A_386, %dma_start3A_389, %dma_start3A_390] : memref<2x128x160xf32, #tpu.memory_space<vmem>> -> memref<1x128x160xf32, #tpu.memory_space<vmem>>
            %dma_start3A_392 = tpu.memref_squeeze %dma_start3A_391 : memref<1x128x160xf32, #tpu.memory_space<vmem>> -> memref<128x160xf32, #tpu.memory_space<vmem>>
            %dma_start3A_393 = arith.constant 0 : i32
            %dma_start3A_394 = tpu.memref_slice %arg5[%mul3A_388, %dma_start3A_393] : memref<51200x160xf32, #tpu.memory_space<hbm>> -> memref<128x160xf32, #tpu.memory_space<hbm>>
            %dma_start3A_395 = tpu.memref_slice %run_scoped3A_108[%rem3A_386] : memref<2x!tpu.dma_semaphore, #tpu.memory_space<semaphore_mem>> -> memref<1x!tpu.dma_semaphore, #tpu.memory_space<semaphore_mem>>
            %dma_start3A_396 = tpu.memref_squeeze %dma_start3A_395 : memref<1x!tpu.dma_semaphore, #tpu.memory_space<semaphore_mem>> -> memref<!tpu.dma_semaphore, #tpu.memory_space<semaphore_mem>>
            %dma_start3A_397 = arith.constant 0 : i32
            %dma_start3A_398 = tpu.memref_slice %arg5[%mul3A_388, %dma_start3A_397] : memref<51200x160xf32, #tpu.memory_space<hbm>> -> memref<128x160xf32, #tpu.memory_space<hbm>>
            %dma_start3A_399 = arith.constant 0 : i32
            %dma_start3A_400 = arith.constant 0 : i32
            %dma_start3A_401 = tpu.memref_slice %run_scoped3A_107[%rem3A_386, %dma_start3A_399, %dma_start3A_400] : memref<2x128x160xf32, #tpu.memory_space<vmem>> -> memref<1x128x160xf32, #tpu.memory_space<vmem>>
            %dma_start3A_402 = tpu.memref_squeeze %dma_start3A_401 : memref<1x128x160xf32, #tpu.memory_space<vmem>> -> memref<128x160xf32, #tpu.memory_space<vmem>>
            tpu.enqueue_dma source(%dma_start3A_402 : memref<128x160xf32, #tpu.memory_space<vmem>>) target(%dma_start3A_398 : memref<128x160xf32, #tpu.memory_space<hbm>>) target_semaphore(%dma_start3A_396 : memref<!tpu.dma_semaphore, #tpu.memory_space<semaphore_mem>>)
            "tpu.trace_stop"() : () -> ()
          } else {
          }
          %and3A_339 = arith.constant true
          %and3A_340 = arith.andi %or3A_335, %and3A_339 : i1
          %add3A_341 = arith.constant 1 : i32
          %add3A_342 = arith.addi %while3A_232, %add3A_341 : i32
          %select_n3A_343 = arith.select %and3A_340, %add3A_342, %while3A_232 : i32
          %ne3A_344 = arith.cmpi ne, %add3A_242, %add3A_252 : i32
          %or3A_345 = arith.constant false
          %or3A_346 = arith.ori %or3A_345, %ne3A_344 : i1
          %not3A_347 = arith.constant true
          %not3A_348 = arith.xori %eq3A_238, %not3A_347 : i1
          %and3A_349 = arith.andi %or3A_346, %not3A_348 : i1
          %convert_element_type3A_350 = arith.extui %and3A_349 : i1 to i32
          %cond3A_351 = arith.constant 0 : i32
          %cond3A_352 = arith.cmpi ne, %convert_element_type3A_350, %cond3A_351 : i32
          scf.if %cond3A_352 {
          } else {
          }
          %and3A_353 = arith.constant false
          %and3A_354 = arith.andi %and3A_349, %and3A_353 : i1
          %ne3A_355 = arith.cmpi ne, %add3A_242, %add3A_252 : i32
          %or3A_356 = arith.constant false
          %or3A_357 = arith.ori %or3A_356, %ne3A_355 : i1
          %or3A_358 = arith.constant false
          %or3A_359 = arith.ori %or3A_357, %or3A_358 : i1
          %not3A_360 = arith.constant true
          %not3A_361 = arith.xori %eq3A_238, %not3A_360 : i1
          %and3A_362 = arith.andi %or3A_359, %not3A_361 : i1
          %convert_element_type3A_363 = arith.extui %and3A_362 : i1 to i32
          %cond3A_364 = arith.constant 0 : i32
          %cond3A_365 = arith.cmpi ne, %convert_element_type3A_363, %cond3A_364 : i32
          scf.if %cond3A_365 {
            "tpu.trace_start"() <{level = 10 : i32, message = "ep_wait_out"}> : () -> ()
            %rem3A_385 = arith.constant 2 : i32
            %rem3A_386 = arith.remui %while3A_233, %rem3A_385 : i32
            %mul3A_387 = arith.constant 128 : i32
            %mul3A_388 = arith.muli %mul3A_387, %add3A_252 : i32
            %dma_wait3A = arith.constant 0 : i32
            %dma_wait3A_389 = arith.constant 0 : i32
            %dma_wait3A_390 = tpu.memref_slice %run_scoped3A_107[%rem3A_386, %dma_wait3A, %dma_wait3A_389] : memref<2x128x160xf32, #tpu.memory_space<vmem>> -> memref<1x128x160xf32, #tpu.memory_space<vmem>>
            %dma_wait3A_391 = tpu.memref_squeeze %dma_wait3A_390 : memref<1x128x160xf32, #tpu.memory_space<vmem>> -> memref<128x160xf32, #tpu.memory_space<vmem>>
            %dma_wait3A_392 = arith.constant 0 : i32
            %dma_wait3A_393 = tpu.memref_slice %arg5[%mul3A_388, %dma_wait3A_392] : memref<51200x160xf32, #tpu.memory_space<hbm>> -> memref<128x160xf32, #tpu.memory_space<hbm>>
            %dma_wait3A_394 = tpu.memref_slice %run_scoped3A_108[%rem3A_386] : memref<2x!tpu.dma_semaphore, #tpu.memory_space<semaphore_mem>> -> memref<1x!tpu.dma_semaphore, #tpu.memory_space<semaphore_mem>>
            %dma_wait3A_395 = tpu.memref_squeeze %dma_wait3A_394 : memref<1x!tpu.dma_semaphore, #tpu.memory_space<semaphore_mem>> -> memref<!tpu.dma_semaphore, #tpu.memory_space<semaphore_mem>>
            %dma_wait3A_396 = arith.constant 0 : i32
            %dma_wait3A_397 = tpu.memref_slice %arg5[%mul3A_388, %dma_wait3A_396] : memref<51200x160xf32, #tpu.memory_space<hbm>> -> memref<128x160xf32, #tpu.memory_space<hbm>>
            %dma_wait3A_398 = arith.constant 0 : i32
            %dma_wait3A_399 = arith.constant 0 : i32
            %dma_wait3A_400 = tpu.memref_slice %run_scoped3A_107[%rem3A_386, %dma_wait3A_398, %dma_wait3A_399] : memref<2x128x160xf32, #tpu.memory_space<vmem>> -> memref<1x128x160xf32, #tpu.memory_space<vmem>>
            %dma_wait3A_401 = tpu.memref_squeeze %dma_wait3A_400 : memref<1x128x160xf32, #tpu.memory_space<vmem>> -> memref<128x160xf32, #tpu.memory_space<vmem>>
            tpu.wait_dma2 semaphore(%dma_wait3A_395 : memref<!tpu.dma_semaphore, #tpu.memory_space<semaphore_mem>>) src(%dma_wait3A_401 : memref<128x160xf32, #tpu.memory_space<vmem>>) dst(%dma_wait3A_397 : memref<128x160xf32, #tpu.memory_space<hbm>>)
            "tpu.trace_stop"() : () -> ()
          } else {
          }
          %and3A_366 = arith.constant true
          %and3A_367 = arith.andi %and3A_362, %and3A_366 : i1
          %add3A_368 = arith.constant 1 : i32
          %add3A_369 = arith.addi %while3A_233, %add3A_368 : i32
          %select_n3A_370 = arith.select %and3A_367, %add3A_369, %while3A_233 : i32
          %ne3A_371 = arith.cmpi ne, %add3A_242, %add3A_260 : i32
          %or3A_372 = arith.constant false
          %or3A_373 = arith.ori %or3A_372, %ne3A_371 : i1
          %or3A_374 = arith.ori %or3A_373, %eq3A_241 : i1
          %add3A_375 = arith.constant 1 : i32
          %add3A_376 = arith.addi %while3A_231, %add3A_375 : i32
          %select_n3A_377 = arith.select %or3A_374, %add3A_376, %while3A_231 : i32
          %add3A_378 = arith.constant 1 : i32
          %add3A_379 = arith.addi %while3A_234, %add3A_378 : i32
          %select_n3A_380 = arith.constant true
          %select_n3A_381 = arith.select %select_n3A_380, %add3A_379, %while3A_234 : i32
          %eq3A_382 = arith.cmpi eq, %select_n3A_381, %select_n3A_95 : i32
          %select_n3A_383 = arith.constant 0 : i32
          %select_n3A_384 = arith.select %eq3A_382, %select_n3A_383, %select_n3A_381 : i32
          scf.yield %select_n3A_283, %select_n3A_377, %select_n3A_343, %select_n3A_370, %select_n3A_384 : i32, i32, i32, i32, i32
        }
        %while3A_176 = arith.constant 1 : i32
        %while3A_177:5 = scf.for %while3A_229 = %while3A_173 to %while3A_169 step %while3A_176 iter_args(%while3A_230 = %while3A_175#0, %while3A_231 = %while3A_175#1, %while3A_232 = %while3A_175#2, %while3A_233 = %while3A_175#3, %while3A_234 = %while3A_175#4) -> (i32, i32, i32, i32, i32)  : i32 {
          %mul3A_235 = arith.constant 1 : i32
          %mul3A_236 = arith.muli %mul3A_235, %select_n3A_95 : i32
          %eq3A_237 = arith.constant 0 : i32
          %eq3A_238 = arith.cmpi eq, %while3A_229, %eq3A_237 : i32
          %sub3A_239 = arith.constant 1 : i32
          %sub3A_240 = arith.subi %mul3A_236, %sub3A_239 : i32
          %eq3A_241 = arith.cmpi eq, %while3A_229, %sub3A_240 : i32
          %add3A_242 = arith.addi %while3A_234, %select_n3A_103 : i32
          %sub3A_243 = arith.constant 1 : i32
          %sub3A_244 = arith.subi %while3A_234, %sub3A_243 : i32
          %select_n3A_245 = arith.constant true
          %select_n3A_246 = arith.select %select_n3A_245, %sub3A_244, %while3A_234 : i32
          %eq3A_247 = arith.constant -1 : i32
          %eq3A_248 = arith.cmpi eq, %select_n3A_246, %eq3A_247 : i32
          %sub3A_249 = arith.constant 1 : i32
          %sub3A_250 = arith.subi %select_n3A_95, %sub3A_249 : i32
          %select_n3A_251 = arith.select %eq3A_248, %sub3A_250, %select_n3A_246 : i32
          %add3A_252 = arith.addi %select_n3A_251, %select_n3A_103 : i32
          %add3A_253 = arith.constant 1 : i32
          %add3A_254 = arith.addi %while3A_234, %add3A_253 : i32
          %select_n3A_255 = arith.constant true
          %select_n3A_256 = arith.select %select_n3A_255, %add3A_254, %while3A_234 : i32
          %eq3A_257 = arith.cmpi eq, %select_n3A_256, %select_n3A_95 : i32
          %select_n3A_258 = arith.constant 0 : i32
          %select_n3A_259 = arith.select %eq3A_257, %select_n3A_258, %select_n3A_256 : i32
          %add3A_260 = arith.addi %select_n3A_259, %select_n3A_103 : i32
          %add3A_261 = arith.constant 1 : i32
          %add3A_262 = arith.addi %select_n3A_259, %add3A_261 : i32
          %select_n3A_263 = arith.constant true
          %select_n3A_264 = arith.select %select_n3A_263, %add3A_262, %select_n3A_259 : i32
          %eq3A_265 = arith.cmpi eq, %select_n3A_264, %select_n3A_95 : i32
          %select_n3A_266 = arith.constant 0 : i32
          %select_n3A_267 = arith.select %eq3A_265, %select_n3A_266, %select_n3A_264 : i32
          %add3A_268 = arith.addi %select_n3A_267, %select_n3A_103 : i32
          %ne3A = arith.cmpi ne, %add3A_242, %add3A_260 : i32
          %or3A = arith.constant false
          %or3A_269 = arith.ori %or3A, %ne3A : i1
          %sub3A_270 = arith.constant 2 : i32
          %sub3A_271 = arith.subi %mul3A_236, %sub3A_270 : i32
          %add3A_272 = arith.constant 1 : i32
          %add3A_273 = arith.addi %sub3A_271, %add3A_272 : i32
          %ge3A = arith.cmpi sge, %while3A_229, %add3A_273 : i32
          %not3A = arith.constant true
          %not3A_274 = arith.xori %ge3A, %not3A : i1
          %and3A_275 = arith.andi %or3A_269, %not3A_274 : i1
          %convert_element_type3A_276 = arith.extui %and3A_275 : i1 to i32
          %cond3A_277 = arith.constant 0 : i32
          %cond3A_278 = arith.cmpi ne, %convert_element_type3A_276, %cond3A_277 : i32
          scf.if %cond3A_278 {
            "tpu.trace_start"() <{level = 10 : i32, message = "ep_copy_in"}> : () -> ()
            %rem3A_385 = arith.constant 2 : i32
            %rem3A_386 = arith.remui %while3A_230, %rem3A_385 : i32
            %mul3A_387 = arith.constant 20480 : i32
            %mul3A_388 = arith.muli %mul3A_387, %add3A_260 : i32
            %mul3A_389 = arith.constant 20480 : i32
            %mul3A_390 = arith.muli %rem3A_386, %mul3A_389 : i32
            %add3A_391 = arith.constant 0 : i32
            %add3A_392 = arith.addi %mul3A_390, %add3A_391 : i32
            %dma_start3A_393 = tpu.memref_slice %run_scoped3A[%add3A_392] : memref<40960xi32, #tpu.memory_space<vmem>> -> memref<20480xi32, #tpu.memory_space<vmem>>
            %dma_start3A_394 = tpu.memref_slice %arg4[%mul3A_388] : memref<8192000xi32, #tpu.memory_space<hbm>> -> memref<20480xi32, #tpu.memory_space<hbm>>
            %dma_start3A_395 = tpu.memref_slice %run_scoped3A_106[%rem3A_386] : memref<2x!tpu.dma_semaphore, #tpu.memory_space<semaphore_mem>> -> memref<1x!tpu.dma_semaphore, #tpu.memory_space<semaphore_mem>>
            %dma_start3A_396 = tpu.memref_squeeze %dma_start3A_395 : memref<1x!tpu.dma_semaphore, #tpu.memory_space<semaphore_mem>> -> memref<!tpu.dma_semaphore, #tpu.memory_space<semaphore_mem>>
            %dma_start3A_397 = tpu.memref_slice %run_scoped3A[%add3A_392] : memref<40960xi32, #tpu.memory_space<vmem>> -> memref<20480xi32, #tpu.memory_space<vmem>>
            %dma_start3A_398 = tpu.memref_slice %arg4[%mul3A_388] : memref<8192000xi32, #tpu.memory_space<hbm>> -> memref<20480xi32, #tpu.memory_space<hbm>>
            tpu.enqueue_dma source(%dma_start3A_398 : memref<20480xi32, #tpu.memory_space<hbm>>) target(%dma_start3A_397 : memref<20480xi32, #tpu.memory_space<vmem>>) target_semaphore(%dma_start3A_396 : memref<!tpu.dma_semaphore, #tpu.memory_space<semaphore_mem>>)
            "tpu.trace_stop"() : () -> ()
          } else {
          }
          %and3A_279 = arith.constant true
          %and3A_280 = arith.andi %and3A_275, %and3A_279 : i1
          %add3A_281 = arith.constant 1 : i32
          %add3A_282 = arith.addi %while3A_230, %add3A_281 : i32
          %select_n3A_283 = arith.select %and3A_280, %add3A_282, %while3A_230 : i32
          %ne3A_284 = arith.cmpi ne, %add3A_242, %add3A_260 : i32
          %or3A_285 = arith.constant false
          %or3A_286 = arith.ori %or3A_285, %ne3A_284 : i1
          %or3A_287 = arith.constant false
          %or3A_288 = arith.ori %or3A_286, %or3A_287 : i1
          %sub3A_289 = arith.constant 2 : i32
          %sub3A_290 = arith.subi %mul3A_236, %sub3A_289 : i32
          %add3A_291 = arith.constant 1 : i32
          %add3A_292 = arith.addi %sub3A_290, %add3A_291 : i32
          %ge3A_293 = arith.cmpi sge, %while3A_229, %add3A_292 : i32
          %not3A_294 = arith.constant true
          %not3A_295 = arith.xori %ge3A_293, %not3A_294 : i1
          %and3A_296 = arith.andi %or3A_288, %not3A_295 : i1
          %ne3A_297 = arith.cmpi ne, %add3A_242, %add3A_252 : i32
          %or3A_298 = arith.constant false
          %or3A_299 = arith.ori %or3A_298, %ne3A_297 : i1
          %or3A_300 = arith.ori %or3A_299, %eq3A_238 : i1
          %convert_element_type3A_301 = arith.extui %or3A_300 : i1 to i32
          %cond3A_302 = arith.constant 0 : i32
          %cond3A_303 = arith.cmpi ne, %convert_element_type3A_301, %cond3A_302 : i32
          scf.if %cond3A_303 {
            "tpu.trace_start"() <{level = 10 : i32, message = "ep_wait_in"}> : () -> ()
            %mul3A_385 = arith.constant 20480 : i32
            %mul3A_386 = arith.muli %mul3A_385, %add3A_242 : i32
            %rem3A_387 = arith.constant 2 : i32
            %rem3A_388 = arith.remui %while3A_231, %rem3A_387 : i32
            %mul3A_389 = arith.constant 20480 : i32
            %mul3A_390 = arith.muli %rem3A_388, %mul3A_389 : i32
            %add3A_391 = arith.constant 0 : i32
            %add3A_392 = arith.addi %mul3A_390, %add3A_391 : i32
            %dma_wait3A = tpu.memref_slice %run_scoped3A[%add3A_392] : memref<40960xi32, #tpu.memory_space<vmem>> -> memref<20480xi32, #tpu.memory_space<vmem>>
            %dma_wait3A_393 = tpu.memref_slice %arg4[%mul3A_386] : memref<8192000xi32, #tpu.memory_space<hbm>> -> memref<20480xi32, #tpu.memory_space<hbm>>
            %dma_wait3A_394 = tpu.memref_slice %run_scoped3A_106[%rem3A_388] : memref<2x!tpu.dma_semaphore, #tpu.memory_space<semaphore_mem>> -> memref<1x!tpu.dma_semaphore, #tpu.memory_space<semaphore_mem>>
            %dma_wait3A_395 = tpu.memref_squeeze %dma_wait3A_394 : memref<1x!tpu.dma_semaphore, #tpu.memory_space<semaphore_mem>> -> memref<!tpu.dma_semaphore, #tpu.memory_space<semaphore_mem>>
            %dma_wait3A_396 = tpu.memref_slice %run_scoped3A[%add3A_392] : memref<40960xi32, #tpu.memory_space<vmem>> -> memref<20480xi32, #tpu.memory_space<vmem>>
            %dma_wait3A_397 = tpu.memref_slice %arg4[%mul3A_386] : memref<8192000xi32, #tpu.memory_space<hbm>> -> memref<20480xi32, #tpu.memory_space<hbm>>
            tpu.wait_dma2 semaphore(%dma_wait3A_395 : memref<!tpu.dma_semaphore, #tpu.memory_space<semaphore_mem>>) src(%dma_wait3A_397 : memref<20480xi32, #tpu.memory_space<hbm>>) dst(%dma_wait3A_396 : memref<20480xi32, #tpu.memory_space<vmem>>)
            "tpu.trace_stop"() : () -> ()
          } else {
          }
          %ne3A_304 = arith.cmpi ne, %add3A_242, %add3A_252 : i32
          %or3A_305 = arith.constant false
          %or3A_306 = arith.ori %or3A_305, %ne3A_304 : i1
          %or3A_307 = arith.constant false
          %or3A_308 = arith.ori %or3A_306, %or3A_307 : i1
          %or3A_309 = arith.ori %or3A_308, %eq3A_238 : i1
          %convert_element_type3A_310 = arith.extui %or3A_309 : i1 to i32
          %cond3A_311 = arith.constant 0 : i32
          %cond3A_312 = arith.cmpi ne, %convert_element_type3A_310, %cond3A_311 : i32
          scf.if %cond3A_312 {
          } else {
          }
          %rem3A_313 = arith.constant 2 : i32
          %rem3A_314 = arith.remui %while3A_231, %rem3A_313 : i32
          %mul3A_315 = arith.constant 20480 : i32
          %mul3A_316 = arith.muli %rem3A_314, %mul3A_315 : i32
          %rem3A_317 = arith.constant 2 : i32
          %rem3A_318 = arith.remui %while3A_232, %rem3A_317 : i32
          %parallel_loop3A = arith.constant 0 : i32
          %parallel_loop3A_319 = arith.constant 128 : i32
          %parallel_loop3A_320 = arith.constant 1 : i32
          "tpu.trace_start"() <{level = 10 : i32, message = "ep_run_kernel"}> : () -> ()
          scf.for %parallel_loop3A_385 = %parallel_loop3A to %parallel_loop3A_319 step %parallel_loop3A_320  : i32 {
            %parallel_loop3A_386 = arith.constant 160 : i32
            %parallel_loop3A_387 = arith.muli %parallel_loop3A_385, %parallel_loop3A_386 : i32
            %parallel_loop3A_388 = arith.constant 0 : i32
            %parallel_loop3A_389 = arith.addi %parallel_loop3A_387, %parallel_loop3A_388 : i32
            %parallel_loop3A_390 = tpu.memref_slice %run_scoped3A[%mul3A_316] : memref<40960xi32, #tpu.memory_space<vmem>> -> memref<20480xi32, #tpu.memory_space<vmem>>
            %parallel_loop3A_391 = arith.index_cast %parallel_loop3A_389 : i32 to index
            %parallel_loop3A_392 = tpu.vector_load %parallel_loop3A_390[%parallel_loop3A_391] {strides = array<i32>} : memref<20480xi32, #tpu.memory_space<vmem>>, vector<16xi32>,
            %parallel_loop3A_393 = arith.constant 255 : i32
            %parallel_loop3A_394 = vector.broadcast %parallel_loop3A_393 : i32 to vector<16xi32>
            %parallel_loop3A_395 = arith.andi %parallel_loop3A_392, %parallel_loop3A_394 : vector<16xi32>
            %parallel_loop3A_396 = tpu.vector_load_idx %arg8[%parallel_loop3A_395] : memref<48xf32, #tpu.memory_space<vmem>>[vector<16xi32>], vector<16xf32>,
            %parallel_loop3A_397 = arith.constant -65536 : i32
            %parallel_loop3A_398 = vector.broadcast %parallel_loop3A_397 : i32 to vector<16xi32>
            %parallel_loop3A_399 = arith.andi %parallel_loop3A_392, %parallel_loop3A_398 : vector<16xi32>
            %parallel_loop3A_400 = vector.bitcast %parallel_loop3A_399 : vector<16xi32> to vector<16xf32>
            %parallel_loop3A_401 = arith.subf %parallel_loop3A_400, %parallel_loop3A_396 : vector<16xf32>
            %parallel_loop3A_402 = arith.constant 0 : i32
            %parallel_loop3A_403 = arith.constant 0 : i32
            %parallel_loop3A_404 = tpu.memref_slice %run_scoped3A_107[%rem3A_318, %parallel_loop3A_402, %parallel_loop3A_403] : memref<2x128x160xf32, #tpu.memory_space<vmem>> -> memref<1x128x160xf32, #tpu.memory_space<vmem>>
            %parallel_loop3A_405 = tpu.memref_squeeze %parallel_loop3A_404 : memref<1x128x160xf32, #tpu.memory_space<vmem>> -> memref<128x160xf32, #tpu.memory_space<vmem>>
            %parallel_loop3A_406 = arith.index_cast %parallel_loop3A_385 : i32 to index
            %parallel_loop3A_407 = arith.constant 0 : index
            %parallel_loop3A_408 = tpu.vector_load %parallel_loop3A_405[%parallel_loop3A_406, %parallel_loop3A_407] {strides = array<i32>} : memref<128x160xf32, #tpu.memory_space<vmem>>, vector<16xf32>,
            tpu.vector_store %parallel_loop3A_405[%parallel_loop3A_406, %parallel_loop3A_407], %parallel_loop3A_401 {strides = array<i32>} : memref<128x160xf32, #tpu.memory_space<vmem>>, vector<16xf32>,
            %parallel_loop3A_409 = arith.constant 160 : i32
            %parallel_loop3A_410 = arith.muli %parallel_loop3A_385, %parallel_loop3A_409 : i32
            %parallel_loop3A_411 = arith.constant 16 : i32
            %parallel_loop3A_412 = arith.addi %parallel_loop3A_410, %parallel_loop3A_411 : i32
            %parallel_loop3A_413 = tpu.memref_slice %run_scoped3A[%mul3A_316] : memref<40960xi32, #tpu.memory_space<vmem>> -> memref<20480xi32, #tpu.memory_space<vmem>>
            %parallel_loop3A_414 = arith.index_cast %parallel_loop3A_412 : i32 to index
            %parallel_loop3A_415 = tpu.vector_load %parallel_loop3A_413[%parallel_loop3A_414] {strides = array<i32>} : memref<20480xi32, #tpu.memory_space<vmem>>, vector<16xi32>,
            %parallel_loop3A_416 = arith.constant 255 : i32
            %parallel_loop3A_417 = vector.broadcast %parallel_loop3A_416 : i32 to vector<16xi32>
            %parallel_loop3A_418 = arith.andi %parallel_loop3A_415, %parallel_loop3A_417 : vector<16xi32>
            %parallel_loop3A_419 = tpu.vector_load_idx %arg8[%parallel_loop3A_418] : memref<48xf32, #tpu.memory_space<vmem>>[vector<16xi32>], vector<16xf32>,
            %parallel_loop3A_420 = arith.constant -65536 : i32
            %parallel_loop3A_421 = vector.broadcast %parallel_loop3A_420 : i32 to vector<16xi32>
            %parallel_loop3A_422 = arith.andi %parallel_loop3A_415, %parallel_loop3A_421 : vector<16xi32>
            %parallel_loop3A_423 = vector.bitcast %parallel_loop3A_422 : vector<16xi32> to vector<16xf32>
            %parallel_loop3A_424 = arith.subf %parallel_loop3A_423, %parallel_loop3A_419 : vector<16xf32>
            %parallel_loop3A_425 = arith.constant 0 : i32
            %parallel_loop3A_426 = arith.constant 0 : i32
            %parallel_loop3A_427 = tpu.memref_slice %run_scoped3A_107[%rem3A_318, %parallel_loop3A_425, %parallel_loop3A_426] : memref<2x128x160xf32, #tpu.memory_space<vmem>> -> memref<1x128x160xf32, #tpu.memory_space<vmem>>
            %parallel_loop3A_428 = tpu.memref_squeeze %parallel_loop3A_427 : memref<1x128x160xf32, #tpu.memory_space<vmem>> -> memref<128x160xf32, #tpu.memory_space<vmem>>
            %parallel_loop3A_429 = arith.index_cast %parallel_loop3A_385 : i32 to index
            %parallel_loop3A_430 = arith.constant 16 : index
            %parallel_loop3A_431 = tpu.vector_load %parallel_loop3A_428[%parallel_loop3A_429, %parallel_loop3A_430] {strides = array<i32>} : memref<128x160xf32, #tpu.memory_space<vmem>>, vector<16xf32>,
            tpu.vector_store %parallel_loop3A_428[%parallel_loop3A_429, %parallel_loop3A_430], %parallel_loop3A_424 {strides = array<i32>} : memref<128x160xf32, #tpu.memory_space<vmem>>, vector<16xf32>,
            %parallel_loop3A_432 = arith.constant 160 : i32
            %parallel_loop3A_433 = arith.muli %parallel_loop3A_385, %parallel_loop3A_432 : i32
            %parallel_loop3A_434 = arith.constant 32 : i32
            %parallel_loop3A_435 = arith.addi %parallel_loop3A_433, %parallel_loop3A_434 : i32
            %parallel_loop3A_436 = tpu.memref_slice %run_scoped3A[%mul3A_316] : memref<40960xi32, #tpu.memory_space<vmem>> -> memref<20480xi32, #tpu.memory_space<vmem>>
            %parallel_loop3A_437 = arith.index_cast %parallel_loop3A_435 : i32 to index
            %parallel_loop3A_438 = tpu.vector_load %parallel_loop3A_436[%parallel_loop3A_437] {strides = array<i32>} : memref<20480xi32, #tpu.memory_space<vmem>>, vector<16xi32>,
            %parallel_loop3A_439 = arith.constant 255 : i32
            %parallel_loop3A_440 = vector.broadcast %parallel_loop3A_439 : i32 to vector<16xi32>
            %parallel_loop3A_441 = arith.andi %parallel_loop3A_438, %parallel_loop3A_440 : vector<16xi32>
            %parallel_loop3A_442 = tpu.vector_load_idx %arg8[%parallel_loop3A_441] : memref<48xf32, #tpu.memory_space<vmem>>[vector<16xi32>], vector<16xf32>,
            %parallel_loop3A_443 = arith.constant -65536 : i32
            %parallel_loop3A_444 = vector.broadcast %parallel_loop3A_443 : i32 to vector<16xi32>
            %parallel_loop3A_445 = arith.andi %parallel_loop3A_438, %parallel_loop3A_444 : vector<16xi32>
            %parallel_loop3A_446 = vector.bitcast %parallel_loop3A_445 : vector<16xi32> to vector<16xf32>
            %parallel_loop3A_447 = arith.subf %parallel_loop3A_446, %parallel_loop3A_442 : vector<16xf32>
            %parallel_loop3A_448 = arith.constant 0 : i32
            %parallel_loop3A_449 = arith.constant 0 : i32
            %parallel_loop3A_450 = tpu.memref_slice %run_scoped3A_107[%rem3A_318, %parallel_loop3A_448, %parallel_loop3A_449] : memref<2x128x160xf32, #tpu.memory_space<vmem>> -> memref<1x128x160xf32, #tpu.memory_space<vmem>>
            %parallel_loop3A_451 = tpu.memref_squeeze %parallel_loop3A_450 : memref<1x128x160xf32, #tpu.memory_space<vmem>> -> memref<128x160xf32, #tpu.memory_space<vmem>>
            %parallel_loop3A_452 = arith.index_cast %parallel_loop3A_385 : i32 to index
            %parallel_loop3A_453 = arith.constant 32 : index
            %parallel_loop3A_454 = tpu.vector_load %parallel_loop3A_451[%parallel_loop3A_452, %parallel_loop3A_453] {strides = array<i32>} : memref<128x160xf32, #tpu.memory_space<vmem>>, vector<16xf32>,
            tpu.vector_store %parallel_loop3A_451[%parallel_loop3A_452, %parallel_loop3A_453], %parallel_loop3A_447 {strides = array<i32>} : memref<128x160xf32, #tpu.memory_space<vmem>>, vector<16xf32>,
            %parallel_loop3A_455 = arith.constant 160 : i32
            %parallel_loop3A_456 = arith.muli %parallel_loop3A_385, %parallel_loop3A_455 : i32
            %parallel_loop3A_457 = arith.constant 48 : i32
            %parallel_loop3A_458 = arith.addi %parallel_loop3A_456, %parallel_loop3A_457 : i32
            %parallel_loop3A_459 = tpu.memref_slice %run_scoped3A[%mul3A_316] : memref<40960xi32, #tpu.memory_space<vmem>> -> memref<20480xi32, #tpu.memory_space<vmem>>
            %parallel_loop3A_460 = arith.index_cast %parallel_loop3A_458 : i32 to index
            %parallel_loop3A_461 = tpu.vector_load %parallel_loop3A_459[%parallel_loop3A_460] {strides = array<i32>} : memref<20480xi32, #tpu.memory_space<vmem>>, vector<16xi32>,
            %parallel_loop3A_462 = arith.constant 255 : i32
            %parallel_loop3A_463 = vector.broadcast %parallel_loop3A_462 : i32 to vector<16xi32>
            %parallel_loop3A_464 = arith.andi %parallel_loop3A_461, %parallel_loop3A_463 : vector<16xi32>
            %parallel_loop3A_465 = tpu.vector_load_idx %arg8[%parallel_loop3A_464] : memref<48xf32, #tpu.memory_space<vmem>>[vector<16xi32>], vector<16xf32>,
            %parallel_loop3A_466 = arith.constant -65536 : i32
            %parallel_loop3A_467 = vector.broadcast %parallel_loop3A_466 : i32 to vector<16xi32>
            %parallel_loop3A_468 = arith.andi %parallel_loop3A_461, %parallel_loop3A_467 : vector<16xi32>
            %parallel_loop3A_469 = vector.bitcast %parallel_loop3A_468 : vector<16xi32> to vector<16xf32>
            %parallel_loop3A_470 = arith.subf %parallel_loop3A_469, %parallel_loop3A_465 : vector<16xf32>
            %parallel_loop3A_471 = arith.constant 0 : i32
            %parallel_loop3A_472 = arith.constant 0 : i32
            %parallel_loop3A_473 = tpu.memref_slice %run_scoped3A_107[%rem3A_318, %parallel_loop3A_471, %parallel_loop3A_472] : memref<2x128x160xf32, #tpu.memory_space<vmem>> -> memref<1x128x160xf32, #tpu.memory_space<vmem>>
            %parallel_loop3A_474 = tpu.memref_squeeze %parallel_loop3A_473 : memref<1x128x160xf32, #tpu.memory_space<vmem>> -> memref<128x160xf32, #tpu.memory_space<vmem>>
            %parallel_loop3A_475 = arith.index_cast %parallel_loop3A_385 : i32 to index
            %parallel_loop3A_476 = arith.constant 48 : index
            %parallel_loop3A_477 = tpu.vector_load %parallel_loop3A_474[%parallel_loop3A_475, %parallel_loop3A_476] {strides = array<i32>} : memref<128x160xf32, #tpu.memory_space<vmem>>, vector<16xf32>,
            tpu.vector_store %parallel_loop3A_474[%parallel_loop3A_475, %parallel_loop3A_476], %parallel_loop3A_470 {strides = array<i32>} : memref<128x160xf32, #tpu.memory_space<vmem>>, vector<16xf32>,
            %parallel_loop3A_478 = arith.constant 160 : i32
            %parallel_loop3A_479 = arith.muli %parallel_loop3A_385, %parallel_loop3A_478 : i32
            %parallel_loop3A_480 = arith.constant 64 : i32
            %parallel_loop3A_481 = arith.addi %parallel_loop3A_479, %parallel_loop3A_480 : i32
            %parallel_loop3A_482 = tpu.memref_slice %run_scoped3A[%mul3A_316] : memref<40960xi32, #tpu.memory_space<vmem>> -> memref<20480xi32, #tpu.memory_space<vmem>>
            %parallel_loop3A_483 = arith.index_cast %parallel_loop3A_481 : i32 to index
            %parallel_loop3A_484 = tpu.vector_load %parallel_loop3A_482[%parallel_loop3A_483] {strides = array<i32>} : memref<20480xi32, #tpu.memory_space<vmem>>, vector<16xi32>,
            %parallel_loop3A_485 = arith.constant 255 : i32
            %parallel_loop3A_486 = vector.broadcast %parallel_loop3A_485 : i32 to vector<16xi32>
            %parallel_loop3A_487 = arith.andi %parallel_loop3A_484, %parallel_loop3A_486 : vector<16xi32>
            %parallel_loop3A_488 = tpu.vector_load_idx %arg8[%parallel_loop3A_487] : memref<48xf32, #tpu.memory_space<vmem>>[vector<16xi32>], vector<16xf32>,
            %parallel_loop3A_489 = arith.constant -65536 : i32
            %parallel_loop3A_490 = vector.broadcast %parallel_loop3A_489 : i32 to vector<16xi32>
            %parallel_loop3A_491 = arith.andi %parallel_loop3A_484, %parallel_loop3A_490 : vector<16xi32>
            %parallel_loop3A_492 = vector.bitcast %parallel_loop3A_491 : vector<16xi32> to vector<16xf32>
            %parallel_loop3A_493 = arith.subf %parallel_loop3A_492, %parallel_loop3A_488 : vector<16xf32>
            %parallel_loop3A_494 = arith.constant 0 : i32
            %parallel_loop3A_495 = arith.constant 0 : i32
            %parallel_loop3A_496 = tpu.memref_slice %run_scoped3A_107[%rem3A_318, %parallel_loop3A_494, %parallel_loop3A_495] : memref<2x128x160xf32, #tpu.memory_space<vmem>> -> memref<1x128x160xf32, #tpu.memory_space<vmem>>
            %parallel_loop3A_497 = tpu.memref_squeeze %parallel_loop3A_496 : memref<1x128x160xf32, #tpu.memory_space<vmem>> -> memref<128x160xf32, #tpu.memory_space<vmem>>
            %parallel_loop3A_498 = arith.index_cast %parallel_loop3A_385 : i32 to index
            %parallel_loop3A_499 = arith.constant 64 : index
            %parallel_loop3A_500 = tpu.vector_load %parallel_loop3A_497[%parallel_loop3A_498, %parallel_loop3A_499] {strides = array<i32>} : memref<128x160xf32, #tpu.memory_space<vmem>>, vector<16xf32>,
            tpu.vector_store %parallel_loop3A_497[%parallel_loop3A_498, %parallel_loop3A_499], %parallel_loop3A_493 {strides = array<i32>} : memref<128x160xf32, #tpu.memory_space<vmem>>, vector<16xf32>,
            %parallel_loop3A_501 = arith.constant 160 : i32
            %parallel_loop3A_502 = arith.muli %parallel_loop3A_385, %parallel_loop3A_501 : i32
            %parallel_loop3A_503 = arith.constant 80 : i32
            %parallel_loop3A_504 = arith.addi %parallel_loop3A_502, %parallel_loop3A_503 : i32
            %parallel_loop3A_505 = tpu.memref_slice %run_scoped3A[%mul3A_316] : memref<40960xi32, #tpu.memory_space<vmem>> -> memref<20480xi32, #tpu.memory_space<vmem>>
            %parallel_loop3A_506 = arith.index_cast %parallel_loop3A_504 : i32 to index
            %parallel_loop3A_507 = tpu.vector_load %parallel_loop3A_505[%parallel_loop3A_506] {strides = array<i32>} : memref<20480xi32, #tpu.memory_space<vmem>>, vector<16xi32>,
            %parallel_loop3A_508 = arith.constant 255 : i32
            %parallel_loop3A_509 = vector.broadcast %parallel_loop3A_508 : i32 to vector<16xi32>
            %parallel_loop3A_510 = arith.andi %parallel_loop3A_507, %parallel_loop3A_509 : vector<16xi32>
            %parallel_loop3A_511 = tpu.vector_load_idx %arg8[%parallel_loop3A_510] : memref<48xf32, #tpu.memory_space<vmem>>[vector<16xi32>], vector<16xf32>,
            %parallel_loop3A_512 = arith.constant -65536 : i32
            %parallel_loop3A_513 = vector.broadcast %parallel_loop3A_512 : i32 to vector<16xi32>
            %parallel_loop3A_514 = arith.andi %parallel_loop3A_507, %parallel_loop3A_513 : vector<16xi32>
            %parallel_loop3A_515 = vector.bitcast %parallel_loop3A_514 : vector<16xi32> to vector<16xf32>
            %parallel_loop3A_516 = arith.subf %parallel_loop3A_515, %parallel_loop3A_511 : vector<16xf32>
            %parallel_loop3A_517 = arith.constant 0 : i32
            %parallel_loop3A_518 = arith.constant 0 : i32
            %parallel_loop3A_519 = tpu.memref_slice %run_scoped3A_107[%rem3A_318, %parallel_loop3A_517, %parallel_loop3A_518] : memref<2x128x160xf32, #tpu.memory_space<vmem>> -> memref<1x128x160xf32, #tpu.memory_space<vmem>>
            %parallel_loop3A_520 = tpu.memref_squeeze %parallel_loop3A_519 : memref<1x128x160xf32, #tpu.memory_space<vmem>> -> memref<128x160xf32, #tpu.memory_space<vmem>>
            %parallel_loop3A_521 = arith.index_cast %parallel_loop3A_385 : i32 to index
            %parallel_loop3A_522 = arith.constant 80 : index
            %parallel_loop3A_523 = tpu.vector_load %parallel_loop3A_520[%parallel_loop3A_521, %parallel_loop3A_522] {strides = array<i32>} : memref<128x160xf32, #tpu.memory_space<vmem>>, vector<16xf32>,
            tpu.vector_store %parallel_loop3A_520[%parallel_loop3A_521, %parallel_loop3A_522], %parallel_loop3A_516 {strides = array<i32>} : memref<128x160xf32, #tpu.memory_space<vmem>>, vector<16xf32>,
            %parallel_loop3A_524 = arith.constant 160 : i32
            %parallel_loop3A_525 = arith.muli %parallel_loop3A_385, %parallel_loop3A_524 : i32
            %parallel_loop3A_526 = arith.constant 96 : i32
            %parallel_loop3A_527 = arith.addi %parallel_loop3A_525, %parallel_loop3A_526 : i32
            %parallel_loop3A_528 = tpu.memref_slice %run_scoped3A[%mul3A_316] : memref<40960xi32, #tpu.memory_space<vmem>> -> memref<20480xi32, #tpu.memory_space<vmem>>
            %parallel_loop3A_529 = arith.index_cast %parallel_loop3A_527 : i32 to index
            %parallel_loop3A_530 = tpu.vector_load %parallel_loop3A_528[%parallel_loop3A_529] {strides = array<i32>} : memref<20480xi32, #tpu.memory_space<vmem>>, vector<16xi32>,
            %parallel_loop3A_531 = arith.constant 255 : i32
            %parallel_loop3A_532 = vector.broadcast %parallel_loop3A_531 : i32 to vector<16xi32>
            %parallel_loop3A_533 = arith.andi %parallel_loop3A_530, %parallel_loop3A_532 : vector<16xi32>
            %parallel_loop3A_534 = tpu.vector_load_idx %arg8[%parallel_loop3A_533] : memref<48xf32, #tpu.memory_space<vmem>>[vector<16xi32>], vector<16xf32>,
            %parallel_loop3A_535 = arith.constant -65536 : i32
            %parallel_loop3A_536 = vector.broadcast %parallel_loop3A_535 : i32 to vector<16xi32>
            %parallel_loop3A_537 = arith.andi %parallel_loop3A_530, %parallel_loop3A_536 : vector<16xi32>
            %parallel_loop3A_538 = vector.bitcast %parallel_loop3A_537 : vector<16xi32> to vector<16xf32>
            %parallel_loop3A_539 = arith.subf %parallel_loop3A_538, %parallel_loop3A_534 : vector<16xf32>
            %parallel_loop3A_540 = arith.constant 0 : i32
            %parallel_loop3A_541 = arith.constant 0 : i32
            %parallel_loop3A_542 = tpu.memref_slice %run_scoped3A_107[%rem3A_318, %parallel_loop3A_540, %parallel_loop3A_541] : memref<2x128x160xf32, #tpu.memory_space<vmem>> -> memref<1x128x160xf32, #tpu.memory_space<vmem>>
            %parallel_loop3A_543 = tpu.memref_squeeze %parallel_loop3A_542 : memref<1x128x160xf32, #tpu.memory_space<vmem>> -> memref<128x160xf32, #tpu.memory_space<vmem>>
            %parallel_loop3A_544 = arith.index_cast %parallel_loop3A_385 : i32 to index
            %parallel_loop3A_545 = arith.constant 96 : index
            %parallel_loop3A_546 = tpu.vector_load %parallel_loop3A_543[%parallel_loop3A_544, %parallel_loop3A_545] {strides = array<i32>} : memref<128x160xf32, #tpu.memory_space<vmem>>, vector<16xf32>,
            tpu.vector_store %parallel_loop3A_543[%parallel_loop3A_544, %parallel_loop3A_545], %parallel_loop3A_539 {strides = array<i32>} : memref<128x160xf32, #tpu.memory_space<vmem>>, vector<16xf32>,
            %parallel_loop3A_547 = arith.constant 160 : i32
            %parallel_loop3A_548 = arith.muli %parallel_loop3A_385, %parallel_loop3A_547 : i32
            %parallel_loop3A_549 = arith.constant 112 : i32
            %parallel_loop3A_550 = arith.addi %parallel_loop3A_548, %parallel_loop3A_549 : i32
            %parallel_loop3A_551 = tpu.memref_slice %run_scoped3A[%mul3A_316] : memref<40960xi32, #tpu.memory_space<vmem>> -> memref<20480xi32, #tpu.memory_space<vmem>>
            %parallel_loop3A_552 = arith.index_cast %parallel_loop3A_550 : i32 to index
            %parallel_loop3A_553 = tpu.vector_load %parallel_loop3A_551[%parallel_loop3A_552] {strides = array<i32>} : memref<20480xi32, #tpu.memory_space<vmem>>, vector<16xi32>,
            %parallel_loop3A_554 = arith.constant 255 : i32
            %parallel_loop3A_555 = vector.broadcast %parallel_loop3A_554 : i32 to vector<16xi32>
            %parallel_loop3A_556 = arith.andi %parallel_loop3A_553, %parallel_loop3A_555 : vector<16xi32>
            %parallel_loop3A_557 = tpu.vector_load_idx %arg8[%parallel_loop3A_556] : memref<48xf32, #tpu.memory_space<vmem>>[vector<16xi32>], vector<16xf32>,
            %parallel_loop3A_558 = arith.constant -65536 : i32
            %parallel_loop3A_559 = vector.broadcast %parallel_loop3A_558 : i32 to vector<16xi32>
            %parallel_loop3A_560 = arith.andi %parallel_loop3A_553, %parallel_loop3A_559 : vector<16xi32>
            %parallel_loop3A_561 = vector.bitcast %parallel_loop3A_560 : vector<16xi32> to vector<16xf32>
            %parallel_loop3A_562 = arith.subf %parallel_loop3A_561, %parallel_loop3A_557 : vector<16xf32>
            %parallel_loop3A_563 = arith.constant 0 : i32
            %parallel_loop3A_564 = arith.constant 0 : i32
            %parallel_loop3A_565 = tpu.memref_slice %run_scoped3A_107[%rem3A_318, %parallel_loop3A_563, %parallel_loop3A_564] : memref<2x128x160xf32, #tpu.memory_space<vmem>> -> memref<1x128x160xf32, #tpu.memory_space<vmem>>
            %parallel_loop3A_566 = tpu.memref_squeeze %parallel_loop3A_565 : memref<1x128x160xf32, #tpu.memory_space<vmem>> -> memref<128x160xf32, #tpu.memory_space<vmem>>
            %parallel_loop3A_567 = arith.index_cast %parallel_loop3A_385 : i32 to index
            %parallel_loop3A_568 = arith.constant 112 : index
            %parallel_loop3A_569 = tpu.vector_load %parallel_loop3A_566[%parallel_loop3A_567, %parallel_loop3A_568] {strides = array<i32>} : memref<128x160xf32, #tpu.memory_space<vmem>>, vector<16xf32>,
            tpu.vector_store %parallel_loop3A_566[%parallel_loop3A_567, %parallel_loop3A_568], %parallel_loop3A_562 {strides = array<i32>} : memref<128x160xf32, #tpu.memory_space<vmem>>, vector<16xf32>,
            %parallel_loop3A_570 = arith.constant 160 : i32
            %parallel_loop3A_571 = arith.muli %parallel_loop3A_385, %parallel_loop3A_570 : i32
            %parallel_loop3A_572 = arith.constant 128 : i32
            %parallel_loop3A_573 = arith.addi %parallel_loop3A_571, %parallel_loop3A_572 : i32
            %parallel_loop3A_574 = tpu.memref_slice %run_scoped3A[%mul3A_316] : memref<40960xi32, #tpu.memory_space<vmem>> -> memref<20480xi32, #tpu.memory_space<vmem>>
            %parallel_loop3A_575 = arith.index_cast %parallel_loop3A_573 : i32 to index
            %parallel_loop3A_576 = tpu.vector_load %parallel_loop3A_574[%parallel_loop3A_575] {strides = array<i32>} : memref<20480xi32, #tpu.memory_space<vmem>>, vector<16xi32>,
            %parallel_loop3A_577 = arith.constant 255 : i32
            %parallel_loop3A_578 = vector.broadcast %parallel_loop3A_577 : i32 to vector<16xi32>
            %parallel_loop3A_579 = arith.andi %parallel_loop3A_576, %parallel_loop3A_578 : vector<16xi32>
            %parallel_loop3A_580 = tpu.vector_load_idx %arg8[%parallel_loop3A_579] : memref<48xf32, #tpu.memory_space<vmem>>[vector<16xi32>], vector<16xf32>,
            %parallel_loop3A_581 = arith.constant -65536 : i32
            %parallel_loop3A_582 = vector.broadcast %parallel_loop3A_581 : i32 to vector<16xi32>
            %parallel_loop3A_583 = arith.andi %parallel_loop3A_576, %parallel_loop3A_582 : vector<16xi32>
            %parallel_loop3A_584 = vector.bitcast %parallel_loop3A_583 : vector<16xi32> to vector<16xf32>
            %parallel_loop3A_585 = arith.subf %parallel_loop3A_584, %parallel_loop3A_580 : vector<16xf32>
            %parallel_loop3A_586 = arith.constant 0 : i32
            %parallel_loop3A_587 = arith.constant 0 : i32
            %parallel_loop3A_588 = tpu.memref_slice %run_scoped3A_107[%rem3A_318, %parallel_loop3A_586, %parallel_loop3A_587] : memref<2x128x160xf32, #tpu.memory_space<vmem>> -> memref<1x128x160xf32, #tpu.memory_space<vmem>>
            %parallel_loop3A_589 = tpu.memref_squeeze %parallel_loop3A_588 : memref<1x128x160xf32, #tpu.memory_space<vmem>> -> memref<128x160xf32, #tpu.memory_space<vmem>>
            %parallel_loop3A_590 = arith.index_cast %parallel_loop3A_385 : i32 to index
            %parallel_loop3A_591 = arith.constant 128 : index
            %parallel_loop3A_592 = tpu.vector_load %parallel_loop3A_589[%parallel_loop3A_590, %parallel_loop3A_591] {strides = array<i32>} : memref<128x160xf32, #tpu.memory_space<vmem>>, vector<16xf32>,
            tpu.vector_store %parallel_loop3A_589[%parallel_loop3A_590, %parallel_loop3A_591], %parallel_loop3A_585 {strides = array<i32>} : memref<128x160xf32, #tpu.memory_space<vmem>>, vector<16xf32>,
            %parallel_loop3A_593 = arith.constant 160 : i32
            %parallel_loop3A_594 = arith.muli %parallel_loop3A_385, %parallel_loop3A_593 : i32
            %parallel_loop3A_595 = arith.constant 144 : i32
            %parallel_loop3A_596 = arith.addi %parallel_loop3A_594, %parallel_loop3A_595 : i32
            %parallel_loop3A_597 = tpu.memref_slice %run_scoped3A[%mul3A_316] : memref<40960xi32, #tpu.memory_space<vmem>> -> memref<20480xi32, #tpu.memory_space<vmem>>
            %parallel_loop3A_598 = arith.index_cast %parallel_loop3A_596 : i32 to index
            %parallel_loop3A_599 = tpu.vector_load %parallel_loop3A_597[%parallel_loop3A_598] {strides = array<i32>} : memref<20480xi32, #tpu.memory_space<vmem>>, vector<16xi32>,
            %parallel_loop3A_600 = arith.constant 255 : i32
            %parallel_loop3A_601 = vector.broadcast %parallel_loop3A_600 : i32 to vector<16xi32>
            %parallel_loop3A_602 = arith.andi %parallel_loop3A_599, %parallel_loop3A_601 : vector<16xi32>
            %parallel_loop3A_603 = tpu.vector_load_idx %arg8[%parallel_loop3A_602] : memref<48xf32, #tpu.memory_space<vmem>>[vector<16xi32>], vector<16xf32>,
            %parallel_loop3A_604 = arith.constant -65536 : i32
            %parallel_loop3A_605 = vector.broadcast %parallel_loop3A_604 : i32 to vector<16xi32>
            %parallel_loop3A_606 = arith.andi %parallel_loop3A_599, %parallel_loop3A_605 : vector<16xi32>
            %parallel_loop3A_607 = vector.bitcast %parallel_loop3A_606 : vector<16xi32> to vector<16xf32>
            %parallel_loop3A_608 = arith.subf %parallel_loop3A_607, %parallel_loop3A_603 : vector<16xf32>
            %parallel_loop3A_609 = arith.constant 0 : i32
            %parallel_loop3A_610 = arith.constant 0 : i32
            %parallel_loop3A_611 = tpu.memref_slice %run_scoped3A_107[%rem3A_318, %parallel_loop3A_609, %parallel_loop3A_610] : memref<2x128x160xf32, #tpu.memory_space<vmem>> -> memref<1x128x160xf32, #tpu.memory_space<vmem>>
            %parallel_loop3A_612 = tpu.memref_squeeze %parallel_loop3A_611 : memref<1x128x160xf32, #tpu.memory_space<vmem>> -> memref<128x160xf32, #tpu.memory_space<vmem>>
            %parallel_loop3A_613 = arith.index_cast %parallel_loop3A_385 : i32 to index
            %parallel_loop3A_614 = arith.constant 144 : index
            %parallel_loop3A_615 = tpu.vector_load %parallel_loop3A_612[%parallel_loop3A_613, %parallel_loop3A_614] {strides = array<i32>} : memref<128x160xf32, #tpu.memory_space<vmem>>, vector<16xf32>,
            tpu.vector_store %parallel_loop3A_612[%parallel_loop3A_613, %parallel_loop3A_614], %parallel_loop3A_608 {strides = array<i32>} : memref<128x160xf32, #tpu.memory_space<vmem>>, vector<16xf32>,
          } {sc.loop_unroll_factor = 1 : i64, sc.parallel_access}
          "tpu.trace_stop"() : () -> ()
          %ne3A_321 = arith.cmpi ne, %add3A_242, %add3A_260 : i32
          %or3A_322 = arith.constant false
          %or3A_323 = arith.ori %or3A_322, %ne3A_321 : i1
          %or3A_324 = arith.ori %or3A_323, %eq3A_241 : i1
          %convert_element_type3A_325 = arith.extui %or3A_324 : i1 to i32
          %cond3A_326 = arith.constant 0 : i32
          %cond3A_327 = arith.cmpi ne, %convert_element_type3A_325, %cond3A_326 : i32
          scf.if %cond3A_327 {
          } else {
          }
          %and3A_328 = arith.constant false
          %and3A_329 = arith.andi %or3A_324, %and3A_328 : i1
          %ne3A_330 = arith.cmpi ne, %add3A_242, %add3A_260 : i32
          %or3A_331 = arith.constant false
          %or3A_332 = arith.ori %or3A_331, %ne3A_330 : i1
          %or3A_333 = arith.constant false
          %or3A_334 = arith.ori %or3A_332, %or3A_333 : i1
          %or3A_335 = arith.ori %or3A_334, %eq3A_241 : i1
          %convert_element_type3A_336 = arith.extui %or3A_335 : i1 to i32
          %cond3A_337 = arith.constant 0 : i32
          %cond3A_338 = arith.cmpi ne, %convert_element_type3A_336, %cond3A_337 : i32
          scf.if %cond3A_338 {
            "tpu.trace_start"() <{level = 10 : i32, message = "ep_copy_out"}> : () -> ()
            %rem3A_385 = arith.constant 2 : i32
            %rem3A_386 = arith.remui %while3A_232, %rem3A_385 : i32
            %mul3A_387 = arith.constant 128 : i32
            %mul3A_388 = arith.muli %mul3A_387, %add3A_242 : i32
            %dma_start3A_389 = arith.constant 0 : i32
            %dma_start3A_390 = arith.constant 0 : i32
            %dma_start3A_391 = tpu.memref_slice %run_scoped3A_107[%rem3A_386, %dma_start3A_389, %dma_start3A_390] : memref<2x128x160xf32, #tpu.memory_space<vmem>> -> memref<1x128x160xf32, #tpu.memory_space<vmem>>
            %dma_start3A_392 = tpu.memref_squeeze %dma_start3A_391 : memref<1x128x160xf32, #tpu.memory_space<vmem>> -> memref<128x160xf32, #tpu.memory_space<vmem>>
            %dma_start3A_393 = arith.constant 0 : i32
            %dma_start3A_394 = tpu.memref_slice %arg5[%mul3A_388, %dma_start3A_393] : memref<51200x160xf32, #tpu.memory_space<hbm>> -> memref<128x160xf32, #tpu.memory_space<hbm>>
            %dma_start3A_395 = tpu.memref_slice %run_scoped3A_108[%rem3A_386] : memref<2x!tpu.dma_semaphore, #tpu.memory_space<semaphore_mem>> -> memref<1x!tpu.dma_semaphore, #tpu.memory_space<semaphore_mem>>
            %dma_start3A_396 = tpu.memref_squeeze %dma_start3A_395 : memref<1x!tpu.dma_semaphore, #tpu.memory_space<semaphore_mem>> -> memref<!tpu.dma_semaphore, #tpu.memory_space<semaphore_mem>>
            %dma_start3A_397 = arith.constant 0 : i32
            %dma_start3A_398 = tpu.memref_slice %arg5[%mul3A_388, %dma_start3A_397] : memref<51200x160xf32, #tpu.memory_space<hbm>> -> memref<128x160xf32, #tpu.memory_space<hbm>>
            %dma_start3A_399 = arith.constant 0 : i32
            %dma_start3A_400 = arith.constant 0 : i32
            %dma_start3A_401 = tpu.memref_slice %run_scoped3A_107[%rem3A_386, %dma_start3A_399, %dma_start3A_400] : memref<2x128x160xf32, #tpu.memory_space<vmem>> -> memref<1x128x160xf32, #tpu.memory_space<vmem>>
            %dma_start3A_402 = tpu.memref_squeeze %dma_start3A_401 : memref<1x128x160xf32, #tpu.memory_space<vmem>> -> memref<128x160xf32, #tpu.memory_space<vmem>>
            tpu.enqueue_dma source(%dma_start3A_402 : memref<128x160xf32, #tpu.memory_space<vmem>>) target(%dma_start3A_398 : memref<128x160xf32, #tpu.memory_space<hbm>>) target_semaphore(%dma_start3A_396 : memref<!tpu.dma_semaphore, #tpu.memory_space<semaphore_mem>>)
            "tpu.trace_stop"() : () -> ()
          } else {
          }
          %and3A_339 = arith.constant true
          %and3A_340 = arith.andi %or3A_335, %and3A_339 : i1
          %add3A_341 = arith.constant 1 : i32
          %add3A_342 = arith.addi %while3A_232, %add3A_341 : i32
          %select_n3A_343 = arith.select %and3A_340, %add3A_342, %while3A_232 : i32
          %ne3A_344 = arith.cmpi ne, %add3A_242, %add3A_252 : i32
          %or3A_345 = arith.constant false
          %or3A_346 = arith.ori %or3A_345, %ne3A_344 : i1
          %not3A_347 = arith.constant true
          %not3A_348 = arith.xori %eq3A_238, %not3A_347 : i1
          %and3A_349 = arith.andi %or3A_346, %not3A_348 : i1
          %convert_element_type3A_350 = arith.extui %and3A_349 : i1 to i32
          %cond3A_351 = arith.constant 0 : i32
          %cond3A_352 = arith.cmpi ne, %convert_element_type3A_350, %cond3A_351 : i32
          scf.if %cond3A_352 {
          } else {
          }
          %and3A_353 = arith.constant false
          %and3A_354 = arith.andi %and3A_349, %and3A_353 : i1
          %ne3A_355 = arith.cmpi ne, %add3A_242, %add3A_252 : i32
          %or3A_356 = arith.constant false
          %or3A_357 = arith.ori %or3A_356, %ne3A_355 : i1
          %or3A_358 = arith.constant false
          %or3A_359 = arith.ori %or3A_357, %or3A_358 : i1
          %not3A_360 = arith.constant true
          %not3A_361 = arith.xori %eq3A_238, %not3A_360 : i1
          %and3A_362 = arith.andi %or3A_359, %not3A_361 : i1
          %convert_element_type3A_363 = arith.extui %and3A_362 : i1 to i32
          %cond3A_364 = arith.constant 0 : i32
          %cond3A_365 = arith.cmpi ne, %convert_element_type3A_363, %cond3A_364 : i32
          scf.if %cond3A_365 {
            "tpu.trace_start"() <{level = 10 : i32, message = "ep_wait_out"}> : () -> ()
            %rem3A_385 = arith.constant 2 : i32
            %rem3A_386 = arith.remui %while3A_233, %rem3A_385 : i32
            %mul3A_387 = arith.constant 128 : i32
            %mul3A_388 = arith.muli %mul3A_387, %add3A_252 : i32
            %dma_wait3A = arith.constant 0 : i32
            %dma_wait3A_389 = arith.constant 0 : i32
            %dma_wait3A_390 = tpu.memref_slice %run_scoped3A_107[%rem3A_386, %dma_wait3A, %dma_wait3A_389] : memref<2x128x160xf32, #tpu.memory_space<vmem>> -> memref<1x128x160xf32, #tpu.memory_space<vmem>>
            %dma_wait3A_391 = tpu.memref_squeeze %dma_wait3A_390 : memref<1x128x160xf32, #tpu.memory_space<vmem>> -> memref<128x160xf32, #tpu.memory_space<vmem>>
            %dma_wait3A_392 = arith.constant 0 : i32
            %dma_wait3A_393 = tpu.memref_slice %arg5[%mul3A_388, %dma_wait3A_392] : memref<51200x160xf32, #tpu.memory_space<hbm>> -> memref<128x160xf32, #tpu.memory_space<hbm>>
            %dma_wait3A_394 = tpu.memref_slice %run_scoped3A_108[%rem3A_386] : memref<2x!tpu.dma_semaphore, #tpu.memory_space<semaphore_mem>> -> memref<1x!tpu.dma_semaphore, #tpu.memory_space<semaphore_mem>>
            %dma_wait3A_395 = tpu.memref_squeeze %dma_wait3A_394 : memref<1x!tpu.dma_semaphore, #tpu.memory_space<semaphore_mem>> -> memref<!tpu.dma_semaphore, #tpu.memory_space<semaphore_mem>>
            %dma_wait3A_396 = arith.constant 0 : i32
            %dma_wait3A_397 = tpu.memref_slice %arg5[%mul3A_388, %dma_wait3A_396] : memref<51200x160xf32, #tpu.memory_space<hbm>> -> memref<128x160xf32, #tpu.memory_space<hbm>>
            %dma_wait3A_398 = arith.constant 0 : i32
            %dma_wait3A_399 = arith.constant 0 : i32
            %dma_wait3A_400 = tpu.memref_slice %run_scoped3A_107[%rem3A_386, %dma_wait3A_398, %dma_wait3A_399] : memref<2x128x160xf32, #tpu.memory_space<vmem>> -> memref<1x128x160xf32, #tpu.memory_space<vmem>>
            %dma_wait3A_401 = tpu.memref_squeeze %dma_wait3A_400 : memref<1x128x160xf32, #tpu.memory_space<vmem>> -> memref<128x160xf32, #tpu.memory_space<vmem>>
            tpu.wait_dma2 semaphore(%dma_wait3A_395 : memref<!tpu.dma_semaphore, #tpu.memory_space<semaphore_mem>>) src(%dma_wait3A_401 : memref<128x160xf32, #tpu.memory_space<vmem>>) dst(%dma_wait3A_397 : memref<128x160xf32, #tpu.memory_space<hbm>>)
            "tpu.trace_stop"() : () -> ()
          } else {
          }
          %and3A_366 = arith.constant true
          %and3A_367 = arith.andi %and3A_362, %and3A_366 : i1
          %add3A_368 = arith.constant 1 : i32
          %add3A_369 = arith.addi %while3A_233, %add3A_368 : i32
          %select_n3A_370 = arith.select %and3A_367, %add3A_369, %while3A_233 : i32
          %ne3A_371 = arith.cmpi ne, %add3A_242, %add3A_260 : i32
          %or3A_372 = arith.constant false
          %or3A_373 = arith.ori %or3A_372, %ne3A_371 : i1
          %or3A_374 = arith.ori %or3A_373, %eq3A_241 : i1
          %add3A_375 = arith.constant 1 : i32
          %add3A_376 = arith.addi %while3A_231, %add3A_375 : i32
          %select_n3A_377 = arith.select %or3A_374, %add3A_376, %while3A_231 : i32
          %add3A_378 = arith.constant 1 : i32
          %add3A_379 = arith.addi %while3A_234, %add3A_378 : i32
          %select_n3A_380 = arith.constant true
          %select_n3A_381 = arith.select %select_n3A_380, %add3A_379, %while3A_234 : i32
          %eq3A_382 = arith.cmpi eq, %select_n3A_381, %select_n3A_95 : i32
          %select_n3A_383 = arith.constant 0 : i32
          %select_n3A_384 = arith.select %eq3A_382, %select_n3A_383, %select_n3A_381 : i32
          scf.yield %select_n3A_283, %select_n3A_377, %select_n3A_343, %select_n3A_370, %select_n3A_384 : i32, i32, i32, i32, i32
        }
        %sub3A_178 = arith.constant 1 : i32
        %sub3A_179 = arith.subi %while3A_177#4, %sub3A_178 : i32
        %select_n3A_180 = arith.constant true
        %select_n3A_181 = arith.select %select_n3A_180, %sub3A_179, %while3A_177#4 : i32
        %eq3A_182 = arith.constant -1 : i32
        %eq3A_183 = arith.cmpi eq, %select_n3A_181, %eq3A_182 : i32
        %sub3A_184 = arith.constant 1 : i32
        %sub3A_185 = arith.subi %select_n3A_95, %sub3A_184 : i32
        %select_n3A_186 = arith.select %eq3A_183, %sub3A_185, %select_n3A_181 : i32
        %sub3A_187 = arith.constant 1 : i32
        %sub3A_188 = arith.subi %mul3A_105, %sub3A_187 : i32
        %mul3A_189 = arith.constant 1 : i32
        %mul3A_190 = arith.muli %mul3A_189, %select_n3A_95 : i32
        %eq3A_191 = arith.constant 0 : i32
        %eq3A_192 = arith.cmpi eq, %sub3A_188, %eq3A_191 : i32
        %sub3A_193 = arith.constant 1 : i32
        %sub3A_194 = arith.subi %mul3A_190, %sub3A_193 : i32
        %eq3A_195 = arith.cmpi eq, %sub3A_188, %sub3A_194 : i32
        %add3A_196 = arith.addi %select_n3A_186, %select_n3A_103 : i32
        %sub3A_197 = arith.constant 1 : i32
        %sub3A_198 = arith.subi %select_n3A_186, %sub3A_197 : i32
        %select_n3A_199 = arith.constant true
        %select_n3A_200 = arith.select %select_n3A_199, %sub3A_198, %select_n3A_186 : i32
        %eq3A_201 = arith.constant -1 : i32
        %eq3A_202 = arith.cmpi eq, %select_n3A_200, %eq3A_201 : i32
        %sub3A_203 = arith.constant 1 : i32
        %sub3A_204 = arith.subi %select_n3A_95, %sub3A_203 : i32
        %select_n3A_205 = arith.select %eq3A_202, %sub3A_204, %select_n3A_200 : i32
        %add3A_206 = arith.addi %select_n3A_205, %select_n3A_103 : i32
        %add3A_207 = arith.constant 1 : i32
        %add3A_208 = arith.addi %select_n3A_186, %add3A_207 : i32
        %select_n3A_209 = arith.constant true
        %select_n3A_210 = arith.select %select_n3A_209, %add3A_208, %select_n3A_186 : i32
        %eq3A_211 = arith.cmpi eq, %select_n3A_210, %select_n3A_95 : i32
        %select_n3A_212 = arith.constant 0 : i32
        %select_n3A_213 = arith.select %eq3A_211, %select_n3A_212, %select_n3A_210 : i32
        %add3A_214 = arith.addi %select_n3A_213, %select_n3A_103 : i32
        %add3A_215 = arith.constant 1 : i32
        %add3A_216 = arith.addi %select_n3A_213, %add3A_215 : i32
        %select_n3A_217 = arith.constant true
        %select_n3A_218 = arith.select %select_n3A_217, %add3A_216, %select_n3A_213 : i32
        %eq3A_219 = arith.cmpi eq, %select_n3A_218, %select_n3A_95 : i32
        %select_n3A_220 = arith.constant 0 : i32
        %select_n3A_221 = arith.select %eq3A_219, %select_n3A_220, %select_n3A_218 : i32
        %add3A_222 = arith.addi %select_n3A_221, %select_n3A_103 : i32
        %convert_element_type3A_223 = arith.extui %eq3A_195 : i1 to i32
        %cond3A_224 = arith.constant 0 : i32
        %cond3A_225 = arith.cmpi ne, %convert_element_type3A_223, %cond3A_224 : i32
        scf.if %cond3A_225 {
        } else {
        }
        %convert_element_type3A_226 = arith.extui %eq3A_195 : i1 to i32
        %cond3A_227 = arith.constant 0 : i32
        %cond3A_228 = arith.cmpi ne, %convert_element_type3A_226, %cond3A_227 : i32
        scf.if %cond3A_228 {
          "tpu.trace_start"() <{level = 10 : i32, message = "ep_finalize"}> : () -> ()
          %rem3A_229 = arith.constant 2 : i32
          %rem3A_230 = arith.remui %while3A_177#3, %rem3A_229 : i32
          %mul3A_231 = arith.constant 128 : i32
          %mul3A_232 = arith.muli %mul3A_231, %add3A_196 : i32
          %dma_wait3A = arith.constant 0 : i32
          %dma_wait3A_233 = arith.constant 0 : i32
          %dma_wait3A_234 = tpu.memref_slice %run_scoped3A_107[%rem3A_230, %dma_wait3A, %dma_wait3A_233] : memref<2x128x160xf32, #tpu.memory_space<vmem>> -> memref<1x128x160xf32, #tpu.memory_space<vmem>>
          %dma_wait3A_235 = tpu.memref_squeeze %dma_wait3A_234 : memref<1x128x160xf32, #tpu.memory_space<vmem>> -> memref<128x160xf32, #tpu.memory_space<vmem>>
          %dma_wait3A_236 = arith.constant 0 : i32
          %dma_wait3A_237 = tpu.memref_slice %arg5[%mul3A_232, %dma_wait3A_236] : memref<51200x160xf32, #tpu.memory_space<hbm>> -> memref<128x160xf32, #tpu.memory_space<hbm>>
          %dma_wait3A_238 = tpu.memref_slice %run_scoped3A_108[%rem3A_230] : memref<2x!tpu.dma_semaphore, #tpu.memory_space<semaphore_mem>> -> memref<1x!tpu.dma_semaphore, #tpu.memory_space<semaphore_mem>>
          %dma_wait3A_239 = tpu.memref_squeeze %dma_wait3A_238 : memref<1x!tpu.dma_semaphore, #tpu.memory_space<semaphore_mem>> -> memref<!tpu.dma_semaphore, #tpu.memory_space<semaphore_mem>>
          %dma_wait3A_240 = arith.constant 0 : i32
          %dma_wait3A_241 = tpu.memref_slice %arg5[%mul3A_232, %dma_wait3A_240] : memref<51200x160xf32, #tpu.memory_space<hbm>> -> memref<128x160xf32, #tpu.memory_space<hbm>>
          %dma_wait3A_242 = arith.constant 0 : i32
          %dma_wait3A_243 = arith.constant 0 : i32
          %dma_wait3A_244 = tpu.memref_slice %run_scoped3A_107[%rem3A_230, %dma_wait3A_242, %dma_wait3A_243] : memref<2x128x160xf32, #tpu.memory_space<vmem>> -> memref<1x128x160xf32, #tpu.memory_space<vmem>>
          %dma_wait3A_245 = tpu.memref_squeeze %dma_wait3A_244 : memref<1x128x160xf32, #tpu.memory_space<vmem>> -> memref<128x160xf32, #tpu.memory_space<vmem>>
          tpu.wait_dma2 semaphore(%dma_wait3A_239 : memref<!tpu.dma_semaphore, #tpu.memory_space<semaphore_mem>>) src(%dma_wait3A_245 : memref<128x160xf32, #tpu.memory_space<vmem>>) dst(%dma_wait3A_241 : memref<128x160xf32, #tpu.memory_space<hbm>>)
          "tpu.trace_stop"() : () -> ()
        } else {
        }
      } else {
      }
      tpu.yield
    }) : () -> ()
    return
  }
}

#map = affine_map<(d0, d1) -> (0, 0)>
#map1 = affine_map<(d0, d1) -> (0)>
module attributes {stable_mosaic.version = 14 : i64} {
  func.func @_pass1_body(%arg0: i32, %arg1: i32, %arg2: memref<51200x160xi32, #tpu.memory_space<hbm>>, %arg3: memref<51200x160xf32, #tpu.memory_space<hbm>>, %arg4: memref<51200x160xf32, #tpu.memory_space<hbm>>, %arg5: memref<51200x160xf32, #tpu.memory_space<hbm>>, %arg6: memref<48xi32, #tpu.memory_space<hbm>>, %arg7: memref<8192000xi32, #tpu.memory_space<hbm>>, %arg8: memref<3072xf32, #tpu.memory_space<hbm>>, %arg9: memref<48xi32, #tpu.memory_space<vmem>>, %arg10: memref<768xf32, #tpu.memory_space<vmem>>, %arg11: memref<768xf32, #tpu.memory_space<vmem>>, %arg12: memref<96xf32, #tpu.memory_space<vmem>>) attributes {dimension_semantics = [#tpu.dimension_semantics<core_parallel>, #tpu.dimension_semantics<subcore_parallel>], iteration_bounds = array<i64: 2, 16>, scalar_prefetch = 0 : i64, scratch_operands = 4 : i64, tpu.core_type = #tpu.core_type<sc_vector_subcore>, window_params = [{transform_indices = #map}, {transform_indices = #map}, {transform_indices = #map}, {transform_indices = #map}, {transform_indices = #map1}, {transform_indices = #map1}, {transform_indices = #map1}]} {
    %mul3A = arith.constant 2 : i32
    %mul3A_0 = arith.muli %arg1, %mul3A : i32
    %add3A = arith.addi %mul3A_0, %arg0 : i32
    "tpu.region"() ({
      %run_scoped3A = tpu.sem_alloc : memref<!tpu.dma_semaphore, #tpu.memory_space<semaphore_mem>>
      tpu.enqueue_dma source(%arg6 : memref<48xi32, #tpu.memory_space<hbm>>) target(%arg9 : memref<48xi32, #tpu.memory_space<vmem>>) target_semaphore(%run_scoped3A : memref<!tpu.dma_semaphore, #tpu.memory_space<semaphore_mem>>)
      tpu.wait_dma2 semaphore(%run_scoped3A : memref<!tpu.dma_semaphore, #tpu.memory_space<semaphore_mem>>) src(%arg6 : memref<48xi32, #tpu.memory_space<hbm>>) dst(%arg9 : memref<48xi32, #tpu.memory_space<vmem>>)
      tpu.yield
    }) : () -> ()
    %broadcast_in_dim3A = arith.constant 0.000000e+00 : f32
    %broadcast_in_dim3A_1 = vector.broadcast %broadcast_in_dim3A : f32 to vector<16xf32>
    %scan3A = arith.constant 0 : i32
    %scan3A_2 = arith.constant 48 : i32
    %scan3A_3 = arith.addi %scan3A, %scan3A_2 : i32
    %scan3A_4 = arith.constant 1 : i32
    scf.for %scan3A_521 = %scan3A to %scan3A_3 step %scan3A_4  : i32 {
      %mul3A_522 = arith.constant 16 : i32
      %mul3A_523 = arith.muli %scan3A_521, %mul3A_522 : i32
      %add3A_524 = arith.constant 0 : i32
      %add3A_525 = arith.addi %add3A_524, %mul3A_523 : i32
      %swap3A_526 = arith.index_cast %add3A_525 : i32 to index
      %swap3A_527 = tpu.vector_load %arg10[%swap3A_526] {strides = array<i32>} : memref<768xf32, #tpu.memory_space<vmem>>, vector<16xf32>,
      tpu.vector_store %arg10[%swap3A_526], %broadcast_in_dim3A_1 {strides = array<i32>} : memref<768xf32, #tpu.memory_space<vmem>>, vector<16xf32>,
      %swap3A_528 = arith.index_cast %add3A_525 : i32 to index
      %swap3A_529 = tpu.vector_load %arg11[%swap3A_528] {strides = array<i32>} : memref<768xf32, #tpu.memory_space<vmem>>, vector<16xf32>,
      tpu.vector_store %arg11[%swap3A_528], %broadcast_in_dim3A_1 {strides = array<i32>} : memref<768xf32, #tpu.memory_space<vmem>>, vector<16xf32>,
    }
    %scan3A_5 = arith.constant 48 : i32
    %iota3A = tpu.iota {dimensions = array<i32: 0>} : vector<16xi32>
    %broadcast_in_dim3A_6 = arith.constant 1.000000e+00 : f32
    %broadcast_in_dim3A_7 = vector.broadcast %broadcast_in_dim3A_6 : f32 to vector<16xf32>
    %mul3A_8 = arith.constant 1 : i32
    %mul3A_9 = arith.muli %arg1, %mul3A_8 : i32
    %add3A_10 = arith.constant 0 : i32
    %add3A_11 = arith.addi %add3A_10, %mul3A_9 : i32
    %mul3A_12 = arith.constant 16 : i32
    %mul3A_13 = arith.muli %arg0, %mul3A_12 : i32
    %add3A_14 = arith.addi %add3A_11, %mul3A_13 : i32
    %mul3A_15 = arith.constant 40 : i32
    %mul3A_16 = arith.muli %add3A_14, %mul3A_15 : i32
    "tpu.region"() ({
      %run_scoped3A = memref.alloca() : memref<2x40x160xi32, #tpu.memory_space<vmem>>
      %run_scoped3A_521 = tpu.sem_alloc : memref<2x!tpu.dma_semaphore, #tpu.memory_space<semaphore_mem>>
      %run_scoped3A_522 = memref.alloca() : memref<2x40x160xf32, #tpu.memory_space<vmem>>
      %run_scoped3A_523 = tpu.sem_alloc : memref<2x!tpu.dma_semaphore, #tpu.memory_space<semaphore_mem>>
      %run_scoped3A_524 = memref.alloca() : memref<2x40x160xf32, #tpu.memory_space<vmem>>
      %run_scoped3A_525 = tpu.sem_alloc : memref<2x!tpu.dma_semaphore, #tpu.memory_space<semaphore_mem>>
      %run_scoped3A_526 = memref.alloca() : memref<2x40x160xf32, #tpu.memory_space<vmem>>
      %run_scoped3A_527 = tpu.sem_alloc : memref<2x!tpu.dma_semaphore, #tpu.memory_space<semaphore_mem>>
      %run_scoped3A_528 = memref.alloca() : memref<12800xi32, #tpu.memory_space<vmem>>
      %run_scoped3A_529 = tpu.sem_alloc : memref<2x!tpu.dma_semaphore, #tpu.memory_space<semaphore_mem>>
      %add3A_530 = arith.constant 0 : i32
      %add3A_531 = arith.addi %add3A_530, %mul3A_16 : i32
      %select_n3A = arith.constant true
      %select_n3A_532 = arith.constant 0 : i32
      %select_n3A_533 = arith.constant -1 : i32
      %select_n3A_534 = arith.select %select_n3A, %select_n3A_533, %select_n3A_532 : i32
      %eq3A = arith.constant -1 : i32
      %eq3A_535 = arith.cmpi eq, %select_n3A_534, %eq3A : i32
      %select_n3A_536 = arith.constant 39 : i32
      %select_n3A_537 = arith.select %eq3A_535, %select_n3A_536, %select_n3A_534 : i32
      %add3A_538 = arith.addi %select_n3A_537, %mul3A_16 : i32
      %select_n3A_539 = arith.constant true
      %select_n3A_540 = arith.constant 0 : i32
      %select_n3A_541 = arith.constant 1 : i32
      %select_n3A_542 = arith.select %select_n3A_539, %select_n3A_541, %select_n3A_540 : i32
      %eq3A_543 = arith.constant 40 : i32
      %eq3A_544 = arith.cmpi eq, %select_n3A_542, %eq3A_543 : i32
      %select_n3A_545 = arith.constant 0 : i32
      %select_n3A_546 = arith.select %eq3A_544, %select_n3A_545, %select_n3A_542 : i32
      %add3A_547 = arith.addi %select_n3A_546, %mul3A_16 : i32
      %add3A_548 = arith.constant 1 : i32
      %add3A_549 = arith.addi %select_n3A_546, %add3A_548 : i32
      %select_n3A_550 = arith.constant true
      %select_n3A_551 = arith.select %select_n3A_550, %add3A_549, %select_n3A_546 : i32
      %eq3A_552 = arith.constant 40 : i32
      %eq3A_553 = arith.cmpi eq, %select_n3A_551, %eq3A_552 : i32
      %select_n3A_554 = arith.constant 0 : i32
      %select_n3A_555 = arith.select %eq3A_553, %select_n3A_554, %select_n3A_551 : i32
      %add3A_556 = arith.addi %select_n3A_555, %mul3A_16 : i32
      "tpu.trace_start"() <{level = 10 : i32, message = "ep_initialize_0"}> : () -> ()
      %rem3A = arith.constant 0 : i32
      %rem3A_557 = arith.constant 2 : i32
      %rem3A_558 = arith.remui %rem3A, %rem3A_557 : i32
      %mul3A_559 = arith.constant 40 : i32
      %mul3A_560 = arith.muli %mul3A_559, %add3A_531 : i32
      %dma_start3A = arith.constant 0 : i32
      %dma_start3A_561 = arith.constant 0 : i32
      %dma_start3A_562 = tpu.memref_slice %run_scoped3A[%rem3A_558, %dma_start3A, %dma_start3A_561] : memref<2x40x160xi32, #tpu.memory_space<vmem>> -> memref<1x40x160xi32, #tpu.memory_space<vmem>>
      %dma_start3A_563 = tpu.memref_squeeze %dma_start3A_562 : memref<1x40x160xi32, #tpu.memory_space<vmem>> -> memref<40x160xi32, #tpu.memory_space<vmem>>
      %dma_start3A_564 = arith.constant 0 : i32
      %dma_start3A_565 = tpu.memref_slice %arg2[%mul3A_560, %dma_start3A_564] : memref<51200x160xi32, #tpu.memory_space<hbm>> -> memref<40x160xi32, #tpu.memory_space<hbm>>
      %dma_start3A_566 = tpu.memref_slice %run_scoped3A_521[%rem3A_558] : memref<2x!tpu.dma_semaphore, #tpu.memory_space<semaphore_mem>> -> memref<1x!tpu.dma_semaphore, #tpu.memory_space<semaphore_mem>>
      %dma_start3A_567 = tpu.memref_squeeze %dma_start3A_566 : memref<1x!tpu.dma_semaphore, #tpu.memory_space<semaphore_mem>> -> memref<!tpu.dma_semaphore, #tpu.memory_space<semaphore_mem>>
      %dma_start3A_568 = arith.constant 0 : i32
      %dma_start3A_569 = arith.constant 0 : i32
      %dma_start3A_570 = tpu.memref_slice %run_scoped3A[%rem3A_558, %dma_start3A_568, %dma_start3A_569] : memref<2x40x160xi32, #tpu.memory_space<vmem>> -> memref<1x40x160xi32, #tpu.memory_space<vmem>>
      %dma_start3A_571 = tpu.memref_squeeze %dma_start3A_570 : memref<1x40x160xi32, #tpu.memory_space<vmem>> -> memref<40x160xi32, #tpu.memory_space<vmem>>
      %dma_start3A_572 = arith.constant 0 : i32
      %dma_start3A_573 = tpu.memref_slice %arg2[%mul3A_560, %dma_start3A_572] : memref<51200x160xi32, #tpu.memory_space<hbm>> -> memref<40x160xi32, #tpu.memory_space<hbm>>
      tpu.enqueue_dma source(%dma_start3A_573 : memref<40x160xi32, #tpu.memory_space<hbm>>) target(%dma_start3A_571 : memref<40x160xi32, #tpu.memory_space<vmem>>) target_semaphore(%dma_start3A_567 : memref<!tpu.dma_semaphore, #tpu.memory_space<semaphore_mem>>)
      %add3A_574 = arith.constant 0 : i32
      %add3A_575 = arith.constant 1 : i32
      %add3A_576 = arith.addi %add3A_574, %add3A_575 : i32
      %select_n3A_577 = arith.constant true
      %select_n3A_578 = arith.constant 0 : i32
      %select_n3A_579 = arith.select %select_n3A_577, %add3A_576, %select_n3A_578 : i32
      %rem3A_580 = arith.constant 0 : i32
      %rem3A_581 = arith.constant 2 : i32
      %rem3A_582 = arith.remui %rem3A_580, %rem3A_581 : i32
      %mul3A_583 = arith.constant 40 : i32
      %mul3A_584 = arith.muli %mul3A_583, %add3A_531 : i32
      %dma_start3A_585 = arith.constant 0 : i32
      %dma_start3A_586 = arith.constant 0 : i32
      %dma_start3A_587 = tpu.memref_slice %run_scoped3A_522[%rem3A_582, %dma_start3A_585, %dma_start3A_586] : memref<2x40x160xf32, #tpu.memory_space<vmem>> -> memref<1x40x160xf32, #tpu.memory_space<vmem>>
      %dma_start3A_588 = tpu.memref_squeeze %dma_start3A_587 : memref<1x40x160xf32, #tpu.memory_space<vmem>> -> memref<40x160xf32, #tpu.memory_space<vmem>>
      %dma_start3A_589 = arith.constant 0 : i32
      %dma_start3A_590 = tpu.memref_slice %arg3[%mul3A_584, %dma_start3A_589] : memref<51200x160xf32, #tpu.memory_space<hbm>> -> memref<40x160xf32, #tpu.memory_space<hbm>>
      %dma_start3A_591 = tpu.memref_slice %run_scoped3A_523[%rem3A_582] : memref<2x!tpu.dma_semaphore, #tpu.memory_space<semaphore_mem>> -> memref<1x!tpu.dma_semaphore, #tpu.memory_space<semaphore_mem>>
      %dma_start3A_592 = tpu.memref_squeeze %dma_start3A_591 : memref<1x!tpu.dma_semaphore, #tpu.memory_space<semaphore_mem>> -> memref<!tpu.dma_semaphore, #tpu.memory_space<semaphore_mem>>
      %dma_start3A_593 = arith.constant 0 : i32
      %dma_start3A_594 = arith.constant 0 : i32
      %dma_start3A_595 = tpu.memref_slice %run_scoped3A_522[%rem3A_582, %dma_start3A_593, %dma_start3A_594] : memref<2x40x160xf32, #tpu.memory_space<vmem>> -> memref<1x40x160xf32, #tpu.memory_space<vmem>>
      %dma_start3A_596 = tpu.memref_squeeze %dma_start3A_595 : memref<1x40x160xf32, #tpu.memory_space<vmem>> -> memref<40x160xf32, #tpu.memory_space<vmem>>
      %dma_start3A_597 = arith.constant 0 : i32
      %dma_start3A_598 = tpu.memref_slice %arg3[%mul3A_584, %dma_start3A_597] : memref<51200x160xf32, #tpu.memory_space<hbm>> -> memref<40x160xf32, #tpu.memory_space<hbm>>
      tpu.enqueue_dma source(%dma_start3A_598 : memref<40x160xf32, #tpu.memory_space<hbm>>) target(%dma_start3A_596 : memref<40x160xf32, #tpu.memory_space<vmem>>) target_semaphore(%dma_start3A_592 : memref<!tpu.dma_semaphore, #tpu.memory_space<semaphore_mem>>)
      %add3A_599 = arith.constant 0 : i32
      %add3A_600 = arith.constant 1 : i32
      %add3A_601 = arith.addi %add3A_599, %add3A_600 : i32
      %select_n3A_602 = arith.constant true
      %select_n3A_603 = arith.constant 0 : i32
      %select_n3A_604 = arith.select %select_n3A_602, %add3A_601, %select_n3A_603 : i32
      %rem3A_605 = arith.constant 0 : i32
      %rem3A_606 = arith.constant 2 : i32
      %rem3A_607 = arith.remui %rem3A_605, %rem3A_606 : i32
      %mul3A_608 = arith.constant 40 : i32
      %mul3A_609 = arith.muli %mul3A_608, %add3A_531 : i32
      %dma_start3A_610 = arith.constant 0 : i32
      %dma_start3A_611 = arith.constant 0 : i32
      %dma_start3A_612 = tpu.memref_slice %run_scoped3A_524[%rem3A_607, %dma_start3A_610, %dma_start3A_611] : memref<2x40x160xf32, #tpu.memory_space<vmem>> -> memref<1x40x160xf32, #tpu.memory_space<vmem>>
      %dma_start3A_613 = tpu.memref_squeeze %dma_start3A_612 : memref<1x40x160xf32, #tpu.memory_space<vmem>> -> memref<40x160xf32, #tpu.memory_space<vmem>>
      %dma_start3A_614 = arith.constant 0 : i32
      %dma_start3A_615 = tpu.memref_slice %arg4[%mul3A_609, %dma_start3A_614] : memref<51200x160xf32, #tpu.memory_space<hbm>> -> memref<40x160xf32, #tpu.memory_space<hbm>>
      %dma_start3A_616 = tpu.memref_slice %run_scoped3A_525[%rem3A_607] : memref<2x!tpu.dma_semaphore, #tpu.memory_space<semaphore_mem>> -> memref<1x!tpu.dma_semaphore, #tpu.memory_space<semaphore_mem>>
      %dma_start3A_617 = tpu.memref_squeeze %dma_start3A_616 : memref<1x!tpu.dma_semaphore, #tpu.memory_space<semaphore_mem>> -> memref<!tpu.dma_semaphore, #tpu.memory_space<semaphore_mem>>
      %dma_start3A_618 = arith.constant 0 : i32
      %dma_start3A_619 = arith.constant 0 : i32
      %dma_start3A_620 = tpu.memref_slice %run_scoped3A_524[%rem3A_607, %dma_start3A_618, %dma_start3A_619] : memref<2x40x160xf32, #tpu.memory_space<vmem>> -> memref<1x40x160xf32, #tpu.memory_space<vmem>>
      %dma_start3A_621 = tpu.memref_squeeze %dma_start3A_620 : memref<1x40x160xf32, #tpu.memory_space<vmem>> -> memref<40x160xf32, #tpu.memory_space<vmem>>
      %dma_start3A_622 = arith.constant 0 : i32
      %dma_start3A_623 = tpu.memref_slice %arg4[%mul3A_609, %dma_start3A_622] : memref<51200x160xf32, #tpu.memory_space<hbm>> -> memref<40x160xf32, #tpu.memory_space<hbm>>
      tpu.enqueue_dma source(%dma_start3A_623 : memref<40x160xf32, #tpu.memory_space<hbm>>) target(%dma_start3A_621 : memref<40x160xf32, #tpu.memory_space<vmem>>) target_semaphore(%dma_start3A_617 : memref<!tpu.dma_semaphore, #tpu.memory_space<semaphore_mem>>)
      %add3A_624 = arith.constant 0 : i32
      %add3A_625 = arith.constant 1 : i32
      %add3A_626 = arith.addi %add3A_624, %add3A_625 : i32
      %select_n3A_627 = arith.constant true
      %select_n3A_628 = arith.constant 0 : i32
      %select_n3A_629 = arith.select %select_n3A_627, %add3A_626, %select_n3A_628 : i32
      %rem3A_630 = arith.constant 0 : i32
      %rem3A_631 = arith.constant 2 : i32
      %rem3A_632 = arith.remui %rem3A_630, %rem3A_631 : i32
      %mul3A_633 = arith.constant 40 : i32
      %mul3A_634 = arith.muli %mul3A_633, %add3A_531 : i32
      %dma_start3A_635 = arith.constant 0 : i32
      %dma_start3A_636 = arith.constant 0 : i32
      %dma_start3A_637 = tpu.memref_slice %run_scoped3A_526[%rem3A_632, %dma_start3A_635, %dma_start3A_636] : memref<2x40x160xf32, #tpu.memory_space<vmem>> -> memref<1x40x160xf32, #tpu.memory_space<vmem>>
      %dma_start3A_638 = tpu.memref_squeeze %dma_start3A_637 : memref<1x40x160xf32, #tpu.memory_space<vmem>> -> memref<40x160xf32, #tpu.memory_space<vmem>>
      %dma_start3A_639 = arith.constant 0 : i32
      %dma_start3A_640 = tpu.memref_slice %arg5[%mul3A_634, %dma_start3A_639] : memref<51200x160xf32, #tpu.memory_space<hbm>> -> memref<40x160xf32, #tpu.memory_space<hbm>>
      %dma_start3A_641 = tpu.memref_slice %run_scoped3A_527[%rem3A_632] : memref<2x!tpu.dma_semaphore, #tpu.memory_space<semaphore_mem>> -> memref<1x!tpu.dma_semaphore, #tpu.memory_space<semaphore_mem>>
      %dma_start3A_642 = tpu.memref_squeeze %dma_start3A_641 : memref<1x!tpu.dma_semaphore, #tpu.memory_space<semaphore_mem>> -> memref<!tpu.dma_semaphore, #tpu.memory_space<semaphore_mem>>
      %dma_start3A_643 = arith.constant 0 : i32
      %dma_start3A_644 = arith.constant 0 : i32
      %dma_start3A_645 = tpu.memref_slice %run_scoped3A_526[%rem3A_632, %dma_start3A_643, %dma_start3A_644] : memref<2x40x160xf32, #tpu.memory_space<vmem>> -> memref<1x40x160xf32, #tpu.memory_space<vmem>>
      %dma_start3A_646 = tpu.memref_squeeze %dma_start3A_645 : memref<1x40x160xf32, #tpu.memory_space<vmem>> -> memref<40x160xf32, #tpu.memory_space<vmem>>
      %dma_start3A_647 = arith.constant 0 : i32
      %dma_start3A_648 = tpu.memref_slice %arg5[%mul3A_634, %dma_start3A_647] : memref<51200x160xf32, #tpu.memory_space<hbm>> -> memref<40x160xf32, #tpu.memory_space<hbm>>
      tpu.enqueue_dma source(%dma_start3A_648 : memref<40x160xf32, #tpu.memory_space<hbm>>) target(%dma_start3A_646 : memref<40x160xf32, #tpu.memory_space<vmem>>) target_semaphore(%dma_start3A_642 : memref<!tpu.dma_semaphore, #tpu.memory_space<semaphore_mem>>)
      %add3A_649 = arith.constant 0 : i32
      %add3A_650 = arith.constant 1 : i32
      %add3A_651 = arith.addi %add3A_649, %add3A_650 : i32
      %select_n3A_652 = arith.constant true
      %select_n3A_653 = arith.constant 0 : i32
      %select_n3A_654 = arith.select %select_n3A_652, %add3A_651, %select_n3A_653 : i32
      "tpu.trace_stop"() : () -> ()
      %scan3A_655 = arith.constant 0 : i32
      %scan3A_656 = arith.constant 0 : i32
      %scan3A_657 = arith.constant 0 : i32
      %scan3A_658 = arith.constant 0 : i32
      %scan3A_659 = arith.constant 0 : i32
      %scan3A_660 = arith.constant 0 : i32
      %scan3A_661 = arith.constant 0 : i32
      %scan3A_662 = arith.constant 0 : i32
      %scan3A_663 = arith.constant 40 : i32
      %scan3A_664 = arith.addi %scan3A_662, %scan3A_663 : i32
      %scan3A_665 = arith.constant 1 : i32
      %scan3A_666:11 = scf.for %scan3A_716 = %scan3A_662 to %scan3A_664 step %scan3A_665 iter_args(%scan3A_717 = %select_n3A_579, %scan3A_718 = %scan3A_655, %scan3A_719 = %select_n3A_604, %scan3A_720 = %scan3A_656, %scan3A_721 = %select_n3A_629, %scan3A_722 = %scan3A_657, %scan3A_723 = %select_n3A_654, %scan3A_724 = %scan3A_658, %scan3A_725 = %scan3A_659, %scan3A_726 = %scan3A_660, %scan3A_727 = %scan3A_661) -> (i32, i32, i32, i32, i32, i32, i32, i32, i32, i32, i32)  : i32 {
        %eq3A_728 = arith.constant 0 : i32
        %eq3A_729 = arith.cmpi eq, %scan3A_716, %eq3A_728 : i32
        %eq3A_730 = arith.constant 39 : i32
        %eq3A_731 = arith.cmpi eq, %scan3A_716, %eq3A_730 : i32
        %add3A_732 = arith.addi %scan3A_727, %mul3A_16 : i32
        %sub3A_733 = arith.constant 1 : i32
        %sub3A_734 = arith.subi %scan3A_727, %sub3A_733 : i32
        %select_n3A_735 = arith.constant true
        %select_n3A_736 = arith.select %select_n3A_735, %sub3A_734, %scan3A_727 : i32
        %eq3A_737 = arith.constant -1 : i32
        %eq3A_738 = arith.cmpi eq, %select_n3A_736, %eq3A_737 : i32
        %select_n3A_739 = arith.constant 39 : i32
        %select_n3A_740 = arith.select %eq3A_738, %select_n3A_739, %select_n3A_736 : i32
        %add3A_741 = arith.addi %select_n3A_740, %mul3A_16 : i32
        %add3A_742 = arith.constant 1 : i32
        %add3A_743 = arith.addi %scan3A_727, %add3A_742 : i32
        %select_n3A_744 = arith.constant true
        %select_n3A_745 = arith.select %select_n3A_744, %add3A_743, %scan3A_727 : i32
        %eq3A_746 = arith.constant 40 : i32
        %eq3A_747 = arith.cmpi eq, %select_n3A_745, %eq3A_746 : i32
        %select_n3A_748 = arith.constant 0 : i32
        %select_n3A_749 = arith.select %eq3A_747, %select_n3A_748, %select_n3A_745 : i32
        %add3A_750 = arith.addi %select_n3A_749, %mul3A_16 : i32
        %add3A_751 = arith.constant 1 : i32
        %add3A_752 = arith.addi %select_n3A_749, %add3A_751 : i32
        %select_n3A_753 = arith.constant true
        %select_n3A_754 = arith.select %select_n3A_753, %add3A_752, %select_n3A_749 : i32
        %eq3A_755 = arith.constant 40 : i32
        %eq3A_756 = arith.cmpi eq, %select_n3A_754, %eq3A_755 : i32
        %select_n3A_757 = arith.constant 0 : i32
        %select_n3A_758 = arith.select %eq3A_756, %select_n3A_757, %select_n3A_754 : i32
        %add3A_759 = arith.addi %select_n3A_758, %mul3A_16 : i32
        %ne3A = arith.cmpi ne, %add3A_732, %add3A_750 : i32
        %or3A = arith.constant false
        %or3A_760 = arith.ori %or3A, %ne3A : i1
        %or3A_761 = arith.constant false
        %or3A_762 = arith.ori %or3A_760, %or3A_761 : i1
        %ge3A = arith.constant 39 : i32
        %ge3A_763 = arith.cmpi sge, %scan3A_716, %ge3A : i32
        %not3A = arith.constant true
        %not3A_764 = arith.xori %ge3A_763, %not3A : i1
        %and3A = arith.andi %or3A_762, %not3A_764 : i1
        %convert_element_type3A = arith.extui %and3A : i1 to i32
        %cond3A = arith.constant 0 : i32
        %cond3A_765 = arith.cmpi ne, %convert_element_type3A, %cond3A : i32
        scf.if %cond3A_765 {
          "tpu.trace_start"() <{level = 10 : i32, message = "ep_copy_in"}> : () -> ()
          %rem3A_1056 = arith.constant 2 : i32
          %rem3A_1057 = arith.remui %scan3A_717, %rem3A_1056 : i32
          %mul3A_1058 = arith.constant 40 : i32
          %mul3A_1059 = arith.muli %mul3A_1058, %add3A_750 : i32
          %dma_start3A_1060 = arith.constant 0 : i32
          %dma_start3A_1061 = arith.constant 0 : i32
          %dma_start3A_1062 = tpu.memref_slice %run_scoped3A[%rem3A_1057, %dma_start3A_1060, %dma_start3A_1061] : memref<2x40x160xi32, #tpu.memory_space<vmem>> -> memref<1x40x160xi32, #tpu.memory_space<vmem>>
          %dma_start3A_1063 = tpu.memref_squeeze %dma_start3A_1062 : memref<1x40x160xi32, #tpu.memory_space<vmem>> -> memref<40x160xi32, #tpu.memory_space<vmem>>
          %dma_start3A_1064 = arith.constant 0 : i32
          %dma_start3A_1065 = tpu.memref_slice %arg2[%mul3A_1059, %dma_start3A_1064] : memref<51200x160xi32, #tpu.memory_space<hbm>> -> memref<40x160xi32, #tpu.memory_space<hbm>>
          %dma_start3A_1066 = tpu.memref_slice %run_scoped3A_521[%rem3A_1057] : memref<2x!tpu.dma_semaphore, #tpu.memory_space<semaphore_mem>> -> memref<1x!tpu.dma_semaphore, #tpu.memory_space<semaphore_mem>>
          %dma_start3A_1067 = tpu.memref_squeeze %dma_start3A_1066 : memref<1x!tpu.dma_semaphore, #tpu.memory_space<semaphore_mem>> -> memref<!tpu.dma_semaphore, #tpu.memory_space<semaphore_mem>>
          %dma_start3A_1068 = arith.constant 0 : i32
          %dma_start3A_1069 = arith.constant 0 : i32
          %dma_start3A_1070 = tpu.memref_slice %run_scoped3A[%rem3A_1057, %dma_start3A_1068, %dma_start3A_1069] : memref<2x40x160xi32, #tpu.memory_space<vmem>> -> memref<1x40x160xi32, #tpu.memory_space<vmem>>
          %dma_start3A_1071 = tpu.memref_squeeze %dma_start3A_1070 : memref<1x40x160xi32, #tpu.memory_space<vmem>> -> memref<40x160xi32, #tpu.memory_space<vmem>>
          %dma_start3A_1072 = arith.constant 0 : i32
          %dma_start3A_1073 = tpu.memref_slice %arg2[%mul3A_1059, %dma_start3A_1072] : memref<51200x160xi32, #tpu.memory_space<hbm>> -> memref<40x160xi32, #tpu.memory_space<hbm>>
          tpu.enqueue_dma source(%dma_start3A_1073 : memref<40x160xi32, #tpu.memory_space<hbm>>) target(%dma_start3A_1071 : memref<40x160xi32, #tpu.memory_space<vmem>>) target_semaphore(%dma_start3A_1067 : memref<!tpu.dma_semaphore, #tpu.memory_space<semaphore_mem>>)
          "tpu.trace_stop"() : () -> ()
        } else {
        }
        %and3A_766 = arith.constant true
        %and3A_767 = arith.andi %and3A, %and3A_766 : i1
        %add3A_768 = arith.constant 1 : i32
        %add3A_769 = arith.addi %scan3A_717, %add3A_768 : i32
        %select_n3A_770 = arith.select %and3A_767, %add3A_769, %scan3A_717 : i32
        %ne3A_771 = arith.cmpi ne, %add3A_732, %add3A_750 : i32
        %or3A_772 = arith.constant false
        %or3A_773 = arith.ori %or3A_772, %ne3A_771 : i1
        %or3A_774 = arith.constant false
        %or3A_775 = arith.ori %or3A_773, %or3A_774 : i1
        %ge3A_776 = arith.constant 39 : i32
        %ge3A_777 = arith.cmpi sge, %scan3A_716, %ge3A_776 : i32
        %not3A_778 = arith.constant true
        %not3A_779 = arith.xori %ge3A_777, %not3A_778 : i1
        %and3A_780 = arith.andi %or3A_775, %not3A_779 : i1
        %convert_element_type3A_781 = arith.extui %and3A_780 : i1 to i32
        %cond3A_782 = arith.constant 0 : i32
        %cond3A_783 = arith.cmpi ne, %convert_element_type3A_781, %cond3A_782 : i32
        scf.if %cond3A_783 {
          "tpu.trace_start"() <{level = 10 : i32, message = "ep_copy_in"}> : () -> ()
          %rem3A_1056 = arith.constant 2 : i32
          %rem3A_1057 = arith.remui %scan3A_719, %rem3A_1056 : i32
          %mul3A_1058 = arith.constant 40 : i32
          %mul3A_1059 = arith.muli %mul3A_1058, %add3A_750 : i32
          %dma_start3A_1060 = arith.constant 0 : i32
          %dma_start3A_1061 = arith.constant 0 : i32
          %dma_start3A_1062 = tpu.memref_slice %run_scoped3A_522[%rem3A_1057, %dma_start3A_1060, %dma_start3A_1061] : memref<2x40x160xf32, #tpu.memory_space<vmem>> -> memref<1x40x160xf32, #tpu.memory_space<vmem>>
          %dma_start3A_1063 = tpu.memref_squeeze %dma_start3A_1062 : memref<1x40x160xf32, #tpu.memory_space<vmem>> -> memref<40x160xf32, #tpu.memory_space<vmem>>
          %dma_start3A_1064 = arith.constant 0 : i32
          %dma_start3A_1065 = tpu.memref_slice %arg3[%mul3A_1059, %dma_start3A_1064] : memref<51200x160xf32, #tpu.memory_space<hbm>> -> memref<40x160xf32, #tpu.memory_space<hbm>>
          %dma_start3A_1066 = tpu.memref_slice %run_scoped3A_523[%rem3A_1057] : memref<2x!tpu.dma_semaphore, #tpu.memory_space<semaphore_mem>> -> memref<1x!tpu.dma_semaphore, #tpu.memory_space<semaphore_mem>>
          %dma_start3A_1067 = tpu.memref_squeeze %dma_start3A_1066 : memref<1x!tpu.dma_semaphore, #tpu.memory_space<semaphore_mem>> -> memref<!tpu.dma_semaphore, #tpu.memory_space<semaphore_mem>>
          %dma_start3A_1068 = arith.constant 0 : i32
          %dma_start3A_1069 = arith.constant 0 : i32
          %dma_start3A_1070 = tpu.memref_slice %run_scoped3A_522[%rem3A_1057, %dma_start3A_1068, %dma_start3A_1069] : memref<2x40x160xf32, #tpu.memory_space<vmem>> -> memref<1x40x160xf32, #tpu.memory_space<vmem>>
          %dma_start3A_1071 = tpu.memref_squeeze %dma_start3A_1070 : memref<1x40x160xf32, #tpu.memory_space<vmem>> -> memref<40x160xf32, #tpu.memory_space<vmem>>
          %dma_start3A_1072 = arith.constant 0 : i32
          %dma_start3A_1073 = tpu.memref_slice %arg3[%mul3A_1059, %dma_start3A_1072] : memref<51200x160xf32, #tpu.memory_space<hbm>> -> memref<40x160xf32, #tpu.memory_space<hbm>>
          tpu.enqueue_dma source(%dma_start3A_1073 : memref<40x160xf32, #tpu.memory_space<hbm>>) target(%dma_start3A_1071 : memref<40x160xf32, #tpu.memory_space<vmem>>) target_semaphore(%dma_start3A_1067 : memref<!tpu.dma_semaphore, #tpu.memory_space<semaphore_mem>>)
          "tpu.trace_stop"() : () -> ()
        } else {
        }
        %and3A_784 = arith.constant true
        %and3A_785 = arith.andi %and3A_780, %and3A_784 : i1
        %add3A_786 = arith.constant 1 : i32
        %add3A_787 = arith.addi %scan3A_719, %add3A_786 : i32
        %select_n3A_788 = arith.select %and3A_785, %add3A_787, %scan3A_719 : i32
        %ne3A_789 = arith.cmpi ne, %add3A_732, %add3A_750 : i32
        %or3A_790 = arith.constant false
        %or3A_791 = arith.ori %or3A_790, %ne3A_789 : i1
        %or3A_792 = arith.constant false
        %or3A_793 = arith.ori %or3A_791, %or3A_792 : i1
        %ge3A_794 = arith.constant 39 : i32
        %ge3A_795 = arith.cmpi sge, %scan3A_716, %ge3A_794 : i32
        %not3A_796 = arith.constant true
        %not3A_797 = arith.xori %ge3A_795, %not3A_796 : i1
        %and3A_798 = arith.andi %or3A_793, %not3A_797 : i1
        %convert_element_type3A_799 = arith.extui %and3A_798 : i1 to i32
        %cond3A_800 = arith.constant 0 : i32
        %cond3A_801 = arith.cmpi ne, %convert_element_type3A_799, %cond3A_800 : i32
        scf.if %cond3A_801 {
          "tpu.trace_start"() <{level = 10 : i32, message = "ep_copy_in"}> : () -> ()
          %rem3A_1056 = arith.constant 2 : i32
          %rem3A_1057 = arith.remui %scan3A_721, %rem3A_1056 : i32
          %mul3A_1058 = arith.constant 40 : i32
          %mul3A_1059 = arith.muli %mul3A_1058, %add3A_750 : i32
          %dma_start3A_1060 = arith.constant 0 : i32
          %dma_start3A_1061 = arith.constant 0 : i32
          %dma_start3A_1062 = tpu.memref_slice %run_scoped3A_524[%rem3A_1057, %dma_start3A_1060, %dma_start3A_1061] : memref<2x40x160xf32, #tpu.memory_space<vmem>> -> memref<1x40x160xf32, #tpu.memory_space<vmem>>
          %dma_start3A_1063 = tpu.memref_squeeze %dma_start3A_1062 : memref<1x40x160xf32, #tpu.memory_space<vmem>> -> memref<40x160xf32, #tpu.memory_space<vmem>>
          %dma_start3A_1064 = arith.constant 0 : i32
          %dma_start3A_1065 = tpu.memref_slice %arg4[%mul3A_1059, %dma_start3A_1064] : memref<51200x160xf32, #tpu.memory_space<hbm>> -> memref<40x160xf32, #tpu.memory_space<hbm>>
          %dma_start3A_1066 = tpu.memref_slice %run_scoped3A_525[%rem3A_1057] : memref<2x!tpu.dma_semaphore, #tpu.memory_space<semaphore_mem>> -> memref<1x!tpu.dma_semaphore, #tpu.memory_space<semaphore_mem>>
          %dma_start3A_1067 = tpu.memref_squeeze %dma_start3A_1066 : memref<1x!tpu.dma_semaphore, #tpu.memory_space<semaphore_mem>> -> memref<!tpu.dma_semaphore, #tpu.memory_space<semaphore_mem>>
          %dma_start3A_1068 = arith.constant 0 : i32
          %dma_start3A_1069 = arith.constant 0 : i32
          %dma_start3A_1070 = tpu.memref_slice %run_scoped3A_524[%rem3A_1057, %dma_start3A_1068, %dma_start3A_1069] : memref<2x40x160xf32, #tpu.memory_space<vmem>> -> memref<1x40x160xf32, #tpu.memory_space<vmem>>
          %dma_start3A_1071 = tpu.memref_squeeze %dma_start3A_1070 : memref<1x40x160xf32, #tpu.memory_space<vmem>> -> memref<40x160xf32, #tpu.memory_space<vmem>>
          %dma_start3A_1072 = arith.constant 0 : i32
          %dma_start3A_1073 = tpu.memref_slice %arg4[%mul3A_1059, %dma_start3A_1072] : memref<51200x160xf32, #tpu.memory_space<hbm>> -> memref<40x160xf32, #tpu.memory_space<hbm>>
          tpu.enqueue_dma source(%dma_start3A_1073 : memref<40x160xf32, #tpu.memory_space<hbm>>) target(%dma_start3A_1071 : memref<40x160xf32, #tpu.memory_space<vmem>>) target_semaphore(%dma_start3A_1067 : memref<!tpu.dma_semaphore, #tpu.memory_space<semaphore_mem>>)
          "tpu.trace_stop"() : () -> ()
        } else {
        }
        %and3A_802 = arith.constant true
        %and3A_803 = arith.andi %and3A_798, %and3A_802 : i1
        %add3A_804 = arith.constant 1 : i32
        %add3A_805 = arith.addi %scan3A_721, %add3A_804 : i32
        %select_n3A_806 = arith.select %and3A_803, %add3A_805, %scan3A_721 : i32
        %ne3A_807 = arith.cmpi ne, %add3A_732, %add3A_750 : i32
        %or3A_808 = arith.constant false
        %or3A_809 = arith.ori %or3A_808, %ne3A_807 : i1
        %or3A_810 = arith.constant false
        %or3A_811 = arith.ori %or3A_809, %or3A_810 : i1
        %ge3A_812 = arith.constant 39 : i32
        %ge3A_813 = arith.cmpi sge, %scan3A_716, %ge3A_812 : i32
        %not3A_814 = arith.constant true
        %not3A_815 = arith.xori %ge3A_813, %not3A_814 : i1
        %and3A_816 = arith.andi %or3A_811, %not3A_815 : i1
        %convert_element_type3A_817 = arith.extui %and3A_816 : i1 to i32
        %cond3A_818 = arith.constant 0 : i32
        %cond3A_819 = arith.cmpi ne, %convert_element_type3A_817, %cond3A_818 : i32
        scf.if %cond3A_819 {
          "tpu.trace_start"() <{level = 10 : i32, message = "ep_copy_in"}> : () -> ()
          %rem3A_1056 = arith.constant 2 : i32
          %rem3A_1057 = arith.remui %scan3A_723, %rem3A_1056 : i32
          %mul3A_1058 = arith.constant 40 : i32
          %mul3A_1059 = arith.muli %mul3A_1058, %add3A_750 : i32
          %dma_start3A_1060 = arith.constant 0 : i32
          %dma_start3A_1061 = arith.constant 0 : i32
          %dma_start3A_1062 = tpu.memref_slice %run_scoped3A_526[%rem3A_1057, %dma_start3A_1060, %dma_start3A_1061] : memref<2x40x160xf32, #tpu.memory_space<vmem>> -> memref<1x40x160xf32, #tpu.memory_space<vmem>>
          %dma_start3A_1063 = tpu.memref_squeeze %dma_start3A_1062 : memref<1x40x160xf32, #tpu.memory_space<vmem>> -> memref<40x160xf32, #tpu.memory_space<vmem>>
          %dma_start3A_1064 = arith.constant 0 : i32
          %dma_start3A_1065 = tpu.memref_slice %arg5[%mul3A_1059, %dma_start3A_1064] : memref<51200x160xf32, #tpu.memory_space<hbm>> -> memref<40x160xf32, #tpu.memory_space<hbm>>
          %dma_start3A_1066 = tpu.memref_slice %run_scoped3A_527[%rem3A_1057] : memref<2x!tpu.dma_semaphore, #tpu.memory_space<semaphore_mem>> -> memref<1x!tpu.dma_semaphore, #tpu.memory_space<semaphore_mem>>
          %dma_start3A_1067 = tpu.memref_squeeze %dma_start3A_1066 : memref<1x!tpu.dma_semaphore, #tpu.memory_space<semaphore_mem>> -> memref<!tpu.dma_semaphore, #tpu.memory_space<semaphore_mem>>
          %dma_start3A_1068 = arith.constant 0 : i32
          %dma_start3A_1069 = arith.constant 0 : i32
          %dma_start3A_1070 = tpu.memref_slice %run_scoped3A_526[%rem3A_1057, %dma_start3A_1068, %dma_start3A_1069] : memref<2x40x160xf32, #tpu.memory_space<vmem>> -> memref<1x40x160xf32, #tpu.memory_space<vmem>>
          %dma_start3A_1071 = tpu.memref_squeeze %dma_start3A_1070 : memref<1x40x160xf32, #tpu.memory_space<vmem>> -> memref<40x160xf32, #tpu.memory_space<vmem>>
          %dma_start3A_1072 = arith.constant 0 : i32
          %dma_start3A_1073 = tpu.memref_slice %arg5[%mul3A_1059, %dma_start3A_1072] : memref<51200x160xf32, #tpu.memory_space<hbm>> -> memref<40x160xf32, #tpu.memory_space<hbm>>
          tpu.enqueue_dma source(%dma_start3A_1073 : memref<40x160xf32, #tpu.memory_space<hbm>>) target(%dma_start3A_1071 : memref<40x160xf32, #tpu.memory_space<vmem>>) target_semaphore(%dma_start3A_1067 : memref<!tpu.dma_semaphore, #tpu.memory_space<semaphore_mem>>)
          "tpu.trace_stop"() : () -> ()
        } else {
        }
        %and3A_820 = arith.constant true
        %and3A_821 = arith.andi %and3A_816, %and3A_820 : i1
        %add3A_822 = arith.constant 1 : i32
        %add3A_823 = arith.addi %scan3A_723, %add3A_822 : i32
        %select_n3A_824 = arith.select %and3A_821, %add3A_823, %scan3A_723 : i32
        %ne3A_825 = arith.cmpi ne, %add3A_732, %add3A_750 : i32
        %or3A_826 = arith.constant false
        %or3A_827 = arith.ori %or3A_826, %ne3A_825 : i1
        %ge3A_828 = arith.constant 39 : i32
        %ge3A_829 = arith.cmpi sge, %scan3A_716, %ge3A_828 : i32
        %not3A_830 = arith.constant true
        %not3A_831 = arith.xori %ge3A_829, %not3A_830 : i1
        %and3A_832 = arith.andi %or3A_827, %not3A_831 : i1
        %ne3A_833 = arith.cmpi ne, %add3A_732, %add3A_741 : i32
        %or3A_834 = arith.constant false
        %or3A_835 = arith.ori %or3A_834, %ne3A_833 : i1
        %or3A_836 = arith.constant false
        %or3A_837 = arith.ori %or3A_835, %or3A_836 : i1
        %or3A_838 = arith.ori %or3A_837, %eq3A_729 : i1
        %convert_element_type3A_839 = arith.extui %or3A_838 : i1 to i32
        %cond3A_840 = arith.constant 0 : i32
        %cond3A_841 = arith.cmpi ne, %convert_element_type3A_839, %cond3A_840 : i32
        scf.if %cond3A_841 {
          "tpu.trace_start"() <{level = 10 : i32, message = "ep_wait_in"}> : () -> ()
          %mul3A_1056 = arith.constant 40 : i32
          %mul3A_1057 = arith.muli %mul3A_1056, %add3A_732 : i32
          %rem3A_1058 = arith.constant 2 : i32
          %rem3A_1059 = arith.remui %scan3A_718, %rem3A_1058 : i32
          %dma_wait3A_1060 = arith.constant 0 : i32
          %dma_wait3A_1061 = arith.constant 0 : i32
          %dma_wait3A_1062 = tpu.memref_slice %run_scoped3A[%rem3A_1059, %dma_wait3A_1060, %dma_wait3A_1061] : memref<2x40x160xi32, #tpu.memory_space<vmem>> -> memref<1x40x160xi32, #tpu.memory_space<vmem>>
          %dma_wait3A_1063 = tpu.memref_squeeze %dma_wait3A_1062 : memref<1x40x160xi32, #tpu.memory_space<vmem>> -> memref<40x160xi32, #tpu.memory_space<vmem>>
          %dma_wait3A_1064 = arith.constant 0 : i32
          %dma_wait3A_1065 = tpu.memref_slice %arg2[%mul3A_1057, %dma_wait3A_1064] : memref<51200x160xi32, #tpu.memory_space<hbm>> -> memref<40x160xi32, #tpu.memory_space<hbm>>
          %dma_wait3A_1066 = tpu.memref_slice %run_scoped3A_521[%rem3A_1059] : memref<2x!tpu.dma_semaphore, #tpu.memory_space<semaphore_mem>> -> memref<1x!tpu.dma_semaphore, #tpu.memory_space<semaphore_mem>>
          %dma_wait3A_1067 = tpu.memref_squeeze %dma_wait3A_1066 : memref<1x!tpu.dma_semaphore, #tpu.memory_space<semaphore_mem>> -> memref<!tpu.dma_semaphore, #tpu.memory_space<semaphore_mem>>
          %dma_wait3A_1068 = arith.constant 0 : i32
          %dma_wait3A_1069 = arith.constant 0 : i32
          %dma_wait3A_1070 = tpu.memref_slice %run_scoped3A[%rem3A_1059, %dma_wait3A_1068, %dma_wait3A_1069] : memref<2x40x160xi32, #tpu.memory_space<vmem>> -> memref<1x40x160xi32, #tpu.memory_space<vmem>>
          %dma_wait3A_1071 = tpu.memref_squeeze %dma_wait3A_1070 : memref<1x40x160xi32, #tpu.memory_space<vmem>> -> memref<40x160xi32, #tpu.memory_space<vmem>>
          %dma_wait3A_1072 = arith.constant 0 : i32
          %dma_wait3A_1073 = tpu.memref_slice %arg2[%mul3A_1057, %dma_wait3A_1072] : memref<51200x160xi32, #tpu.memory_space<hbm>> -> memref<40x160xi32, #tpu.memory_space<hbm>>
          tpu.wait_dma2 semaphore(%dma_wait3A_1067 : memref<!tpu.dma_semaphore, #tpu.memory_space<semaphore_mem>>) src(%dma_wait3A_1073 : memref<40x160xi32, #tpu.memory_space<hbm>>) dst(%dma_wait3A_1071 : memref<40x160xi32, #tpu.memory_space<vmem>>)
          "tpu.trace_stop"() : () -> ()
        } else {
        }
        %ne3A_842 = arith.cmpi ne, %add3A_732, %add3A_741 : i32
        %or3A_843 = arith.constant false
        %or3A_844 = arith.ori %or3A_843, %ne3A_842 : i1
        %or3A_845 = arith.constant false
        %or3A_846 = arith.ori %or3A_844, %or3A_845 : i1
        %or3A_847 = arith.ori %or3A_846, %eq3A_729 : i1
        %convert_element_type3A_848 = arith.extui %or3A_847 : i1 to i32
        %cond3A_849 = arith.constant 0 : i32
        %cond3A_850 = arith.cmpi ne, %convert_element_type3A_848, %cond3A_849 : i32
        scf.if %cond3A_850 {
          "tpu.trace_start"() <{level = 10 : i32, message = "ep_wait_in"}> : () -> ()
          %mul3A_1056 = arith.constant 40 : i32
          %mul3A_1057 = arith.muli %mul3A_1056, %add3A_732 : i32
          %rem3A_1058 = arith.constant 2 : i32
          %rem3A_1059 = arith.remui %scan3A_720, %rem3A_1058 : i32
          %dma_wait3A_1060 = arith.constant 0 : i32
          %dma_wait3A_1061 = arith.constant 0 : i32
          %dma_wait3A_1062 = tpu.memref_slice %run_scoped3A_522[%rem3A_1059, %dma_wait3A_1060, %dma_wait3A_1061] : memref<2x40x160xf32, #tpu.memory_space<vmem>> -> memref<1x40x160xf32, #tpu.memory_space<vmem>>
          %dma_wait3A_1063 = tpu.memref_squeeze %dma_wait3A_1062 : memref<1x40x160xf32, #tpu.memory_space<vmem>> -> memref<40x160xf32, #tpu.memory_space<vmem>>
          %dma_wait3A_1064 = arith.constant 0 : i32
          %dma_wait3A_1065 = tpu.memref_slice %arg3[%mul3A_1057, %dma_wait3A_1064] : memref<51200x160xf32, #tpu.memory_space<hbm>> -> memref<40x160xf32, #tpu.memory_space<hbm>>
          %dma_wait3A_1066 = tpu.memref_slice %run_scoped3A_523[%rem3A_1059] : memref<2x!tpu.dma_semaphore, #tpu.memory_space<semaphore_mem>> -> memref<1x!tpu.dma_semaphore, #tpu.memory_space<semaphore_mem>>
          %dma_wait3A_1067 = tpu.memref_squeeze %dma_wait3A_1066 : memref<1x!tpu.dma_semaphore, #tpu.memory_space<semaphore_mem>> -> memref<!tpu.dma_semaphore, #tpu.memory_space<semaphore_mem>>
          %dma_wait3A_1068 = arith.constant 0 : i32
          %dma_wait3A_1069 = arith.constant 0 : i32
          %dma_wait3A_1070 = tpu.memref_slice %run_scoped3A_522[%rem3A_1059, %dma_wait3A_1068, %dma_wait3A_1069] : memref<2x40x160xf32, #tpu.memory_space<vmem>> -> memref<1x40x160xf32, #tpu.memory_space<vmem>>
          %dma_wait3A_1071 = tpu.memref_squeeze %dma_wait3A_1070 : memref<1x40x160xf32, #tpu.memory_space<vmem>> -> memref<40x160xf32, #tpu.memory_space<vmem>>
          %dma_wait3A_1072 = arith.constant 0 : i32
          %dma_wait3A_1073 = tpu.memref_slice %arg3[%mul3A_1057, %dma_wait3A_1072] : memref<51200x160xf32, #tpu.memory_space<hbm>> -> memref<40x160xf32, #tpu.memory_space<hbm>>
          tpu.wait_dma2 semaphore(%dma_wait3A_1067 : memref<!tpu.dma_semaphore, #tpu.memory_space<semaphore_mem>>) src(%dma_wait3A_1073 : memref<40x160xf32, #tpu.memory_space<hbm>>) dst(%dma_wait3A_1071 : memref<40x160xf32, #tpu.memory_space<vmem>>)
          "tpu.trace_stop"() : () -> ()
        } else {
        }
        %ne3A_851 = arith.cmpi ne, %add3A_732, %add3A_741 : i32
        %or3A_852 = arith.constant false
        %or3A_853 = arith.ori %or3A_852, %ne3A_851 : i1
        %or3A_854 = arith.constant false
        %or3A_855 = arith.ori %or3A_853, %or3A_854 : i1
        %or3A_856 = arith.ori %or3A_855, %eq3A_729 : i1
        %convert_element_type3A_857 = arith.extui %or3A_856 : i1 to i32
        %cond3A_858 = arith.constant 0 : i32
        %cond3A_859 = arith.cmpi ne, %convert_element_type3A_857, %cond3A_858 : i32
        scf.if %cond3A_859 {
          "tpu.trace_start"() <{level = 10 : i32, message = "ep_wait_in"}> : () -> ()
          %mul3A_1056 = arith.constant 40 : i32
          %mul3A_1057 = arith.muli %mul3A_1056, %add3A_732 : i32
          %rem3A_1058 = arith.constant 2 : i32
          %rem3A_1059 = arith.remui %scan3A_722, %rem3A_1058 : i32
          %dma_wait3A_1060 = arith.constant 0 : i32
          %dma_wait3A_1061 = arith.constant 0 : i32
          %dma_wait3A_1062 = tpu.memref_slice %run_scoped3A_524[%rem3A_1059, %dma_wait3A_1060, %dma_wait3A_1061] : memref<2x40x160xf32, #tpu.memory_space<vmem>> -> memref<1x40x160xf32, #tpu.memory_space<vmem>>
          %dma_wait3A_1063 = tpu.memref_squeeze %dma_wait3A_1062 : memref<1x40x160xf32, #tpu.memory_space<vmem>> -> memref<40x160xf32, #tpu.memory_space<vmem>>
          %dma_wait3A_1064 = arith.constant 0 : i32
          %dma_wait3A_1065 = tpu.memref_slice %arg4[%mul3A_1057, %dma_wait3A_1064] : memref<51200x160xf32, #tpu.memory_space<hbm>> -> memref<40x160xf32, #tpu.memory_space<hbm>>
          %dma_wait3A_1066 = tpu.memref_slice %run_scoped3A_525[%rem3A_1059] : memref<2x!tpu.dma_semaphore, #tpu.memory_space<semaphore_mem>> -> memref<1x!tpu.dma_semaphore, #tpu.memory_space<semaphore_mem>>
          %dma_wait3A_1067 = tpu.memref_squeeze %dma_wait3A_1066 : memref<1x!tpu.dma_semaphore, #tpu.memory_space<semaphore_mem>> -> memref<!tpu.dma_semaphore, #tpu.memory_space<semaphore_mem>>
          %dma_wait3A_1068 = arith.constant 0 : i32
          %dma_wait3A_1069 = arith.constant 0 : i32
          %dma_wait3A_1070 = tpu.memref_slice %run_scoped3A_524[%rem3A_1059, %dma_wait3A_1068, %dma_wait3A_1069] : memref<2x40x160xf32, #tpu.memory_space<vmem>> -> memref<1x40x160xf32, #tpu.memory_space<vmem>>
          %dma_wait3A_1071 = tpu.memref_squeeze %dma_wait3A_1070 : memref<1x40x160xf32, #tpu.memory_space<vmem>> -> memref<40x160xf32, #tpu.memory_space<vmem>>
          %dma_wait3A_1072 = arith.constant 0 : i32
          %dma_wait3A_1073 = tpu.memref_slice %arg4[%mul3A_1057, %dma_wait3A_1072] : memref<51200x160xf32, #tpu.memory_space<hbm>> -> memref<40x160xf32, #tpu.memory_space<hbm>>
          tpu.wait_dma2 semaphore(%dma_wait3A_1067 : memref<!tpu.dma_semaphore, #tpu.memory_space<semaphore_mem>>) src(%dma_wait3A_1073 : memref<40x160xf32, #tpu.memory_space<hbm>>) dst(%dma_wait3A_1071 : memref<40x160xf32, #tpu.memory_space<vmem>>)
          "tpu.trace_stop"() : () -> ()
        } else {
        }
        %ne3A_860 = arith.cmpi ne, %add3A_732, %add3A_741 : i32
        %or3A_861 = arith.constant false
        %or3A_862 = arith.ori %or3A_861, %ne3A_860 : i1
        %or3A_863 = arith.constant false
        %or3A_864 = arith.ori %or3A_862, %or3A_863 : i1
        %or3A_865 = arith.ori %or3A_864, %eq3A_729 : i1
        %convert_element_type3A_866 = arith.extui %or3A_865 : i1 to i32
        %cond3A_867 = arith.constant 0 : i32
        %cond3A_868 = arith.cmpi ne, %convert_element_type3A_866, %cond3A_867 : i32
        scf.if %cond3A_868 {
          "tpu.trace_start"() <{level = 10 : i32, message = "ep_wait_in"}> : () -> ()
          %mul3A_1056 = arith.constant 40 : i32
          %mul3A_1057 = arith.muli %mul3A_1056, %add3A_732 : i32
          %rem3A_1058 = arith.constant 2 : i32
          %rem3A_1059 = arith.remui %scan3A_724, %rem3A_1058 : i32
          %dma_wait3A_1060 = arith.constant 0 : i32
          %dma_wait3A_1061 = arith.constant 0 : i32
          %dma_wait3A_1062 = tpu.memref_slice %run_scoped3A_526[%rem3A_1059, %dma_wait3A_1060, %dma_wait3A_1061] : memref<2x40x160xf32, #tpu.memory_space<vmem>> -> memref<1x40x160xf32, #tpu.memory_space<vmem>>
          %dma_wait3A_1063 = tpu.memref_squeeze %dma_wait3A_1062 : memref<1x40x160xf32, #tpu.memory_space<vmem>> -> memref<40x160xf32, #tpu.memory_space<vmem>>
          %dma_wait3A_1064 = arith.constant 0 : i32
          %dma_wait3A_1065 = tpu.memref_slice %arg5[%mul3A_1057, %dma_wait3A_1064] : memref<51200x160xf32, #tpu.memory_space<hbm>> -> memref<40x160xf32, #tpu.memory_space<hbm>>
          %dma_wait3A_1066 = tpu.memref_slice %run_scoped3A_527[%rem3A_1059] : memref<2x!tpu.dma_semaphore, #tpu.memory_space<semaphore_mem>> -> memref<1x!tpu.dma_semaphore, #tpu.memory_space<semaphore_mem>>
          %dma_wait3A_1067 = tpu.memref_squeeze %dma_wait3A_1066 : memref<1x!tpu.dma_semaphore, #tpu.memory_space<semaphore_mem>> -> memref<!tpu.dma_semaphore, #tpu.memory_space<semaphore_mem>>
          %dma_wait3A_1068 = arith.constant 0 : i32
          %dma_wait3A_1069 = arith.constant 0 : i32
          %dma_wait3A_1070 = tpu.memref_slice %run_scoped3A_526[%rem3A_1059, %dma_wait3A_1068, %dma_wait3A_1069] : memref<2x40x160xf32, #tpu.memory_space<vmem>> -> memref<1x40x160xf32, #tpu.memory_space<vmem>>
          %dma_wait3A_1071 = tpu.memref_squeeze %dma_wait3A_1070 : memref<1x40x160xf32, #tpu.memory_space<vmem>> -> memref<40x160xf32, #tpu.memory_space<vmem>>
          %dma_wait3A_1072 = arith.constant 0 : i32
          %dma_wait3A_1073 = tpu.memref_slice %arg5[%mul3A_1057, %dma_wait3A_1072] : memref<51200x160xf32, #tpu.memory_space<hbm>> -> memref<40x160xf32, #tpu.memory_space<hbm>>
          tpu.wait_dma2 semaphore(%dma_wait3A_1067 : memref<!tpu.dma_semaphore, #tpu.memory_space<semaphore_mem>>) src(%dma_wait3A_1073 : memref<40x160xf32, #tpu.memory_space<hbm>>) dst(%dma_wait3A_1071 : memref<40x160xf32, #tpu.memory_space<vmem>>)
          "tpu.trace_stop"() : () -> ()
        } else {
        }
        %ne3A_869 = arith.cmpi ne, %add3A_732, %add3A_741 : i32
        %or3A_870 = arith.constant false
        %or3A_871 = arith.ori %or3A_870, %ne3A_869 : i1
        %or3A_872 = arith.ori %or3A_871, %eq3A_729 : i1
        %convert_element_type3A_873 = arith.extui %or3A_872 : i1 to i32
        %cond3A_874 = arith.constant 0 : i32
        %cond3A_875 = arith.cmpi ne, %convert_element_type3A_873, %cond3A_874 : i32
        scf.if %cond3A_875 {
        } else {
        }
        %rem3A_876 = arith.constant 2 : i32
        %rem3A_877 = arith.remui %scan3A_718, %rem3A_876 : i32
        %rem3A_878 = arith.constant 2 : i32
        %rem3A_879 = arith.remui %scan3A_720, %rem3A_878 : i32
        %rem3A_880 = arith.constant 2 : i32
        %rem3A_881 = arith.remui %scan3A_722, %rem3A_880 : i32
        %rem3A_882 = arith.constant 2 : i32
        %rem3A_883 = arith.remui %scan3A_724, %rem3A_882 : i32
        %rem3A_884 = arith.constant 2 : i32
        %rem3A_885 = arith.remui %scan3A_725, %rem3A_884 : i32
        %mul3A_886 = arith.constant 6400 : i32
        %mul3A_887 = arith.muli %rem3A_885, %mul3A_886 : i32
        %parallel_loop3A = arith.constant 0 : i32
        %parallel_loop3A_888 = arith.constant 40 : i32
        %parallel_loop3A_889 = arith.constant 1 : i32
        "tpu.trace_start"() <{level = 10 : i32, message = "ep_run_kernel"}> : () -> ()
        scf.for %parallel_loop3A_1056 = %parallel_loop3A to %parallel_loop3A_888 step %parallel_loop3A_889  : i32 {
          %parallel_loop3A_1057 = arith.constant 0 : i32
          %parallel_loop3A_1058 = arith.constant 0 : i32
          %parallel_loop3A_1059 = tpu.memref_slice %run_scoped3A[%rem3A_877, %parallel_loop3A_1057, %parallel_loop3A_1058] : memref<2x40x160xi32, #tpu.memory_space<vmem>> -> memref<1x40x160xi32, #tpu.memory_space<vmem>>
          %parallel_loop3A_1060 = tpu.memref_squeeze %parallel_loop3A_1059 : memref<1x40x160xi32, #tpu.memory_space<vmem>> -> memref<40x160xi32, #tpu.memory_space<vmem>>
          %parallel_loop3A_1061 = arith.index_cast %parallel_loop3A_1056 : i32 to index
          %parallel_loop3A_1062 = arith.constant 0 : index
          %parallel_loop3A_1063 = tpu.vector_load %parallel_loop3A_1060[%parallel_loop3A_1061, %parallel_loop3A_1062] {strides = array<i32>} : memref<40x160xi32, #tpu.memory_space<vmem>>, vector<16xi32>,
          %parallel_loop3A_1064 = tpu.vector_load_idx %arg9[%parallel_loop3A_1063] : memref<48xi32, #tpu.memory_space<vmem>>[vector<16xi32>], vector<16xi32>,
          %parallel_loop3A_1065 = arith.constant -65536 : i32
          %parallel_loop3A_1066 = vector.broadcast %parallel_loop3A_1065 : i32 to vector<16xi32>
          %parallel_loop3A_1067 = arith.andi %parallel_loop3A_1064, %parallel_loop3A_1066 : vector<16xi32>
          %parallel_loop3A_1068 = vector.bitcast %parallel_loop3A_1067 : vector<16xi32> to vector<16xf32>
          %parallel_loop3A_1069 = arith.constant 16 : i32
          %parallel_loop3A_1070 = vector.broadcast %parallel_loop3A_1069 : i32 to vector<16xi32>
          %parallel_loop3A_1071 = arith.shli %parallel_loop3A_1064, %parallel_loop3A_1070 : vector<16xi32>
          %parallel_loop3A_1072 = vector.bitcast %parallel_loop3A_1071 : vector<16xi32> to vector<16xf32>
          %parallel_loop3A_1073 = arith.constant 0 : i32
          %parallel_loop3A_1074 = arith.constant 0 : i32
          %parallel_loop3A_1075 = tpu.memref_slice %run_scoped3A_522[%rem3A_879, %parallel_loop3A_1073, %parallel_loop3A_1074] : memref<2x40x160xf32, #tpu.memory_space<vmem>> -> memref<1x40x160xf32, #tpu.memory_space<vmem>>
          %parallel_loop3A_1076 = tpu.memref_squeeze %parallel_loop3A_1075 : memref<1x40x160xf32, #tpu.memory_space<vmem>> -> memref<40x160xf32, #tpu.memory_space<vmem>>
          %parallel_loop3A_1077 = arith.index_cast %parallel_loop3A_1056 : i32 to index
          %parallel_loop3A_1078 = arith.constant 0 : index
          %parallel_loop3A_1079 = tpu.vector_load %parallel_loop3A_1076[%parallel_loop3A_1077, %parallel_loop3A_1078] {strides = array<i32>} : memref<40x160xf32, #tpu.memory_space<vmem>>, vector<16xf32>,
          %parallel_loop3A_1080 = arith.mulf %parallel_loop3A_1072, %parallel_loop3A_1079 : vector<16xf32>
          %parallel_loop3A_1081 = arith.addf %parallel_loop3A_1068, %parallel_loop3A_1080 : vector<16xf32>
          %parallel_loop3A_1082 = arith.constant 0 : i32
          %parallel_loop3A_1083 = arith.constant 0 : i32
          %parallel_loop3A_1084 = tpu.memref_slice %run_scoped3A_524[%rem3A_881, %parallel_loop3A_1082, %parallel_loop3A_1083] : memref<2x40x160xf32, #tpu.memory_space<vmem>> -> memref<1x40x160xf32, #tpu.memory_space<vmem>>
          %parallel_loop3A_1085 = tpu.memref_squeeze %parallel_loop3A_1084 : memref<1x40x160xf32, #tpu.memory_space<vmem>> -> memref<40x160xf32, #tpu.memory_space<vmem>>
          %parallel_loop3A_1086 = arith.index_cast %parallel_loop3A_1056 : i32 to index
          %parallel_loop3A_1087 = arith.constant 0 : index
          %parallel_loop3A_1088 = tpu.vector_load %parallel_loop3A_1085[%parallel_loop3A_1086, %parallel_loop3A_1087] {strides = array<i32>} : memref<40x160xf32, #tpu.memory_space<vmem>>, vector<16xf32>,
          %parallel_loop3A_1089 = arith.constant 5.000000e-01 : f32
          %parallel_loop3A_1090 = vector.broadcast %parallel_loop3A_1089 : f32 to vector<16xf32>
          %parallel_loop3A_1091 = arith.addf %parallel_loop3A_1090, %parallel_loop3A_1088 : vector<16xf32>
          %parallel_loop3A_1092 = arith.mulf %parallel_loop3A_1081, %parallel_loop3A_1091 : vector<16xf32>
          %parallel_loop3A_1093 = arith.constant 0 : i32
          %parallel_loop3A_1094 = arith.constant 0 : i32
          %parallel_loop3A_1095 = tpu.memref_slice %run_scoped3A_526[%rem3A_883, %parallel_loop3A_1093, %parallel_loop3A_1094] : memref<2x40x160xf32, #tpu.memory_space<vmem>> -> memref<1x40x160xf32, #tpu.memory_space<vmem>>
          %parallel_loop3A_1096 = tpu.memref_squeeze %parallel_loop3A_1095 : memref<1x40x160xf32, #tpu.memory_space<vmem>> -> memref<40x160xf32, #tpu.memory_space<vmem>>
          %parallel_loop3A_1097 = arith.index_cast %parallel_loop3A_1056 : i32 to index
          %parallel_loop3A_1098 = arith.constant 0 : index
          %parallel_loop3A_1099 = tpu.vector_load %parallel_loop3A_1096[%parallel_loop3A_1097, %parallel_loop3A_1098] {strides = array<i32>} : memref<40x160xf32, #tpu.memory_space<vmem>>, vector<16xf32>,
          %parallel_loop3A_1100 = arith.constant 6.500000e-01 : f32
          %parallel_loop3A_1101 = vector.broadcast %parallel_loop3A_1100 : f32 to vector<16xf32>
          %parallel_loop3A_1102 = arith.mulf %parallel_loop3A_1101, %parallel_loop3A_1099 : vector<16xf32>
          %parallel_loop3A_1103 = arith.constant 1.000000e-01 : f32
          %parallel_loop3A_1104 = vector.broadcast %parallel_loop3A_1103 : f32 to vector<16xf32>
          %parallel_loop3A_1105 = arith.addf %parallel_loop3A_1104, %parallel_loop3A_1102 : vector<16xf32>
          %parallel_loop3A_1106 = arith.mulf %parallel_loop3A_1092, %parallel_loop3A_1105 : vector<16xf32>
          %parallel_loop3A_1107 = vector.bitcast %parallel_loop3A_1106 : vector<16xf32> to vector<16xi32>
          %parallel_loop3A_1108 = arith.constant 32768 : i32
          %parallel_loop3A_1109 = vector.broadcast %parallel_loop3A_1108 : i32 to vector<16xi32>
          %parallel_loop3A_1110 = arith.addi %parallel_loop3A_1107, %parallel_loop3A_1109 : vector<16xi32>
          %parallel_loop3A_1111 = arith.constant -65536 : i32
          %parallel_loop3A_1112 = vector.broadcast %parallel_loop3A_1111 : i32 to vector<16xi32>
          %parallel_loop3A_1113 = arith.andi %parallel_loop3A_1110, %parallel_loop3A_1112 : vector<16xi32>
          %parallel_loop3A_1114 = arith.ori %parallel_loop3A_1113, %parallel_loop3A_1063 : vector<16xi32>
          %parallel_loop3A_1115 = arith.constant 160 : i32
          %parallel_loop3A_1116 = arith.muli %parallel_loop3A_1056, %parallel_loop3A_1115 : i32
          %parallel_loop3A_1117 = arith.constant 0 : i32
          %parallel_loop3A_1118 = arith.addi %parallel_loop3A_1116, %parallel_loop3A_1117 : i32
          %parallel_loop3A_1119 = tpu.memref_slice %run_scoped3A_528[%mul3A_887] : memref<12800xi32, #tpu.memory_space<vmem>> -> memref<6400xi32, #tpu.memory_space<vmem>>
          %parallel_loop3A_1120 = arith.index_cast %parallel_loop3A_1118 : i32 to index
          %parallel_loop3A_1121 = tpu.vector_load %parallel_loop3A_1119[%parallel_loop3A_1120] {strides = array<i32>} : memref<6400xi32, #tpu.memory_space<vmem>>, vector<16xi32>,
          tpu.vector_store %parallel_loop3A_1119[%parallel_loop3A_1120], %parallel_loop3A_1114 {strides = array<i32>} : memref<6400xi32, #tpu.memory_space<vmem>>, vector<16xi32>,
          %parallel_loop3A_1122 = arith.constant 16 : i32
          %parallel_loop3A_1123 = vector.broadcast %parallel_loop3A_1122 : i32 to vector<16xi32>
          %parallel_loop3A_1124 = arith.muli %parallel_loop3A_1063, %parallel_loop3A_1123 : vector<16xi32>
          %parallel_loop3A_1125 = arith.addi %parallel_loop3A_1124, %iota3A : vector<16xi32>
          tpu.vector_store_idx %arg10[%parallel_loop3A_1125], %parallel_loop3A_1106 {add = true} : memref<768xf32, #tpu.memory_space<vmem>>[vector<16xi32>], vector<16xf32>,
          tpu.vector_store_idx %arg11[%parallel_loop3A_1125], %broadcast_in_dim3A_7 {add = true} : memref<768xf32, #tpu.memory_space<vmem>>[vector<16xi32>], vector<16xf32>,
          %parallel_loop3A_1126 = arith.constant 0 : i32
          %parallel_loop3A_1127 = arith.constant 0 : i32
          %parallel_loop3A_1128 = tpu.memref_slice %run_scoped3A[%rem3A_877, %parallel_loop3A_1126, %parallel_loop3A_1127] : memref<2x40x160xi32, #tpu.memory_space<vmem>> -> memref<1x40x160xi32, #tpu.memory_space<vmem>>
          %parallel_loop3A_1129 = tpu.memref_squeeze %parallel_loop3A_1128 : memref<1x40x160xi32, #tpu.memory_space<vmem>> -> memref<40x160xi32, #tpu.memory_space<vmem>>
          %parallel_loop3A_1130 = arith.index_cast %parallel_loop3A_1056 : i32 to index
          %parallel_loop3A_1131 = arith.constant 16 : index
          %parallel_loop3A_1132 = tpu.vector_load %parallel_loop3A_1129[%parallel_loop3A_1130, %parallel_loop3A_1131] {strides = array<i32>} : memref<40x160xi32, #tpu.memory_space<vmem>>, vector<16xi32>,
          %parallel_loop3A_1133 = tpu.vector_load_idx %arg9[%parallel_loop3A_1132] : memref<48xi32, #tpu.memory_space<vmem>>[vector<16xi32>], vector<16xi32>,
          %parallel_loop3A_1134 = arith.constant -65536 : i32
          %parallel_loop3A_1135 = vector.broadcast %parallel_loop3A_1134 : i32 to vector<16xi32>
          %parallel_loop3A_1136 = arith.andi %parallel_loop3A_1133, %parallel_loop3A_1135 : vector<16xi32>
          %parallel_loop3A_1137 = vector.bitcast %parallel_loop3A_1136 : vector<16xi32> to vector<16xf32>
          %parallel_loop3A_1138 = arith.constant 16 : i32
          %parallel_loop3A_1139 = vector.broadcast %parallel_loop3A_1138 : i32 to vector<16xi32>
          %parallel_loop3A_1140 = arith.shli %parallel_loop3A_1133, %parallel_loop3A_1139 : vector<16xi32>
          %parallel_loop3A_1141 = vector.bitcast %parallel_loop3A_1140 : vector<16xi32> to vector<16xf32>
          %parallel_loop3A_1142 = arith.constant 0 : i32
          %parallel_loop3A_1143 = arith.constant 0 : i32
          %parallel_loop3A_1144 = tpu.memref_slice %run_scoped3A_522[%rem3A_879, %parallel_loop3A_1142, %parallel_loop3A_1143] : memref<2x40x160xf32, #tpu.memory_space<vmem>> -> memref<1x40x160xf32, #tpu.memory_space<vmem>>
          %parallel_loop3A_1145 = tpu.memref_squeeze %parallel_loop3A_1144 : memref<1x40x160xf32, #tpu.memory_space<vmem>> -> memref<40x160xf32, #tpu.memory_space<vmem>>
          %parallel_loop3A_1146 = arith.index_cast %parallel_loop3A_1056 : i32 to index
          %parallel_loop3A_1147 = arith.constant 16 : index
          %parallel_loop3A_1148 = tpu.vector_load %parallel_loop3A_1145[%parallel_loop3A_1146, %parallel_loop3A_1147] {strides = array<i32>} : memref<40x160xf32, #tpu.memory_space<vmem>>, vector<16xf32>,
          %parallel_loop3A_1149 = arith.mulf %parallel_loop3A_1141, %parallel_loop3A_1148 : vector<16xf32>
          %parallel_loop3A_1150 = arith.addf %parallel_loop3A_1137, %parallel_loop3A_1149 : vector<16xf32>
          %parallel_loop3A_1151 = arith.constant 0 : i32
          %parallel_loop3A_1152 = arith.constant 0 : i32
          %parallel_loop3A_1153 = tpu.memref_slice %run_scoped3A_524[%rem3A_881, %parallel_loop3A_1151, %parallel_loop3A_1152] : memref<2x40x160xf32, #tpu.memory_space<vmem>> -> memref<1x40x160xf32, #tpu.memory_space<vmem>>
          %parallel_loop3A_1154 = tpu.memref_squeeze %parallel_loop3A_1153 : memref<1x40x160xf32, #tpu.memory_space<vmem>> -> memref<40x160xf32, #tpu.memory_space<vmem>>
          %parallel_loop3A_1155 = arith.index_cast %parallel_loop3A_1056 : i32 to index
          %parallel_loop3A_1156 = arith.constant 16 : index
          %parallel_loop3A_1157 = tpu.vector_load %parallel_loop3A_1154[%parallel_loop3A_1155, %parallel_loop3A_1156] {strides = array<i32>} : memref<40x160xf32, #tpu.memory_space<vmem>>, vector<16xf32>,
          %parallel_loop3A_1158 = arith.constant 5.000000e-01 : f32
          %parallel_loop3A_1159 = vector.broadcast %parallel_loop3A_1158 : f32 to vector<16xf32>
          %parallel_loop3A_1160 = arith.addf %parallel_loop3A_1159, %parallel_loop3A_1157 : vector<16xf32>
          %parallel_loop3A_1161 = arith.mulf %parallel_loop3A_1150, %parallel_loop3A_1160 : vector<16xf32>
          %parallel_loop3A_1162 = arith.constant 0 : i32
          %parallel_loop3A_1163 = arith.constant 0 : i32
          %parallel_loop3A_1164 = tpu.memref_slice %run_scoped3A_526[%rem3A_883, %parallel_loop3A_1162, %parallel_loop3A_1163] : memref<2x40x160xf32, #tpu.memory_space<vmem>> -> memref<1x40x160xf32, #tpu.memory_space<vmem>>
          %parallel_loop3A_1165 = tpu.memref_squeeze %parallel_loop3A_1164 : memref<1x40x160xf32, #tpu.memory_space<vmem>> -> memref<40x160xf32, #tpu.memory_space<vmem>>
          %parallel_loop3A_1166 = arith.index_cast %parallel_loop3A_1056 : i32 to index
          %parallel_loop3A_1167 = arith.constant 16 : index
          %parallel_loop3A_1168 = tpu.vector_load %parallel_loop3A_1165[%parallel_loop3A_1166, %parallel_loop3A_1167] {strides = array<i32>} : memref<40x160xf32, #tpu.memory_space<vmem>>, vector<16xf32>,
          %parallel_loop3A_1169 = arith.constant 6.500000e-01 : f32
          %parallel_loop3A_1170 = vector.broadcast %parallel_loop3A_1169 : f32 to vector<16xf32>
          %parallel_loop3A_1171 = arith.mulf %parallel_loop3A_1170, %parallel_loop3A_1168 : vector<16xf32>
          %parallel_loop3A_1172 = arith.constant 1.000000e-01 : f32
          %parallel_loop3A_1173 = vector.broadcast %parallel_loop3A_1172 : f32 to vector<16xf32>
          %parallel_loop3A_1174 = arith.addf %parallel_loop3A_1173, %parallel_loop3A_1171 : vector<16xf32>
          %parallel_loop3A_1175 = arith.mulf %parallel_loop3A_1161, %parallel_loop3A_1174 : vector<16xf32>
          %parallel_loop3A_1176 = vector.bitcast %parallel_loop3A_1175 : vector<16xf32> to vector<16xi32>
          %parallel_loop3A_1177 = arith.constant 32768 : i32
          %parallel_loop3A_1178 = vector.broadcast %parallel_loop3A_1177 : i32 to vector<16xi32>
          %parallel_loop3A_1179 = arith.addi %parallel_loop3A_1176, %parallel_loop3A_1178 : vector<16xi32>
          %parallel_loop3A_1180 = arith.constant -65536 : i32
          %parallel_loop3A_1181 = vector.broadcast %parallel_loop3A_1180 : i32 to vector<16xi32>
          %parallel_loop3A_1182 = arith.andi %parallel_loop3A_1179, %parallel_loop3A_1181 : vector<16xi32>
          %parallel_loop3A_1183 = arith.ori %parallel_loop3A_1182, %parallel_loop3A_1132 : vector<16xi32>
          %parallel_loop3A_1184 = arith.constant 160 : i32
          %parallel_loop3A_1185 = arith.muli %parallel_loop3A_1056, %parallel_loop3A_1184 : i32
          %parallel_loop3A_1186 = arith.constant 16 : i32
          %parallel_loop3A_1187 = arith.addi %parallel_loop3A_1185, %parallel_loop3A_1186 : i32
          %parallel_loop3A_1188 = tpu.memref_slice %run_scoped3A_528[%mul3A_887] : memref<12800xi32, #tpu.memory_space<vmem>> -> memref<6400xi32, #tpu.memory_space<vmem>>
          %parallel_loop3A_1189 = arith.index_cast %parallel_loop3A_1187 : i32 to index
          %parallel_loop3A_1190 = tpu.vector_load %parallel_loop3A_1188[%parallel_loop3A_1189] {strides = array<i32>} : memref<6400xi32, #tpu.memory_space<vmem>>, vector<16xi32>,
          tpu.vector_store %parallel_loop3A_1188[%parallel_loop3A_1189], %parallel_loop3A_1183 {strides = array<i32>} : memref<6400xi32, #tpu.memory_space<vmem>>, vector<16xi32>,
          %parallel_loop3A_1191 = arith.constant 16 : i32
          %parallel_loop3A_1192 = vector.broadcast %parallel_loop3A_1191 : i32 to vector<16xi32>
          %parallel_loop3A_1193 = arith.muli %parallel_loop3A_1132, %parallel_loop3A_1192 : vector<16xi32>
          %parallel_loop3A_1194 = arith.addi %parallel_loop3A_1193, %iota3A : vector<16xi32>
          tpu.vector_store_idx %arg10[%parallel_loop3A_1194], %parallel_loop3A_1175 {add = true} : memref<768xf32, #tpu.memory_space<vmem>>[vector<16xi32>], vector<16xf32>,
          tpu.vector_store_idx %arg11[%parallel_loop3A_1194], %broadcast_in_dim3A_7 {add = true} : memref<768xf32, #tpu.memory_space<vmem>>[vector<16xi32>], vector<16xf32>,
          %parallel_loop3A_1195 = arith.constant 0 : i32
          %parallel_loop3A_1196 = arith.constant 0 : i32
          %parallel_loop3A_1197 = tpu.memref_slice %run_scoped3A[%rem3A_877, %parallel_loop3A_1195, %parallel_loop3A_1196] : memref<2x40x160xi32, #tpu.memory_space<vmem>> -> memref<1x40x160xi32, #tpu.memory_space<vmem>>
          %parallel_loop3A_1198 = tpu.memref_squeeze %parallel_loop3A_1197 : memref<1x40x160xi32, #tpu.memory_space<vmem>> -> memref<40x160xi32, #tpu.memory_space<vmem>>
          %parallel_loop3A_1199 = arith.index_cast %parallel_loop3A_1056 : i32 to index
          %parallel_loop3A_1200 = arith.constant 32 : index
          %parallel_loop3A_1201 = tpu.vector_load %parallel_loop3A_1198[%parallel_loop3A_1199, %parallel_loop3A_1200] {strides = array<i32>} : memref<40x160xi32, #tpu.memory_space<vmem>>, vector<16xi32>,
          %parallel_loop3A_1202 = tpu.vector_load_idx %arg9[%parallel_loop3A_1201] : memref<48xi32, #tpu.memory_space<vmem>>[vector<16xi32>], vector<16xi32>,
          %parallel_loop3A_1203 = arith.constant -65536 : i32
          %parallel_loop3A_1204 = vector.broadcast %parallel_loop3A_1203 : i32 to vector<16xi32>
          %parallel_loop3A_1205 = arith.andi %parallel_loop3A_1202, %parallel_loop3A_1204 : vector<16xi32>
          %parallel_loop3A_1206 = vector.bitcast %parallel_loop3A_1205 : vector<16xi32> to vector<16xf32>
          %parallel_loop3A_1207 = arith.constant 16 : i32
          %parallel_loop3A_1208 = vector.broadcast %parallel_loop3A_1207 : i32 to vector<16xi32>
          %parallel_loop3A_1209 = arith.shli %parallel_loop3A_1202, %parallel_loop3A_1208 : vector<16xi32>
          %parallel_loop3A_1210 = vector.bitcast %parallel_loop3A_1209 : vector<16xi32> to vector<16xf32>
          %parallel_loop3A_1211 = arith.constant 0 : i32
          %parallel_loop3A_1212 = arith.constant 0 : i32
          %parallel_loop3A_1213 = tpu.memref_slice %run_scoped3A_522[%rem3A_879, %parallel_loop3A_1211, %parallel_loop3A_1212] : memref<2x40x160xf32, #tpu.memory_space<vmem>> -> memref<1x40x160xf32, #tpu.memory_space<vmem>>
          %parallel_loop3A_1214 = tpu.memref_squeeze %parallel_loop3A_1213 : memref<1x40x160xf32, #tpu.memory_space<vmem>> -> memref<40x160xf32, #tpu.memory_space<vmem>>
          %parallel_loop3A_1215 = arith.index_cast %parallel_loop3A_1056 : i32 to index
          %parallel_loop3A_1216 = arith.constant 32 : index
          %parallel_loop3A_1217 = tpu.vector_load %parallel_loop3A_1214[%parallel_loop3A_1215, %parallel_loop3A_1216] {strides = array<i32>} : memref<40x160xf32, #tpu.memory_space<vmem>>, vector<16xf32>,
          %parallel_loop3A_1218 = arith.mulf %parallel_loop3A_1210, %parallel_loop3A_1217 : vector<16xf32>
          %parallel_loop3A_1219 = arith.addf %parallel_loop3A_1206, %parallel_loop3A_1218 : vector<16xf32>
          %parallel_loop3A_1220 = arith.constant 0 : i32
          %parallel_loop3A_1221 = arith.constant 0 : i32
          %parallel_loop3A_1222 = tpu.memref_slice %run_scoped3A_524[%rem3A_881, %parallel_loop3A_1220, %parallel_loop3A_1221] : memref<2x40x160xf32, #tpu.memory_space<vmem>> -> memref<1x40x160xf32, #tpu.memory_space<vmem>>
          %parallel_loop3A_1223 = tpu.memref_squeeze %parallel_loop3A_1222 : memref<1x40x160xf32, #tpu.memory_space<vmem>> -> memref<40x160xf32, #tpu.memory_space<vmem>>
          %parallel_loop3A_1224 = arith.index_cast %parallel_loop3A_1056 : i32 to index
          %parallel_loop3A_1225 = arith.constant 32 : index
          %parallel_loop3A_1226 = tpu.vector_load %parallel_loop3A_1223[%parallel_loop3A_1224, %parallel_loop3A_1225] {strides = array<i32>} : memref<40x160xf32, #tpu.memory_space<vmem>>, vector<16xf32>,
          %parallel_loop3A_1227 = arith.constant 5.000000e-01 : f32
          %parallel_loop3A_1228 = vector.broadcast %parallel_loop3A_1227 : f32 to vector<16xf32>
          %parallel_loop3A_1229 = arith.addf %parallel_loop3A_1228, %parallel_loop3A_1226 : vector<16xf32>
          %parallel_loop3A_1230 = arith.mulf %parallel_loop3A_1219, %parallel_loop3A_1229 : vector<16xf32>
          %parallel_loop3A_1231 = arith.constant 0 : i32
          %parallel_loop3A_1232 = arith.constant 0 : i32
          %parallel_loop3A_1233 = tpu.memref_slice %run_scoped3A_526[%rem3A_883, %parallel_loop3A_1231, %parallel_loop3A_1232] : memref<2x40x160xf32, #tpu.memory_space<vmem>> -> memref<1x40x160xf32, #tpu.memory_space<vmem>>
          %parallel_loop3A_1234 = tpu.memref_squeeze %parallel_loop3A_1233 : memref<1x40x160xf32, #tpu.memory_space<vmem>> -> memref<40x160xf32, #tpu.memory_space<vmem>>
          %parallel_loop3A_1235 = arith.index_cast %parallel_loop3A_1056 : i32 to index
          %parallel_loop3A_1236 = arith.constant 32 : index
          %parallel_loop3A_1237 = tpu.vector_load %parallel_loop3A_1234[%parallel_loop3A_1235, %parallel_loop3A_1236] {strides = array<i32>} : memref<40x160xf32, #tpu.memory_space<vmem>>, vector<16xf32>,
          %parallel_loop3A_1238 = arith.constant 6.500000e-01 : f32
          %parallel_loop3A_1239 = vector.broadcast %parallel_loop3A_1238 : f32 to vector<16xf32>
          %parallel_loop3A_1240 = arith.mulf %parallel_loop3A_1239, %parallel_loop3A_1237 : vector<16xf32>
          %parallel_loop3A_1241 = arith.constant 1.000000e-01 : f32
          %parallel_loop3A_1242 = vector.broadcast %parallel_loop3A_1241 : f32 to vector<16xf32>
          %parallel_loop3A_1243 = arith.addf %parallel_loop3A_1242, %parallel_loop3A_1240 : vector<16xf32>
          %parallel_loop3A_1244 = arith.mulf %parallel_loop3A_1230, %parallel_loop3A_1243 : vector<16xf32>
          %parallel_loop3A_1245 = vector.bitcast %parallel_loop3A_1244 : vector<16xf32> to vector<16xi32>
          %parallel_loop3A_1246 = arith.constant 32768 : i32
          %parallel_loop3A_1247 = vector.broadcast %parallel_loop3A_1246 : i32 to vector<16xi32>
          %parallel_loop3A_1248 = arith.addi %parallel_loop3A_1245, %parallel_loop3A_1247 : vector<16xi32>
          %parallel_loop3A_1249 = arith.constant -65536 : i32
          %parallel_loop3A_1250 = vector.broadcast %parallel_loop3A_1249 : i32 to vector<16xi32>
          %parallel_loop3A_1251 = arith.andi %parallel_loop3A_1248, %parallel_loop3A_1250 : vector<16xi32>
          %parallel_loop3A_1252 = arith.ori %parallel_loop3A_1251, %parallel_loop3A_1201 : vector<16xi32>
          %parallel_loop3A_1253 = arith.constant 160 : i32
          %parallel_loop3A_1254 = arith.muli %parallel_loop3A_1056, %parallel_loop3A_1253 : i32
          %parallel_loop3A_1255 = arith.constant 32 : i32
          %parallel_loop3A_1256 = arith.addi %parallel_loop3A_1254, %parallel_loop3A_1255 : i32
          %parallel_loop3A_1257 = tpu.memref_slice %run_scoped3A_528[%mul3A_887] : memref<12800xi32, #tpu.memory_space<vmem>> -> memref<6400xi32, #tpu.memory_space<vmem>>
          %parallel_loop3A_1258 = arith.index_cast %parallel_loop3A_1256 : i32 to index
          %parallel_loop3A_1259 = tpu.vector_load %parallel_loop3A_1257[%parallel_loop3A_1258] {strides = array<i32>} : memref<6400xi32, #tpu.memory_space<vmem>>, vector<16xi32>,
          tpu.vector_store %parallel_loop3A_1257[%parallel_loop3A_1258], %parallel_loop3A_1252 {strides = array<i32>} : memref<6400xi32, #tpu.memory_space<vmem>>, vector<16xi32>,
          %parallel_loop3A_1260 = arith.constant 16 : i32
          %parallel_loop3A_1261 = vector.broadcast %parallel_loop3A_1260 : i32 to vector<16xi32>
          %parallel_loop3A_1262 = arith.muli %parallel_loop3A_1201, %parallel_loop3A_1261 : vector<16xi32>
          %parallel_loop3A_1263 = arith.addi %parallel_loop3A_1262, %iota3A : vector<16xi32>
          tpu.vector_store_idx %arg10[%parallel_loop3A_1263], %parallel_loop3A_1244 {add = true} : memref<768xf32, #tpu.memory_space<vmem>>[vector<16xi32>], vector<16xf32>,
          tpu.vector_store_idx %arg11[%parallel_loop3A_1263], %broadcast_in_dim3A_7 {add = true} : memref<768xf32, #tpu.memory_space<vmem>>[vector<16xi32>], vector<16xf32>,
          %parallel_loop3A_1264 = arith.constant 0 : i32
          %parallel_loop3A_1265 = arith.constant 0 : i32
          %parallel_loop3A_1266 = tpu.memref_slice %run_scoped3A[%rem3A_877, %parallel_loop3A_1264, %parallel_loop3A_1265] : memref<2x40x160xi32, #tpu.memory_space<vmem>> -> memref<1x40x160xi32, #tpu.memory_space<vmem>>
          %parallel_loop3A_1267 = tpu.memref_squeeze %parallel_loop3A_1266 : memref<1x40x160xi32, #tpu.memory_space<vmem>> -> memref<40x160xi32, #tpu.memory_space<vmem>>
          %parallel_loop3A_1268 = arith.index_cast %parallel_loop3A_1056 : i32 to index
          %parallel_loop3A_1269 = arith.constant 48 : index
          %parallel_loop3A_1270 = tpu.vector_load %parallel_loop3A_1267[%parallel_loop3A_1268, %parallel_loop3A_1269] {strides = array<i32>} : memref<40x160xi32, #tpu.memory_space<vmem>>, vector<16xi32>,
          %parallel_loop3A_1271 = tpu.vector_load_idx %arg9[%parallel_loop3A_1270] : memref<48xi32, #tpu.memory_space<vmem>>[vector<16xi32>], vector<16xi32>,
          %parallel_loop3A_1272 = arith.constant -65536 : i32
          %parallel_loop3A_1273 = vector.broadcast %parallel_loop3A_1272 : i32 to vector<16xi32>
          %parallel_loop3A_1274 = arith.andi %parallel_loop3A_1271, %parallel_loop3A_1273 : vector<16xi32>
          %parallel_loop3A_1275 = vector.bitcast %parallel_loop3A_1274 : vector<16xi32> to vector<16xf32>
          %parallel_loop3A_1276 = arith.constant 16 : i32
          %parallel_loop3A_1277 = vector.broadcast %parallel_loop3A_1276 : i32 to vector<16xi32>
          %parallel_loop3A_1278 = arith.shli %parallel_loop3A_1271, %parallel_loop3A_1277 : vector<16xi32>
          %parallel_loop3A_1279 = vector.bitcast %parallel_loop3A_1278 : vector<16xi32> to vector<16xf32>
          %parallel_loop3A_1280 = arith.constant 0 : i32
          %parallel_loop3A_1281 = arith.constant 0 : i32
          %parallel_loop3A_1282 = tpu.memref_slice %run_scoped3A_522[%rem3A_879, %parallel_loop3A_1280, %parallel_loop3A_1281] : memref<2x40x160xf32, #tpu.memory_space<vmem>> -> memref<1x40x160xf32, #tpu.memory_space<vmem>>
          %parallel_loop3A_1283 = tpu.memref_squeeze %parallel_loop3A_1282 : memref<1x40x160xf32, #tpu.memory_space<vmem>> -> memref<40x160xf32, #tpu.memory_space<vmem>>
          %parallel_loop3A_1284 = arith.index_cast %parallel_loop3A_1056 : i32 to index
          %parallel_loop3A_1285 = arith.constant 48 : index
          %parallel_loop3A_1286 = tpu.vector_load %parallel_loop3A_1283[%parallel_loop3A_1284, %parallel_loop3A_1285] {strides = array<i32>} : memref<40x160xf32, #tpu.memory_space<vmem>>, vector<16xf32>,
          %parallel_loop3A_1287 = arith.mulf %parallel_loop3A_1279, %parallel_loop3A_1286 : vector<16xf32>
          %parallel_loop3A_1288 = arith.addf %parallel_loop3A_1275, %parallel_loop3A_1287 : vector<16xf32>
          %parallel_loop3A_1289 = arith.constant 0 : i32
          %parallel_loop3A_1290 = arith.constant 0 : i32
          %parallel_loop3A_1291 = tpu.memref_slice %run_scoped3A_524[%rem3A_881, %parallel_loop3A_1289, %parallel_loop3A_1290] : memref<2x40x160xf32, #tpu.memory_space<vmem>> -> memref<1x40x160xf32, #tpu.memory_space<vmem>>
          %parallel_loop3A_1292 = tpu.memref_squeeze %parallel_loop3A_1291 : memref<1x40x160xf32, #tpu.memory_space<vmem>> -> memref<40x160xf32, #tpu.memory_space<vmem>>
          %parallel_loop3A_1293 = arith.index_cast %parallel_loop3A_1056 : i32 to index
          %parallel_loop3A_1294 = arith.constant 48 : index
          %parallel_loop3A_1295 = tpu.vector_load %parallel_loop3A_1292[%parallel_loop3A_1293, %parallel_loop3A_1294] {strides = array<i32>} : memref<40x160xf32, #tpu.memory_space<vmem>>, vector<16xf32>,
          %parallel_loop3A_1296 = arith.constant 5.000000e-01 : f32
          %parallel_loop3A_1297 = vector.broadcast %parallel_loop3A_1296 : f32 to vector<16xf32>
          %parallel_loop3A_1298 = arith.addf %parallel_loop3A_1297, %parallel_loop3A_1295 : vector<16xf32>
          %parallel_loop3A_1299 = arith.mulf %parallel_loop3A_1288, %parallel_loop3A_1298 : vector<16xf32>
          %parallel_loop3A_1300 = arith.constant 0 : i32
          %parallel_loop3A_1301 = arith.constant 0 : i32
          %parallel_loop3A_1302 = tpu.memref_slice %run_scoped3A_526[%rem3A_883, %parallel_loop3A_1300, %parallel_loop3A_1301] : memref<2x40x160xf32, #tpu.memory_space<vmem>> -> memref<1x40x160xf32, #tpu.memory_space<vmem>>
          %parallel_loop3A_1303 = tpu.memref_squeeze %parallel_loop3A_1302 : memref<1x40x160xf32, #tpu.memory_space<vmem>> -> memref<40x160xf32, #tpu.memory_space<vmem>>
          %parallel_loop3A_1304 = arith.index_cast %parallel_loop3A_1056 : i32 to index
          %parallel_loop3A_1305 = arith.constant 48 : index
          %parallel_loop3A_1306 = tpu.vector_load %parallel_loop3A_1303[%parallel_loop3A_1304, %parallel_loop3A_1305] {strides = array<i32>} : memref<40x160xf32, #tpu.memory_space<vmem>>, vector<16xf32>,
          %parallel_loop3A_1307 = arith.constant 6.500000e-01 : f32
          %parallel_loop3A_1308 = vector.broadcast %parallel_loop3A_1307 : f32 to vector<16xf32>
          %parallel_loop3A_1309 = arith.mulf %parallel_loop3A_1308, %parallel_loop3A_1306 : vector<16xf32>
          %parallel_loop3A_1310 = arith.constant 1.000000e-01 : f32
          %parallel_loop3A_1311 = vector.broadcast %parallel_loop3A_1310 : f32 to vector<16xf32>
          %parallel_loop3A_1312 = arith.addf %parallel_loop3A_1311, %parallel_loop3A_1309 : vector<16xf32>
          %parallel_loop3A_1313 = arith.mulf %parallel_loop3A_1299, %parallel_loop3A_1312 : vector<16xf32>
          %parallel_loop3A_1314 = vector.bitcast %parallel_loop3A_1313 : vector<16xf32> to vector<16xi32>
          %parallel_loop3A_1315 = arith.constant 32768 : i32
          %parallel_loop3A_1316 = vector.broadcast %parallel_loop3A_1315 : i32 to vector<16xi32>
          %parallel_loop3A_1317 = arith.addi %parallel_loop3A_1314, %parallel_loop3A_1316 : vector<16xi32>
          %parallel_loop3A_1318 = arith.constant -65536 : i32
          %parallel_loop3A_1319 = vector.broadcast %parallel_loop3A_1318 : i32 to vector<16xi32>
          %parallel_loop3A_1320 = arith.andi %parallel_loop3A_1317, %parallel_loop3A_1319 : vector<16xi32>
          %parallel_loop3A_1321 = arith.ori %parallel_loop3A_1320, %parallel_loop3A_1270 : vector<16xi32>
          %parallel_loop3A_1322 = arith.constant 160 : i32
          %parallel_loop3A_1323 = arith.muli %parallel_loop3A_1056, %parallel_loop3A_1322 : i32
          %parallel_loop3A_1324 = arith.constant 48 : i32
          %parallel_loop3A_1325 = arith.addi %parallel_loop3A_1323, %parallel_loop3A_1324 : i32
          %parallel_loop3A_1326 = tpu.memref_slice %run_scoped3A_528[%mul3A_887] : memref<12800xi32, #tpu.memory_space<vmem>> -> memref<6400xi32, #tpu.memory_space<vmem>>
          %parallel_loop3A_1327 = arith.index_cast %parallel_loop3A_1325 : i32 to index
          %parallel_loop3A_1328 = tpu.vector_load %parallel_loop3A_1326[%parallel_loop3A_1327] {strides = array<i32>} : memref<6400xi32, #tpu.memory_space<vmem>>, vector<16xi32>,
          tpu.vector_store %parallel_loop3A_1326[%parallel_loop3A_1327], %parallel_loop3A_1321 {strides = array<i32>} : memref<6400xi32, #tpu.memory_space<vmem>>, vector<16xi32>,
          %parallel_loop3A_1329 = arith.constant 16 : i32
          %parallel_loop3A_1330 = vector.broadcast %parallel_loop3A_1329 : i32 to vector<16xi32>
          %parallel_loop3A_1331 = arith.muli %parallel_loop3A_1270, %parallel_loop3A_1330 : vector<16xi32>
          %parallel_loop3A_1332 = arith.addi %parallel_loop3A_1331, %iota3A : vector<16xi32>
          tpu.vector_store_idx %arg10[%parallel_loop3A_1332], %parallel_loop3A_1313 {add = true} : memref<768xf32, #tpu.memory_space<vmem>>[vector<16xi32>], vector<16xf32>,
          tpu.vector_store_idx %arg11[%parallel_loop3A_1332], %broadcast_in_dim3A_7 {add = true} : memref<768xf32, #tpu.memory_space<vmem>>[vector<16xi32>], vector<16xf32>,
          %parallel_loop3A_1333 = arith.constant 0 : i32
          %parallel_loop3A_1334 = arith.constant 0 : i32
          %parallel_loop3A_1335 = tpu.memref_slice %run_scoped3A[%rem3A_877, %parallel_loop3A_1333, %parallel_loop3A_1334] : memref<2x40x160xi32, #tpu.memory_space<vmem>> -> memref<1x40x160xi32, #tpu.memory_space<vmem>>
          %parallel_loop3A_1336 = tpu.memref_squeeze %parallel_loop3A_1335 : memref<1x40x160xi32, #tpu.memory_space<vmem>> -> memref<40x160xi32, #tpu.memory_space<vmem>>
          %parallel_loop3A_1337 = arith.index_cast %parallel_loop3A_1056 : i32 to index
          %parallel_loop3A_1338 = arith.constant 64 : index
          %parallel_loop3A_1339 = tpu.vector_load %parallel_loop3A_1336[%parallel_loop3A_1337, %parallel_loop3A_1338] {strides = array<i32>} : memref<40x160xi32, #tpu.memory_space<vmem>>, vector<16xi32>,
          %parallel_loop3A_1340 = tpu.vector_load_idx %arg9[%parallel_loop3A_1339] : memref<48xi32, #tpu.memory_space<vmem>>[vector<16xi32>], vector<16xi32>,
          %parallel_loop3A_1341 = arith.constant -65536 : i32
          %parallel_loop3A_1342 = vector.broadcast %parallel_loop3A_1341 : i32 to vector<16xi32>
          %parallel_loop3A_1343 = arith.andi %parallel_loop3A_1340, %parallel_loop3A_1342 : vector<16xi32>
          %parallel_loop3A_1344 = vector.bitcast %parallel_loop3A_1343 : vector<16xi32> to vector<16xf32>
          %parallel_loop3A_1345 = arith.constant 16 : i32
          %parallel_loop3A_1346 = vector.broadcast %parallel_loop3A_1345 : i32 to vector<16xi32>
          %parallel_loop3A_1347 = arith.shli %parallel_loop3A_1340, %parallel_loop3A_1346 : vector<16xi32>
          %parallel_loop3A_1348 = vector.bitcast %parallel_loop3A_1347 : vector<16xi32> to vector<16xf32>
          %parallel_loop3A_1349 = arith.constant 0 : i32
          %parallel_loop3A_1350 = arith.constant 0 : i32
          %parallel_loop3A_1351 = tpu.memref_slice %run_scoped3A_522[%rem3A_879, %parallel_loop3A_1349, %parallel_loop3A_1350] : memref<2x40x160xf32, #tpu.memory_space<vmem>> -> memref<1x40x160xf32, #tpu.memory_space<vmem>>
          %parallel_loop3A_1352 = tpu.memref_squeeze %parallel_loop3A_1351 : memref<1x40x160xf32, #tpu.memory_space<vmem>> -> memref<40x160xf32, #tpu.memory_space<vmem>>
          %parallel_loop3A_1353 = arith.index_cast %parallel_loop3A_1056 : i32 to index
          %parallel_loop3A_1354 = arith.constant 64 : index
          %parallel_loop3A_1355 = tpu.vector_load %parallel_loop3A_1352[%parallel_loop3A_1353, %parallel_loop3A_1354] {strides = array<i32>} : memref<40x160xf32, #tpu.memory_space<vmem>>, vector<16xf32>,
          %parallel_loop3A_1356 = arith.mulf %parallel_loop3A_1348, %parallel_loop3A_1355 : vector<16xf32>
          %parallel_loop3A_1357 = arith.addf %parallel_loop3A_1344, %parallel_loop3A_1356 : vector<16xf32>
          %parallel_loop3A_1358 = arith.constant 0 : i32
          %parallel_loop3A_1359 = arith.constant 0 : i32
          %parallel_loop3A_1360 = tpu.memref_slice %run_scoped3A_524[%rem3A_881, %parallel_loop3A_1358, %parallel_loop3A_1359] : memref<2x40x160xf32, #tpu.memory_space<vmem>> -> memref<1x40x160xf32, #tpu.memory_space<vmem>>
          %parallel_loop3A_1361 = tpu.memref_squeeze %parallel_loop3A_1360 : memref<1x40x160xf32, #tpu.memory_space<vmem>> -> memref<40x160xf32, #tpu.memory_space<vmem>>
          %parallel_loop3A_1362 = arith.index_cast %parallel_loop3A_1056 : i32 to index
          %parallel_loop3A_1363 = arith.constant 64 : index
          %parallel_loop3A_1364 = tpu.vector_load %parallel_loop3A_1361[%parallel_loop3A_1362, %parallel_loop3A_1363] {strides = array<i32>} : memref<40x160xf32, #tpu.memory_space<vmem>>, vector<16xf32>,
          %parallel_loop3A_1365 = arith.constant 5.000000e-01 : f32
          %parallel_loop3A_1366 = vector.broadcast %parallel_loop3A_1365 : f32 to vector<16xf32>
          %parallel_loop3A_1367 = arith.addf %parallel_loop3A_1366, %parallel_loop3A_1364 : vector<16xf32>
          %parallel_loop3A_1368 = arith.mulf %parallel_loop3A_1357, %parallel_loop3A_1367 : vector<16xf32>
          %parallel_loop3A_1369 = arith.constant 0 : i32
          %parallel_loop3A_1370 = arith.constant 0 : i32
          %parallel_loop3A_1371 = tpu.memref_slice %run_scoped3A_526[%rem3A_883, %parallel_loop3A_1369, %parallel_loop3A_1370] : memref<2x40x160xf32, #tpu.memory_space<vmem>> -> memref<1x40x160xf32, #tpu.memory_space<vmem>>
          %parallel_loop3A_1372 = tpu.memref_squeeze %parallel_loop3A_1371 : memref<1x40x160xf32, #tpu.memory_space<vmem>> -> memref<40x160xf32, #tpu.memory_space<vmem>>
          %parallel_loop3A_1373 = arith.index_cast %parallel_loop3A_1056 : i32 to index
          %parallel_loop3A_1374 = arith.constant 64 : index
          %parallel_loop3A_1375 = tpu.vector_load %parallel_loop3A_1372[%parallel_loop3A_1373, %parallel_loop3A_1374] {strides = array<i32>} : memref<40x160xf32, #tpu.memory_space<vmem>>, vector<16xf32>,
          %parallel_loop3A_1376 = arith.constant 6.500000e-01 : f32
          %parallel_loop3A_1377 = vector.broadcast %parallel_loop3A_1376 : f32 to vector<16xf32>
          %parallel_loop3A_1378 = arith.mulf %parallel_loop3A_1377, %parallel_loop3A_1375 : vector<16xf32>
          %parallel_loop3A_1379 = arith.constant 1.000000e-01 : f32
          %parallel_loop3A_1380 = vector.broadcast %parallel_loop3A_1379 : f32 to vector<16xf32>
          %parallel_loop3A_1381 = arith.addf %parallel_loop3A_1380, %parallel_loop3A_1378 : vector<16xf32>
          %parallel_loop3A_1382 = arith.mulf %parallel_loop3A_1368, %parallel_loop3A_1381 : vector<16xf32>
          %parallel_loop3A_1383 = vector.bitcast %parallel_loop3A_1382 : vector<16xf32> to vector<16xi32>
          %parallel_loop3A_1384 = arith.constant 32768 : i32
          %parallel_loop3A_1385 = vector.broadcast %parallel_loop3A_1384 : i32 to vector<16xi32>
          %parallel_loop3A_1386 = arith.addi %parallel_loop3A_1383, %parallel_loop3A_1385 : vector<16xi32>
          %parallel_loop3A_1387 = arith.constant -65536 : i32
          %parallel_loop3A_1388 = vector.broadcast %parallel_loop3A_1387 : i32 to vector<16xi32>
          %parallel_loop3A_1389 = arith.andi %parallel_loop3A_1386, %parallel_loop3A_1388 : vector<16xi32>
          %parallel_loop3A_1390 = arith.ori %parallel_loop3A_1389, %parallel_loop3A_1339 : vector<16xi32>
          %parallel_loop3A_1391 = arith.constant 160 : i32
          %parallel_loop3A_1392 = arith.muli %parallel_loop3A_1056, %parallel_loop3A_1391 : i32
          %parallel_loop3A_1393 = arith.constant 64 : i32
          %parallel_loop3A_1394 = arith.addi %parallel_loop3A_1392, %parallel_loop3A_1393 : i32
          %parallel_loop3A_1395 = tpu.memref_slice %run_scoped3A_528[%mul3A_887] : memref<12800xi32, #tpu.memory_space<vmem>> -> memref<6400xi32, #tpu.memory_space<vmem>>
          %parallel_loop3A_1396 = arith.index_cast %parallel_loop3A_1394 : i32 to index
          %parallel_loop3A_1397 = tpu.vector_load %parallel_loop3A_1395[%parallel_loop3A_1396] {strides = array<i32>} : memref<6400xi32, #tpu.memory_space<vmem>>, vector<16xi32>,
          tpu.vector_store %parallel_loop3A_1395[%parallel_loop3A_1396], %parallel_loop3A_1390 {strides = array<i32>} : memref<6400xi32, #tpu.memory_space<vmem>>, vector<16xi32>,
          %parallel_loop3A_1398 = arith.constant 16 : i32
          %parallel_loop3A_1399 = vector.broadcast %parallel_loop3A_1398 : i32 to vector<16xi32>
          %parallel_loop3A_1400 = arith.muli %parallel_loop3A_1339, %parallel_loop3A_1399 : vector<16xi32>
          %parallel_loop3A_1401 = arith.addi %parallel_loop3A_1400, %iota3A : vector<16xi32>
          tpu.vector_store_idx %arg10[%parallel_loop3A_1401], %parallel_loop3A_1382 {add = true} : memref<768xf32, #tpu.memory_space<vmem>>[vector<16xi32>], vector<16xf32>,
          tpu.vector_store_idx %arg11[%parallel_loop3A_1401], %broadcast_in_dim3A_7 {add = true} : memref<768xf32, #tpu.memory_space<vmem>>[vector<16xi32>], vector<16xf32>,
          %parallel_loop3A_1402 = arith.constant 0 : i32
          %parallel_loop3A_1403 = arith.constant 0 : i32
          %parallel_loop3A_1404 = tpu.memref_slice %run_scoped3A[%rem3A_877, %parallel_loop3A_1402, %parallel_loop3A_1403] : memref<2x40x160xi32, #tpu.memory_space<vmem>> -> memref<1x40x160xi32, #tpu.memory_space<vmem>>
          %parallel_loop3A_1405 = tpu.memref_squeeze %parallel_loop3A_1404 : memref<1x40x160xi32, #tpu.memory_space<vmem>> -> memref<40x160xi32, #tpu.memory_space<vmem>>
          %parallel_loop3A_1406 = arith.index_cast %parallel_loop3A_1056 : i32 to index
          %parallel_loop3A_1407 = arith.constant 80 : index
          %parallel_loop3A_1408 = tpu.vector_load %parallel_loop3A_1405[%parallel_loop3A_1406, %parallel_loop3A_1407] {strides = array<i32>} : memref<40x160xi32, #tpu.memory_space<vmem>>, vector<16xi32>,
          %parallel_loop3A_1409 = tpu.vector_load_idx %arg9[%parallel_loop3A_1408] : memref<48xi32, #tpu.memory_space<vmem>>[vector<16xi32>], vector<16xi32>,
          %parallel_loop3A_1410 = arith.constant -65536 : i32
          %parallel_loop3A_1411 = vector.broadcast %parallel_loop3A_1410 : i32 to vector<16xi32>
          %parallel_loop3A_1412 = arith.andi %parallel_loop3A_1409, %parallel_loop3A_1411 : vector<16xi32>
          %parallel_loop3A_1413 = vector.bitcast %parallel_loop3A_1412 : vector<16xi32> to vector<16xf32>
          %parallel_loop3A_1414 = arith.constant 16 : i32
          %parallel_loop3A_1415 = vector.broadcast %parallel_loop3A_1414 : i32 to vector<16xi32>
          %parallel_loop3A_1416 = arith.shli %parallel_loop3A_1409, %parallel_loop3A_1415 : vector<16xi32>
          %parallel_loop3A_1417 = vector.bitcast %parallel_loop3A_1416 : vector<16xi32> to vector<16xf32>
          %parallel_loop3A_1418 = arith.constant 0 : i32
          %parallel_loop3A_1419 = arith.constant 0 : i32
          %parallel_loop3A_1420 = tpu.memref_slice %run_scoped3A_522[%rem3A_879, %parallel_loop3A_1418, %parallel_loop3A_1419] : memref<2x40x160xf32, #tpu.memory_space<vmem>> -> memref<1x40x160xf32, #tpu.memory_space<vmem>>
          %parallel_loop3A_1421 = tpu.memref_squeeze %parallel_loop3A_1420 : memref<1x40x160xf32, #tpu.memory_space<vmem>> -> memref<40x160xf32, #tpu.memory_space<vmem>>
          %parallel_loop3A_1422 = arith.index_cast %parallel_loop3A_1056 : i32 to index
          %parallel_loop3A_1423 = arith.constant 80 : index
          %parallel_loop3A_1424 = tpu.vector_load %parallel_loop3A_1421[%parallel_loop3A_1422, %parallel_loop3A_1423] {strides = array<i32>} : memref<40x160xf32, #tpu.memory_space<vmem>>, vector<16xf32>,
          %parallel_loop3A_1425 = arith.mulf %parallel_loop3A_1417, %parallel_loop3A_1424 : vector<16xf32>
          %parallel_loop3A_1426 = arith.addf %parallel_loop3A_1413, %parallel_loop3A_1425 : vector<16xf32>
          %parallel_loop3A_1427 = arith.constant 0 : i32
          %parallel_loop3A_1428 = arith.constant 0 : i32
          %parallel_loop3A_1429 = tpu.memref_slice %run_scoped3A_524[%rem3A_881, %parallel_loop3A_1427, %parallel_loop3A_1428] : memref<2x40x160xf32, #tpu.memory_space<vmem>> -> memref<1x40x160xf32, #tpu.memory_space<vmem>>
          %parallel_loop3A_1430 = tpu.memref_squeeze %parallel_loop3A_1429 : memref<1x40x160xf32, #tpu.memory_space<vmem>> -> memref<40x160xf32, #tpu.memory_space<vmem>>
          %parallel_loop3A_1431 = arith.index_cast %parallel_loop3A_1056 : i32 to index
          %parallel_loop3A_1432 = arith.constant 80 : index
          %parallel_loop3A_1433 = tpu.vector_load %parallel_loop3A_1430[%parallel_loop3A_1431, %parallel_loop3A_1432] {strides = array<i32>} : memref<40x160xf32, #tpu.memory_space<vmem>>, vector<16xf32>,
          %parallel_loop3A_1434 = arith.constant 5.000000e-01 : f32
          %parallel_loop3A_1435 = vector.broadcast %parallel_loop3A_1434 : f32 to vector<16xf32>
          %parallel_loop3A_1436 = arith.addf %parallel_loop3A_1435, %parallel_loop3A_1433 : vector<16xf32>
          %parallel_loop3A_1437 = arith.mulf %parallel_loop3A_1426, %parallel_loop3A_1436 : vector<16xf32>
          %parallel_loop3A_1438 = arith.constant 0 : i32
          %parallel_loop3A_1439 = arith.constant 0 : i32
          %parallel_loop3A_1440 = tpu.memref_slice %run_scoped3A_526[%rem3A_883, %parallel_loop3A_1438, %parallel_loop3A_1439] : memref<2x40x160xf32, #tpu.memory_space<vmem>> -> memref<1x40x160xf32, #tpu.memory_space<vmem>>
          %parallel_loop3A_1441 = tpu.memref_squeeze %parallel_loop3A_1440 : memref<1x40x160xf32, #tpu.memory_space<vmem>> -> memref<40x160xf32, #tpu.memory_space<vmem>>
          %parallel_loop3A_1442 = arith.index_cast %parallel_loop3A_1056 : i32 to index
          %parallel_loop3A_1443 = arith.constant 80 : index
          %parallel_loop3A_1444 = tpu.vector_load %parallel_loop3A_1441[%parallel_loop3A_1442, %parallel_loop3A_1443] {strides = array<i32>} : memref<40x160xf32, #tpu.memory_space<vmem>>, vector<16xf32>,
          %parallel_loop3A_1445 = arith.constant 6.500000e-01 : f32
          %parallel_loop3A_1446 = vector.broadcast %parallel_loop3A_1445 : f32 to vector<16xf32>
          %parallel_loop3A_1447 = arith.mulf %parallel_loop3A_1446, %parallel_loop3A_1444 : vector<16xf32>
          %parallel_loop3A_1448 = arith.constant 1.000000e-01 : f32
          %parallel_loop3A_1449 = vector.broadcast %parallel_loop3A_1448 : f32 to vector<16xf32>
          %parallel_loop3A_1450 = arith.addf %parallel_loop3A_1449, %parallel_loop3A_1447 : vector<16xf32>
          %parallel_loop3A_1451 = arith.mulf %parallel_loop3A_1437, %parallel_loop3A_1450 : vector<16xf32>
          %parallel_loop3A_1452 = vector.bitcast %parallel_loop3A_1451 : vector<16xf32> to vector<16xi32>
          %parallel_loop3A_1453 = arith.constant 32768 : i32
          %parallel_loop3A_1454 = vector.broadcast %parallel_loop3A_1453 : i32 to vector<16xi32>
          %parallel_loop3A_1455 = arith.addi %parallel_loop3A_1452, %parallel_loop3A_1454 : vector<16xi32>
          %parallel_loop3A_1456 = arith.constant -65536 : i32
          %parallel_loop3A_1457 = vector.broadcast %parallel_loop3A_1456 : i32 to vector<16xi32>
          %parallel_loop3A_1458 = arith.andi %parallel_loop3A_1455, %parallel_loop3A_1457 : vector<16xi32>
          %parallel_loop3A_1459 = arith.ori %parallel_loop3A_1458, %parallel_loop3A_1408 : vector<16xi32>
          %parallel_loop3A_1460 = arith.constant 160 : i32
          %parallel_loop3A_1461 = arith.muli %parallel_loop3A_1056, %parallel_loop3A_1460 : i32
          %parallel_loop3A_1462 = arith.constant 80 : i32
          %parallel_loop3A_1463 = arith.addi %parallel_loop3A_1461, %parallel_loop3A_1462 : i32
          %parallel_loop3A_1464 = tpu.memref_slice %run_scoped3A_528[%mul3A_887] : memref<12800xi32, #tpu.memory_space<vmem>> -> memref<6400xi32, #tpu.memory_space<vmem>>
          %parallel_loop3A_1465 = arith.index_cast %parallel_loop3A_1463 : i32 to index
          %parallel_loop3A_1466 = tpu.vector_load %parallel_loop3A_1464[%parallel_loop3A_1465] {strides = array<i32>} : memref<6400xi32, #tpu.memory_space<vmem>>, vector<16xi32>,
          tpu.vector_store %parallel_loop3A_1464[%parallel_loop3A_1465], %parallel_loop3A_1459 {strides = array<i32>} : memref<6400xi32, #tpu.memory_space<vmem>>, vector<16xi32>,
          %parallel_loop3A_1467 = arith.constant 16 : i32
          %parallel_loop3A_1468 = vector.broadcast %parallel_loop3A_1467 : i32 to vector<16xi32>
          %parallel_loop3A_1469 = arith.muli %parallel_loop3A_1408, %parallel_loop3A_1468 : vector<16xi32>
          %parallel_loop3A_1470 = arith.addi %parallel_loop3A_1469, %iota3A : vector<16xi32>
          tpu.vector_store_idx %arg10[%parallel_loop3A_1470], %parallel_loop3A_1451 {add = true} : memref<768xf32, #tpu.memory_space<vmem>>[vector<16xi32>], vector<16xf32>,
          tpu.vector_store_idx %arg11[%parallel_loop3A_1470], %broadcast_in_dim3A_7 {add = true} : memref<768xf32, #tpu.memory_space<vmem>>[vector<16xi32>], vector<16xf32>,
          %parallel_loop3A_1471 = arith.constant 0 : i32
          %parallel_loop3A_1472 = arith.constant 0 : i32
          %parallel_loop3A_1473 = tpu.memref_slice %run_scoped3A[%rem3A_877, %parallel_loop3A_1471, %parallel_loop3A_1472] : memref<2x40x160xi32, #tpu.memory_space<vmem>> -> memref<1x40x160xi32, #tpu.memory_space<vmem>>
          %parallel_loop3A_1474 = tpu.memref_squeeze %parallel_loop3A_1473 : memref<1x40x160xi32, #tpu.memory_space<vmem>> -> memref<40x160xi32, #tpu.memory_space<vmem>>
          %parallel_loop3A_1475 = arith.index_cast %parallel_loop3A_1056 : i32 to index
          %parallel_loop3A_1476 = arith.constant 96 : index
          %parallel_loop3A_1477 = tpu.vector_load %parallel_loop3A_1474[%parallel_loop3A_1475, %parallel_loop3A_1476] {strides = array<i32>} : memref<40x160xi32, #tpu.memory_space<vmem>>, vector<16xi32>,
          %parallel_loop3A_1478 = tpu.vector_load_idx %arg9[%parallel_loop3A_1477] : memref<48xi32, #tpu.memory_space<vmem>>[vector<16xi32>], vector<16xi32>,
          %parallel_loop3A_1479 = arith.constant -65536 : i32
          %parallel_loop3A_1480 = vector.broadcast %parallel_loop3A_1479 : i32 to vector<16xi32>
          %parallel_loop3A_1481 = arith.andi %parallel_loop3A_1478, %parallel_loop3A_1480 : vector<16xi32>
          %parallel_loop3A_1482 = vector.bitcast %parallel_loop3A_1481 : vector<16xi32> to vector<16xf32>
          %parallel_loop3A_1483 = arith.constant 16 : i32
          %parallel_loop3A_1484 = vector.broadcast %parallel_loop3A_1483 : i32 to vector<16xi32>
          %parallel_loop3A_1485 = arith.shli %parallel_loop3A_1478, %parallel_loop3A_1484 : vector<16xi32>
          %parallel_loop3A_1486 = vector.bitcast %parallel_loop3A_1485 : vector<16xi32> to vector<16xf32>
          %parallel_loop3A_1487 = arith.constant 0 : i32
          %parallel_loop3A_1488 = arith.constant 0 : i32
          %parallel_loop3A_1489 = tpu.memref_slice %run_scoped3A_522[%rem3A_879, %parallel_loop3A_1487, %parallel_loop3A_1488] : memref<2x40x160xf32, #tpu.memory_space<vmem>> -> memref<1x40x160xf32, #tpu.memory_space<vmem>>
          %parallel_loop3A_1490 = tpu.memref_squeeze %parallel_loop3A_1489 : memref<1x40x160xf32, #tpu.memory_space<vmem>> -> memref<40x160xf32, #tpu.memory_space<vmem>>
          %parallel_loop3A_1491 = arith.index_cast %parallel_loop3A_1056 : i32 to index
          %parallel_loop3A_1492 = arith.constant 96 : index
          %parallel_loop3A_1493 = tpu.vector_load %parallel_loop3A_1490[%parallel_loop3A_1491, %parallel_loop3A_1492] {strides = array<i32>} : memref<40x160xf32, #tpu.memory_space<vmem>>, vector<16xf32>,
          %parallel_loop3A_1494 = arith.mulf %parallel_loop3A_1486, %parallel_loop3A_1493 : vector<16xf32>
          %parallel_loop3A_1495 = arith.addf %parallel_loop3A_1482, %parallel_loop3A_1494 : vector<16xf32>
          %parallel_loop3A_1496 = arith.constant 0 : i32
          %parallel_loop3A_1497 = arith.constant 0 : i32
          %parallel_loop3A_1498 = tpu.memref_slice %run_scoped3A_524[%rem3A_881, %parallel_loop3A_1496, %parallel_loop3A_1497] : memref<2x40x160xf32, #tpu.memory_space<vmem>> -> memref<1x40x160xf32, #tpu.memory_space<vmem>>
          %parallel_loop3A_1499 = tpu.memref_squeeze %parallel_loop3A_1498 : memref<1x40x160xf32, #tpu.memory_space<vmem>> -> memref<40x160xf32, #tpu.memory_space<vmem>>
          %parallel_loop3A_1500 = arith.index_cast %parallel_loop3A_1056 : i32 to index
          %parallel_loop3A_1501 = arith.constant 96 : index
          %parallel_loop3A_1502 = tpu.vector_load %parallel_loop3A_1499[%parallel_loop3A_1500, %parallel_loop3A_1501] {strides = array<i32>} : memref<40x160xf32, #tpu.memory_space<vmem>>, vector<16xf32>,
          %parallel_loop3A_1503 = arith.constant 5.000000e-01 : f32
          %parallel_loop3A_1504 = vector.broadcast %parallel_loop3A_1503 : f32 to vector<16xf32>
          %parallel_loop3A_1505 = arith.addf %parallel_loop3A_1504, %parallel_loop3A_1502 : vector<16xf32>
          %parallel_loop3A_1506 = arith.mulf %parallel_loop3A_1495, %parallel_loop3A_1505 : vector<16xf32>
          %parallel_loop3A_1507 = arith.constant 0 : i32
          %parallel_loop3A_1508 = arith.constant 0 : i32
          %parallel_loop3A_1509 = tpu.memref_slice %run_scoped3A_526[%rem3A_883, %parallel_loop3A_1507, %parallel_loop3A_1508] : memref<2x40x160xf32, #tpu.memory_space<vmem>> -> memref<1x40x160xf32, #tpu.memory_space<vmem>>
          %parallel_loop3A_1510 = tpu.memref_squeeze %parallel_loop3A_1509 : memref<1x40x160xf32, #tpu.memory_space<vmem>> -> memref<40x160xf32, #tpu.memory_space<vmem>>
          %parallel_loop3A_1511 = arith.index_cast %parallel_loop3A_1056 : i32 to index
          %parallel_loop3A_1512 = arith.constant 96 : index
          %parallel_loop3A_1513 = tpu.vector_load %parallel_loop3A_1510[%parallel_loop3A_1511, %parallel_loop3A_1512] {strides = array<i32>} : memref<40x160xf32, #tpu.memory_space<vmem>>, vector<16xf32>,
          %parallel_loop3A_1514 = arith.constant 6.500000e-01 : f32
          %parallel_loop3A_1515 = vector.broadcast %parallel_loop3A_1514 : f32 to vector<16xf32>
          %parallel_loop3A_1516 = arith.mulf %parallel_loop3A_1515, %parallel_loop3A_1513 : vector<16xf32>
          %parallel_loop3A_1517 = arith.constant 1.000000e-01 : f32
          %parallel_loop3A_1518 = vector.broadcast %parallel_loop3A_1517 : f32 to vector<16xf32>
          %parallel_loop3A_1519 = arith.addf %parallel_loop3A_1518, %parallel_loop3A_1516 : vector<16xf32>
          %parallel_loop3A_1520 = arith.mulf %parallel_loop3A_1506, %parallel_loop3A_1519 : vector<16xf32>
          %parallel_loop3A_1521 = vector.bitcast %parallel_loop3A_1520 : vector<16xf32> to vector<16xi32>
          %parallel_loop3A_1522 = arith.constant 32768 : i32
          %parallel_loop3A_1523 = vector.broadcast %parallel_loop3A_1522 : i32 to vector<16xi32>
          %parallel_loop3A_1524 = arith.addi %parallel_loop3A_1521, %parallel_loop3A_1523 : vector<16xi32>
          %parallel_loop3A_1525 = arith.constant -65536 : i32
          %parallel_loop3A_1526 = vector.broadcast %parallel_loop3A_1525 : i32 to vector<16xi32>
          %parallel_loop3A_1527 = arith.andi %parallel_loop3A_1524, %parallel_loop3A_1526 : vector<16xi32>
          %parallel_loop3A_1528 = arith.ori %parallel_loop3A_1527, %parallel_loop3A_1477 : vector<16xi32>
          %parallel_loop3A_1529 = arith.constant 160 : i32
          %parallel_loop3A_1530 = arith.muli %parallel_loop3A_1056, %parallel_loop3A_1529 : i32
          %parallel_loop3A_1531 = arith.constant 96 : i32
          %parallel_loop3A_1532 = arith.addi %parallel_loop3A_1530, %parallel_loop3A_1531 : i32
          %parallel_loop3A_1533 = tpu.memref_slice %run_scoped3A_528[%mul3A_887] : memref<12800xi32, #tpu.memory_space<vmem>> -> memref<6400xi32, #tpu.memory_space<vmem>>
          %parallel_loop3A_1534 = arith.index_cast %parallel_loop3A_1532 : i32 to index
          %parallel_loop3A_1535 = tpu.vector_load %parallel_loop3A_1533[%parallel_loop3A_1534] {strides = array<i32>} : memref<6400xi32, #tpu.memory_space<vmem>>, vector<16xi32>,
          tpu.vector_store %parallel_loop3A_1533[%parallel_loop3A_1534], %parallel_loop3A_1528 {strides = array<i32>} : memref<6400xi32, #tpu.memory_space<vmem>>, vector<16xi32>,
          %parallel_loop3A_1536 = arith.constant 16 : i32
          %parallel_loop3A_1537 = vector.broadcast %parallel_loop3A_1536 : i32 to vector<16xi32>
          %parallel_loop3A_1538 = arith.muli %parallel_loop3A_1477, %parallel_loop3A_1537 : vector<16xi32>
          %parallel_loop3A_1539 = arith.addi %parallel_loop3A_1538, %iota3A : vector<16xi32>
          tpu.vector_store_idx %arg10[%parallel_loop3A_1539], %parallel_loop3A_1520 {add = true} : memref<768xf32, #tpu.memory_space<vmem>>[vector<16xi32>], vector<16xf32>,
          tpu.vector_store_idx %arg11[%parallel_loop3A_1539], %broadcast_in_dim3A_7 {add = true} : memref<768xf32, #tpu.memory_space<vmem>>[vector<16xi32>], vector<16xf32>,
          %parallel_loop3A_1540 = arith.constant 0 : i32
          %parallel_loop3A_1541 = arith.constant 0 : i32
          %parallel_loop3A_1542 = tpu.memref_slice %run_scoped3A[%rem3A_877, %parallel_loop3A_1540, %parallel_loop3A_1541] : memref<2x40x160xi32, #tpu.memory_space<vmem>> -> memref<1x40x160xi32, #tpu.memory_space<vmem>>
          %parallel_loop3A_1543 = tpu.memref_squeeze %parallel_loop3A_1542 : memref<1x40x160xi32, #tpu.memory_space<vmem>> -> memref<40x160xi32, #tpu.memory_space<vmem>>
          %parallel_loop3A_1544 = arith.index_cast %parallel_loop3A_1056 : i32 to index
          %parallel_loop3A_1545 = arith.constant 112 : index
          %parallel_loop3A_1546 = tpu.vector_load %parallel_loop3A_1543[%parallel_loop3A_1544, %parallel_loop3A_1545] {strides = array<i32>} : memref<40x160xi32, #tpu.memory_space<vmem>>, vector<16xi32>,
          %parallel_loop3A_1547 = tpu.vector_load_idx %arg9[%parallel_loop3A_1546] : memref<48xi32, #tpu.memory_space<vmem>>[vector<16xi32>], vector<16xi32>,
          %parallel_loop3A_1548 = arith.constant -65536 : i32
          %parallel_loop3A_1549 = vector.broadcast %parallel_loop3A_1548 : i32 to vector<16xi32>
          %parallel_loop3A_1550 = arith.andi %parallel_loop3A_1547, %parallel_loop3A_1549 : vector<16xi32>
          %parallel_loop3A_1551 = vector.bitcast %parallel_loop3A_1550 : vector<16xi32> to vector<16xf32>
          %parallel_loop3A_1552 = arith.constant 16 : i32
          %parallel_loop3A_1553 = vector.broadcast %parallel_loop3A_1552 : i32 to vector<16xi32>
          %parallel_loop3A_1554 = arith.shli %parallel_loop3A_1547, %parallel_loop3A_1553 : vector<16xi32>
          %parallel_loop3A_1555 = vector.bitcast %parallel_loop3A_1554 : vector<16xi32> to vector<16xf32>
          %parallel_loop3A_1556 = arith.constant 0 : i32
          %parallel_loop3A_1557 = arith.constant 0 : i32
          %parallel_loop3A_1558 = tpu.memref_slice %run_scoped3A_522[%rem3A_879, %parallel_loop3A_1556, %parallel_loop3A_1557] : memref<2x40x160xf32, #tpu.memory_space<vmem>> -> memref<1x40x160xf32, #tpu.memory_space<vmem>>
          %parallel_loop3A_1559 = tpu.memref_squeeze %parallel_loop3A_1558 : memref<1x40x160xf32, #tpu.memory_space<vmem>> -> memref<40x160xf32, #tpu.memory_space<vmem>>
          %parallel_loop3A_1560 = arith.index_cast %parallel_loop3A_1056 : i32 to index
          %parallel_loop3A_1561 = arith.constant 112 : index
          %parallel_loop3A_1562 = tpu.vector_load %parallel_loop3A_1559[%parallel_loop3A_1560, %parallel_loop3A_1561] {strides = array<i32>} : memref<40x160xf32, #tpu.memory_space<vmem>>, vector<16xf32>,
          %parallel_loop3A_1563 = arith.mulf %parallel_loop3A_1555, %parallel_loop3A_1562 : vector<16xf32>
          %parallel_loop3A_1564 = arith.addf %parallel_loop3A_1551, %parallel_loop3A_1563 : vector<16xf32>
          %parallel_loop3A_1565 = arith.constant 0 : i32
          %parallel_loop3A_1566 = arith.constant 0 : i32
          %parallel_loop3A_1567 = tpu.memref_slice %run_scoped3A_524[%rem3A_881, %parallel_loop3A_1565, %parallel_loop3A_1566] : memref<2x40x160xf32, #tpu.memory_space<vmem>> -> memref<1x40x160xf32, #tpu.memory_space<vmem>>
          %parallel_loop3A_1568 = tpu.memref_squeeze %parallel_loop3A_1567 : memref<1x40x160xf32, #tpu.memory_space<vmem>> -> memref<40x160xf32, #tpu.memory_space<vmem>>
          %parallel_loop3A_1569 = arith.index_cast %parallel_loop3A_1056 : i32 to index
          %parallel_loop3A_1570 = arith.constant 112 : index
          %parallel_loop3A_1571 = tpu.vector_load %parallel_loop3A_1568[%parallel_loop3A_1569, %parallel_loop3A_1570] {strides = array<i32>} : memref<40x160xf32, #tpu.memory_space<vmem>>, vector<16xf32>,
          %parallel_loop3A_1572 = arith.constant 5.000000e-01 : f32
          %parallel_loop3A_1573 = vector.broadcast %parallel_loop3A_1572 : f32 to vector<16xf32>
          %parallel_loop3A_1574 = arith.addf %parallel_loop3A_1573, %parallel_loop3A_1571 : vector<16xf32>
          %parallel_loop3A_1575 = arith.mulf %parallel_loop3A_1564, %parallel_loop3A_1574 : vector<16xf32>
          %parallel_loop3A_1576 = arith.constant 0 : i32
          %parallel_loop3A_1577 = arith.constant 0 : i32
          %parallel_loop3A_1578 = tpu.memref_slice %run_scoped3A_526[%rem3A_883, %parallel_loop3A_1576, %parallel_loop3A_1577] : memref<2x40x160xf32, #tpu.memory_space<vmem>> -> memref<1x40x160xf32, #tpu.memory_space<vmem>>
          %parallel_loop3A_1579 = tpu.memref_squeeze %parallel_loop3A_1578 : memref<1x40x160xf32, #tpu.memory_space<vmem>> -> memref<40x160xf32, #tpu.memory_space<vmem>>
          %parallel_loop3A_1580 = arith.index_cast %parallel_loop3A_1056 : i32 to index
          %parallel_loop3A_1581 = arith.constant 112 : index
          %parallel_loop3A_1582 = tpu.vector_load %parallel_loop3A_1579[%parallel_loop3A_1580, %parallel_loop3A_1581] {strides = array<i32>} : memref<40x160xf32, #tpu.memory_space<vmem>>, vector<16xf32>,
          %parallel_loop3A_1583 = arith.constant 6.500000e-01 : f32
          %parallel_loop3A_1584 = vector.broadcast %parallel_loop3A_1583 : f32 to vector<16xf32>
          %parallel_loop3A_1585 = arith.mulf %parallel_loop3A_1584, %parallel_loop3A_1582 : vector<16xf32>
          %parallel_loop3A_1586 = arith.constant 1.000000e-01 : f32
          %parallel_loop3A_1587 = vector.broadcast %parallel_loop3A_1586 : f32 to vector<16xf32>
          %parallel_loop3A_1588 = arith.addf %parallel_loop3A_1587, %parallel_loop3A_1585 : vector<16xf32>
          %parallel_loop3A_1589 = arith.mulf %parallel_loop3A_1575, %parallel_loop3A_1588 : vector<16xf32>
          %parallel_loop3A_1590 = vector.bitcast %parallel_loop3A_1589 : vector<16xf32> to vector<16xi32>
          %parallel_loop3A_1591 = arith.constant 32768 : i32
          %parallel_loop3A_1592 = vector.broadcast %parallel_loop3A_1591 : i32 to vector<16xi32>
          %parallel_loop3A_1593 = arith.addi %parallel_loop3A_1590, %parallel_loop3A_1592 : vector<16xi32>
          %parallel_loop3A_1594 = arith.constant -65536 : i32
          %parallel_loop3A_1595 = vector.broadcast %parallel_loop3A_1594 : i32 to vector<16xi32>
          %parallel_loop3A_1596 = arith.andi %parallel_loop3A_1593, %parallel_loop3A_1595 : vector<16xi32>
          %parallel_loop3A_1597 = arith.ori %parallel_loop3A_1596, %parallel_loop3A_1546 : vector<16xi32>
          %parallel_loop3A_1598 = arith.constant 160 : i32
          %parallel_loop3A_1599 = arith.muli %parallel_loop3A_1056, %parallel_loop3A_1598 : i32
          %parallel_loop3A_1600 = arith.constant 112 : i32
          %parallel_loop3A_1601 = arith.addi %parallel_loop3A_1599, %parallel_loop3A_1600 : i32
          %parallel_loop3A_1602 = tpu.memref_slice %run_scoped3A_528[%mul3A_887] : memref<12800xi32, #tpu.memory_space<vmem>> -> memref<6400xi32, #tpu.memory_space<vmem>>
          %parallel_loop3A_1603 = arith.index_cast %parallel_loop3A_1601 : i32 to index
          %parallel_loop3A_1604 = tpu.vector_load %parallel_loop3A_1602[%parallel_loop3A_1603] {strides = array<i32>} : memref<6400xi32, #tpu.memory_space<vmem>>, vector<16xi32>,
          tpu.vector_store %parallel_loop3A_1602[%parallel_loop3A_1603], %parallel_loop3A_1597 {strides = array<i32>} : memref<6400xi32, #tpu.memory_space<vmem>>, vector<16xi32>,
          %parallel_loop3A_1605 = arith.constant 16 : i32
          %parallel_loop3A_1606 = vector.broadcast %parallel_loop3A_1605 : i32 to vector<16xi32>
          %parallel_loop3A_1607 = arith.muli %parallel_loop3A_1546, %parallel_loop3A_1606 : vector<16xi32>
          %parallel_loop3A_1608 = arith.addi %parallel_loop3A_1607, %iota3A : vector<16xi32>
          tpu.vector_store_idx %arg10[%parallel_loop3A_1608], %parallel_loop3A_1589 {add = true} : memref<768xf32, #tpu.memory_space<vmem>>[vector<16xi32>], vector<16xf32>,
          tpu.vector_store_idx %arg11[%parallel_loop3A_1608], %broadcast_in_dim3A_7 {add = true} : memref<768xf32, #tpu.memory_space<vmem>>[vector<16xi32>], vector<16xf32>,
          %parallel_loop3A_1609 = arith.constant 0 : i32
          %parallel_loop3A_1610 = arith.constant 0 : i32
          %parallel_loop3A_1611 = tpu.memref_slice %run_scoped3A[%rem3A_877, %parallel_loop3A_1609, %parallel_loop3A_1610] : memref<2x40x160xi32, #tpu.memory_space<vmem>> -> memref<1x40x160xi32, #tpu.memory_space<vmem>>
          %parallel_loop3A_1612 = tpu.memref_squeeze %parallel_loop3A_1611 : memref<1x40x160xi32, #tpu.memory_space<vmem>> -> memref<40x160xi32, #tpu.memory_space<vmem>>
          %parallel_loop3A_1613 = arith.index_cast %parallel_loop3A_1056 : i32 to index
          %parallel_loop3A_1614 = arith.constant 128 : index
          %parallel_loop3A_1615 = tpu.vector_load %parallel_loop3A_1612[%parallel_loop3A_1613, %parallel_loop3A_1614] {strides = array<i32>} : memref<40x160xi32, #tpu.memory_space<vmem>>, vector<16xi32>,
          %parallel_loop3A_1616 = tpu.vector_load_idx %arg9[%parallel_loop3A_1615] : memref<48xi32, #tpu.memory_space<vmem>>[vector<16xi32>], vector<16xi32>,
          %parallel_loop3A_1617 = arith.constant -65536 : i32
          %parallel_loop3A_1618 = vector.broadcast %parallel_loop3A_1617 : i32 to vector<16xi32>
          %parallel_loop3A_1619 = arith.andi %parallel_loop3A_1616, %parallel_loop3A_1618 : vector<16xi32>
          %parallel_loop3A_1620 = vector.bitcast %parallel_loop3A_1619 : vector<16xi32> to vector<16xf32>
          %parallel_loop3A_1621 = arith.constant 16 : i32
          %parallel_loop3A_1622 = vector.broadcast %parallel_loop3A_1621 : i32 to vector<16xi32>
          %parallel_loop3A_1623 = arith.shli %parallel_loop3A_1616, %parallel_loop3A_1622 : vector<16xi32>
          %parallel_loop3A_1624 = vector.bitcast %parallel_loop3A_1623 : vector<16xi32> to vector<16xf32>
          %parallel_loop3A_1625 = arith.constant 0 : i32
          %parallel_loop3A_1626 = arith.constant 0 : i32
          %parallel_loop3A_1627 = tpu.memref_slice %run_scoped3A_522[%rem3A_879, %parallel_loop3A_1625, %parallel_loop3A_1626] : memref<2x40x160xf32, #tpu.memory_space<vmem>> -> memref<1x40x160xf32, #tpu.memory_space<vmem>>
          %parallel_loop3A_1628 = tpu.memref_squeeze %parallel_loop3A_1627 : memref<1x40x160xf32, #tpu.memory_space<vmem>> -> memref<40x160xf32, #tpu.memory_space<vmem>>
          %parallel_loop3A_1629 = arith.index_cast %parallel_loop3A_1056 : i32 to index
          %parallel_loop3A_1630 = arith.constant 128 : index
          %parallel_loop3A_1631 = tpu.vector_load %parallel_loop3A_1628[%parallel_loop3A_1629, %parallel_loop3A_1630] {strides = array<i32>} : memref<40x160xf32, #tpu.memory_space<vmem>>, vector<16xf32>,
          %parallel_loop3A_1632 = arith.mulf %parallel_loop3A_1624, %parallel_loop3A_1631 : vector<16xf32>
          %parallel_loop3A_1633 = arith.addf %parallel_loop3A_1620, %parallel_loop3A_1632 : vector<16xf32>
          %parallel_loop3A_1634 = arith.constant 0 : i32
          %parallel_loop3A_1635 = arith.constant 0 : i32
          %parallel_loop3A_1636 = tpu.memref_slice %run_scoped3A_524[%rem3A_881, %parallel_loop3A_1634, %parallel_loop3A_1635] : memref<2x40x160xf32, #tpu.memory_space<vmem>> -> memref<1x40x160xf32, #tpu.memory_space<vmem>>
          %parallel_loop3A_1637 = tpu.memref_squeeze %parallel_loop3A_1636 : memref<1x40x160xf32, #tpu.memory_space<vmem>> -> memref<40x160xf32, #tpu.memory_space<vmem>>
          %parallel_loop3A_1638 = arith.index_cast %parallel_loop3A_1056 : i32 to index
          %parallel_loop3A_1639 = arith.constant 128 : index
          %parallel_loop3A_1640 = tpu.vector_load %parallel_loop3A_1637[%parallel_loop3A_1638, %parallel_loop3A_1639] {strides = array<i32>} : memref<40x160xf32, #tpu.memory_space<vmem>>, vector<16xf32>,
          %parallel_loop3A_1641 = arith.constant 5.000000e-01 : f32
          %parallel_loop3A_1642 = vector.broadcast %parallel_loop3A_1641 : f32 to vector<16xf32>
          %parallel_loop3A_1643 = arith.addf %parallel_loop3A_1642, %parallel_loop3A_1640 : vector<16xf32>
          %parallel_loop3A_1644 = arith.mulf %parallel_loop3A_1633, %parallel_loop3A_1643 : vector<16xf32>
          %parallel_loop3A_1645 = arith.constant 0 : i32
          %parallel_loop3A_1646 = arith.constant 0 : i32
          %parallel_loop3A_1647 = tpu.memref_slice %run_scoped3A_526[%rem3A_883, %parallel_loop3A_1645, %parallel_loop3A_1646] : memref<2x40x160xf32, #tpu.memory_space<vmem>> -> memref<1x40x160xf32, #tpu.memory_space<vmem>>
          %parallel_loop3A_1648 = tpu.memref_squeeze %parallel_loop3A_1647 : memref<1x40x160xf32, #tpu.memory_space<vmem>> -> memref<40x160xf32, #tpu.memory_space<vmem>>
          %parallel_loop3A_1649 = arith.index_cast %parallel_loop3A_1056 : i32 to index
          %parallel_loop3A_1650 = arith.constant 128 : index
          %parallel_loop3A_1651 = tpu.vector_load %parallel_loop3A_1648[%parallel_loop3A_1649, %parallel_loop3A_1650] {strides = array<i32>} : memref<40x160xf32, #tpu.memory_space<vmem>>, vector<16xf32>,
          %parallel_loop3A_1652 = arith.constant 6.500000e-01 : f32
          %parallel_loop3A_1653 = vector.broadcast %parallel_loop3A_1652 : f32 to vector<16xf32>
          %parallel_loop3A_1654 = arith.mulf %parallel_loop3A_1653, %parallel_loop3A_1651 : vector<16xf32>
          %parallel_loop3A_1655 = arith.constant 1.000000e-01 : f32
          %parallel_loop3A_1656 = vector.broadcast %parallel_loop3A_1655 : f32 to vector<16xf32>
          %parallel_loop3A_1657 = arith.addf %parallel_loop3A_1656, %parallel_loop3A_1654 : vector<16xf32>
          %parallel_loop3A_1658 = arith.mulf %parallel_loop3A_1644, %parallel_loop3A_1657 : vector<16xf32>
          %parallel_loop3A_1659 = vector.bitcast %parallel_loop3A_1658 : vector<16xf32> to vector<16xi32>
          %parallel_loop3A_1660 = arith.constant 32768 : i32
          %parallel_loop3A_1661 = vector.broadcast %parallel_loop3A_1660 : i32 to vector<16xi32>
          %parallel_loop3A_1662 = arith.addi %parallel_loop3A_1659, %parallel_loop3A_1661 : vector<16xi32>
          %parallel_loop3A_1663 = arith.constant -65536 : i32
          %parallel_loop3A_1664 = vector.broadcast %parallel_loop3A_1663 : i32 to vector<16xi32>
          %parallel_loop3A_1665 = arith.andi %parallel_loop3A_1662, %parallel_loop3A_1664 : vector<16xi32>
          %parallel_loop3A_1666 = arith.ori %parallel_loop3A_1665, %parallel_loop3A_1615 : vector<16xi32>
          %parallel_loop3A_1667 = arith.constant 160 : i32
          %parallel_loop3A_1668 = arith.muli %parallel_loop3A_1056, %parallel_loop3A_1667 : i32
          %parallel_loop3A_1669 = arith.constant 128 : i32
          %parallel_loop3A_1670 = arith.addi %parallel_loop3A_1668, %parallel_loop3A_1669 : i32
          %parallel_loop3A_1671 = tpu.memref_slice %run_scoped3A_528[%mul3A_887] : memref<12800xi32, #tpu.memory_space<vmem>> -> memref<6400xi32, #tpu.memory_space<vmem>>
          %parallel_loop3A_1672 = arith.index_cast %parallel_loop3A_1670 : i32 to index
          %parallel_loop3A_1673 = tpu.vector_load %parallel_loop3A_1671[%parallel_loop3A_1672] {strides = array<i32>} : memref<6400xi32, #tpu.memory_space<vmem>>, vector<16xi32>,
          tpu.vector_store %parallel_loop3A_1671[%parallel_loop3A_1672], %parallel_loop3A_1666 {strides = array<i32>} : memref<6400xi32, #tpu.memory_space<vmem>>, vector<16xi32>,
          %parallel_loop3A_1674 = arith.constant 16 : i32
          %parallel_loop3A_1675 = vector.broadcast %parallel_loop3A_1674 : i32 to vector<16xi32>
          %parallel_loop3A_1676 = arith.muli %parallel_loop3A_1615, %parallel_loop3A_1675 : vector<16xi32>
          %parallel_loop3A_1677 = arith.addi %parallel_loop3A_1676, %iota3A : vector<16xi32>
          tpu.vector_store_idx %arg10[%parallel_loop3A_1677], %parallel_loop3A_1658 {add = true} : memref<768xf32, #tpu.memory_space<vmem>>[vector<16xi32>], vector<16xf32>,
          tpu.vector_store_idx %arg11[%parallel_loop3A_1677], %broadcast_in_dim3A_7 {add = true} : memref<768xf32, #tpu.memory_space<vmem>>[vector<16xi32>], vector<16xf32>,
          %parallel_loop3A_1678 = arith.constant 0 : i32
          %parallel_loop3A_1679 = arith.constant 0 : i32
          %parallel_loop3A_1680 = tpu.memref_slice %run_scoped3A[%rem3A_877, %parallel_loop3A_1678, %parallel_loop3A_1679] : memref<2x40x160xi32, #tpu.memory_space<vmem>> -> memref<1x40x160xi32, #tpu.memory_space<vmem>>
          %parallel_loop3A_1681 = tpu.memref_squeeze %parallel_loop3A_1680 : memref<1x40x160xi32, #tpu.memory_space<vmem>> -> memref<40x160xi32, #tpu.memory_space<vmem>>
          %parallel_loop3A_1682 = arith.index_cast %parallel_loop3A_1056 : i32 to index
          %parallel_loop3A_1683 = arith.constant 144 : index
          %parallel_loop3A_1684 = tpu.vector_load %parallel_loop3A_1681[%parallel_loop3A_1682, %parallel_loop3A_1683] {strides = array<i32>} : memref<40x160xi32, #tpu.memory_space<vmem>>, vector<16xi32>,
          %parallel_loop3A_1685 = tpu.vector_load_idx %arg9[%parallel_loop3A_1684] : memref<48xi32, #tpu.memory_space<vmem>>[vector<16xi32>], vector<16xi32>,
          %parallel_loop3A_1686 = arith.constant -65536 : i32
          %parallel_loop3A_1687 = vector.broadcast %parallel_loop3A_1686 : i32 to vector<16xi32>
          %parallel_loop3A_1688 = arith.andi %parallel_loop3A_1685, %parallel_loop3A_1687 : vector<16xi32>
          %parallel_loop3A_1689 = vector.bitcast %parallel_loop3A_1688 : vector<16xi32> to vector<16xf32>
          %parallel_loop3A_1690 = arith.constant 16 : i32
          %parallel_loop3A_1691 = vector.broadcast %parallel_loop3A_1690 : i32 to vector<16xi32>
          %parallel_loop3A_1692 = arith.shli %parallel_loop3A_1685, %parallel_loop3A_1691 : vector<16xi32>
          %parallel_loop3A_1693 = vector.bitcast %parallel_loop3A_1692 : vector<16xi32> to vector<16xf32>
          %parallel_loop3A_1694 = arith.constant 0 : i32
          %parallel_loop3A_1695 = arith.constant 0 : i32
          %parallel_loop3A_1696 = tpu.memref_slice %run_scoped3A_522[%rem3A_879, %parallel_loop3A_1694, %parallel_loop3A_1695] : memref<2x40x160xf32, #tpu.memory_space<vmem>> -> memref<1x40x160xf32, #tpu.memory_space<vmem>>
          %parallel_loop3A_1697 = tpu.memref_squeeze %parallel_loop3A_1696 : memref<1x40x160xf32, #tpu.memory_space<vmem>> -> memref<40x160xf32, #tpu.memory_space<vmem>>
          %parallel_loop3A_1698 = arith.index_cast %parallel_loop3A_1056 : i32 to index
          %parallel_loop3A_1699 = arith.constant 144 : index
          %parallel_loop3A_1700 = tpu.vector_load %parallel_loop3A_1697[%parallel_loop3A_1698, %parallel_loop3A_1699] {strides = array<i32>} : memref<40x160xf32, #tpu.memory_space<vmem>>, vector<16xf32>,
          %parallel_loop3A_1701 = arith.mulf %parallel_loop3A_1693, %parallel_loop3A_1700 : vector<16xf32>
          %parallel_loop3A_1702 = arith.addf %parallel_loop3A_1689, %parallel_loop3A_1701 : vector<16xf32>
          %parallel_loop3A_1703 = arith.constant 0 : i32
          %parallel_loop3A_1704 = arith.constant 0 : i32
          %parallel_loop3A_1705 = tpu.memref_slice %run_scoped3A_524[%rem3A_881, %parallel_loop3A_1703, %parallel_loop3A_1704] : memref<2x40x160xf32, #tpu.memory_space<vmem>> -> memref<1x40x160xf32, #tpu.memory_space<vmem>>
          %parallel_loop3A_1706 = tpu.memref_squeeze %parallel_loop3A_1705 : memref<1x40x160xf32, #tpu.memory_space<vmem>> -> memref<40x160xf32, #tpu.memory_space<vmem>>
          %parallel_loop3A_1707 = arith.index_cast %parallel_loop3A_1056 : i32 to index
          %parallel_loop3A_1708 = arith.constant 144 : index
          %parallel_loop3A_1709 = tpu.vector_load %parallel_loop3A_1706[%parallel_loop3A_1707, %parallel_loop3A_1708] {strides = array<i32>} : memref<40x160xf32, #tpu.memory_space<vmem>>, vector<16xf32>,
          %parallel_loop3A_1710 = arith.constant 5.000000e-01 : f32
          %parallel_loop3A_1711 = vector.broadcast %parallel_loop3A_1710 : f32 to vector<16xf32>
          %parallel_loop3A_1712 = arith.addf %parallel_loop3A_1711, %parallel_loop3A_1709 : vector<16xf32>
          %parallel_loop3A_1713 = arith.mulf %parallel_loop3A_1702, %parallel_loop3A_1712 : vector<16xf32>
          %parallel_loop3A_1714 = arith.constant 0 : i32
          %parallel_loop3A_1715 = arith.constant 0 : i32
          %parallel_loop3A_1716 = tpu.memref_slice %run_scoped3A_526[%rem3A_883, %parallel_loop3A_1714, %parallel_loop3A_1715] : memref<2x40x160xf32, #tpu.memory_space<vmem>> -> memref<1x40x160xf32, #tpu.memory_space<vmem>>
          %parallel_loop3A_1717 = tpu.memref_squeeze %parallel_loop3A_1716 : memref<1x40x160xf32, #tpu.memory_space<vmem>> -> memref<40x160xf32, #tpu.memory_space<vmem>>
          %parallel_loop3A_1718 = arith.index_cast %parallel_loop3A_1056 : i32 to index
          %parallel_loop3A_1719 = arith.constant 144 : index
          %parallel_loop3A_1720 = tpu.vector_load %parallel_loop3A_1717[%parallel_loop3A_1718, %parallel_loop3A_1719] {strides = array<i32>} : memref<40x160xf32, #tpu.memory_space<vmem>>, vector<16xf32>,
          %parallel_loop3A_1721 = arith.constant 6.500000e-01 : f32
          %parallel_loop3A_1722 = vector.broadcast %parallel_loop3A_1721 : f32 to vector<16xf32>
          %parallel_loop3A_1723 = arith.mulf %parallel_loop3A_1722, %parallel_loop3A_1720 : vector<16xf32>
          %parallel_loop3A_1724 = arith.constant 1.000000e-01 : f32
          %parallel_loop3A_1725 = vector.broadcast %parallel_loop3A_1724 : f32 to vector<16xf32>
          %parallel_loop3A_1726 = arith.addf %parallel_loop3A_1725, %parallel_loop3A_1723 : vector<16xf32>
          %parallel_loop3A_1727 = arith.mulf %parallel_loop3A_1713, %parallel_loop3A_1726 : vector<16xf32>
          %parallel_loop3A_1728 = vector.bitcast %parallel_loop3A_1727 : vector<16xf32> to vector<16xi32>
          %parallel_loop3A_1729 = arith.constant 32768 : i32
          %parallel_loop3A_1730 = vector.broadcast %parallel_loop3A_1729 : i32 to vector<16xi32>
          %parallel_loop3A_1731 = arith.addi %parallel_loop3A_1728, %parallel_loop3A_1730 : vector<16xi32>
          %parallel_loop3A_1732 = arith.constant -65536 : i32
          %parallel_loop3A_1733 = vector.broadcast %parallel_loop3A_1732 : i32 to vector<16xi32>
          %parallel_loop3A_1734 = arith.andi %parallel_loop3A_1731, %parallel_loop3A_1733 : vector<16xi32>
          %parallel_loop3A_1735 = arith.ori %parallel_loop3A_1734, %parallel_loop3A_1684 : vector<16xi32>
          %parallel_loop3A_1736 = arith.constant 160 : i32
          %parallel_loop3A_1737 = arith.muli %parallel_loop3A_1056, %parallel_loop3A_1736 : i32
          %parallel_loop3A_1738 = arith.constant 144 : i32
          %parallel_loop3A_1739 = arith.addi %parallel_loop3A_1737, %parallel_loop3A_1738 : i32
          %parallel_loop3A_1740 = tpu.memref_slice %run_scoped3A_528[%mul3A_887] : memref<12800xi32, #tpu.memory_space<vmem>> -> memref<6400xi32, #tpu.memory_space<vmem>>
          %parallel_loop3A_1741 = arith.index_cast %parallel_loop3A_1739 : i32 to index
          %parallel_loop3A_1742 = tpu.vector_load %parallel_loop3A_1740[%parallel_loop3A_1741] {strides = array<i32>} : memref<6400xi32, #tpu.memory_space<vmem>>, vector<16xi32>,
          tpu.vector_store %parallel_loop3A_1740[%parallel_loop3A_1741], %parallel_loop3A_1735 {strides = array<i32>} : memref<6400xi32, #tpu.memory_space<vmem>>, vector<16xi32>,
          %parallel_loop3A_1743 = arith.constant 16 : i32
          %parallel_loop3A_1744 = vector.broadcast %parallel_loop3A_1743 : i32 to vector<16xi32>
          %parallel_loop3A_1745 = arith.muli %parallel_loop3A_1684, %parallel_loop3A_1744 : vector<16xi32>
          %parallel_loop3A_1746 = arith.addi %parallel_loop3A_1745, %iota3A : vector<16xi32>
          tpu.vector_store_idx %arg10[%parallel_loop3A_1746], %parallel_loop3A_1727 {add = true} : memref<768xf32, #tpu.memory_space<vmem>>[vector<16xi32>], vector<16xf32>,
          tpu.vector_store_idx %arg11[%parallel_loop3A_1746], %broadcast_in_dim3A_7 {add = true} : memref<768xf32, #tpu.memory_space<vmem>>[vector<16xi32>], vector<16xf32>,
        } {sc.loop_unroll_factor = 2 : i64, sc.parallel_access}
        "tpu.trace_stop"() : () -> ()
        %ne3A_890 = arith.cmpi ne, %add3A_732, %add3A_750 : i32
        %or3A_891 = arith.constant false
        %or3A_892 = arith.ori %or3A_891, %ne3A_890 : i1
        %or3A_893 = arith.constant false
        %or3A_894 = arith.ori %or3A_892, %or3A_893 : i1
        %or3A_895 = arith.ori %or3A_894, %eq3A_731 : i1
        %convert_element_type3A_896 = arith.extui %or3A_895 : i1 to i32
        %cond3A_897 = arith.constant 0 : i32
        %cond3A_898 = arith.cmpi ne, %convert_element_type3A_896, %cond3A_897 : i32
        scf.if %cond3A_898 {
        } else {
        }
        %and3A_899 = arith.constant false
        %and3A_900 = arith.andi %or3A_895, %and3A_899 : i1
        %ne3A_901 = arith.cmpi ne, %add3A_732, %add3A_750 : i32
        %or3A_902 = arith.constant false
        %or3A_903 = arith.ori %or3A_902, %ne3A_901 : i1
        %or3A_904 = arith.constant false
        %or3A_905 = arith.ori %or3A_903, %or3A_904 : i1
        %or3A_906 = arith.ori %or3A_905, %eq3A_731 : i1
        %convert_element_type3A_907 = arith.extui %or3A_906 : i1 to i32
        %cond3A_908 = arith.constant 0 : i32
        %cond3A_909 = arith.cmpi ne, %convert_element_type3A_907, %cond3A_908 : i32
        scf.if %cond3A_909 {
        } else {
        }
        %and3A_910 = arith.constant false
        %and3A_911 = arith.andi %or3A_906, %and3A_910 : i1
        %ne3A_912 = arith.cmpi ne, %add3A_732, %add3A_750 : i32
        %or3A_913 = arith.constant false
        %or3A_914 = arith.ori %or3A_913, %ne3A_912 : i1
        %or3A_915 = arith.constant false
        %or3A_916 = arith.ori %or3A_914, %or3A_915 : i1
        %or3A_917 = arith.ori %or3A_916, %eq3A_731 : i1
        %convert_element_type3A_918 = arith.extui %or3A_917 : i1 to i32
        %cond3A_919 = arith.constant 0 : i32
        %cond3A_920 = arith.cmpi ne, %convert_element_type3A_918, %cond3A_919 : i32
        scf.if %cond3A_920 {
        } else {
        }
        %and3A_921 = arith.constant false
        %and3A_922 = arith.andi %or3A_917, %and3A_921 : i1
        %ne3A_923 = arith.cmpi ne, %add3A_732, %add3A_750 : i32
        %or3A_924 = arith.constant false
        %or3A_925 = arith.ori %or3A_924, %ne3A_923 : i1
        %or3A_926 = arith.constant false
        %or3A_927 = arith.ori %or3A_925, %or3A_926 : i1
        %or3A_928 = arith.ori %or3A_927, %eq3A_731 : i1
        %convert_element_type3A_929 = arith.extui %or3A_928 : i1 to i32
        %cond3A_930 = arith.constant 0 : i32
        %cond3A_931 = arith.cmpi ne, %convert_element_type3A_929, %cond3A_930 : i32
        scf.if %cond3A_931 {
        } else {
        }
        %and3A_932 = arith.constant false
        %and3A_933 = arith.andi %or3A_928, %and3A_932 : i1
        %ne3A_934 = arith.cmpi ne, %add3A_732, %add3A_750 : i32
        %or3A_935 = arith.constant false
        %or3A_936 = arith.ori %or3A_935, %ne3A_934 : i1
        %or3A_937 = arith.ori %or3A_936, %eq3A_731 : i1
        %convert_element_type3A_938 = arith.extui %or3A_937 : i1 to i32
        %cond3A_939 = arith.constant 0 : i32
        %cond3A_940 = arith.cmpi ne, %convert_element_type3A_938, %cond3A_939 : i32
        scf.if %cond3A_940 {
          "tpu.trace_start"() <{level = 10 : i32, message = "ep_copy_out"}> : () -> ()
          %rem3A_1056 = arith.constant 2 : i32
          %rem3A_1057 = arith.remui %scan3A_725, %rem3A_1056 : i32
          %mul3A_1058 = arith.constant 6400 : i32
          %mul3A_1059 = arith.muli %mul3A_1058, %add3A_732 : i32
          %mul3A_1060 = arith.constant 6400 : i32
          %mul3A_1061 = arith.muli %rem3A_1057, %mul3A_1060 : i32
          %add3A_1062 = arith.constant 0 : i32
          %add3A_1063 = arith.addi %mul3A_1061, %add3A_1062 : i32
          %dma_start3A_1064 = tpu.memref_slice %run_scoped3A_528[%add3A_1063] : memref<12800xi32, #tpu.memory_space<vmem>> -> memref<6400xi32, #tpu.memory_space<vmem>>
          %dma_start3A_1065 = tpu.memref_slice %arg7[%mul3A_1059] : memref<8192000xi32, #tpu.memory_space<hbm>> -> memref<6400xi32, #tpu.memory_space<hbm>>
          %dma_start3A_1066 = tpu.memref_slice %run_scoped3A_529[%rem3A_1057] : memref<2x!tpu.dma_semaphore, #tpu.memory_space<semaphore_mem>> -> memref<1x!tpu.dma_semaphore, #tpu.memory_space<semaphore_mem>>
          %dma_start3A_1067 = tpu.memref_squeeze %dma_start3A_1066 : memref<1x!tpu.dma_semaphore, #tpu.memory_space<semaphore_mem>> -> memref<!tpu.dma_semaphore, #tpu.memory_space<semaphore_mem>>
          %dma_start3A_1068 = tpu.memref_slice %arg7[%mul3A_1059] : memref<8192000xi32, #tpu.memory_space<hbm>> -> memref<6400xi32, #tpu.memory_space<hbm>>
          %dma_start3A_1069 = tpu.memref_slice %run_scoped3A_528[%add3A_1063] : memref<12800xi32, #tpu.memory_space<vmem>> -> memref<6400xi32, #tpu.memory_space<vmem>>
          tpu.enqueue_dma source(%dma_start3A_1069 : memref<6400xi32, #tpu.memory_space<vmem>>) target(%dma_start3A_1068 : memref<6400xi32, #tpu.memory_space<hbm>>) target_semaphore(%dma_start3A_1067 : memref<!tpu.dma_semaphore, #tpu.memory_space<semaphore_mem>>)
          "tpu.trace_stop"() : () -> ()
        } else {
        }
        %and3A_941 = arith.constant true
        %and3A_942 = arith.andi %or3A_937, %and3A_941 : i1
        %add3A_943 = arith.constant 1 : i32
        %add3A_944 = arith.addi %scan3A_725, %add3A_943 : i32
        %select_n3A_945 = arith.select %and3A_942, %add3A_944, %scan3A_725 : i32
        %ne3A_946 = arith.cmpi ne, %add3A_732, %add3A_741 : i32
        %or3A_947 = arith.constant false
        %or3A_948 = arith.ori %or3A_947, %ne3A_946 : i1
        %or3A_949 = arith.constant false
        %or3A_950 = arith.ori %or3A_948, %or3A_949 : i1
        %not3A_951 = arith.constant true
        %not3A_952 = arith.xori %eq3A_729, %not3A_951 : i1
        %and3A_953 = arith.andi %or3A_950, %not3A_952 : i1
        %convert_element_type3A_954 = arith.extui %and3A_953 : i1 to i32
        %cond3A_955 = arith.constant 0 : i32
        %cond3A_956 = arith.cmpi ne, %convert_element_type3A_954, %cond3A_955 : i32
        scf.if %cond3A_956 {
        } else {
        }
        %and3A_957 = arith.constant false
        %and3A_958 = arith.andi %and3A_953, %and3A_957 : i1
        %ne3A_959 = arith.cmpi ne, %add3A_732, %add3A_741 : i32
        %or3A_960 = arith.constant false
        %or3A_961 = arith.ori %or3A_960, %ne3A_959 : i1
        %or3A_962 = arith.constant false
        %or3A_963 = arith.ori %or3A_961, %or3A_962 : i1
        %not3A_964 = arith.constant true
        %not3A_965 = arith.xori %eq3A_729, %not3A_964 : i1
        %and3A_966 = arith.andi %or3A_963, %not3A_965 : i1
        %convert_element_type3A_967 = arith.extui %and3A_966 : i1 to i32
        %cond3A_968 = arith.constant 0 : i32
        %cond3A_969 = arith.cmpi ne, %convert_element_type3A_967, %cond3A_968 : i32
        scf.if %cond3A_969 {
        } else {
        }
        %and3A_970 = arith.constant false
        %and3A_971 = arith.andi %and3A_966, %and3A_970 : i1
        %ne3A_972 = arith.cmpi ne, %add3A_732, %add3A_741 : i32
        %or3A_973 = arith.constant false
        %or3A_974 = arith.ori %or3A_973, %ne3A_972 : i1
        %or3A_975 = arith.constant false
        %or3A_976 = arith.ori %or3A_974, %or3A_975 : i1
        %not3A_977 = arith.constant true
        %not3A_978 = arith.xori %eq3A_729, %not3A_977 : i1
        %and3A_979 = arith.andi %or3A_976, %not3A_978 : i1
        %convert_element_type3A_980 = arith.extui %and3A_979 : i1 to i32
        %cond3A_981 = arith.constant 0 : i32
        %cond3A_982 = arith.cmpi ne, %convert_element_type3A_980, %cond3A_981 : i32
        scf.if %cond3A_982 {
        } else {
        }
        %and3A_983 = arith.constant false
        %and3A_984 = arith.andi %and3A_979, %and3A_983 : i1
        %ne3A_985 = arith.cmpi ne, %add3A_732, %add3A_741 : i32
        %or3A_986 = arith.constant false
        %or3A_987 = arith.ori %or3A_986, %ne3A_985 : i1
        %or3A_988 = arith.constant false
        %or3A_989 = arith.ori %or3A_987, %or3A_988 : i1
        %not3A_990 = arith.constant true
        %not3A_991 = arith.xori %eq3A_729, %not3A_990 : i1
        %and3A_992 = arith.andi %or3A_989, %not3A_991 : i1
        %convert_element_type3A_993 = arith.extui %and3A_992 : i1 to i32
        %cond3A_994 = arith.constant 0 : i32
        %cond3A_995 = arith.cmpi ne, %convert_element_type3A_993, %cond3A_994 : i32
        scf.if %cond3A_995 {
        } else {
        }
        %and3A_996 = arith.constant false
        %and3A_997 = arith.andi %and3A_992, %and3A_996 : i1
        %ne3A_998 = arith.cmpi ne, %add3A_732, %add3A_741 : i32
        %or3A_999 = arith.constant false
        %or3A_1000 = arith.ori %or3A_999, %ne3A_998 : i1
        %not3A_1001 = arith.constant true
        %not3A_1002 = arith.xori %eq3A_729, %not3A_1001 : i1
        %and3A_1003 = arith.andi %or3A_1000, %not3A_1002 : i1
        %convert_element_type3A_1004 = arith.extui %and3A_1003 : i1 to i32
        %cond3A_1005 = arith.constant 0 : i32
        %cond3A_1006 = arith.cmpi ne, %convert_element_type3A_1004, %cond3A_1005 : i32
        scf.if %cond3A_1006 {
          "tpu.trace_start"() <{level = 10 : i32, message = "ep_wait_out"}> : () -> ()
          %rem3A_1056 = arith.constant 2 : i32
          %rem3A_1057 = arith.remui %scan3A_726, %rem3A_1056 : i32
          %mul3A_1058 = arith.constant 6400 : i32
          %mul3A_1059 = arith.muli %mul3A_1058, %add3A_741 : i32
          %mul3A_1060 = arith.constant 6400 : i32
          %mul3A_1061 = arith.muli %rem3A_1057, %mul3A_1060 : i32
          %add3A_1062 = arith.constant 0 : i32
          %add3A_1063 = arith.addi %mul3A_1061, %add3A_1062 : i32
          %dma_wait3A_1064 = tpu.memref_slice %run_scoped3A_528[%add3A_1063] : memref<12800xi32, #tpu.memory_space<vmem>> -> memref<6400xi32, #tpu.memory_space<vmem>>
          %dma_wait3A_1065 = tpu.memref_slice %arg7[%mul3A_1059] : memref<8192000xi32, #tpu.memory_space<hbm>> -> memref<6400xi32, #tpu.memory_space<hbm>>
          %dma_wait3A_1066 = tpu.memref_slice %run_scoped3A_529[%rem3A_1057] : memref<2x!tpu.dma_semaphore, #tpu.memory_space<semaphore_mem>> -> memref<1x!tpu.dma_semaphore, #tpu.memory_space<semaphore_mem>>
          %dma_wait3A_1067 = tpu.memref_squeeze %dma_wait3A_1066 : memref<1x!tpu.dma_semaphore, #tpu.memory_space<semaphore_mem>> -> memref<!tpu.dma_semaphore, #tpu.memory_space<semaphore_mem>>
          %dma_wait3A_1068 = tpu.memref_slice %arg7[%mul3A_1059] : memref<8192000xi32, #tpu.memory_space<hbm>> -> memref<6400xi32, #tpu.memory_space<hbm>>
          %dma_wait3A_1069 = tpu.memref_slice %run_scoped3A_528[%add3A_1063] : memref<12800xi32, #tpu.memory_space<vmem>> -> memref<6400xi32, #tpu.memory_space<vmem>>
          tpu.wait_dma2 semaphore(%dma_wait3A_1067 : memref<!tpu.dma_semaphore, #tpu.memory_space<semaphore_mem>>) src(%dma_wait3A_1069 : memref<6400xi32, #tpu.memory_space<vmem>>) dst(%dma_wait3A_1068 : memref<6400xi32, #tpu.memory_space<hbm>>)
          "tpu.trace_stop"() : () -> ()
        } else {
        }
        %and3A_1007 = arith.constant true
        %and3A_1008 = arith.andi %and3A_1003, %and3A_1007 : i1
        %add3A_1009 = arith.constant 1 : i32
        %add3A_1010 = arith.addi %scan3A_726, %add3A_1009 : i32
        %select_n3A_1011 = arith.select %and3A_1008, %add3A_1010, %scan3A_726 : i32
        %ne3A_1012 = arith.cmpi ne, %add3A_732, %add3A_750 : i32
        %or3A_1013 = arith.constant false
        %or3A_1014 = arith.ori %or3A_1013, %ne3A_1012 : i1
        %or3A_1015 = arith.constant false
        %or3A_1016 = arith.ori %or3A_1014, %or3A_1015 : i1
        %or3A_1017 = arith.ori %or3A_1016, %eq3A_731 : i1
        %add3A_1018 = arith.constant 1 : i32
        %add3A_1019 = arith.addi %scan3A_718, %add3A_1018 : i32
        %select_n3A_1020 = arith.select %or3A_1017, %add3A_1019, %scan3A_718 : i32
        %ne3A_1021 = arith.cmpi ne, %add3A_732, %add3A_750 : i32
        %or3A_1022 = arith.constant false
        %or3A_1023 = arith.ori %or3A_1022, %ne3A_1021 : i1
        %or3A_1024 = arith.constant false
        %or3A_1025 = arith.ori %or3A_1023, %or3A_1024 : i1
        %or3A_1026 = arith.ori %or3A_1025, %eq3A_731 : i1
        %add3A_1027 = arith.constant 1 : i32
        %add3A_1028 = arith.addi %scan3A_720, %add3A_1027 : i32
        %select_n3A_1029 = arith.select %or3A_1026, %add3A_1028, %scan3A_720 : i32
        %ne3A_1030 = arith.cmpi ne, %add3A_732, %add3A_750 : i32
        %or3A_1031 = arith.constant false
        %or3A_1032 = arith.ori %or3A_1031, %ne3A_1030 : i1
        %or3A_1033 = arith.constant false
        %or3A_1034 = arith.ori %or3A_1032, %or3A_1033 : i1
        %or3A_1035 = arith.ori %or3A_1034, %eq3A_731 : i1
        %add3A_1036 = arith.constant 1 : i32
        %add3A_1037 = arith.addi %scan3A_722, %add3A_1036 : i32
        %select_n3A_1038 = arith.select %or3A_1035, %add3A_1037, %scan3A_722 : i32
        %ne3A_1039 = arith.cmpi ne, %add3A_732, %add3A_750 : i32
        %or3A_1040 = arith.constant false
        %or3A_1041 = arith.ori %or3A_1040, %ne3A_1039 : i1
        %or3A_1042 = arith.constant false
        %or3A_1043 = arith.ori %or3A_1041, %or3A_1042 : i1
        %or3A_1044 = arith.ori %or3A_1043, %eq3A_731 : i1
        %add3A_1045 = arith.constant 1 : i32
        %add3A_1046 = arith.addi %scan3A_724, %add3A_1045 : i32
        %select_n3A_1047 = arith.select %or3A_1044, %add3A_1046, %scan3A_724 : i32
        %add3A_1048 = arith.constant 1 : i32
        %add3A_1049 = arith.addi %scan3A_727, %add3A_1048 : i32
        %select_n3A_1050 = arith.constant true
        %select_n3A_1051 = arith.select %select_n3A_1050, %add3A_1049, %scan3A_727 : i32
        %eq3A_1052 = arith.constant 40 : i32
        %eq3A_1053 = arith.cmpi eq, %select_n3A_1051, %eq3A_1052 : i32
        %select_n3A_1054 = arith.constant 0 : i32
        %select_n3A_1055 = arith.select %eq3A_1053, %select_n3A_1054, %select_n3A_1051 : i32
        scf.yield %select_n3A_770, %select_n3A_1020, %select_n3A_788, %select_n3A_1029, %select_n3A_806, %select_n3A_1038, %select_n3A_824, %select_n3A_1047, %select_n3A_945, %select_n3A_1011, %select_n3A_1055 : i32, i32, i32, i32, i32, i32, i32, i32, i32, i32, i32
      }
      %scan3A_667 = arith.constant 40 : i32
      %sub3A = arith.constant 1 : i32
      %sub3A_668 = arith.subi %scan3A_666#10, %sub3A : i32
      %select_n3A_669 = arith.constant true
      %select_n3A_670 = arith.select %select_n3A_669, %sub3A_668, %scan3A_666#10 : i32
      %eq3A_671 = arith.constant -1 : i32
      %eq3A_672 = arith.cmpi eq, %select_n3A_670, %eq3A_671 : i32
      %select_n3A_673 = arith.constant 39 : i32
      %select_n3A_674 = arith.select %eq3A_672, %select_n3A_673, %select_n3A_670 : i32
      %add3A_675 = arith.addi %select_n3A_674, %mul3A_16 : i32
      %sub3A_676 = arith.constant 1 : i32
      %sub3A_677 = arith.subi %select_n3A_674, %sub3A_676 : i32
      %select_n3A_678 = arith.constant true
      %select_n3A_679 = arith.select %select_n3A_678, %sub3A_677, %select_n3A_674 : i32
      %eq3A_680 = arith.constant -1 : i32
      %eq3A_681 = arith.cmpi eq, %select_n3A_679, %eq3A_680 : i32
      %select_n3A_682 = arith.constant 39 : i32
      %select_n3A_683 = arith.select %eq3A_681, %select_n3A_682, %select_n3A_679 : i32
      %add3A_684 = arith.addi %select_n3A_683, %mul3A_16 : i32
      %add3A_685 = arith.constant 1 : i32
      %add3A_686 = arith.addi %select_n3A_674, %add3A_685 : i32
      %select_n3A_687 = arith.constant true
      %select_n3A_688 = arith.select %select_n3A_687, %add3A_686, %select_n3A_674 : i32
      %eq3A_689 = arith.constant 40 : i32
      %eq3A_690 = arith.cmpi eq, %select_n3A_688, %eq3A_689 : i32
      %select_n3A_691 = arith.constant 0 : i32
      %select_n3A_692 = arith.select %eq3A_690, %select_n3A_691, %select_n3A_688 : i32
      %add3A_693 = arith.addi %select_n3A_692, %mul3A_16 : i32
      %add3A_694 = arith.constant 1 : i32
      %add3A_695 = arith.addi %select_n3A_692, %add3A_694 : i32
      %select_n3A_696 = arith.constant true
      %select_n3A_697 = arith.select %select_n3A_696, %add3A_695, %select_n3A_692 : i32
      %eq3A_698 = arith.constant 40 : i32
      %eq3A_699 = arith.cmpi eq, %select_n3A_697, %eq3A_698 : i32
      %select_n3A_700 = arith.constant 0 : i32
      %select_n3A_701 = arith.select %eq3A_699, %select_n3A_700, %select_n3A_697 : i32
      %add3A_702 = arith.addi %select_n3A_701, %mul3A_16 : i32
      "tpu.trace_start"() <{level = 10 : i32, message = "ep_finalize"}> : () -> ()
      %rem3A_703 = arith.constant 2 : i32
      %rem3A_704 = arith.remui %scan3A_666#9, %rem3A_703 : i32
      %mul3A_705 = arith.constant 6400 : i32
      %mul3A_706 = arith.muli %mul3A_705, %add3A_675 : i32
      %mul3A_707 = arith.constant 6400 : i32
      %mul3A_708 = arith.muli %rem3A_704, %mul3A_707 : i32
      %add3A_709 = arith.constant 0 : i32
      %add3A_710 = arith.addi %mul3A_708, %add3A_709 : i32
      %dma_wait3A = tpu.memref_slice %run_scoped3A_528[%add3A_710] : memref<12800xi32, #tpu.memory_space<vmem>> -> memref<6400xi32, #tpu.memory_space<vmem>>
      %dma_wait3A_711 = tpu.memref_slice %arg7[%mul3A_706] : memref<8192000xi32, #tpu.memory_space<hbm>> -> memref<6400xi32, #tpu.memory_space<hbm>>
      %dma_wait3A_712 = tpu.memref_slice %run_scoped3A_529[%rem3A_704] : memref<2x!tpu.dma_semaphore, #tpu.memory_space<semaphore_mem>> -> memref<1x!tpu.dma_semaphore, #tpu.memory_space<semaphore_mem>>
      %dma_wait3A_713 = tpu.memref_squeeze %dma_wait3A_712 : memref<1x!tpu.dma_semaphore, #tpu.memory_space<semaphore_mem>> -> memref<!tpu.dma_semaphore, #tpu.memory_space<semaphore_mem>>
      %dma_wait3A_714 = tpu.memref_slice %arg7[%mul3A_706] : memref<8192000xi32, #tpu.memory_space<hbm>> -> memref<6400xi32, #tpu.memory_space<hbm>>
      %dma_wait3A_715 = tpu.memref_slice %run_scoped3A_528[%add3A_710] : memref<12800xi32, #tpu.memory_space<vmem>> -> memref<6400xi32, #tpu.memory_space<vmem>>
      tpu.wait_dma2 semaphore(%dma_wait3A_713 : memref<!tpu.dma_semaphore, #tpu.memory_space<semaphore_mem>>) src(%dma_wait3A_715 : memref<6400xi32, #tpu.memory_space<vmem>>) dst(%dma_wait3A_714 : memref<6400xi32, #tpu.memory_space<hbm>>)
      "tpu.trace_stop"() : () -> ()
      tpu.yield
    }) : () -> ()
    %iota3A_17 = tpu.iota {dimensions = array<i32: 0>} : vector<16xi32>
    %add3A_18 = arith.constant 0 : i32
    %add3A_19 = vector.broadcast %add3A_18 : i32 to vector<16xi32>
    %add3A_20 = arith.addi %iota3A_17, %add3A_19 : vector<16xi32>
    %mul3A_21 = arith.constant 16 : i32
    %mul3A_22 = vector.broadcast %mul3A_21 : i32 to vector<16xi32>
    %mul3A_23 = arith.muli %add3A_20, %mul3A_22 : vector<16xi32>
    %add3A_24 = arith.constant 0 : i32
    %add3A_25 = vector.broadcast %add3A_24 : i32 to vector<16xi32>
    %add3A_26 = arith.addi %mul3A_23, %add3A_25 : vector<16xi32>
    %gather3A = tpu.vector_load_idx %arg10[%add3A_26] : memref<768xf32, #tpu.memory_space<vmem>>[vector<16xi32>], vector<16xf32>,
    %add3A_27 = arith.addf %broadcast_in_dim3A_1, %gather3A : vector<16xf32>
    %gather3A_28 = tpu.vector_load_idx %arg11[%add3A_26] : memref<768xf32, #tpu.memory_space<vmem>>[vector<16xi32>], vector<16xf32>,
    %add3A_29 = arith.addf %broadcast_in_dim3A_1, %gather3A_28 : vector<16xf32>
    %mul3A_30 = arith.constant 16 : i32
    %mul3A_31 = vector.broadcast %mul3A_30 : i32 to vector<16xi32>
    %mul3A_32 = arith.muli %add3A_20, %mul3A_31 : vector<16xi32>
    %add3A_33 = arith.constant 1 : i32
    %add3A_34 = vector.broadcast %add3A_33 : i32 to vector<16xi32>
    %add3A_35 = arith.addi %mul3A_32, %add3A_34 : vector<16xi32>
    %gather3A_36 = tpu.vector_load_idx %arg10[%add3A_35] : memref<768xf32, #tpu.memory_space<vmem>>[vector<16xi32>], vector<16xf32>,
    %add3A_37 = arith.addf %add3A_27, %gather3A_36 : vector<16xf32>
    %gather3A_38 = tpu.vector_load_idx %arg11[%add3A_35] : memref<768xf32, #tpu.memory_space<vmem>>[vector<16xi32>], vector<16xf32>,
    %add3A_39 = arith.addf %add3A_29, %gather3A_38 : vector<16xf32>
    %mul3A_40 = arith.constant 16 : i32
    %mul3A_41 = vector.broadcast %mul3A_40 : i32 to vector<16xi32>
    %mul3A_42 = arith.muli %add3A_20, %mul3A_41 : vector<16xi32>
    %add3A_43 = arith.constant 2 : i32
    %add3A_44 = vector.broadcast %add3A_43 : i32 to vector<16xi32>
    %add3A_45 = arith.addi %mul3A_42, %add3A_44 : vector<16xi32>
    %gather3A_46 = tpu.vector_load_idx %arg10[%add3A_45] : memref<768xf32, #tpu.memory_space<vmem>>[vector<16xi32>], vector<16xf32>,
    %add3A_47 = arith.addf %add3A_37, %gather3A_46 : vector<16xf32>
    %gather3A_48 = tpu.vector_load_idx %arg11[%add3A_45] : memref<768xf32, #tpu.memory_space<vmem>>[vector<16xi32>], vector<16xf32>,
    %add3A_49 = arith.addf %add3A_39, %gather3A_48 : vector<16xf32>
    %mul3A_50 = arith.constant 16 : i32
    %mul3A_51 = vector.broadcast %mul3A_50 : i32 to vector<16xi32>
    %mul3A_52 = arith.muli %add3A_20, %mul3A_51 : vector<16xi32>
    %add3A_53 = arith.constant 3 : i32
    %add3A_54 = vector.broadcast %add3A_53 : i32 to vector<16xi32>
    %add3A_55 = arith.addi %mul3A_52, %add3A_54 : vector<16xi32>
    %gather3A_56 = tpu.vector_load_idx %arg10[%add3A_55] : memref<768xf32, #tpu.memory_space<vmem>>[vector<16xi32>], vector<16xf32>,
    %add3A_57 = arith.addf %add3A_47, %gather3A_56 : vector<16xf32>
    %gather3A_58 = tpu.vector_load_idx %arg11[%add3A_55] : memref<768xf32, #tpu.memory_space<vmem>>[vector<16xi32>], vector<16xf32>,
    %add3A_59 = arith.addf %add3A_49, %gather3A_58 : vector<16xf32>
    %mul3A_60 = arith.constant 16 : i32
    %mul3A_61 = vector.broadcast %mul3A_60 : i32 to vector<16xi32>
    %mul3A_62 = arith.muli %add3A_20, %mul3A_61 : vector<16xi32>
    %add3A_63 = arith.constant 4 : i32
    %add3A_64 = vector.broadcast %add3A_63 : i32 to vector<16xi32>
    %add3A_65 = arith.addi %mul3A_62, %add3A_64 : vector<16xi32>
    %gather3A_66 = tpu.vector_load_idx %arg10[%add3A_65] : memref<768xf32, #tpu.memory_space<vmem>>[vector<16xi32>], vector<16xf32>,
    %add3A_67 = arith.addf %add3A_57, %gather3A_66 : vector<16xf32>
    %gather3A_68 = tpu.vector_load_idx %arg11[%add3A_65] : memref<768xf32, #tpu.memory_space<vmem>>[vector<16xi32>], vector<16xf32>,
    %add3A_69 = arith.addf %add3A_59, %gather3A_68 : vector<16xf32>
    %mul3A_70 = arith.constant 16 : i32
    %mul3A_71 = vector.broadcast %mul3A_70 : i32 to vector<16xi32>
    %mul3A_72 = arith.muli %add3A_20, %mul3A_71 : vector<16xi32>
    %add3A_73 = arith.constant 5 : i32
    %add3A_74 = vector.broadcast %add3A_73 : i32 to vector<16xi32>
    %add3A_75 = arith.addi %mul3A_72, %add3A_74 : vector<16xi32>
    %gather3A_76 = tpu.vector_load_idx %arg10[%add3A_75] : memref<768xf32, #tpu.memory_space<vmem>>[vector<16xi32>], vector<16xf32>,
    %add3A_77 = arith.addf %add3A_67, %gather3A_76 : vector<16xf32>
    %gather3A_78 = tpu.vector_load_idx %arg11[%add3A_75] : memref<768xf32, #tpu.memory_space<vmem>>[vector<16xi32>], vector<16xf32>,
    %add3A_79 = arith.addf %add3A_69, %gather3A_78 : vector<16xf32>
    %mul3A_80 = arith.constant 16 : i32
    %mul3A_81 = vector.broadcast %mul3A_80 : i32 to vector<16xi32>
    %mul3A_82 = arith.muli %add3A_20, %mul3A_81 : vector<16xi32>
    %add3A_83 = arith.constant 6 : i32
    %add3A_84 = vector.broadcast %add3A_83 : i32 to vector<16xi32>
    %add3A_85 = arith.addi %mul3A_82, %add3A_84 : vector<16xi32>
    %gather3A_86 = tpu.vector_load_idx %arg10[%add3A_85] : memref<768xf32, #tpu.memory_space<vmem>>[vector<16xi32>], vector<16xf32>,
    %add3A_87 = arith.addf %add3A_77, %gather3A_86 : vector<16xf32>
    %gather3A_88 = tpu.vector_load_idx %arg11[%add3A_85] : memref<768xf32, #tpu.memory_space<vmem>>[vector<16xi32>], vector<16xf32>,
    %add3A_89 = arith.addf %add3A_79, %gather3A_88 : vector<16xf32>
    %mul3A_90 = arith.constant 16 : i32
    %mul3A_91 = vector.broadcast %mul3A_90 : i32 to vector<16xi32>
    %mul3A_92 = arith.muli %add3A_20, %mul3A_91 : vector<16xi32>
    %add3A_93 = arith.constant 7 : i32
    %add3A_94 = vector.broadcast %add3A_93 : i32 to vector<16xi32>
    %add3A_95 = arith.addi %mul3A_92, %add3A_94 : vector<16xi32>
    %gather3A_96 = tpu.vector_load_idx %arg10[%add3A_95] : memref<768xf32, #tpu.memory_space<vmem>>[vector<16xi32>], vector<16xf32>,
    %add3A_97 = arith.addf %add3A_87, %gather3A_96 : vector<16xf32>
    %gather3A_98 = tpu.vector_load_idx %arg11[%add3A_95] : memref<768xf32, #tpu.memory_space<vmem>>[vector<16xi32>], vector<16xf32>,
    %add3A_99 = arith.addf %add3A_89, %gather3A_98 : vector<16xf32>
    %mul3A_100 = arith.constant 16 : i32
    %mul3A_101 = vector.broadcast %mul3A_100 : i32 to vector<16xi32>
    %mul3A_102 = arith.muli %add3A_20, %mul3A_101 : vector<16xi32>
    %add3A_103 = arith.constant 8 : i32
    %add3A_104 = vector.broadcast %add3A_103 : i32 to vector<16xi32>
    %add3A_105 = arith.addi %mul3A_102, %add3A_104 : vector<16xi32>
    %gather3A_106 = tpu.vector_load_idx %arg10[%add3A_105] : memref<768xf32, #tpu.memory_space<vmem>>[vector<16xi32>], vector<16xf32>,
    %add3A_107 = arith.addf %add3A_97, %gather3A_106 : vector<16xf32>
    %gather3A_108 = tpu.vector_load_idx %arg11[%add3A_105] : memref<768xf32, #tpu.memory_space<vmem>>[vector<16xi32>], vector<16xf32>,
    %add3A_109 = arith.addf %add3A_99, %gather3A_108 : vector<16xf32>
    %mul3A_110 = arith.constant 16 : i32
    %mul3A_111 = vector.broadcast %mul3A_110 : i32 to vector<16xi32>
    %mul3A_112 = arith.muli %add3A_20, %mul3A_111 : vector<16xi32>
    %add3A_113 = arith.constant 9 : i32
    %add3A_114 = vector.broadcast %add3A_113 : i32 to vector<16xi32>
    %add3A_115 = arith.addi %mul3A_112, %add3A_114 : vector<16xi32>
    %gather3A_116 = tpu.vector_load_idx %arg10[%add3A_115] : memref<768xf32, #tpu.memory_space<vmem>>[vector<16xi32>], vector<16xf32>,
    %add3A_117 = arith.addf %add3A_107, %gather3A_116 : vector<16xf32>
    %gather3A_118 = tpu.vector_load_idx %arg11[%add3A_115] : memref<768xf32, #tpu.memory_space<vmem>>[vector<16xi32>], vector<16xf32>,
    %add3A_119 = arith.addf %add3A_109, %gather3A_118 : vector<16xf32>
    %mul3A_120 = arith.constant 16 : i32
    %mul3A_121 = vector.broadcast %mul3A_120 : i32 to vector<16xi32>
    %mul3A_122 = arith.muli %add3A_20, %mul3A_121 : vector<16xi32>
    %add3A_123 = arith.constant 10 : i32
    %add3A_124 = vector.broadcast %add3A_123 : i32 to vector<16xi32>
    %add3A_125 = arith.addi %mul3A_122, %add3A_124 : vector<16xi32>
    %gather3A_126 = tpu.vector_load_idx %arg10[%add3A_125] : memref<768xf32, #tpu.memory_space<vmem>>[vector<16xi32>], vector<16xf32>,
    %add3A_127 = arith.addf %add3A_117, %gather3A_126 : vector<16xf32>
    %gather3A_128 = tpu.vector_load_idx %arg11[%add3A_125] : memref<768xf32, #tpu.memory_space<vmem>>[vector<16xi32>], vector<16xf32>,
    %add3A_129 = arith.addf %add3A_119, %gather3A_128 : vector<16xf32>
    %mul3A_130 = arith.constant 16 : i32
    %mul3A_131 = vector.broadcast %mul3A_130 : i32 to vector<16xi32>
    %mul3A_132 = arith.muli %add3A_20, %mul3A_131 : vector<16xi32>
    %add3A_133 = arith.constant 11 : i32
    %add3A_134 = vector.broadcast %add3A_133 : i32 to vector<16xi32>
    %add3A_135 = arith.addi %mul3A_132, %add3A_134 : vector<16xi32>
    %gather3A_136 = tpu.vector_load_idx %arg10[%add3A_135] : memref<768xf32, #tpu.memory_space<vmem>>[vector<16xi32>], vector<16xf32>,
    %add3A_137 = arith.addf %add3A_127, %gather3A_136 : vector<16xf32>
    %gather3A_138 = tpu.vector_load_idx %arg11[%add3A_135] : memref<768xf32, #tpu.memory_space<vmem>>[vector<16xi32>], vector<16xf32>,
    %add3A_139 = arith.addf %add3A_129, %gather3A_138 : vector<16xf32>
    %mul3A_140 = arith.constant 16 : i32
    %mul3A_141 = vector.broadcast %mul3A_140 : i32 to vector<16xi32>
    %mul3A_142 = arith.muli %add3A_20, %mul3A_141 : vector<16xi32>
    %add3A_143 = arith.constant 12 : i32
    %add3A_144 = vector.broadcast %add3A_143 : i32 to vector<16xi32>
    %add3A_145 = arith.addi %mul3A_142, %add3A_144 : vector<16xi32>
    %gather3A_146 = tpu.vector_load_idx %arg10[%add3A_145] : memref<768xf32, #tpu.memory_space<vmem>>[vector<16xi32>], vector<16xf32>,
    %add3A_147 = arith.addf %add3A_137, %gather3A_146 : vector<16xf32>
    %gather3A_148 = tpu.vector_load_idx %arg11[%add3A_145] : memref<768xf32, #tpu.memory_space<vmem>>[vector<16xi32>], vector<16xf32>,
    %add3A_149 = arith.addf %add3A_139, %gather3A_148 : vector<16xf32>
    %mul3A_150 = arith.constant 16 : i32
    %mul3A_151 = vector.broadcast %mul3A_150 : i32 to vector<16xi32>
    %mul3A_152 = arith.muli %add3A_20, %mul3A_151 : vector<16xi32>
    %add3A_153 = arith.constant 13 : i32
    %add3A_154 = vector.broadcast %add3A_153 : i32 to vector<16xi32>
    %add3A_155 = arith.addi %mul3A_152, %add3A_154 : vector<16xi32>
    %gather3A_156 = tpu.vector_load_idx %arg10[%add3A_155] : memref<768xf32, #tpu.memory_space<vmem>>[vector<16xi32>], vector<16xf32>,
    %add3A_157 = arith.addf %add3A_147, %gather3A_156 : vector<16xf32>
    %gather3A_158 = tpu.vector_load_idx %arg11[%add3A_155] : memref<768xf32, #tpu.memory_space<vmem>>[vector<16xi32>], vector<16xf32>,
    %add3A_159 = arith.addf %add3A_149, %gather3A_158 : vector<16xf32>
    %mul3A_160 = arith.constant 16 : i32
    %mul3A_161 = vector.broadcast %mul3A_160 : i32 to vector<16xi32>
    %mul3A_162 = arith.muli %add3A_20, %mul3A_161 : vector<16xi32>
    %add3A_163 = arith.constant 14 : i32
    %add3A_164 = vector.broadcast %add3A_163 : i32 to vector<16xi32>
    %add3A_165 = arith.addi %mul3A_162, %add3A_164 : vector<16xi32>
    %gather3A_166 = tpu.vector_load_idx %arg10[%add3A_165] : memref<768xf32, #tpu.memory_space<vmem>>[vector<16xi32>], vector<16xf32>,
    %add3A_167 = arith.addf %add3A_157, %gather3A_166 : vector<16xf32>
    %gather3A_168 = tpu.vector_load_idx %arg11[%add3A_165] : memref<768xf32, #tpu.memory_space<vmem>>[vector<16xi32>], vector<16xf32>,
    %add3A_169 = arith.addf %add3A_159, %gather3A_168 : vector<16xf32>
    %mul3A_170 = arith.constant 16 : i32
    %mul3A_171 = vector.broadcast %mul3A_170 : i32 to vector<16xi32>
    %mul3A_172 = arith.muli %add3A_20, %mul3A_171 : vector<16xi32>
    %add3A_173 = arith.constant 15 : i32
    %add3A_174 = vector.broadcast %add3A_173 : i32 to vector<16xi32>
    %add3A_175 = arith.addi %mul3A_172, %add3A_174 : vector<16xi32>
    %gather3A_176 = tpu.vector_load_idx %arg10[%add3A_175] : memref<768xf32, #tpu.memory_space<vmem>>[vector<16xi32>], vector<16xf32>,
    %add3A_177 = arith.addf %add3A_167, %gather3A_176 : vector<16xf32>
    %gather3A_178 = tpu.vector_load_idx %arg11[%add3A_175] : memref<768xf32, #tpu.memory_space<vmem>>[vector<16xi32>], vector<16xf32>,
    %add3A_179 = arith.addf %add3A_169, %gather3A_178 : vector<16xf32>
    %swap3A = arith.constant 0 : index
    %swap3A_180 = tpu.vector_load %arg12[%swap3A] {strides = array<i32>} : memref<96xf32, #tpu.memory_space<vmem>>, vector<16xf32>,
    tpu.vector_store %arg12[%swap3A], %add3A_177 {strides = array<i32>} : memref<96xf32, #tpu.memory_space<vmem>>, vector<16xf32>,
    %swap3A_181 = arith.constant 48 : index
    %swap3A_182 = tpu.vector_load %arg12[%swap3A_181] {strides = array<i32>} : memref<96xf32, #tpu.memory_space<vmem>>, vector<16xf32>,
    tpu.vector_store %arg12[%swap3A_181], %add3A_179 {strides = array<i32>} : memref<96xf32, #tpu.memory_space<vmem>>, vector<16xf32>,
    %iota3A_183 = tpu.iota {dimensions = array<i32: 0>} : vector<16xi32>
    %add3A_184 = arith.constant 16 : i32
    %add3A_185 = vector.broadcast %add3A_184 : i32 to vector<16xi32>
    %add3A_186 = arith.addi %iota3A_183, %add3A_185 : vector<16xi32>
    %mul3A_187 = arith.constant 16 : i32
    %mul3A_188 = vector.broadcast %mul3A_187 : i32 to vector<16xi32>
    %mul3A_189 = arith.muli %add3A_186, %mul3A_188 : vector<16xi32>
    %add3A_190 = arith.constant 0 : i32
    %add3A_191 = vector.broadcast %add3A_190 : i32 to vector<16xi32>
    %add3A_192 = arith.addi %mul3A_189, %add3A_191 : vector<16xi32>
    %gather3A_193 = tpu.vector_load_idx %arg10[%add3A_192] : memref<768xf32, #tpu.memory_space<vmem>>[vector<16xi32>], vector<16xf32>,
    %add3A_194 = arith.addf %broadcast_in_dim3A_1, %gather3A_193 : vector<16xf32>
    %gather3A_195 = tpu.vector_load_idx %arg11[%add3A_192] : memref<768xf32, #tpu.memory_space<vmem>>[vector<16xi32>], vector<16xf32>,
    %add3A_196 = arith.addf %broadcast_in_dim3A_1, %gather3A_195 : vector<16xf32>
    %mul3A_197 = arith.constant 16 : i32
    %mul3A_198 = vector.broadcast %mul3A_197 : i32 to vector<16xi32>
    %mul3A_199 = arith.muli %add3A_186, %mul3A_198 : vector<16xi32>
    %add3A_200 = arith.constant 1 : i32
    %add3A_201 = vector.broadcast %add3A_200 : i32 to vector<16xi32>
    %add3A_202 = arith.addi %mul3A_199, %add3A_201 : vector<16xi32>
    %gather3A_203 = tpu.vector_load_idx %arg10[%add3A_202] : memref<768xf32, #tpu.memory_space<vmem>>[vector<16xi32>], vector<16xf32>,
    %add3A_204 = arith.addf %add3A_194, %gather3A_203 : vector<16xf32>
    %gather3A_205 = tpu.vector_load_idx %arg11[%add3A_202] : memref<768xf32, #tpu.memory_space<vmem>>[vector<16xi32>], vector<16xf32>,
    %add3A_206 = arith.addf %add3A_196, %gather3A_205 : vector<16xf32>
    %mul3A_207 = arith.constant 16 : i32
    %mul3A_208 = vector.broadcast %mul3A_207 : i32 to vector<16xi32>
    %mul3A_209 = arith.muli %add3A_186, %mul3A_208 : vector<16xi32>
    %add3A_210 = arith.constant 2 : i32
    %add3A_211 = vector.broadcast %add3A_210 : i32 to vector<16xi32>
    %add3A_212 = arith.addi %mul3A_209, %add3A_211 : vector<16xi32>
    %gather3A_213 = tpu.vector_load_idx %arg10[%add3A_212] : memref<768xf32, #tpu.memory_space<vmem>>[vector<16xi32>], vector<16xf32>,
    %add3A_214 = arith.addf %add3A_204, %gather3A_213 : vector<16xf32>
    %gather3A_215 = tpu.vector_load_idx %arg11[%add3A_212] : memref<768xf32, #tpu.memory_space<vmem>>[vector<16xi32>], vector<16xf32>,
    %add3A_216 = arith.addf %add3A_206, %gather3A_215 : vector<16xf32>
    %mul3A_217 = arith.constant 16 : i32
    %mul3A_218 = vector.broadcast %mul3A_217 : i32 to vector<16xi32>
    %mul3A_219 = arith.muli %add3A_186, %mul3A_218 : vector<16xi32>
    %add3A_220 = arith.constant 3 : i32
    %add3A_221 = vector.broadcast %add3A_220 : i32 to vector<16xi32>
    %add3A_222 = arith.addi %mul3A_219, %add3A_221 : vector<16xi32>
    %gather3A_223 = tpu.vector_load_idx %arg10[%add3A_222] : memref<768xf32, #tpu.memory_space<vmem>>[vector<16xi32>], vector<16xf32>,
    %add3A_224 = arith.addf %add3A_214, %gather3A_223 : vector<16xf32>
    %gather3A_225 = tpu.vector_load_idx %arg11[%add3A_222] : memref<768xf32, #tpu.memory_space<vmem>>[vector<16xi32>], vector<16xf32>,
    %add3A_226 = arith.addf %add3A_216, %gather3A_225 : vector<16xf32>
    %mul3A_227 = arith.constant 16 : i32
    %mul3A_228 = vector.broadcast %mul3A_227 : i32 to vector<16xi32>
    %mul3A_229 = arith.muli %add3A_186, %mul3A_228 : vector<16xi32>
    %add3A_230 = arith.constant 4 : i32
    %add3A_231 = vector.broadcast %add3A_230 : i32 to vector<16xi32>
    %add3A_232 = arith.addi %mul3A_229, %add3A_231 : vector<16xi32>
    %gather3A_233 = tpu.vector_load_idx %arg10[%add3A_232] : memref<768xf32, #tpu.memory_space<vmem>>[vector<16xi32>], vector<16xf32>,
    %add3A_234 = arith.addf %add3A_224, %gather3A_233 : vector<16xf32>
    %gather3A_235 = tpu.vector_load_idx %arg11[%add3A_232] : memref<768xf32, #tpu.memory_space<vmem>>[vector<16xi32>], vector<16xf32>,
    %add3A_236 = arith.addf %add3A_226, %gather3A_235 : vector<16xf32>
    %mul3A_237 = arith.constant 16 : i32
    %mul3A_238 = vector.broadcast %mul3A_237 : i32 to vector<16xi32>
    %mul3A_239 = arith.muli %add3A_186, %mul3A_238 : vector<16xi32>
    %add3A_240 = arith.constant 5 : i32
    %add3A_241 = vector.broadcast %add3A_240 : i32 to vector<16xi32>
    %add3A_242 = arith.addi %mul3A_239, %add3A_241 : vector<16xi32>
    %gather3A_243 = tpu.vector_load_idx %arg10[%add3A_242] : memref<768xf32, #tpu.memory_space<vmem>>[vector<16xi32>], vector<16xf32>,
    %add3A_244 = arith.addf %add3A_234, %gather3A_243 : vector<16xf32>
    %gather3A_245 = tpu.vector_load_idx %arg11[%add3A_242] : memref<768xf32, #tpu.memory_space<vmem>>[vector<16xi32>], vector<16xf32>,
    %add3A_246 = arith.addf %add3A_236, %gather3A_245 : vector<16xf32>
    %mul3A_247 = arith.constant 16 : i32
    %mul3A_248 = vector.broadcast %mul3A_247 : i32 to vector<16xi32>
    %mul3A_249 = arith.muli %add3A_186, %mul3A_248 : vector<16xi32>
    %add3A_250 = arith.constant 6 : i32
    %add3A_251 = vector.broadcast %add3A_250 : i32 to vector<16xi32>
    %add3A_252 = arith.addi %mul3A_249, %add3A_251 : vector<16xi32>
    %gather3A_253 = tpu.vector_load_idx %arg10[%add3A_252] : memref<768xf32, #tpu.memory_space<vmem>>[vector<16xi32>], vector<16xf32>,
    %add3A_254 = arith.addf %add3A_244, %gather3A_253 : vector<16xf32>
    %gather3A_255 = tpu.vector_load_idx %arg11[%add3A_252] : memref<768xf32, #tpu.memory_space<vmem>>[vector<16xi32>], vector<16xf32>,
    %add3A_256 = arith.addf %add3A_246, %gather3A_255 : vector<16xf32>
    %mul3A_257 = arith.constant 16 : i32
    %mul3A_258 = vector.broadcast %mul3A_257 : i32 to vector<16xi32>
    %mul3A_259 = arith.muli %add3A_186, %mul3A_258 : vector<16xi32>
    %add3A_260 = arith.constant 7 : i32
    %add3A_261 = vector.broadcast %add3A_260 : i32 to vector<16xi32>
    %add3A_262 = arith.addi %mul3A_259, %add3A_261 : vector<16xi32>
    %gather3A_263 = tpu.vector_load_idx %arg10[%add3A_262] : memref<768xf32, #tpu.memory_space<vmem>>[vector<16xi32>], vector<16xf32>,
    %add3A_264 = arith.addf %add3A_254, %gather3A_263 : vector<16xf32>
    %gather3A_265 = tpu.vector_load_idx %arg11[%add3A_262] : memref<768xf32, #tpu.memory_space<vmem>>[vector<16xi32>], vector<16xf32>,
    %add3A_266 = arith.addf %add3A_256, %gather3A_265 : vector<16xf32>
    %mul3A_267 = arith.constant 16 : i32
    %mul3A_268 = vector.broadcast %mul3A_267 : i32 to vector<16xi32>
    %mul3A_269 = arith.muli %add3A_186, %mul3A_268 : vector<16xi32>
    %add3A_270 = arith.constant 8 : i32
    %add3A_271 = vector.broadcast %add3A_270 : i32 to vector<16xi32>
    %add3A_272 = arith.addi %mul3A_269, %add3A_271 : vector<16xi32>
    %gather3A_273 = tpu.vector_load_idx %arg10[%add3A_272] : memref<768xf32, #tpu.memory_space<vmem>>[vector<16xi32>], vector<16xf32>,
    %add3A_274 = arith.addf %add3A_264, %gather3A_273 : vector<16xf32>
    %gather3A_275 = tpu.vector_load_idx %arg11[%add3A_272] : memref<768xf32, #tpu.memory_space<vmem>>[vector<16xi32>], vector<16xf32>,
    %add3A_276 = arith.addf %add3A_266, %gather3A_275 : vector<16xf32>
    %mul3A_277 = arith.constant 16 : i32
    %mul3A_278 = vector.broadcast %mul3A_277 : i32 to vector<16xi32>
    %mul3A_279 = arith.muli %add3A_186, %mul3A_278 : vector<16xi32>
    %add3A_280 = arith.constant 9 : i32
    %add3A_281 = vector.broadcast %add3A_280 : i32 to vector<16xi32>
    %add3A_282 = arith.addi %mul3A_279, %add3A_281 : vector<16xi32>
    %gather3A_283 = tpu.vector_load_idx %arg10[%add3A_282] : memref<768xf32, #tpu.memory_space<vmem>>[vector<16xi32>], vector<16xf32>,
    %add3A_284 = arith.addf %add3A_274, %gather3A_283 : vector<16xf32>
    %gather3A_285 = tpu.vector_load_idx %arg11[%add3A_282] : memref<768xf32, #tpu.memory_space<vmem>>[vector<16xi32>], vector<16xf32>,
    %add3A_286 = arith.addf %add3A_276, %gather3A_285 : vector<16xf32>
    %mul3A_287 = arith.constant 16 : i32
    %mul3A_288 = vector.broadcast %mul3A_287 : i32 to vector<16xi32>
    %mul3A_289 = arith.muli %add3A_186, %mul3A_288 : vector<16xi32>
    %add3A_290 = arith.constant 10 : i32
    %add3A_291 = vector.broadcast %add3A_290 : i32 to vector<16xi32>
    %add3A_292 = arith.addi %mul3A_289, %add3A_291 : vector<16xi32>
    %gather3A_293 = tpu.vector_load_idx %arg10[%add3A_292] : memref<768xf32, #tpu.memory_space<vmem>>[vector<16xi32>], vector<16xf32>,
    %add3A_294 = arith.addf %add3A_284, %gather3A_293 : vector<16xf32>
    %gather3A_295 = tpu.vector_load_idx %arg11[%add3A_292] : memref<768xf32, #tpu.memory_space<vmem>>[vector<16xi32>], vector<16xf32>,
    %add3A_296 = arith.addf %add3A_286, %gather3A_295 : vector<16xf32>
    %mul3A_297 = arith.constant 16 : i32
    %mul3A_298 = vector.broadcast %mul3A_297 : i32 to vector<16xi32>
    %mul3A_299 = arith.muli %add3A_186, %mul3A_298 : vector<16xi32>
    %add3A_300 = arith.constant 11 : i32
    %add3A_301 = vector.broadcast %add3A_300 : i32 to vector<16xi32>
    %add3A_302 = arith.addi %mul3A_299, %add3A_301 : vector<16xi32>
    %gather3A_303 = tpu.vector_load_idx %arg10[%add3A_302] : memref<768xf32, #tpu.memory_space<vmem>>[vector<16xi32>], vector<16xf32>,
    %add3A_304 = arith.addf %add3A_294, %gather3A_303 : vector<16xf32>
    %gather3A_305 = tpu.vector_load_idx %arg11[%add3A_302] : memref<768xf32, #tpu.memory_space<vmem>>[vector<16xi32>], vector<16xf32>,
    %add3A_306 = arith.addf %add3A_296, %gather3A_305 : vector<16xf32>
    %mul3A_307 = arith.constant 16 : i32
    %mul3A_308 = vector.broadcast %mul3A_307 : i32 to vector<16xi32>
    %mul3A_309 = arith.muli %add3A_186, %mul3A_308 : vector<16xi32>
    %add3A_310 = arith.constant 12 : i32
    %add3A_311 = vector.broadcast %add3A_310 : i32 to vector<16xi32>
    %add3A_312 = arith.addi %mul3A_309, %add3A_311 : vector<16xi32>
    %gather3A_313 = tpu.vector_load_idx %arg10[%add3A_312] : memref<768xf32, #tpu.memory_space<vmem>>[vector<16xi32>], vector<16xf32>,
    %add3A_314 = arith.addf %add3A_304, %gather3A_313 : vector<16xf32>
    %gather3A_315 = tpu.vector_load_idx %arg11[%add3A_312] : memref<768xf32, #tpu.memory_space<vmem>>[vector<16xi32>], vector<16xf32>,
    %add3A_316 = arith.addf %add3A_306, %gather3A_315 : vector<16xf32>
    %mul3A_317 = arith.constant 16 : i32
    %mul3A_318 = vector.broadcast %mul3A_317 : i32 to vector<16xi32>
    %mul3A_319 = arith.muli %add3A_186, %mul3A_318 : vector<16xi32>
    %add3A_320 = arith.constant 13 : i32
    %add3A_321 = vector.broadcast %add3A_320 : i32 to vector<16xi32>
    %add3A_322 = arith.addi %mul3A_319, %add3A_321 : vector<16xi32>
    %gather3A_323 = tpu.vector_load_idx %arg10[%add3A_322] : memref<768xf32, #tpu.memory_space<vmem>>[vector<16xi32>], vector<16xf32>,
    %add3A_324 = arith.addf %add3A_314, %gather3A_323 : vector<16xf32>
    %gather3A_325 = tpu.vector_load_idx %arg11[%add3A_322] : memref<768xf32, #tpu.memory_space<vmem>>[vector<16xi32>], vector<16xf32>,
    %add3A_326 = arith.addf %add3A_316, %gather3A_325 : vector<16xf32>
    %mul3A_327 = arith.constant 16 : i32
    %mul3A_328 = vector.broadcast %mul3A_327 : i32 to vector<16xi32>
    %mul3A_329 = arith.muli %add3A_186, %mul3A_328 : vector<16xi32>
    %add3A_330 = arith.constant 14 : i32
    %add3A_331 = vector.broadcast %add3A_330 : i32 to vector<16xi32>
    %add3A_332 = arith.addi %mul3A_329, %add3A_331 : vector<16xi32>
    %gather3A_333 = tpu.vector_load_idx %arg10[%add3A_332] : memref<768xf32, #tpu.memory_space<vmem>>[vector<16xi32>], vector<16xf32>,
    %add3A_334 = arith.addf %add3A_324, %gather3A_333 : vector<16xf32>
    %gather3A_335 = tpu.vector_load_idx %arg11[%add3A_332] : memref<768xf32, #tpu.memory_space<vmem>>[vector<16xi32>], vector<16xf32>,
    %add3A_336 = arith.addf %add3A_326, %gather3A_335 : vector<16xf32>
    %mul3A_337 = arith.constant 16 : i32
    %mul3A_338 = vector.broadcast %mul3A_337 : i32 to vector<16xi32>
    %mul3A_339 = arith.muli %add3A_186, %mul3A_338 : vector<16xi32>
    %add3A_340 = arith.constant 15 : i32
    %add3A_341 = vector.broadcast %add3A_340 : i32 to vector<16xi32>
    %add3A_342 = arith.addi %mul3A_339, %add3A_341 : vector<16xi32>
    %gather3A_343 = tpu.vector_load_idx %arg10[%add3A_342] : memref<768xf32, #tpu.memory_space<vmem>>[vector<16xi32>], vector<16xf32>,
    %add3A_344 = arith.addf %add3A_334, %gather3A_343 : vector<16xf32>
    %gather3A_345 = tpu.vector_load_idx %arg11[%add3A_342] : memref<768xf32, #tpu.memory_space<vmem>>[vector<16xi32>], vector<16xf32>,
    %add3A_346 = arith.addf %add3A_336, %gather3A_345 : vector<16xf32>
    %swap3A_347 = arith.constant 16 : index
    %swap3A_348 = tpu.vector_load %arg12[%swap3A_347] {strides = array<i32>} : memref<96xf32, #tpu.memory_space<vmem>>, vector<16xf32>,
    tpu.vector_store %arg12[%swap3A_347], %add3A_344 {strides = array<i32>} : memref<96xf32, #tpu.memory_space<vmem>>, vector<16xf32>,
    %swap3A_349 = arith.constant 64 : index
    %swap3A_350 = tpu.vector_load %arg12[%swap3A_349] {strides = array<i32>} : memref<96xf32, #tpu.memory_space<vmem>>, vector<16xf32>,
    tpu.vector_store %arg12[%swap3A_349], %add3A_346 {strides = array<i32>} : memref<96xf32, #tpu.memory_space<vmem>>, vector<16xf32>,
    %iota3A_351 = tpu.iota {dimensions = array<i32: 0>} : vector<16xi32>
    %add3A_352 = arith.constant 32 : i32
    %add3A_353 = vector.broadcast %add3A_352 : i32 to vector<16xi32>
    %add3A_354 = arith.addi %iota3A_351, %add3A_353 : vector<16xi32>
    %mul3A_355 = arith.constant 16 : i32
    %mul3A_356 = vector.broadcast %mul3A_355 : i32 to vector<16xi32>
    %mul3A_357 = arith.muli %add3A_354, %mul3A_356 : vector<16xi32>
    %add3A_358 = arith.constant 0 : i32
    %add3A_359 = vector.broadcast %add3A_358 : i32 to vector<16xi32>
    %add3A_360 = arith.addi %mul3A_357, %add3A_359 : vector<16xi32>
    %gather3A_361 = tpu.vector_load_idx %arg10[%add3A_360] : memref<768xf32, #tpu.memory_space<vmem>>[vector<16xi32>], vector<16xf32>,
    %add3A_362 = arith.addf %broadcast_in_dim3A_1, %gather3A_361 : vector<16xf32>
    %gather3A_363 = tpu.vector_load_idx %arg11[%add3A_360] : memref<768xf32, #tpu.memory_space<vmem>>[vector<16xi32>], vector<16xf32>,
    %add3A_364 = arith.addf %broadcast_in_dim3A_1, %gather3A_363 : vector<16xf32>
    %mul3A_365 = arith.constant 16 : i32
    %mul3A_366 = vector.broadcast %mul3A_365 : i32 to vector<16xi32>
    %mul3A_367 = arith.muli %add3A_354, %mul3A_366 : vector<16xi32>
    %add3A_368 = arith.constant 1 : i32
    %add3A_369 = vector.broadcast %add3A_368 : i32 to vector<16xi32>
    %add3A_370 = arith.addi %mul3A_367, %add3A_369 : vector<16xi32>
    %gather3A_371 = tpu.vector_load_idx %arg10[%add3A_370] : memref<768xf32, #tpu.memory_space<vmem>>[vector<16xi32>], vector<16xf32>,
    %add3A_372 = arith.addf %add3A_362, %gather3A_371 : vector<16xf32>
    %gather3A_373 = tpu.vector_load_idx %arg11[%add3A_370] : memref<768xf32, #tpu.memory_space<vmem>>[vector<16xi32>], vector<16xf32>,
    %add3A_374 = arith.addf %add3A_364, %gather3A_373 : vector<16xf32>
    %mul3A_375 = arith.constant 16 : i32
    %mul3A_376 = vector.broadcast %mul3A_375 : i32 to vector<16xi32>
    %mul3A_377 = arith.muli %add3A_354, %mul3A_376 : vector<16xi32>
    %add3A_378 = arith.constant 2 : i32
    %add3A_379 = vector.broadcast %add3A_378 : i32 to vector<16xi32>
    %add3A_380 = arith.addi %mul3A_377, %add3A_379 : vector<16xi32>
    %gather3A_381 = tpu.vector_load_idx %arg10[%add3A_380] : memref<768xf32, #tpu.memory_space<vmem>>[vector<16xi32>], vector<16xf32>,
    %add3A_382 = arith.addf %add3A_372, %gather3A_381 : vector<16xf32>
    %gather3A_383 = tpu.vector_load_idx %arg11[%add3A_380] : memref<768xf32, #tpu.memory_space<vmem>>[vector<16xi32>], vector<16xf32>,
    %add3A_384 = arith.addf %add3A_374, %gather3A_383 : vector<16xf32>
    %mul3A_385 = arith.constant 16 : i32
    %mul3A_386 = vector.broadcast %mul3A_385 : i32 to vector<16xi32>
    %mul3A_387 = arith.muli %add3A_354, %mul3A_386 : vector<16xi32>
    %add3A_388 = arith.constant 3 : i32
    %add3A_389 = vector.broadcast %add3A_388 : i32 to vector<16xi32>
    %add3A_390 = arith.addi %mul3A_387, %add3A_389 : vector<16xi32>
    %gather3A_391 = tpu.vector_load_idx %arg10[%add3A_390] : memref<768xf32, #tpu.memory_space<vmem>>[vector<16xi32>], vector<16xf32>,
    %add3A_392 = arith.addf %add3A_382, %gather3A_391 : vector<16xf32>
    %gather3A_393 = tpu.vector_load_idx %arg11[%add3A_390] : memref<768xf32, #tpu.memory_space<vmem>>[vector<16xi32>], vector<16xf32>,
    %add3A_394 = arith.addf %add3A_384, %gather3A_393 : vector<16xf32>
    %mul3A_395 = arith.constant 16 : i32
    %mul3A_396 = vector.broadcast %mul3A_395 : i32 to vector<16xi32>
    %mul3A_397 = arith.muli %add3A_354, %mul3A_396 : vector<16xi32>
    %add3A_398 = arith.constant 4 : i32
    %add3A_399 = vector.broadcast %add3A_398 : i32 to vector<16xi32>
    %add3A_400 = arith.addi %mul3A_397, %add3A_399 : vector<16xi32>
    %gather3A_401 = tpu.vector_load_idx %arg10[%add3A_400] : memref<768xf32, #tpu.memory_space<vmem>>[vector<16xi32>], vector<16xf32>,
    %add3A_402 = arith.addf %add3A_392, %gather3A_401 : vector<16xf32>
    %gather3A_403 = tpu.vector_load_idx %arg11[%add3A_400] : memref<768xf32, #tpu.memory_space<vmem>>[vector<16xi32>], vector<16xf32>,
    %add3A_404 = arith.addf %add3A_394, %gather3A_403 : vector<16xf32>
    %mul3A_405 = arith.constant 16 : i32
    %mul3A_406 = vector.broadcast %mul3A_405 : i32 to vector<16xi32>
    %mul3A_407 = arith.muli %add3A_354, %mul3A_406 : vector<16xi32>
    %add3A_408 = arith.constant 5 : i32
    %add3A_409 = vector.broadcast %add3A_408 : i32 to vector<16xi32>
    %add3A_410 = arith.addi %mul3A_407, %add3A_409 : vector<16xi32>
    %gather3A_411 = tpu.vector_load_idx %arg10[%add3A_410] : memref<768xf32, #tpu.memory_space<vmem>>[vector<16xi32>], vector<16xf32>,
    %add3A_412 = arith.addf %add3A_402, %gather3A_411 : vector<16xf32>
    %gather3A_413 = tpu.vector_load_idx %arg11[%add3A_410] : memref<768xf32, #tpu.memory_space<vmem>>[vector<16xi32>], vector<16xf32>,
    %add3A_414 = arith.addf %add3A_404, %gather3A_413 : vector<16xf32>
    %mul3A_415 = arith.constant 16 : i32
    %mul3A_416 = vector.broadcast %mul3A_415 : i32 to vector<16xi32>
    %mul3A_417 = arith.muli %add3A_354, %mul3A_416 : vector<16xi32>
    %add3A_418 = arith.constant 6 : i32
    %add3A_419 = vector.broadcast %add3A_418 : i32 to vector<16xi32>
    %add3A_420 = arith.addi %mul3A_417, %add3A_419 : vector<16xi32>
    %gather3A_421 = tpu.vector_load_idx %arg10[%add3A_420] : memref<768xf32, #tpu.memory_space<vmem>>[vector<16xi32>], vector<16xf32>,
    %add3A_422 = arith.addf %add3A_412, %gather3A_421 : vector<16xf32>
    %gather3A_423 = tpu.vector_load_idx %arg11[%add3A_420] : memref<768xf32, #tpu.memory_space<vmem>>[vector<16xi32>], vector<16xf32>,
    %add3A_424 = arith.addf %add3A_414, %gather3A_423 : vector<16xf32>
    %mul3A_425 = arith.constant 16 : i32
    %mul3A_426 = vector.broadcast %mul3A_425 : i32 to vector<16xi32>
    %mul3A_427 = arith.muli %add3A_354, %mul3A_426 : vector<16xi32>
    %add3A_428 = arith.constant 7 : i32
    %add3A_429 = vector.broadcast %add3A_428 : i32 to vector<16xi32>
    %add3A_430 = arith.addi %mul3A_427, %add3A_429 : vector<16xi32>
    %gather3A_431 = tpu.vector_load_idx %arg10[%add3A_430] : memref<768xf32, #tpu.memory_space<vmem>>[vector<16xi32>], vector<16xf32>,
    %add3A_432 = arith.addf %add3A_422, %gather3A_431 : vector<16xf32>
    %gather3A_433 = tpu.vector_load_idx %arg11[%add3A_430] : memref<768xf32, #tpu.memory_space<vmem>>[vector<16xi32>], vector<16xf32>,
    %add3A_434 = arith.addf %add3A_424, %gather3A_433 : vector<16xf32>
    %mul3A_435 = arith.constant 16 : i32
    %mul3A_436 = vector.broadcast %mul3A_435 : i32 to vector<16xi32>
    %mul3A_437 = arith.muli %add3A_354, %mul3A_436 : vector<16xi32>
    %add3A_438 = arith.constant 8 : i32
    %add3A_439 = vector.broadcast %add3A_438 : i32 to vector<16xi32>
    %add3A_440 = arith.addi %mul3A_437, %add3A_439 : vector<16xi32>
    %gather3A_441 = tpu.vector_load_idx %arg10[%add3A_440] : memref<768xf32, #tpu.memory_space<vmem>>[vector<16xi32>], vector<16xf32>,
    %add3A_442 = arith.addf %add3A_432, %gather3A_441 : vector<16xf32>
    %gather3A_443 = tpu.vector_load_idx %arg11[%add3A_440] : memref<768xf32, #tpu.memory_space<vmem>>[vector<16xi32>], vector<16xf32>,
    %add3A_444 = arith.addf %add3A_434, %gather3A_443 : vector<16xf32>
    %mul3A_445 = arith.constant 16 : i32
    %mul3A_446 = vector.broadcast %mul3A_445 : i32 to vector<16xi32>
    %mul3A_447 = arith.muli %add3A_354, %mul3A_446 : vector<16xi32>
    %add3A_448 = arith.constant 9 : i32
    %add3A_449 = vector.broadcast %add3A_448 : i32 to vector<16xi32>
    %add3A_450 = arith.addi %mul3A_447, %add3A_449 : vector<16xi32>
    %gather3A_451 = tpu.vector_load_idx %arg10[%add3A_450] : memref<768xf32, #tpu.memory_space<vmem>>[vector<16xi32>], vector<16xf32>,
    %add3A_452 = arith.addf %add3A_442, %gather3A_451 : vector<16xf32>
    %gather3A_453 = tpu.vector_load_idx %arg11[%add3A_450] : memref<768xf32, #tpu.memory_space<vmem>>[vector<16xi32>], vector<16xf32>,
    %add3A_454 = arith.addf %add3A_444, %gather3A_453 : vector<16xf32>
    %mul3A_455 = arith.constant 16 : i32
    %mul3A_456 = vector.broadcast %mul3A_455 : i32 to vector<16xi32>
    %mul3A_457 = arith.muli %add3A_354, %mul3A_456 : vector<16xi32>
    %add3A_458 = arith.constant 10 : i32
    %add3A_459 = vector.broadcast %add3A_458 : i32 to vector<16xi32>
    %add3A_460 = arith.addi %mul3A_457, %add3A_459 : vector<16xi32>
    %gather3A_461 = tpu.vector_load_idx %arg10[%add3A_460] : memref<768xf32, #tpu.memory_space<vmem>>[vector<16xi32>], vector<16xf32>,
    %add3A_462 = arith.addf %add3A_452, %gather3A_461 : vector<16xf32>
    %gather3A_463 = tpu.vector_load_idx %arg11[%add3A_460] : memref<768xf32, #tpu.memory_space<vmem>>[vector<16xi32>], vector<16xf32>,
    %add3A_464 = arith.addf %add3A_454, %gather3A_463 : vector<16xf32>
    %mul3A_465 = arith.constant 16 : i32
    %mul3A_466 = vector.broadcast %mul3A_465 : i32 to vector<16xi32>
    %mul3A_467 = arith.muli %add3A_354, %mul3A_466 : vector<16xi32>
    %add3A_468 = arith.constant 11 : i32
    %add3A_469 = vector.broadcast %add3A_468 : i32 to vector<16xi32>
    %add3A_470 = arith.addi %mul3A_467, %add3A_469 : vector<16xi32>
    %gather3A_471 = tpu.vector_load_idx %arg10[%add3A_470] : memref<768xf32, #tpu.memory_space<vmem>>[vector<16xi32>], vector<16xf32>,
    %add3A_472 = arith.addf %add3A_462, %gather3A_471 : vector<16xf32>
    %gather3A_473 = tpu.vector_load_idx %arg11[%add3A_470] : memref<768xf32, #tpu.memory_space<vmem>>[vector<16xi32>], vector<16xf32>,
    %add3A_474 = arith.addf %add3A_464, %gather3A_473 : vector<16xf32>
    %mul3A_475 = arith.constant 16 : i32
    %mul3A_476 = vector.broadcast %mul3A_475 : i32 to vector<16xi32>
    %mul3A_477 = arith.muli %add3A_354, %mul3A_476 : vector<16xi32>
    %add3A_478 = arith.constant 12 : i32
    %add3A_479 = vector.broadcast %add3A_478 : i32 to vector<16xi32>
    %add3A_480 = arith.addi %mul3A_477, %add3A_479 : vector<16xi32>
    %gather3A_481 = tpu.vector_load_idx %arg10[%add3A_480] : memref<768xf32, #tpu.memory_space<vmem>>[vector<16xi32>], vector<16xf32>,
    %add3A_482 = arith.addf %add3A_472, %gather3A_481 : vector<16xf32>
    %gather3A_483 = tpu.vector_load_idx %arg11[%add3A_480] : memref<768xf32, #tpu.memory_space<vmem>>[vector<16xi32>], vector<16xf32>,
    %add3A_484 = arith.addf %add3A_474, %gather3A_483 : vector<16xf32>
    %mul3A_485 = arith.constant 16 : i32
    %mul3A_486 = vector.broadcast %mul3A_485 : i32 to vector<16xi32>
    %mul3A_487 = arith.muli %add3A_354, %mul3A_486 : vector<16xi32>
    %add3A_488 = arith.constant 13 : i32
    %add3A_489 = vector.broadcast %add3A_488 : i32 to vector<16xi32>
    %add3A_490 = arith.addi %mul3A_487, %add3A_489 : vector<16xi32>
    %gather3A_491 = tpu.vector_load_idx %arg10[%add3A_490] : memref<768xf32, #tpu.memory_space<vmem>>[vector<16xi32>], vector<16xf32>,
    %add3A_492 = arith.addf %add3A_482, %gather3A_491 : vector<16xf32>
    %gather3A_493 = tpu.vector_load_idx %arg11[%add3A_490] : memref<768xf32, #tpu.memory_space<vmem>>[vector<16xi32>], vector<16xf32>,
    %add3A_494 = arith.addf %add3A_484, %gather3A_493 : vector<16xf32>
    %mul3A_495 = arith.constant 16 : i32
    %mul3A_496 = vector.broadcast %mul3A_495 : i32 to vector<16xi32>
    %mul3A_497 = arith.muli %add3A_354, %mul3A_496 : vector<16xi32>
    %add3A_498 = arith.constant 14 : i32
    %add3A_499 = vector.broadcast %add3A_498 : i32 to vector<16xi32>
    %add3A_500 = arith.addi %mul3A_497, %add3A_499 : vector<16xi32>
    %gather3A_501 = tpu.vector_load_idx %arg10[%add3A_500] : memref<768xf32, #tpu.memory_space<vmem>>[vector<16xi32>], vector<16xf32>,
    %add3A_502 = arith.addf %add3A_492, %gather3A_501 : vector<16xf32>
    %gather3A_503 = tpu.vector_load_idx %arg11[%add3A_500] : memref<768xf32, #tpu.memory_space<vmem>>[vector<16xi32>], vector<16xf32>,
    %add3A_504 = arith.addf %add3A_494, %gather3A_503 : vector<16xf32>
    %mul3A_505 = arith.constant 16 : i32
    %mul3A_506 = vector.broadcast %mul3A_505 : i32 to vector<16xi32>
    %mul3A_507 = arith.muli %add3A_354, %mul3A_506 : vector<16xi32>
    %add3A_508 = arith.constant 15 : i32
    %add3A_509 = vector.broadcast %add3A_508 : i32 to vector<16xi32>
    %add3A_510 = arith.addi %mul3A_507, %add3A_509 : vector<16xi32>
    %gather3A_511 = tpu.vector_load_idx %arg10[%add3A_510] : memref<768xf32, #tpu.memory_space<vmem>>[vector<16xi32>], vector<16xf32>,
    %add3A_512 = arith.addf %add3A_502, %gather3A_511 : vector<16xf32>
    %gather3A_513 = tpu.vector_load_idx %arg11[%add3A_510] : memref<768xf32, #tpu.memory_space<vmem>>[vector<16xi32>], vector<16xf32>,
    %add3A_514 = arith.addf %add3A_504, %gather3A_513 : vector<16xf32>
    %swap3A_515 = arith.constant 32 : index
    %swap3A_516 = tpu.vector_load %arg12[%swap3A_515] {strides = array<i32>} : memref<96xf32, #tpu.memory_space<vmem>>, vector<16xf32>,
    tpu.vector_store %arg12[%swap3A_515], %add3A_512 {strides = array<i32>} : memref<96xf32, #tpu.memory_space<vmem>>, vector<16xf32>,
    %swap3A_517 = arith.constant 80 : index
    %swap3A_518 = tpu.vector_load %arg12[%swap3A_517] {strides = array<i32>} : memref<96xf32, #tpu.memory_space<vmem>>, vector<16xf32>,
    tpu.vector_store %arg12[%swap3A_517], %add3A_514 {strides = array<i32>} : memref<96xf32, #tpu.memory_space<vmem>>, vector<16xf32>,
    %mul3A_519 = arith.constant 96 : i32
    %mul3A_520 = arith.muli %add3A, %mul3A_519 : i32
    "tpu.region"() ({
      %run_scoped3A = tpu.sem_alloc : memref<!tpu.dma_semaphore, #tpu.memory_space<semaphore_mem>>
      %dma_start3A = tpu.memref_slice %arg8[%mul3A_520] : memref<3072xf32, #tpu.memory_space<hbm>> -> memref<96xf32, #tpu.memory_space<hbm>>
      %dma_start3A_521 = tpu.memref_slice %arg8[%mul3A_520] : memref<3072xf32, #tpu.memory_space<hbm>> -> memref<96xf32, #tpu.memory_space<hbm>>
      tpu.enqueue_dma source(%arg12 : memref<96xf32, #tpu.memory_space<vmem>>) target(%dma_start3A_521 : memref<96xf32, #tpu.memory_space<hbm>>) target_semaphore(%run_scoped3A : memref<!tpu.dma_semaphore, #tpu.memory_space<semaphore_mem>>)
      %dma_wait3A = tpu.memref_slice %arg8[%mul3A_520] : memref<3072xf32, #tpu.memory_space<hbm>> -> memref<96xf32, #tpu.memory_space<hbm>>
      %dma_wait3A_522 = tpu.memref_slice %arg8[%mul3A_520] : memref<3072xf32, #tpu.memory_space<hbm>> -> memref<96xf32, #tpu.memory_space<hbm>>
      tpu.wait_dma2 semaphore(%run_scoped3A : memref<!tpu.dma_semaphore, #tpu.memory_space<semaphore_mem>>) src(%arg12 : memref<96xf32, #tpu.memory_space<vmem>>) dst(%dma_wait3A_522 : memref<96xf32, #tpu.memory_space<hbm>>)
      tpu.yield
    }) : () -> ()
    return
  }
}

</mosaic_0001>

<sc_bundles>
// kernel: kernel.4.cloned.1.call-start
scs
__scs_entry_jumppad:
0x0: {  	(pc) =	sbr.rel $0x88, $3  }
0x1: {  	(tag) =	ssettag $0x0;
	lr =	simm.s32 $0x1  }
0x2: {  	[smem:$0x3F9A] =	sst lr;
	_ =	strace $0xD0000000  }
0x3: {  	_ = 	snop  }
0x4: {  	_ = 	snop  }
0x5: {  	_ = 	snop  }
0x6: {  	_ = 	snop  }
0x7: {  	_ = 	snop  }
__scs_overlays_trampoline_lowered:
0x8: {  	[smem:$0x3FA9] =	sst s0  }
0x9: {  	[smem:$0x3FAA] =	sst s1  }
0xa: {  	[smem:$0x3FAB] =	sst s2  }
0xb: {  	[smem:$0x3FAC] =	sst s3  }
0xc: {  	[smem:$0x3FAD] =	sst s4  }
0xd: {  	[smem:$0x3FAE] =	sst s5  }
0xe: {  	[smem:$0x3FAF] =	sst s6  }
0xf: {  	[smem:$0x3FB0] =	sst s7  }
0x10: {  	[smem:$0x3FB1] =	sst s8  }
0x11: {  	[smem:$0x3FB2] =	sst s9;
	s0 =	simm.s32 @!p0 $0x0  }
0x12: {  	s1 =	sld [smem:$0x3F98];
	s0 =	simm.s32 @p0 $0x1  }
0x13: {  	[smem:$0x3FB3] =	sst s0;
	s0 =	simm.s32 @!p1 $0x0  }
0x14: {  	s2 =	sld [smem:$0x3F97];
	s0 =	simm.s32 @p1 $0x1  }
0x15: {  	[smem:$0x3FB4] =	sst s0;
	s0 =	simm.s32 @!p2 $0x0  }
0x16: {  	s3 =	sld [smem:$0x3FDB];
	s0 =	simm.s32 @p2 $0x1  }
0x17: {  	s4 =	simm.s32 $0x1BF5;
	[smem:$0x3FB6] =	sst s0  }
0x18: {  	s0 =	sld [smem:$0x3F99];
	_ =	swait.ge [sflag:s4], $0x0  }
0x19: {  	s7 =	sld [smem:$0x3F9A]  }
0x1a: {  	s8 =	sadd.s32 $0xFFFFE003, lr  }
0x1b: {  	s9 =	sadd.s32 $0xFFFFFEF7, lr;
	s5 =	simm.s32 $0xFFFFFFFF;
	p2 =	slt.u32 s8, $0xFFFFF086  }
0x1c: {  	p1 =	slt.u32 s9, $0xF7A;
	s5 =	simm.s32 @!p2 $0x0  }
0x1d: {  	s5 =	simm.s32 @p1 $0x1;
	p0 =	seq.s32 s7, s2  }
0x1e: {  	s7 =	smul.u32 @!p0 $0xF7A, s2;
	p2 =	seq.s32 @!p0 s5, $0x0  }
0x1f: {  	s9 =	smul.u32 $0xF7A, s1;
	s8 =	simm.s32 @!p0 $0x1BF5;
	p2 =	por !p2, p0  }
0x20: {  	[sflag:s8] =	ssyncset.s32 @!p0 $0xFFFFF086;
	s6 =	sadd.s32 @!p0 s3, s7;
	s7 =	simm.s32 @!p0 $0x108  }
0x21: {  	s3 =	sadd.s32 s3, s9;
	s6 =	sadd.s32 @!p0 $0x88, s6;
	s7 =	simm.s32 @p2 $0x1082  }
0x22: {  	[simem:s7], [sflag:s8] =	dma.local @!p0 [hbm:s6], $0xF7A  }
0x23: {  	s9 =	sor.u32 $0xD0000000, s2;
	s6 =	simm.s32 $0x108;
	_ =	swait.ge @!p0 [sflag:s8], $0x0  }
0x24: {  	s3 =	sadd.s32 $0x88, s3;
	s6 =	simm.s32 @!p1 $0x1082;
	[sflag:s4] =	ssyncset.s32 $0xFFFFF086  }
0x25: {  	[simem:s6], [sflag:s4] =	dma.local [hbm:s3], $0xF7A  }
0x26: {  	[smem:$0x3F9A] =	sst s1;
	(tag) =	ssettag s2;
	_ =	strace s9  }
0x27: {  	s1 =	sld [smem:$0x3FAA]  }
0x28: {  	s2 =	sld [smem:$0x3FAB]  }
0x29: {  	s4 =	sld [smem:$0x3FAD]  }
0x2a: {  	p0 =	seq.s32 s5, $0x0;
	s5 =	sld [smem:$0x3FAE]  }
0x2b: {  	s6 =	sld [smem:$0x3FAF]  }
0x2c: {  	s7 =	sld [smem:$0x3FB0]  }
0x2d: {  	s3 =	simm.s32 $0x108;
	s8 =	sld [smem:$0x3FB1]  }
0x2e: {  	s3 =	simm.s32 @!p0 $0x1082;
	s9 =	sld [smem:$0x3FB2]  }
0x2f: {  	lr =	sadd.s32 s0, s3;
	s0 =	sld [smem:$0x3FA9]  }
0x30: {  	s3 =	sld [smem:$0x3FAC]  }
0x31: {  	[smem:$0x3FB5] =	sst s10  }
0x32: {  	s10 =	sld [smem:$0x3FB3];
	_ =	sdelay $0x3  }
0x33: {  	p0 =	seq.s32 s10, $0x1;
	s10 =	sld [smem:$0x3FB5];
	_ =	sdelay $0x3  }
0x34: {  	[smem:$0x3FB5] =	sst s10  }
0x35: {  	s10 =	sld [smem:$0x3FB4];
	_ =	sdelay $0x3  }
0x36: {  	p1 =	seq.s32 s10, $0x1;
	s10 =	sld [smem:$0x3FB5];
	_ =	sdelay $0x3  }
0x37: {  	[smem:$0x3FB5] =	sst s10  }
0x38: {  	s10 =	sld [smem:$0x3FB6]  }
0x39: {  	_ = 	snop;
	(pc) =	sbr.ind lr, $3  }
0x3a: {  	_ = 	snop  }
0x3b: {  	_ = 	snop  }
0x3c: {  	p2 =	seq.s32 s10, $0x1;
	s10 =	sld [smem:$0x3FB5]  }
0x3d: {  	_ =	shalt  }
0x3e: {  	_ =	shalt  }
0x3f: {  	_ =	shalt  }
0x40: {  	_ =	shalt  }
0x41: {  	_ =	shalt  }
0x42: {  	_ =	shalt  }
0x43: {  	_ =	shalt  }
0x44: {  	_ =	shalt  }
0x45: {  	_ =	shalt  }
0x46: {  	_ =	shalt  }
0x47: {  	_ =	shalt  }
0x48: {  	_ =	shalt  }
0x49: {  	_ =	shalt  }
0x4a: {  	_ =	shalt  }
0x4b: {  	_ =	shalt  }
0x4c: {  	_ =	shalt  }
0x4d: {  	_ =	shalt  }
0x4e: {  	_ =	shalt  }
0x4f: {  	_ =	shalt  }
0x50: {  	_ =	shalt  }
0x51: {  	_ =	shalt  }
0x52: {  	_ =	shalt  }
0x53: {  	_ =	shalt  }
0x54: {  	_ =	shalt  }
0x55: {  	_ =	shalt  }
0x56: {  	_ =	shalt  }
0x57: {  	_ =	shalt  }
0x58: {  	_ =	shalt  }
0x59: {  	_ =	shalt  }
0x5a: {  	_ =	shalt  }
0x5b: {  	_ =	shalt  }
0x5c: {  	_ =	shalt  }
0x5d: {  	_ =	shalt  }
0x5e: {  	_ =	shalt  }
0x5f: {  	_ =	shalt  }
0x60: {  	_ =	shalt  }
0x61: {  	_ =	shalt  }
0x62: {  	_ =	shalt  }
0x63: {  	_ =	shalt  }
0x64: {  	_ =	shalt  }
0x65: {  	_ =	shalt  }
0x66: {  	_ =	shalt  }
0x67: {  	_ =	shalt  }
0x68: {  	_ =	shalt  }
0x69: {  	_ =	shalt  }
0x6a: {  	_ =	shalt  }
0x6b: {  	_ =	shalt  }
0x6c: {  	_ =	shalt  }
0x6d: {  	_ =	shalt  }
0x6e: {  	_ =	shalt  }
0x6f: {  	_ =	shalt  }
0x70: {  	_ =	shalt  }
0x71: {  	_ =	shalt  }
0x72: {  	_ =	shalt  }
0x73: {  	_ =	shalt  }
0x74: {  	_ =	shalt  }
0x75: {  	_ =	shalt  }
0x76: {  	_ =	shalt  }
0x77: {  	_ =	shalt  }
0x78: {  	_ =	shalt  }
0x79: {  	_ =	shalt  }
0x7a: {  	_ =	shalt  }
0x7b: {  	_ =	shalt  }
0x7c: {  	_ =	shalt  }
0x7d: {  	_ =	shalt  }
0x7e: {  	_ =	shalt  }
0x7f: {  	_ =	shalt  }
0x80: {  	_ =	shalt  }
0x81: {  	_ =	shalt  }
0x82: {  	_ =	shalt  }
0x83: {  	_ =	shalt  }
0x84: {  	_ =	shalt  }
0x85: {  	_ =	shalt  }
0x86: {  	_ =	shalt  }
0x87: {  	_ =	shalt  }
.Lfunc_end0:
.L_simem_size_0:
called_computation_lowered:
.L_overlay_start_0:
0x88: {  	s2 =	sld [smem:$0x3FD9]  }
0x89: {  	s3 =	sld [smem:$0x3FFE];
	_ =	sdelay $0x1  }
0x8a: {  	s1 =	srdreg.scid  }
0x8b: {  	s0 =	sand.u32 $0x1, s1  }
0x8c: {  	s17 =	sshll.u32 s0, $0xA;
	s2 =	sadd.s32 s3, s2  }
0x8d: {  	s2 =	sadd.s32 s2, s17  }
0x8e: {  	[smem:$0x3FC1] =	sst s2  }
0x8f: {  	_ = 	snop  }
0x90: {  	s2 =	sld [smem:$0x3FC9]  }
0x91: {  	s18 =	sld [smem:$0x3FC8]  }
0x92: {  	s4 =	sld [smem:$0x3FC7]  }
0x93: {  	s5 =	sld [smem:$0x3FC6]  }
0x94: {  	s6 =	sld [smem:$0x3FD0];
	(tm) =	ssettm $0x1  }
0x95: {  	s7 =	sld [smem:$0x3FFB];
	_ =	sdelay $0x3  }
0x96: {  	_ =	strace s7  }
0x97: {  	s7 =	sld [smem:$0x3FFC];
	_ =	sdelay $0x3  }
0x98: {  	_ =	strace s7  }
0x99: {  	s7 =	sld [smem:$0x3FFD];
	_ =	sdelay $0x3  }
0x9a: {  	_ =	strace s7  }
0x9b: {  	_ =	strace $0x8FFFFFFF  }
0x9c: {  	s19 =	sld [smem:$0x3FDB];
	_ =	sdelay $0x1  }
0x9d: {  	s8 =	simm.s32 $_scs_section_size  }
0x9e: {  	s9 =	simm.s32 $_size__tile_overlayer_lowered;
	s10 =	simm.s32 $_tile_overlayer_lowered  }
0x9f: {  	s22 =	simm.s32 $0x1BFF;
	s21 =	sshll.u32 s10, $0x1;
	s7 =	sadd.s32 s8, s19  }
0xa0: {  	s11 =	simm.s32 $0x0;
	s20 =	sshll.u32 s9, $0x1;
	s9 =	sadd.s32 s21, s7  }
0xa1: {  	[timem:s11], [sflag:s22] =	dma.local [hbm:s9], s20  }
0xa2: {  	_ =	swait.ge [sflag:s22], s20  }
0xa3: {  	s8 =	ssub.s32 $0x0, s20;
	[sflag:s22] =	ssyncset.done $0x0  }
0xa4: {  	[sflag:s22] =	ssyncadd.s32 s8;
	_ =	sdelay $0x1  }
0xa5: {  	s23 =	simm.s32 $0x1B8B  }
0xa6: {  	_ =	swait.ge [sflag:s23], $0x1  }
0xa7: {  	[sflag:s23] =	ssyncset.done $0x0  }
0xa8: {  	s25 =	simm.s32 $0x1B8E;
	s24 =	sld [smem:$0x3FFE];
	[sflag:s23] =	ssyncadd.s32 $0xFFFFFFFF  }
0xa9: {  	s26 =	simm.s32 $execute0_lowered;
	[smem:$0x3FD2] =	sst s25  }
0xaa: {  	s9 =	sshll.u32 s26, $0x1;
	_ =	strace $0x80000046;
	[dreg:$0x1] =	wrdreg $0xFFFFFFFF  }
0xab: {  	s28 =	simm.s32 $_size_execute0_lowered;
	s7 =	sadd.s32 s7, s9;
	[dreg:$0x0] =	wrdreg $0x0  }
0xac: {  	s9 =	sshll.u32 s28, $0x1;
	[dreg:$0x2] =	wrdreg s7  }
0xad: {  	[dreg:$0x3] =	wrdreg s9  }
0xae: {  	[dreg:$0x4] =	wrdreg $0xC0  }
0xaf: {  	_ =	task [dreg:s11], $0x5FFFF  }
0xb0: {  	[dreg:$0x1] =	wrdreg $0xFFFFFFFF  }
0xb1: {  	[dreg:$0x0] =	wrdreg $0x60  }
0xb2: {  	[dreg:$0x2] =	wrdreg s2  }
0xb3: {  	[dreg:$0x3] =	wrdreg s18  }
0xb4: {  	[dreg:$0x4] =	wrdreg s4  }
0xb5: {  	[dreg:$0x5] =	wrdreg s5  }
0xb6: {  	[dreg:$0x6] =	wrdreg s6  }
0xb7: {  	[dreg:$0x7] =	wrdreg s24  }
0xb8: {  	[dreg:$0x8] =	wrdreg $0x9  }
0xb9: {  	_ =	task.clear_ibuf [dreg:s11], $0x9FFFF;
	_ =	strace $0x90000046  }
0xba: {  	s29 =	simm.s32 $0x9;
	_ =	strace $0x80000055  }
0xbb: {  	_ =	swait.ge [sflag:s29], $0x1  }
0xbc: {  	[sflag:s29] =	ssyncadd.s32 $0xFFFFFFFF  }
0xbd: {  	_ =	strace $0x90000055  }
0xbe: {  	_ =	sfence  }
0xbf: {  	s30 =	sld [smem:$0x0];
	_ =	sdelay $0x2  }
0xc0: {  	s31 =	sshll.u32 s1, $0xD;
	s1 =	sshrl.u32 s1, $0x2  }
0xc1: {  	s3 =	sand.u32 $0x4000, s31;
	s1 =	sadd.s32 s1, s30  }
0xc2: {  	s0 =	sor.u32 s3, s0;
	s1 =	sshll.u32 s1, $0x11  }
0xc3: {  	s0 =	sor.u32 s1, s0  }
0xc4: {  	s0 =	sadd.s32 $0x8F2B, s0  }
0xc5: {  	[sflag:s0] =	ssyncadd.remote.s32 $0x1  }
0xc6: {  	_ =	sfence.sel $0xFFFF  }
0xc7: {  	[dreg:$0x0] =	wrdreg $0xFFFFFFFF;
	(pc) =	sbr.abs _section_cstart, $3  }
0xc8: {  	[dreg:$0x1] =	wrdreg $0xFFFFFFFF  }
0xc9: {  	_ =	task.clear_ibuf [dreg:s11], $0x2FFFF;
	_ =	strace $0x9FFFFFFF  }
0xca: {  	(tm) =	ssettm $0x7FFFFFFF  }
0xcb: {  	_ =	shalt  }
tec
execute0_lowered:
.L_overlay_start_1:
0x0: {  	(tag) =	ssettag $0x1  }
0x1: {  	s5 =	rddreg [dreg:$0x0]  }
0x2: {  	s6 =	rddreg [dreg:$0x1]  }
0x3: {  	s8 =	rddreg [dreg:$0x2]  }
0x4: {  	s9 =	rddreg [dreg:$0x3]  }
0x5: {  	s0 =	rddreg [dreg:$0x5]  }
0x6: {  	s1 =	srdreg.scid;
	s4 =	stileid.u32  }
0x7: {  	s7 =	simm.s32 $0x0;
	s1 =	sand.u32 $0x1, s1;
	s2 =	sshll.u32 s4, $0x1  }
0x8: {  	[smem:$0x7FF] =	sst s7;
	s10 =	sadd.s32 $0xE00, s0;
	s3 =	sshll.u32 s1, $0x4  }
0x9: {  	s2 =	sor.u32 s1, s2;
	s1 =	ssub.s32 $0x2, s1;
	s3 =	sor.u32 s4, s3  }
0xa: {  	_ =	strace $0x80000047;
	s24 =	sshrl.u32 s1, $0x1;
	s25 =	smul.u32 $0x28, s3  }
0xb: {  	[dreg:$0xa] =	wrdreg s10;
	s4 =	smul.u32 $0xC800, s3;
	s1 =	ssub.s32 s1, s24  }
0xc: {  	s31 =	smax.u32 s1, $0x1;
	[dreg:$0xb] =	wrdreg s25  }
0xd: {  	s26 =	sadd.s32 s5, s4;
	[dreg:$0x11] =	wrdreg s31  }
0xe: {  	s2 =	smul.u32 $0xC, s2;
	s28 =	sadd.s32 s6, s4;
	[dreg:$0xc] =	wrdreg s26  }
0xf: {  	s20 =	simm.s32 $0x80;
	s29 =	sadd.s32 s8, s4;
	[dreg:$0xd] =	wrdreg s28  }
0x10: {  	s0 =	sadd.s32 s2, s0;
	s30 =	sadd.s32 s9, s4;
	[dreg:$0xe] =	wrdreg s29  }
0x11: {  	s21 =	simm.s32 $0x380;
	s0 =	sadd.s32 $0xFAE00, s0;
	[dreg:$0xf] =	wrdreg s30  }
0x12: {  	v0 =	vimm.f32 $0.0e+00;
	v1 =	vlaneseq.u32;
	v2 =	vimm.f32 $1.000000000e+00;
	s1 =	simm.s32 $0x1;
	s2 =	simm.s32 $0x0;
	[dreg:$0x10] =	wrdreg s0  }
.LBB2_1:
0x13: {  	[dreg:$0x12] =	wrdreg s2  }
0x14: {  	s0 =	rddreg [dreg:$0x4]  }
0x15: {  	[tilespmem:s7], [sflag:$0x1] =	stream.linear.gather [hbm4b:s0+s7], $0x80, $0x38;
	[tilespmem:$0x17900] =	vst v63  }
0x16: {  	_ =	swait.ge [sflag:s1], $0x80  }
0x17: {  	[sflag:s1] =	ssyncset.done $0x0  }
0x18: {  	s0 =	simm.s32 $0x40;
	[sflag:s1] =	ssyncadd.s32 $0xFFFFFF80;
	s1 =	simm.s32 $0x0  }
.LBB2_2:
0x19: {  	p0 =	sne.s32 s0, $0xBC0;
	[tilespmem:s1+$0x80] =	vst v0;
	s2 =	smov.u32 s0;
	s0 =	sadd.s32 $0x40, s0  }
.Ltmp0:
0x1a: {  	[tilespmem:s1+$0x380] =	vst v0;
	(pc) =	sbr.rel @p0 .LBB2_2-.Ltmp0, $2  }
0x1b: {  	_ =	sdelay $0x2  }
0x1c: {  	s1 =	sshra.s32 s2, $0x2  }
0x1d: {  	[tilespmem:s1+$0x80] =	vst v0;
	s2 =	simm.s32 $0x0;
	s24 =	simm.s32 $0x700  }
0x1e: {  	[tilespmem:s1+$0x380] =	vst v0;
	s26 =	simm.s32 $0x5700;
	s29 =	simm.s32 $0xA700;
	s31 =	simm.s32 $0xF700  }
0x1f: {  	s13 =	simm.s32 $0x1;
	s16 =	simm.s32 $0x0;
	_ =	strace $0x80000048  }
0x20: {  	s3 =	simm.s32 $0x0;
	s6 =	simm.s32 $0x0;
	s0 =	rddreg [dreg:$0xc]  }
0x21: {  	[tilespmem:s24], [sflag:$0x1] =	stream.linear.gather [hbm4b:s0+s2], $0x2800, $0x200038;
	[tilespmem:$0x17900] =	vst v63  }
0x22: {  	s5 =	simm.s32 $0x0;
	s8 =	simm.s32 $0x1;
	s25 =	rddreg [dreg:$0xd]  }
0x23: {  	[tilespmem:s26], [sflag:$0x3] =	stream.linear.gather [hbm4b:s25+s2], $0x2800, $0x200038;
	[tilespmem:$0x17900] =	vst v63  }
0x24: {  	s9 =	simm.s32 $0x0;
	s10 =	simm.s32 $0x0;
	s28 =	rddreg [dreg:$0xe]  }
0x25: {  	[tilespmem:s29], [sflag:$0x5] =	stream.linear.gather [hbm4b:s28+s2], $0x2800, $0x200038;
	[tilespmem:$0x17900] =	vst v63  }
0x26: {  	s14 =	simm.s32 $0x1;
	s11 =	simm.s32 $0x0;
	s30 =	rddreg [dreg:$0xf]  }
0x27: {  	[tilespmem:s31], [sflag:$0x7] =	stream.linear.gather [hbm4b:s30+s2], $0x2800, $0x200038;
	[tilespmem:$0x17900] =	vst v63  }
0x28: {  	s15 =	simm.s32 $0x1;
	s4 =	simm.s32 $0x0;
	_ =	strace $0x90000048  }
.LBB2_4:
0x29: {  	s1 =	sadd.s32 $0x1, s16  }
0x2a: {  	p0 =	seq.s32 s1, $0x28  }
0x2b: {  	s1 =	simm.s32 @p0 $0x0;
	p0 =	seq.s32 s4, $0x27  }
0x2c: {  	p1 =	seq.s32 @!p0 s16, s1  }
0x2d: {  	[dreg:$0x14] =	wrdreg s3;
	p2 =	por p1, p0  }
0x2e: {  	s12 =	rddreg [dreg:$0xb];
	s0 =	sand.u32 @!p2 $0x1, s15  }
0x2f: {  	[dreg:$0x1e] =	wrdreg s1;
	s1 =	sadd.s32 @!p2 s12, s1;
	s2 =	smul.u32 @!p2 $0xA000, s0  }
0x30: {  	[dreg:$0x1d] =	wrdreg s4;
	s1 =	smul.u32 @!p2 $0x2800, s1  }
0x31: {  	_ =	strace @!p2 $0x80000049;
	s4 =	simm.s32 @!p2 $0x0  }
0x32: {  	s3 =	rddreg [dreg:$0x0];
	s2 =	sshrl.u32 @!p2 s2, $0x2;
	s1 =	sshrl.u32 @!p2 s1, $0x3  }
0x33: {  	s0 =	sadd.s32 @!p2 $0x1, s0;
	s2 =	sor.u32 @!p2 $0x700, s2;
	s3 =	sadd.s32 @!p2 s3, s1  }
0x34: {  	[tilespmem:s2], [sflag:s0] =	stream.linear.gather @!p2 [hbm4b:s3+s4], $0x2800, $0x200038;
	[tilespmem:$0x17900] =	vst v63  }
0x35: {  	s0 =	sand.u32 @!p2 $0x1, s14  }
0x36: {  	s2 =	smul.u32 @!p2 $0xA000, s0;
	_ =	strace @!p2 $0x90000049  }
0x37: {  	_ =	strace @!p2 $0x8000004A  }
0x38: {  	s2 =	sshrl.u32 @!p2 s2, $0x2;
	s3 =	rddreg [dreg:$0x1]  }
0x39: {  	s0 =	sadd.s32 @!p2 $0x3, s0;
	s2 =	sadd.s32 @!p2 $0x5700, s2;
	s3 =	sadd.s32 @!p2 s3, s1  }
0x3a: {  	[tilespmem:s2], [sflag:s0] =	stream.linear.gather @!p2 [hbm4b:s3+s4], $0x2800, $0x200038;
	[tilespmem:$0x17900] =	vst v63  }
0x3b: {  	s0 =	sand.u32 @!p2 $0x1, s13  }
0x3c: {  	s2 =	smul.u32 @!p2 $0xA000, s0;
	_ =	strace @!p2 $0x9000004A  }
0x3d: {  	_ =	strace @!p2 $0x8000004B  }
0x3e: {  	s2 =	sshrl.u32 @!p2 s2, $0x2;
	s3 =	rddreg [dreg:$0x2]  }
0x3f: {  	s0 =	sadd.s32 @!p2 $0x5, s0;
	s2 =	sadd.s32 @!p2 $0xA700, s2;
	s3 =	sadd.s32 @!p2 s3, s1  }
0x40: {  	[tilespmem:s2], [sflag:s0] =	stream.linear.gather @!p2 [hbm4b:s3+s4], $0x2800, $0x200038;
	[tilespmem:$0x17900] =	vst v63  }
0x41: {  	[dreg:$0x17] =	wrdreg s8;
	s0 =	sand.u32 @!p2 $0x1, s8  }
0x42: {  	s2 =	smul.u32 @!p2 $0xA000, s0;
	_ =	strace @!p2 $0x9000004B  }
0x43: {  	_ =	strace @!p2 $0x8000004C  }
0x44: {  	s2 =	sshrl.u32 @!p2 s2, $0x2;
	s3 =	rddreg [dreg:$0x3]  }
0x45: {  	s0 =	sadd.s32 @!p2 $0x7, s0;
	s2 =	sadd.s32 @!p2 $0xF700, s2;
	s1 =	sadd.s32 @!p2 s3, s1  }
0x46: {  	[tilespmem:s2], [sflag:s0] =	stream.linear.gather @!p2 [hbm4b:s1+s4], $0x2800, $0x200038;
	[tilespmem:$0x17900] =	vst v63  }
0x47: {  	s3 =	sand.u32 $0x1, s11;
	_ =	strace @!p2 $0x9000004C;
	[dreg:$0x1b] =	wrdreg s11  }
0x48: {  	s4 =	sadd.s32 $0x1, s3;
	_ =	strace $0x8000004D  }
0x49: {  	_ =	swait.ge [sflag:s4], $0x2800  }
0x4a: {  	[sflag:s4] =	ssyncset.done $0x0  }
0x4b: {  	[sflag:s4] =	ssyncadd.s32 $0xFFFFD800  }
0x4c: {  	s8 =	sand.u32 $0x1, s10;
	_ =	strace $0x9000004D;
	[dreg:$0x19] =	wrdreg s10  }
0x4d: {  	s10 =	sadd.s32 $0x3, s8;
	_ =	strace $0x8000004E  }
0x4e: {  	_ =	swait.ge [sflag:s10], $0x2800  }
0x4f: {  	[sflag:s10] =	ssyncset.done $0x0  }
0x50: {  	[sflag:s10] =	ssyncadd.s32 $0xFFFFD800  }
0x51: {  	s11 =	sand.u32 $0x1, s9;
	_ =	strace $0x9000004E;
	[dreg:$0x18] =	wrdreg s9  }
0x52: {  	s18 =	sadd.s32 $0x5, s11;
	_ =	strace $0x8000004F  }
0x53: {  	_ =	swait.ge [sflag:s18], $0x2800  }
0x54: {  	[sflag:s18] =	ssyncset.done $0x0  }
0x55: {  	s22 =	sand.u32 $0x1, s5;
	p3 =	seq.s32 s3, $0x1;
	[sflag:s18] =	ssyncadd.s32 $0xFFFFD800  }
0x56: {  	s0 =	simm.s32 $0x2F00;
	_ =	strace $0x9000004F;
	[dreg:$0x16] =	wrdreg s5  }
0x57: {  	s23 =	sadd.s32 $0x7, s22;
	s0 =	simm.s32 @!p3 $0x700;
	_ =	strace $0x80000050  }
0x58: {  	v6 =	vmov s0;
	_ =	swait.ge [sflag:s23], $0x2800  }
0x59: {  	[sflag:s23] =	ssyncset.done $0x0  }
0x5a: {  	s24 =	simm.s32 $0x0;
	s25 =	simm.s32 $0x0;
	[sflag:s23] =	ssyncadd.s32 $0xFFFFD800  }
0x5b: {  	s26 =	sand.u32 $0x3800, s25;
	s0 =	sand.u32 $0x300, s24;
	_ =	strace $0x90000050  }
0x5c: {  	s2 =	sor.u32 s0, s26;
	_ =	strace $0x80000051  }
0x5d: {  	v7 =	vld.idx.msk [tilespmem:v6+s2+$0x0 ss:$0x1], $0xffff;
	_ =	sdelay $0x1  }
0x5e: {  	p3 =	seq.s32 s8, $0x1;
	s0 =	simm.s32 $0x7F00  }
0x5f: {  	s1 =	simm.s32 $0xCF00;
	s0 =	simm.s32 @!p3 $0x5700;
	p3 =	seq.s32 s11, $0x1  }
0x60: {  	s3 =	simm.s32 $0x11F00;
	s1 =	simm.s32 @!p3 $0xA700;
	p3 =	seq.s32 s22, $0x1;
	v5 =	vmov s0  }
0x61: {  	s3 =	simm.s32 @!p3 $0xF700;
	v3 =	vmov s1  }
0x62: {  	v4 =	vmov s3;
	_ =	sdelay $0x1  }
0x63: {  	v8 =	vld.idx.msk [tilespmem:v7+s7+$0x0], $0xffff  }
0x64: {  	v9 =	vld.idx.msk [tilespmem:v5+s2+$0x0 ss:$0x1], $0xffff  }
0x65: {  	v10 =	vld.idx.msk [tilespmem:v3+s2+$0x0 ss:$0x1], $0xffff  }
0x66: {  	v11 =	vld.idx.msk [tilespmem:v4+s2+$0x0 ss:$0x1], $0xffff;
	_ =	sdelay $0x1  }
0x67: {  	v12 =	vshll.u32 v8, $0x10  }
0x68: {  	v9 =	vmul.f32 v12, v9  }
0x69: {  	v8 =	vand.u32 $0xFFFF0000, v8  }
0x6a: {  	v8 =	vadd.f32 v8, v9;
	v9 =	vadd.f32 $5.000000000e-01, v10;
	v10 =	vmul.f32 $6.499999760e-01, v11;
	_ =	sdelay $0x1  }
0x6b: {  	v8 =	vmul.f32 v8, v9;
	v9 =	vadd.f32 $1.000000010e-01, v10  }
0x6c: {  	s8 =	simm.s32 $0x80  }
0x6d: {  	s0 =	sand.u32 $0x380, s8;
	s9 =	sand.u32 $0x1, s6;
	v10 =	vshll.u32 v7, $0x4;
	v8 =	vmul.f32 v9, v8  }
0x6e: {  	s5 =	sor.u32 s26, s0;
	s0 =	smul.u32 $0x6400, s9;
	v10 =	vor.u32 v1, v10  }
0x6f: {  	v13 =	vadd.s32 $0x8000, v8  }
0x70: {  	s3 =	sshrl.u32 s0, $0x2;
	v12 =	vld.idx.msk [tilespmem:v6+s5+$0x0 ss:$0x1], $0xffff;
	[dreg:$0x15] =	wrdreg s6;
	v13 =	vand.u32 $0xFFFF0000, v13  }
0x71: {  	s25 =	sadd.s32 $0x147A0, s3;
	[smem:$0x7FB] =	sst s9;
	v7 =	vor.u32 v7, v13  }
0x72: {  	[tilespmem:s25+$0xFFFFFF60] =	vst v7  }
0x73: {  	[tilespmem:v10+s20+$0x0] =	vst.idx.add.f32.msk $0xffff, v8  }
0x74: {  	s10 =	sor.u32 $0x10, s2;
	[tilespmem:v10+s21+$0x0] =	vst.idx.add.f32.msk $0xffff, v2  }
0x75: {  	v7 =	vld.idx.msk [tilespmem:v6+s10+$0x0 ss:$0x1], $0xffff;
	_ =	sdelay $0x3  }
0x76: {  	v14 =	vld.idx.msk [tilespmem:v4+s5+$0x0 ss:$0x1], $0xffff  }
0x77: {  	v11 =	vld.idx.msk [tilespmem:v3+s5+$0x0 ss:$0x1], $0xffff  }
0x78: {  	v9 =	vld.idx.msk [tilespmem:v5+s5+$0x0 ss:$0x1], $0xffff  }
0x79: {  	v15 =	vld.idx.msk [tilespmem:v12+s7+$0x0], $0xffff  }
0x7a: {  	v8 =	vld.idx.msk [tilespmem:v7+s7+$0x0], $0xffff  }
0x7b: {  	v10 =	vld.idx.msk [tilespmem:v5+s10+$0x0 ss:$0x1], $0xffff  }
0x7c: {  	v13 =	vld.idx.msk [tilespmem:v3+s10+$0x0 ss:$0x1], $0xffff  }
0x7d: {  	v16 =	vld.idx.msk [tilespmem:v4+s10+$0x0 ss:$0x1], $0xffff;
	_ =	sdelay $0x1  }
0x7e: {  	v17 =	vshll.u32 v8, $0x10  }
0x7f: {  	v10 =	vmul.f32 v17, v10  }
0x80: {  	v8 =	vand.u32 $0xFFFF0000, v8  }
0x81: {  	v8 =	vadd.f32 v8, v10;
	v10 =	vadd.f32 $5.000000000e-01, v13;
	v13 =	vmul.f32 $6.499999760e-01, v16;
	_ =	sdelay $0x1  }
0x82: {  	v8 =	vmul.f32 v8, v10;
	v10 =	vadd.f32 $1.000000010e-01, v13;
	_ =	sdelay $0x1  }
0x83: {  	v13 =	vshll.u32 v7, $0x4;
	v8 =	vmul.f32 v10, v8  }
0x84: {  	v10 =	vor.u32 v1, v13  }
0x85: {  	v13 =	vadd.s32 $0x8000, v8  }
0x86: {  	v13 =	vand.u32 $0xFFFF0000, v13  }
0x87: {  	v7 =	vor.u32 v7, v13  }
0x88: {  	[tilespmem:s25+$0xFFFFFF70] =	vst v7  }
0x89: {  	[tilespmem:v10+s20+$0x0] =	vst.idx.add.f32.msk $0xffff, v8  }
0x8a: {  	s11 =	sor.u32 $0x20, s2;
	[tilespmem:v10+s21+$0x0] =	vst.idx.add.f32.msk $0xffff, v2  }
0x8b: {  	v7 =	vld.idx.msk [tilespmem:v6+s11+$0x0 ss:$0x1], $0xffff  }
0x8c: {  	v8 =	vshll.u32 v15, $0x10  }
0x8d: {  	v8 =	vmul.f32 v8, v9  }
0x8e: {  	v9 =	vand.u32 $0xFFFF0000, v15  }
0x8f: {  	v10 =	vadd.f32 $5.000000000e-01, v11;
	v11 =	vmul.f32 $6.499999760e-01, v14;
	v8 =	vadd.f32 v9, v8;
	_ =	sdelay $0x1  }
0x90: {  	v9 =	vadd.f32 $1.000000010e-01, v11;
	v8 =	vmul.f32 v8, v10;
	_ =	sdelay $0x1  }
0x91: {  	v10 =	vshll.u32 v12, $0x4;
	v8 =	vmul.f32 v9, v8;
	v9 =	vld.idx.msk [tilespmem:v7+s7+$0x0], $0xffff  }
0x92: {  	v11 =	vld.idx.msk [tilespmem:v5+s11+$0x0 ss:$0x1], $0xffff;
	v10 =	vor.u32 v1, v10  }
0x93: {  	v14 =	vld.idx.msk [tilespmem:v3+s11+$0x0 ss:$0x1], $0xffff;
	v13 =	vadd.s32 $0x8000, v8  }
0x94: {  	v15 =	vld.idx.msk [tilespmem:v4+s11+$0x0 ss:$0x1], $0xffff;
	v13 =	vand.u32 $0xFFFF0000, v13  }
0x95: {  	v12 =	vor.u32 v12, v13  }
0x96: {  	[tilespmem:s25+$0x0] =	vst v12;
	v12 =	vshll.u32 v9, $0x10  }
0x97: {  	[tilespmem:v10+s20+$0x0] =	vst.idx.add.f32.msk $0xffff, v8;
	v8 =	vmul.f32 v12, v11  }
0x98: {  	s18 =	sor.u32 $0x10, s5;
	[tilespmem:v10+s21+$0x0] =	vst.idx.add.f32.msk $0xffff, v2;
	v9 =	vand.u32 $0xFFFF0000, v9  }
0x99: {  	v10 =	vld.idx.msk [tilespmem:v6+s18+$0x0 ss:$0x1], $0xffff;
	v11 =	vmul.f32 $6.499999760e-01, v15;
	v8 =	vadd.f32 v9, v8;
	v9 =	vadd.f32 $5.000000000e-01, v14;
	_ =	sdelay $0x1  }
0x9a: {  	v8 =	vmul.f32 v8, v9;
	v9 =	vadd.f32 $1.000000010e-01, v11;
	_ =	sdelay $0x1  }
0x9b: {  	v11 =	vshll.u32 v7, $0x4;
	v8 =	vmul.f32 v9, v8  }
0x9c: {  	v9 =	vor.u32 v1, v11  }
0x9d: {  	v13 =	vld.idx.msk [tilespmem:v3+s18+$0x0 ss:$0x1], $0xffff;
	v12 =	vadd.s32 $0x8000, v8  }
0x9e: {  	v11 =	vld.idx.msk [tilespmem:v5+s18+$0x0 ss:$0x1], $0xffff;
	v12 =	vand.u32 $0xFFFF0000, v12  }
0x9f: {  	v14 =	vld.idx.msk [tilespmem:v10+s7+$0x0], $0xffff;
	v7 =	vor.u32 v7, v12  }
0xa0: {  	v12 =	vld.idx.msk [tilespmem:v4+s18+$0x0 ss:$0x1], $0xffff;
	[tilespmem:s25+$0xFFFFFF80] =	vst v7  }
0xa1: {  	[tilespmem:v9+s20+$0x0] =	vst.idx.add.f32.msk $0xffff, v8  }
0xa2: {  	s22 =	sor.u32 $0x30, s2;
	[tilespmem:v9+s21+$0x0] =	vst.idx.add.f32.msk $0xffff, v2  }
0xa3: {  	v7 =	vld.idx.msk [tilespmem:v6+s22+$0x0 ss:$0x1], $0xffff  }
0xa4: {  	v8 =	vshll.u32 v14, $0x10  }
0xa5: {  	v8 =	vmul.f32 v8, v11  }
0xa6: {  	v9 =	vand.u32 $0xFFFF0000, v14  }
0xa7: {  	v11 =	vadd.f32 $5.000000000e-01, v13;
	v12 =	vmul.f32 $6.499999760e-01, v12;
	v8 =	vadd.f32 v9, v8;
	_ =	sdelay $0x1  }
0xa8: {  	v9 =	vadd.f32 $1.000000010e-01, v12;
	v8 =	vmul.f32 v8, v11;
	_ =	sdelay $0x1  }
0xa9: {  	v11 =	vshll.u32 v10, $0x4;
	v8 =	vmul.f32 v9, v8;
	v9 =	vld.idx.msk [tilespmem:v7+s7+$0x0], $0xffff  }
0xaa: {  	v12 =	vld.idx.msk [tilespmem:v5+s22+$0x0 ss:$0x1], $0xffff;
	v11 =	vor.u32 v1, v11  }
0xab: {  	v14 =	vld.idx.msk [tilespmem:v3+s22+$0x0 ss:$0x1], $0xffff;
	v13 =	vadd.s32 $0x8000, v8  }
0xac: {  	v15 =	vld.idx.msk [tilespmem:v4+s22+$0x0 ss:$0x1], $0xffff;
	v13 =	vand.u32 $0xFFFF0000, v13  }
0xad: {  	v10 =	vor.u32 v10, v13  }
0xae: {  	[tilespmem:s25+$0x10] =	vst v10;
	v10 =	vshll.u32 v9, $0x10  }
0xaf: {  	[tilespmem:v11+s20+$0x0] =	vst.idx.add.f32.msk $0xffff, v8;
	v8 =	vmul.f32 v10, v12  }
0xb0: {  	s23 =	sor.u32 $0x20, s5;
	[tilespmem:v11+s21+$0x0] =	vst.idx.add.f32.msk $0xffff, v2;
	v9 =	vand.u32 $0xFFFF0000, v9  }
0xb1: {  	v11 =	vmul.f32 $6.499999760e-01, v15;
	v10 =	vld.idx.msk [tilespmem:v6+s23+$0x0 ss:$0x1], $0xffff;
	v8 =	vadd.f32 v9, v8;
	v9 =	vadd.f32 $5.000000000e-01, v14;
	_ =	sdelay $0x1  }
0xb2: {  	v8 =	vmul.f32 v8, v9;
	v9 =	vadd.f32 $1.000000010e-01, v11;
	_ =	sdelay $0x1  }
0xb3: {  	v11 =	vshll.u32 v7, $0x4;
	v8 =	vmul.f32 v9, v8  }
0xb4: {  	v9 =	vor.u32 v1, v11  }
0xb5: {  	v13 =	vld.idx.msk [tilespmem:v3+s23+$0x0 ss:$0x1], $0xffff;
	v12 =	vadd.s32 $0x8000, v8  }
0xb6: {  	v11 =	vld.idx.msk [tilespmem:v5+s23+$0x0 ss:$0x1], $0xffff;
	v12 =	vand.u32 $0xFFFF0000, v12  }
0xb7: {  	v14 =	vld.idx.msk [tilespmem:v10+s7+$0x0], $0xffff;
	v7 =	vor.u32 v7, v12  }
0xb8: {  	v12 =	vld.idx.msk [tilespmem:v4+s23+$0x0 ss:$0x1], $0xffff;
	[tilespmem:s25+$0xFFFFFF90] =	vst v7  }
0xb9: {  	[tilespmem:v9+s20+$0x0] =	vst.idx.add.f32.msk $0xffff, v8  }
0xba: {  	s24 =	sor.u32 $0x40, s2;
	[tilespmem:v9+s21+$0x0] =	vst.idx.add.f32.msk $0xffff, v2  }
0xbb: {  	v7 =	vld.idx.msk [tilespmem:v6+s24+$0x0 ss:$0x1], $0xffff  }
0xbc: {  	v8 =	vshll.u32 v14, $0x10  }
0xbd: {  	v8 =	vmul.f32 v8, v11  }
0xbe: {  	v9 =	vand.u32 $0xFFFF0000, v14  }
0xbf: {  	v11 =	vadd.f32 $5.000000000e-01, v13;
	v12 =	vmul.f32 $6.499999760e-01, v12;
	v8 =	vadd.f32 v9, v8;
	_ =	sdelay $0x1  }
0xc0: {  	v9 =	vadd.f32 $1.000000010e-01, v12;
	v8 =	vmul.f32 v8, v11;
	_ =	sdelay $0x1  }
0xc1: {  	v11 =	vshll.u32 v10, $0x4;
	v8 =	vmul.f32 v9, v8;
	v9 =	vld.idx.msk [tilespmem:v7+s7+$0x0], $0xffff  }
0xc2: {  	v12 =	vld.idx.msk [tilespmem:v5+s24+$0x0 ss:$0x1], $0xffff;
	v11 =	vor.u32 v1, v11  }
0xc3: {  	v14 =	vld.idx.msk [tilespmem:v3+s24+$0x0 ss:$0x1], $0xffff;
	v13 =	vadd.s32 $0x8000, v8  }
0xc4: {  	v15 =	vld.idx.msk [tilespmem:v4+s24+$0x0 ss:$0x1], $0xffff;
	v13 =	vand.u32 $0xFFFF0000, v13  }
0xc5: {  	v10 =	vor.u32 v10, v13  }
0xc6: {  	[tilespmem:s25+$0x20] =	vst v10;
	v10 =	vshll.u32 v9, $0x10  }
0xc7: {  	[tilespmem:v11+s20+$0x0] =	vst.idx.add.f32.msk $0xffff, v8;
	v8 =	vmul.f32 v10, v12  }
0xc8: {  	s26 =	sor.u32 $0x30, s5;
	[tilespmem:v11+s21+$0x0] =	vst.idx.add.f32.msk $0xffff, v2;
	v9 =	vand.u32 $0xFFFF0000, v9  }
0xc9: {  	v11 =	vmul.f32 $6.499999760e-01, v15;
	v10 =	vld.idx.msk [tilespmem:v6+s26+$0x0 ss:$0x1], $0xffff;
	v8 =	vadd.f32 v9, v8;
	v9 =	vadd.f32 $5.000000000e-01, v14;
	_ =	sdelay $0x1  }
0xca: {  	v8 =	vmul.f32 v8, v9;
	v9 =	vadd.f32 $1.000000010e-01, v11  }
0xcb: {  	s8 =	simm.s32 $0x200;
	s6 =	simm.s32 $0x100  }
0xcc: {  	s4 =	sand.u32 $0x3800, s8;
	s0 =	sand.u32 $0x300, s6;
	v8 =	vmul.f32 v9, v8;
	v9 =	vshll.u32 v7, $0x4  }
0xcd: {  	s0 =	sor.u32 s0, s4;
	v12 =	vld.idx.msk [tilespmem:v3+s26+$0x0 ss:$0x1], $0xffff;
	v9 =	vor.u32 v1, v9  }
0xce: {  	v14 =	vld.idx.msk [tilespmem:v6+s0+$0x0 ss:$0x1], $0xffff;
	v13 =	vadd.s32 $0x8000, v8  }
0xcf: {  	v11 =	vld.idx.msk [tilespmem:v5+s26+$0x0 ss:$0x1], $0xffff;
	v13 =	vand.u32 $0xFFFF0000, v13  }
0xd0: {  	v15 =	vld.idx.msk [tilespmem:v10+s7+$0x0], $0xffff;
	v7 =	vor.u32 v7, v13  }
0xd1: {  	v13 =	vld.idx.msk [tilespmem:v4+s26+$0x0 ss:$0x1], $0xffff;
	[tilespmem:s25+$0xFFFFFFA0] =	vst v7  }
0xd2: {  	[tilespmem:v9+s20+$0x0] =	vst.idx.add.f32.msk $0xffff, v8  }
0xd3: {  	s9 =	sor.u32 $0x50, s2;
	[tilespmem:v9+s21+$0x0] =	vst.idx.add.f32.msk $0xffff, v2  }
0xd4: {  	v7 =	vld.idx.msk [tilespmem:v6+s9+$0x0 ss:$0x1], $0xffff  }
0xd5: {  	v8 =	vshll.u32 v15, $0x10  }
0xd6: {  	v8 =	vmul.f32 v8, v11  }
0xd7: {  	v9 =	vand.u32 $0xFFFF0000, v15;
	v11 =	vld.idx.msk [tilespmem:v14+s7+$0x0], $0xffff  }
0xd8: {  	v12 =	vadd.f32 $5.000000000e-01, v12;
	v13 =	vmul.f32 $6.499999760e-01, v13;
	v8 =	vadd.f32 v9, v8;
	v9 =	vld.idx.msk [tilespmem:v5+s0+$0x0 ss:$0x1], $0xffff  }
0xd9: {  	v15 =	vld.idx.msk [tilespmem:v3+s0+$0x0 ss:$0x1], $0xffff  }
0xda: {  	v13 =	vadd.f32 $1.000000010e-01, v13;
	v8 =	vmul.f32 v8, v12;
	v12 =	vld.idx.msk [tilespmem:v4+s0+$0x0 ss:$0x1], $0xffff;
	_ =	sdelay $0x1  }
0xdb: {  	v16 =	vshll.u32 v11, $0x10;
	v8 =	vmul.f32 v13, v8;
	v13 =	vld.idx.msk [tilespmem:v7+s7+$0x0], $0xffff  }
0xdc: {  	s10 =	simm.s32 $0x180;
	v17 =	vshll.u32 v10, $0x4;
	v18 =	vld.idx.msk [tilespmem:v5+s9+$0x0 ss:$0x1], $0xffff;
	v9 =	vmul.f32 v16, v9  }
0xdd: {  	s1 =	sand.u32 $0x380, s10;
	v19 =	vld.idx.msk [tilespmem:v3+s9+$0x0 ss:$0x1], $0xffff;
	v11 =	vand.u32 $0xFFFF0000, v11;
	v16 =	vor.u32 v1, v17;
	v17 =	vadd.s32 $0x8000, v8  }
0xde: {  	s1 =	sor.u32 s4, s1;
	v20 =	vld.idx.msk [tilespmem:v4+s9+$0x0 ss:$0x1], $0xffff;
	v9 =	vadd.f32 v11, v9;
	v11 =	vadd.f32 $5.000000000e-01, v15;
	v12 =	vmul.f32 $6.499999760e-01, v12  }
0xdf: {  	v15 =	vand.u32 $0xFFFF0000, v17;
	v17 =	vld.idx.msk [tilespmem:v6+s1+$0x0 ss:$0x1], $0xffff  }
0xe0: {  	v9 =	vmul.f32 v9, v11;
	v11 =	vadd.f32 $1.000000010e-01, v12;
	v12 =	vshll.u32 v13, $0x10  }
0xe1: {  	v10 =	vor.u32 v10, v15;
	v15 =	vshll.u32 v14, $0x4;
	v12 =	vmul.f32 v12, v18  }
0xe2: {  	[tilespmem:s25+$0x30] =	vst v10;
	v10 =	vor.u32 v1, v15;
	v9 =	vmul.f32 v11, v9;
	v11 =	vand.u32 $0xFFFF0000, v13  }
0xe3: {  	[tilespmem:v16+s20+$0x0] =	vst.idx.add.f32.msk $0xffff, v8;
	v8 =	vadd.f32 v11, v12;
	v11 =	vadd.f32 $5.000000000e-01, v19;
	v12 =	vmul.f32 $6.499999760e-01, v20  }
0xe4: {  	v15 =	vadd.s32 $0x8000, v9  }
0xe5: {  	v13 =	vld.idx.msk [tilespmem:v5+s1+$0x0 ss:$0x1], $0xffff;
	v15 =	vand.u32 $0xFFFF0000, v15;
	v8 =	vmul.f32 v8, v11;
	v11 =	vadd.f32 $1.000000010e-01, v12  }
0xe6: {  	s18 =	sadd.s32 $0x140, s25;
	[tilespmem:v16+s21+$0x0] =	vst.idx.add.f32.msk $0xffff, v2;
	v14 =	vor.u32 v14, v15  }
0xe7: {  	v15 =	vld.idx.msk [tilespmem:v17+s7+$0x0], $0xffff;
	[tilespmem:s18+$0xFFFFFF60] =	vst v14;
	v8 =	vmul.f32 v11, v8;
	v11 =	vshll.u32 v7, $0x4  }
0xe8: {  	[tilespmem:v10+s20+$0x0] =	vst.idx.add.f32.msk $0xffff, v9;
	v9 =	vor.u32 v1, v11  }
0xe9: {  	s11 =	sor.u32 $0x10, s0;
	[tilespmem:v10+s21+$0x0] =	vst.idx.add.f32.msk $0xffff, v2;
	v10 =	vadd.s32 $0x8000, v8  }
0xea: {  	v11 =	vld.idx.msk [tilespmem:v6+s11+$0x0 ss:$0x1], $0xffff;
	v10 =	vand.u32 $0xFFFF0000, v10  }
0xeb: {  	v18 =	vld.idx.msk [tilespmem:v3+s1+$0x0 ss:$0x1], $0xffff;
	v7 =	vor.u32 v7, v10  }
0xec: {  	v12 =	vld.idx.msk [tilespmem:v4+s1+$0x0 ss:$0x1], $0xffff;
	[tilespmem:s25+$0xFFFFFFB0] =	vst v7  }
0xed: {  	[tilespmem:v9+s20+$0x0] =	vst.idx.add.f32.msk $0xffff, v8  }
0xee: {  	s23 =	sor.u32 $0x60, s2;
	[tilespmem:v9+s21+$0x0] =	vst.idx.add.f32.msk $0xffff, v2  }
0xef: {  	s22 =	sor.u32 $0x40, s5;
	v7 =	vshll.u32 v15, $0x10;
	v8 =	vld.idx.msk [tilespmem:v6+s23+$0x0 ss:$0x1], $0xffff  }
0xf0: {  	v10 =	vld.idx.msk [tilespmem:v6+s22+$0x0 ss:$0x1], $0xffff;
	v7 =	vmul.f32 v7, v13  }
0xf1: {  	v16 =	vld.idx.msk [tilespmem:v4+s11+$0x0 ss:$0x1], $0xffff;
	v9 =	vand.u32 $0xFFFF0000, v15  }
0xf2: {  	v14 =	vadd.f32 $5.000000000e-01, v18;
	v12 =	vmul.f32 $6.499999760e-01, v12;
	v7 =	vadd.f32 v9, v7;
	v9 =	vld.idx.msk [tilespmem:v11+s7+$0x0], $0xffff  }
0xf3: {  	v15 =	vld.idx.msk [tilespmem:v5+s11+$0x0 ss:$0x1], $0xffff  }
0xf4: {  	v12 =	vadd.f32 $1.000000010e-01, v12;
	v13 =	vld.idx.msk [tilespmem:v3+s22+$0x0 ss:$0x1], $0xffff;
	v7 =	vmul.f32 v7, v14  }
0xf5: {  	v14 =	vld.idx.msk [tilespmem:v3+s11+$0x0 ss:$0x1], $0xffff  }
0xf6: {  	v22 =	vld.idx.msk [tilespmem:v5+s23+$0x0 ss:$0x1], $0xffff;
	v7 =	vmul.f32 v12, v7  }
0xf7: {  	v19 =	vshll.u32 v9, $0x10;
	v12 =	vld.idx.msk [tilespmem:v8+s7+$0x0], $0xffff  }
0xf8: {  	v20 =	vshll.u32 v17, $0x4;
	v18 =	vld.idx.msk [tilespmem:v10+s7+$0x0], $0xffff;
	v21 =	vadd.s32 $0x8000, v7;
	v15 =	vmul.f32 v19, v15  }
0xf9: {  	v23 =	vld.idx.msk [tilespmem:v4+s23+$0x0 ss:$0x1], $0xffff;
	v9 =	vand.u32 $0xFFFF0000, v9;
	v19 =	vor.u32 v1, v20;
	v20 =	vand.u32 $0xFFFF0000, v21  }
0xfa: {  	v21 =	vld.idx.msk [tilespmem:v3+s23+$0x0 ss:$0x1], $0xffff;
	v14 =	vadd.f32 $5.000000000e-01, v14;
	v9 =	vadd.f32 v9, v15;
	v15 =	vmul.f32 $6.499999760e-01, v16  }
0xfb: {  	v13 =	vadd.f32 $5.000000000e-01, v13;
	v17 =	vor.u32 v17, v20;
	v16 =	vld.idx.msk [tilespmem:v5+s22+$0x0 ss:$0x1], $0xffff  }
0xfc: {  	v9 =	vmul.f32 v9, v14;
	v14 =	vadd.f32 $1.000000010e-01, v15;
	v15 =	vshll.u32 v12, $0x10  }
0xfd: {  	v20 =	vld.idx.msk [tilespmem:v4+s22+$0x0 ss:$0x1], $0xffff;
	v24 =	vshll.u32 v18, $0x10;
	[tilespmem:s18+$0x0] =	vst v17;
	v17 =	vshll.u32 v11, $0x4;
	v15 =	vmul.f32 v15, v22  }
0xfe: {  	[tilespmem:v19+s20+$0x0] =	vst.idx.add.f32.msk $0xffff, v7;
	v7 =	vmul.f32 v14, v9;
	v9 =	vor.u32 v1, v17;
	v12 =	vand.u32 $0xFFFF0000, v12  }
0xff: {  	s24 =	sor.u32 $0x10, s1;
	[tilespmem:v19+s21+$0x0] =	vst.idx.add.f32.msk $0xffff, v2;
	v14 =	vadd.f32 $5.000000000e-01, v21;
	v12 =	vadd.f32 v12, v15;
	v15 =	vmul.f32 $6.499999760e-01, v23  }
0x100: {  	v17 =	vand.u32 $0xFFFF0000, v18;
	v16 =	vmul.f32 v24, v16;
	v18 =	vld.idx.msk [tilespmem:v6+s24+$0x0 ss:$0x1], $0xffff;
	v19 =	vadd.s32 $0x8000, v7  }
0x101: {  	v19 =	vand.u32 $0xFFFF0000, v19;
	v12 =	vmul.f32 v12, v14;
	v14 =	vadd.f32 $1.000000010e-01, v15  }
0x102: {  	v16 =	vadd.f32 v17, v16;
	v17 =	vld.idx.msk [tilespmem:v5+s24+$0x0 ss:$0x1], $0xffff;
	v11 =	vor.u32 v11, v19;
	v15 =	vmul.f32 $6.499999760e-01, v20  }
0x103: {  	v19 =	vld.idx.msk [tilespmem:v3+s24+$0x0 ss:$0x1], $0xffff;
	[tilespmem:s18+$0xFFFFFF70] =	vst v11;
	v11 =	vmul.f32 v14, v12;
	v12 =	vshll.u32 v8, $0x4  }
0x104: {  	v13 =	vmul.f32 v16, v13;
	[tilespmem:v9+s20+$0x0] =	vst.idx.add.f32.msk $0xffff, v7;
	v14 =	vadd.f32 $1.000000010e-01, v15;
	v7 =	vor.u32 v1, v12  }
0x105: {  	s26 =	sor.u32 $0x20, s0;
	[tilespmem:v9+s21+$0x0] =	vst.idx.add.f32.msk $0xffff, v2;
	v9 =	vadd.s32 $0x8000, v11  }
0x106: {  	v13 =	vmul.f32 v14, v13;
	v14 =	vld.idx.msk [tilespmem:v6+s26+$0x0 ss:$0x1], $0xffff;
	v9 =	vand.u32 $0xFFFF0000, v9  }
0x107: {  	v15 =	vld.idx.msk [tilespmem:v4+s24+$0x0 ss:$0x1], $0xffff;
	v12 =	vshll.u32 v10, $0x4;
	v8 =	vor.u32 v8, v9  }
0x108: {  	v12 =	vor.u32 v1, v12;
	v16 =	vld.idx.msk [tilespmem:v18+s7+$0x0], $0xffff;
	v9 =	vadd.s32 $0x8000, v13;
	[tilespmem:s25+$0xFFFFFFC0] =	vst v8  }
0x109: {  	v8 =	vand.u32 $0xFFFF0000, v9;
	[tilespmem:v7+s20+$0x0] =	vst.idx.add.f32.msk $0xffff, v11  }
0x10a: {  	v8 =	vor.u32 v10, v8;
	v10 =	vld.idx.msk [tilespmem:v5+s26+$0x0 ss:$0x1], $0xffff  }
0x10b: {  	s8 =	sor.u32 $0x70, s2;
	[tilespmem:v7+s21+$0x0] =	vst.idx.add.f32.msk $0xffff, v2  }
0x10c: {  	[tilespmem:s25+$0x40] =	vst v8;
	v7 =	vld.idx.msk [tilespmem:v6+s8+$0x0 ss:$0x1], $0xffff  }
0x10d: {  	[tilespmem:v12+s20+$0x0] =	vst.idx.add.f32.msk $0xffff, v13  }
0x10e: {  	v8 =	vshll.u32 v16, $0x10;
	v9 =	vld.idx.msk [tilespmem:v14+s7+$0x0], $0xffff  }
0x10f: {  	v8 =	vmul.f32 v8, v17;
	[tilespmem:v12+s21+$0x0] =	vst.idx.add.f32.msk $0xffff, v2  }
0x110: {  	v11 =	vand.u32 $0xFFFF0000, v16;
	v12 =	vld.idx.msk [tilespmem:v3+s26+$0x0 ss:$0x1], $0xffff  }
0x111: {  	v8 =	vadd.f32 v11, v8;
	v11 =	vld.idx.msk [tilespmem:v4+s26+$0x0 ss:$0x1], $0xffff  }
0x112: {  	s9 =	sor.u32 $0x50, s5;
	v13 =	vadd.f32 $5.000000000e-01, v19  }
0x113: {  	v15 =	vmul.f32 $6.499999760e-01, v15;
	v16 =	vld.idx.msk [tilespmem:v6+s9+$0x0 ss:$0x1], $0xffff;
	v17 =	vshll.u32 v9, $0x10  }
0x114: {  	v8 =	vmul.f32 v8, v13;
	v13 =	vld.idx.msk [tilespmem:v7+s7+$0x0], $0xffff;
	v10 =	vmul.f32 v17, v10  }
0x115: {  	v15 =	vadd.f32 $1.000000010e-01, v15;
	v19 =	vld.idx.msk [tilespmem:v5+s8+$0x0 ss:$0x1], $0xffff;
	v9 =	vand.u32 $0xFFFF0000, v9  }
0x116: {  	v11 =	vmul.f32 $6.499999760e-01, v11;
	v9 =	vadd.f32 v9, v10;
	v10 =	vadd.f32 $5.000000000e-01, v12  }
0x117: {  	v20 =	vld.idx.msk [tilespmem:v4+s8+$0x0 ss:$0x1], $0xffff;
	v8 =	vmul.f32 v15, v8;
	v17 =	vshll.u32 v18, $0x4  }
0x118: {  	v15 =	vld.idx.msk [tilespmem:v3+s8+$0x0 ss:$0x1], $0xffff;
	v12 =	vor.u32 v1, v17;
	v9 =	vmul.f32 v9, v10;
	v10 =	vadd.f32 $1.000000010e-01, v11  }
0x119: {  	v22 =	vshll.u32 v14, $0x4;
	v21 =	vld.idx.msk [tilespmem:v5+s9+$0x0 ss:$0x1], $0xffff;
	v17 =	vadd.s32 $0x8000, v8;
	v11 =	vshll.u32 v13, $0x10  }
0x11a: {  	v17 =	vand.u32 $0xFFFF0000, v17;
	v11 =	vmul.f32 v11, v19;
	v19 =	vld.idx.msk [tilespmem:v3+s9+$0x0 ss:$0x1], $0xffff;
	v9 =	vmul.f32 v10, v9  }
0x11b: {  	v17 =	vor.u32 v18, v17;
	v18 =	vor.u32 v1, v22;
	v10 =	vand.u32 $0xFFFF0000, v13;
	v13 =	vld.idx.msk [tilespmem:v4+s9+$0x0 ss:$0x1], $0xffff  }
0x11c: {  	[tilespmem:s18+$0x10] =	vst v17;
	v17 =	vmul.f32 $6.499999760e-01, v20;
	v10 =	vadd.f32 v10, v11;
	v11 =	vld.idx.msk [tilespmem:v16+s7+$0x0], $0xffff;
	v20 =	vadd.s32 $0x8000, v9  }
0x11d: {  	v15 =	vadd.f32 $5.000000000e-01, v15;
	[tilespmem:v12+s20+$0x0] =	vst.idx.add.f32.msk $0xffff, v8;
	v8 =	vand.u32 $0xFFFF0000, v20  }
0x11e: {  	s10 =	sor.u32 $0x20, s1;
	[tilespmem:v12+s21+$0x0] =	vst.idx.add.f32.msk $0xffff, v2;
	v8 =	vor.u32 v14, v8  }
0x11f: {  	v12 =	vadd.f32 $1.000000010e-01, v17;
	v10 =	vmul.f32 v10, v15;
	v14 =	vld.idx.msk [tilespmem:v6+s10+$0x0 ss:$0x1], $0xffff;
	[tilespmem:s18+$0xFFFFFF80] =	vst v8  }
0x120: {  	[tilespmem:v18+s20+$0x0] =	vst.idx.add.f32.msk $0xffff, v9  }
0x121: {  	s11 =	sor.u32 $0x30, s0;
	v8 =	vmul.f32 v12, v10;
	v10 =	vshll.u32 v7, $0x4;
	v9 =	vshll.u32 v11, $0x10;
	[tilespmem:v18+s21+$0x0] =	vst.idx.add.f32.msk $0xffff, v2  }
0x122: {  	v10 =	vor.u32 v1, v10;
	v9 =	vmul.f32 v9, v21;
	v15 =	vld.idx.msk [tilespmem:v6+s11+$0x0 ss:$0x1], $0xffff  }
0x123: {  	v17 =	vadd.f32 $5.000000000e-01, v19;
	v11 =	vand.u32 $0xFFFF0000, v11;
	v18 =	vld.idx.msk [tilespmem:v5+s10+$0x0 ss:$0x1], $0xffff;
	v12 =	vadd.s32 $0x8000, v8  }
0x124: {  	v13 =	vmul.f32 $6.499999760e-01, v13;
	v19 =	vld.idx.msk [tilespmem:v5+s11+$0x0 ss:$0x1], $0xffff;
	v12 =	vand.u32 $0xFFFF0000, v12;
	v9 =	vadd.f32 v11, v9  }
0x125: {  	v11 =	vld.idx.msk [tilespmem:v3+s10+$0x0 ss:$0x1], $0xffff;
	v7 =	vor.u32 v7, v12  }
0x126: {  	v12 =	vld.idx.msk [tilespmem:v4+s10+$0x0 ss:$0x1], $0xffff;
	[tilespmem:s25+$0xFFFFFFD0] =	vst v7;
	v7 =	vadd.f32 $1.000000010e-01, v13;
	v9 =	vmul.f32 v9, v17  }
0x127: {  	[tilespmem:v10+s20+$0x0] =	vst.idx.add.f32.msk $0xffff, v8  }
0x128: {  	s22 =	sor.u32 $0x400, s2;
	[tilespmem:v10+s21+$0x0] =	vst.idx.add.f32.msk $0xffff, v2;
	v7 =	vmul.f32 v7, v9  }
0x129: {  	v8 =	vshll.u32 v16, $0x4;
	v9 =	vld.idx.msk [tilespmem:v6+s22+$0x0 ss:$0x1], $0xffff  }
0x12a: {  	v8 =	vor.u32 v1, v8;
	v13 =	vadd.s32 $0x8000, v7;
	v17 =	vld.idx.msk [tilespmem:v15+s7+$0x0], $0xffff  }
0x12b: {  	v10 =	vld.idx.msk [tilespmem:v14+s7+$0x0], $0xffff;
	v13 =	vand.u32 $0xFFFF0000, v13  }
0x12c: {  	v13 =	vor.u32 v16, v13;
	v16 =	vld.idx.msk [tilespmem:v3+s11+$0x0 ss:$0x1], $0xffff  }
0x12d: {  	[tilespmem:s25+$0x50] =	vst v13;
	v13 =	vld.idx.msk [tilespmem:v4+s11+$0x0 ss:$0x1], $0xffff  }
0x12e: {  	v20 =	vld.idx.msk [tilespmem:v5+s22+$0x0 ss:$0x1], $0xffff  }
0x12f: {  	[tilespmem:v8+s20+$0x0] =	vst.idx.add.f32.msk $0xffff, v7;
	v7 =	vshll.u32 v17, $0x10  }
0x130: {  	[tilespmem:v8+s21+$0x0] =	vst.idx.add.f32.msk $0xffff, v2;
	v7 =	vmul.f32 v7, v19  }
0x131: {  	s23 =	sor.u32 $0x60, s5;
	v17 =	vand.u32 $0xFFFF0000, v17;
	v8 =	vld.idx.msk [tilespmem:v9+s7+$0x0], $0xffff;
	v19 =	vshll.u32 v10, $0x10  }
0x132: {  	v21 =	vld.idx.msk [tilespmem:v6+s23+$0x0 ss:$0x1], $0xffff;
	v16 =	vadd.f32 $5.000000000e-01, v16;
	v7 =	vadd.f32 v17, v7;
	v13 =	vmul.f32 $6.499999760e-01, v13  }
0x133: {  	v11 =	vadd.f32 $5.000000000e-01, v11;
	v12 =	vmul.f32 $6.499999760e-01, v12;
	v17 =	vmul.f32 v19, v18;
	v18 =	vld.idx.msk [tilespmem:v3+s22+$0x0 ss:$0x1], $0xffff  }
0x134: {  	v10 =	vand.u32 $0xFFFF0000, v10;
	v19 =	vld.idx.msk [tilespmem:v4+s22+$0x0 ss:$0x1], $0xffff;
	v7 =	vmul.f32 v7, v16;
	v13 =	vadd.f32 $1.000000010e-01, v13  }
0x135: {  	v12 =	vadd.f32 $1.000000010e-01, v12;
	v10 =	vadd.f32 v10, v17  }
0x136: {  	v17 =	vshll.u32 v15, $0x4;
	v16 =	vshll.u32 v8, $0x10;
	v7 =	vmul.f32 v13, v7  }
0x137: {  	v8 =	vand.u32 $0xFFFF0000, v8;
	v16 =	vmul.f32 v16, v20;
	v13 =	vor.u32 v1, v17  }
0x138: {  	v10 =	vmul.f32 v10, v11;
	v17 =	vadd.f32 $5.000000000e-01, v18;
	v11 =	vadd.s32 $0x8000, v7  }
0x139: {  	v20 =	vld.idx.msk [tilespmem:v3+s23+$0x0 ss:$0x1], $0xffff;
	v18 =	vmul.f32 $6.499999760e-01, v19;
	v19 =	vshll.u32 v14, $0x4;
	v11 =	vand.u32 $0xFFFF0000, v11  }
0x13a: {  	v8 =	vadd.f32 v8, v16;
	v16 =	vld.idx.msk [tilespmem:v5+s23+$0x0 ss:$0x1], $0xffff;
	v10 =	vmul.f32 v12, v10;
	v11 =	vor.u32 v15, v11  }
0x13b: {  	v12 =	vor.u32 v1, v19;
	v15 =	vld.idx.msk [tilespmem:v21+s7+$0x0], $0xffff;
	[tilespmem:s18+$0xFFFFFF90] =	vst v11  }
0x13c: {  	v8 =	vmul.f32 v8, v17;
	v17 =	vadd.f32 $1.000000010e-01, v18;
	v11 =	vadd.s32 $0x8000, v10;
	[tilespmem:v13+s20+$0x0] =	vst.idx.add.f32.msk $0xffff, v7  }
0x13d: {  	s24 =	sor.u32 $0x40, s0;
	v7 =	vand.u32 $0xFFFF0000, v11;
	[tilespmem:v13+s21+$0x0] =	vst.idx.add.f32.msk $0xffff, v2  }
0x13e: {  	v8 =	vmul.f32 v17, v8;
	v11 =	vshll.u32 v9, $0x4;
	v7 =	vor.u32 v14, v7;
	v13 =	vld.idx.msk [tilespmem:v6+s24+$0x0 ss:$0x1], $0xffff  }
0x13f: {  	s26 =	simm.s32 $0x0;
	v11 =	vor.u32 v1, v11;
	[tilespmem:s18+$0x20] =	vst v7;
	v7 =	vld.idx.msk [tilespmem:v4+s23+$0x0 ss:$0x1], $0xffff  }
0x140: {  	s9 =	sand.u32 $0x3F80, s26;
	s22 =	sadd.s32 $0x14700, s3;
	v14 =	vadd.s32 $0x8000, v8;
	[tilespmem:v12+s20+$0x0] =	vst.idx.add.f32.msk $0xffff, v10  }
0x141: {  	s10 =	sand.u32 $0x40, s26;
	s11 =	sor.u32 $0x30, s1;
	s3 =	sadd.s32 s9, s22;
	v10 =	vand.u32 $0xFFFF0000, v14;
	[tilespmem:v12+s21+$0x0] =	vst.idx.add.f32.msk $0xffff, v2;
	v12 =	vshll.u32 v15, $0x10  }
0x142: {  	s3 =	sadd.s32 s10, s3;
	v9 =	vor.u32 v9, v10;
	v10 =	vld.idx.msk [tilespmem:v6+s11+$0x0 ss:$0x1], $0xffff;
	v12 =	vmul.f32 v12, v16  }
0x143: {  	[tilespmem:s3+$0x80] =	vst v9;
	v9 =	vand.u32 $0xFFFF0000, v15;
	v15 =	vld.idx.msk [tilespmem:v4+s24+$0x0 ss:$0x1], $0xffff  }
0x144: {  	[tilespmem:v11+s20+$0x0] =	vst.idx.add.f32.msk $0xffff, v8;
	v8 =	vadd.f32 $5.000000000e-01, v20;
	v9 =	vadd.f32 v9, v12;
	v7 =	vmul.f32 $6.499999760e-01, v7  }
0x145: {  	v16 =	vld.idx.msk [tilespmem:v5+s11+$0x0 ss:$0x1], $0xffff  }
0x146: {  	v8 =	vmul.f32 v9, v8;
	v7 =	vadd.f32 $1.000000010e-01, v7;
	v9 =	vld.idx.msk [tilespmem:v13+s7+$0x0], $0xffff  }
0x147: {  	v12 =	vld.idx.msk [tilespmem:v5+s24+$0x0 ss:$0x1], $0xffff  }
0x148: {  	v14 =	vshll.u32 v21, $0x4;
	v18 =	vld.idx.msk [tilespmem:v3+s11+$0x0 ss:$0x1], $0xffff;
	v7 =	vmul.f32 v7, v8  }
0x149: {  	v14 =	vor.u32 v1, v14;
	v8 =	vld.idx.msk [tilespmem:v3+s24+$0x0 ss:$0x1], $0xffff  }
0x14a: {  	s23 =	simm.s32 $0x200;
	v20 =	vld.idx.msk [tilespmem:v4+s11+$0x0 ss:$0x1], $0xffff;
	s24 =	simm.s32 $0x400;
	v17 =	vadd.s32 $0x8000, v7  }
0x14b: {  	s2 =	sor.u32 $0x410, s2;
	s3 =	sand.u32 $0x300, s23;
	[tilespmem:v11+s21+$0x0] =	vst.idx.add.f32.msk $0xffff, v2;
	s4 =	sand.u32 $0x3800, s24;
	v17 =	vand.u32 $0xFFFF0000, v17;
	v19 =	vshll.u32 v9, $0x10  }
0x14c: {  	s9 =	simm.s32 $0x280;
	v11 =	vld.idx.msk [tilespmem:v6+s2+$0x0 ss:$0x1], $0xffff;
	s8 =	sor.u32 s3, s4;
	v17 =	vor.u32 v21, v17;
	v12 =	vmul.f32 v19, v12  }
0x14d: {  	s10 =	sand.u32 $0x380, s9;
	v22 =	vld.idx.msk [tilespmem:v6+s8+$0x0 ss:$0x1], $0xffff;
	v9 =	vand.u32 $0xFFFF0000, v9;
	[tilespmem:s25+$0x60] =	vst v17  }
0x14e: {  	s9 =	sor.u32 s4, s10;
	v8 =	vadd.f32 $5.000000000e-01, v8;
	[tilespmem:v14+s20+$0x0] =	vst.idx.add.f32.msk $0xffff, v7;
	v7 =	vadd.f32 v9, v12;
	v9 =	vmul.f32 $6.499999760e-01, v15  }
0x14f: {  	v24 =	vld.idx.msk [tilespmem:v6+s9+$0x0 ss:$0x1], $0xffff  }
0x150: {  	v21 =	vld.idx.msk [tilespmem:v4+s2+$0x0 ss:$0x1], $0xffff;
	v7 =	vmul.f32 v7, v8;
	v8 =	vadd.f32 $1.000000010e-01, v9  }
0x151: {  	v19 =	vld.idx.msk [tilespmem:v10+s7+$0x0], $0xffff  }
0x152: {  	v17 =	vld.idx.msk [tilespmem:v3+s2+$0x0 ss:$0x1], $0xffff;
	v9 =	vmul.f32 v8, v7;
	v7 =	vshll.u32 v13, $0x4  }
0x153: {  	[tilespmem:v14+s21+$0x0] =	vst.idx.add.f32.msk $0xffff, v2;
	v14 =	vor.u32 v1, v7  }
0x154: {  	v12 =	vld.idx.msk [tilespmem:v11+s7+$0x0], $0xffff;
	v8 =	vadd.s32 $0x8000, v9  }
0x155: {  	s26 =	sor.u32 $0x70, s5;
	v15 =	vld.idx.msk [tilespmem:v5+s2+$0x0 ss:$0x1], $0xffff;
	v23 =	vand.u32 $0xFFFF0000, v8  }
0x156: {  	v7 =	vld.idx.msk [tilespmem:v6+s26+$0x0 ss:$0x1], $0xffff;
	v13 =	vor.u32 v13, v23  }
0x157: {  	v8 =	vld.idx.msk [tilespmem:v5+s26+$0x0 ss:$0x1], $0xffff;
	v23 =	vshll.u32 v19, $0x10;
	[tilespmem:s18+$0xFFFFFFA0] =	vst v13  }
0x158: {  	v13 =	vmul.f32 v23, v16;
	[tilespmem:v14+s20+$0x0] =	vst.idx.add.f32.msk $0xffff, v9  }
0x159: {  	s11 =	sor.u32 $0x50, s0;
	v9 =	vand.u32 $0xFFFF0000, v19;
	[tilespmem:v14+s21+$0x0] =	vst.idx.add.f32.msk $0xffff, v2  }
0x15a: {  	v16 =	vadd.f32 $5.000000000e-01, v18;
	v13 =	vadd.f32 v9, v13;
	v9 =	vshll.u32 v12, $0x10;
	v18 =	vld.idx.msk [tilespmem:v6+s11+$0x0 ss:$0x1], $0xffff  }
0x15b: {  	v19 =	vld.idx.msk [tilespmem:v22+s7+$0x0], $0xffff;
	v15 =	vmul.f32 v9, v15  }
0x15c: {  	v14 =	vmul.f32 $6.499999760e-01, v20;
	v12 =	vand.u32 $0xFFFF0000, v12;
	v20 =	vld.idx.msk [tilespmem:v5+s8+$0x0 ss:$0x1], $0xffff  }
0x15d: {  	v9 =	vld.idx.msk [tilespmem:v3+s26+$0x0 ss:$0x1], $0xffff;
	v12 =	vadd.f32 v12, v15;
	v15 =	vadd.f32 $5.000000000e-01, v17  }
0x15e: {  	v27 =	vld.idx.msk [tilespmem:v5+s11+$0x0 ss:$0x1], $0xffff;
	v14 =	vadd.f32 $1.000000010e-01, v14;
	v13 =	vmul.f32 v13, v16;
	v17 =	vmul.f32 $6.499999760e-01, v21  }
0x15f: {  	v12 =	vmul.f32 v12, v15;
	v15 =	vld.idx.msk [tilespmem:v3+s8+$0x0 ss:$0x1], $0xffff  }
0x160: {  	v21 =	vshll.u32 v10, $0x4;
	v13 =	vmul.f32 v14, v13;
	v14 =	vadd.f32 $1.000000010e-01, v17;
	v17 =	vld.idx.msk [tilespmem:v4+s8+$0x0 ss:$0x1], $0xffff  }
0x161: {  	v16 =	vld.idx.msk [tilespmem:v3+s9+$0x0 ss:$0x1], $0xffff;
	v21 =	vor.u32 v1, v21;
	v26 =	vshll.u32 v19, $0x10  }
0x162: {  	v20 =	vmul.f32 v26, v20;
	v23 =	vadd.s32 $0x8000, v13;
	v12 =	vmul.f32 v14, v12;
	v25 =	vld.idx.msk [tilespmem:v18+s7+$0x0], $0xffff  }
0x163: {  	v19 =	vand.u32 $0xFFFF0000, v19;
	v26 =	vshll.u32 v11, $0x4;
	v14 =	vld.idx.msk [tilespmem:v24+s7+$0x0], $0xffff;
	v23 =	vand.u32 $0xFFFF0000, v23  }
0x164: {  	v28 =	vld.idx.msk [tilespmem:v3+s11+$0x0 ss:$0x1], $0xffff;
	v19 =	vadd.f32 v19, v20;
	v10 =	vor.u32 v10, v23;
	v23 =	vadd.s32 $0x8000, v12  }
0x165: {  	v29 =	vld.idx.msk [tilespmem:v4+s11+$0x0 ss:$0x1], $0xffff;
	v23 =	vand.u32 $0xFFFF0000, v23;
	v15 =	vadd.f32 $5.000000000e-01, v15;
	v17 =	vmul.f32 $6.499999760e-01, v17  }
0x166: {  	v26 =	vor.u32 v1, v26;
	v20 =	vld.idx.msk [tilespmem:v5+s9+$0x0 ss:$0x1], $0xffff;
	v16 =	vadd.f32 $5.000000000e-01, v16;
	[tilespmem:s18+$0x30] =	vst v10;
	v11 =	vor.u32 v11, v23  }
0x167: {  	[tilespmem:v21+s20+$0x0] =	vst.idx.add.f32.msk $0xffff, v13;
	v10 =	vmul.f32 v19, v15;
	v13 =	vadd.f32 $1.000000010e-01, v17;
	v15 =	vshll.u32 v25, $0x10  }
0x168: {  	v23 =	vshll.u32 v22, $0x4;
	v17 =	vld.idx.msk [tilespmem:v4+s9+$0x0 ss:$0x1], $0xffff;
	v19 =	vshll.u32 v14, $0x10;
	v15 =	vmul.f32 v15, v27  }
0x169: {  	s23 =	sor.u32 $0x40, s1;
	[tilespmem:v21+s21+$0x0] =	vst.idx.add.f32.msk $0xffff, v2;
	v21 =	vor.u32 v1, v23;
	v13 =	vmul.f32 v13, v10;
	v10 =	vand.u32 $0xFFFF0000, v25  }
0x16a: {  	v23 =	vld.idx.msk [tilespmem:v6+s23+$0x0 ss:$0x1], $0xffff;
	[tilespmem:s25+$0xFFFFFFF0] =	vst v11;
	v25 =	vadd.f32 $5.000000000e-01, v28;
	v27 =	vmul.f32 $6.499999760e-01, v29;
	v15 =	vadd.f32 v10, v15  }
0x16b: {  	v11 =	vand.u32 $0xFFFF0000, v14;
	v14 =	vmul.f32 v19, v20;
	[tilespmem:v26+s20+$0x0] =	vst.idx.add.f32.msk $0xffff, v12;
	v19 =	vadd.s32 $0x8000, v13  }
0x16c: {  	v20 =	vld.idx.msk [tilespmem:v5+s23+$0x0 ss:$0x1], $0xffff;
	v12 =	vand.u32 $0xFFFF0000, v19;
	v19 =	vadd.f32 $1.000000010e-01, v27;
	v15 =	vmul.f32 v15, v25  }
0x16d: {  	s24 =	sadd.s32 $0x140, s18;
	v11 =	vadd.f32 v11, v14;
	v14 =	vld.idx.msk [tilespmem:v3+s23+$0x0 ss:$0x1], $0xffff;
	v17 =	vmul.f32 $6.499999760e-01, v17;
	v12 =	vor.u32 v22, v12  }
0x16e: {  	v10 =	vld.idx.msk [tilespmem:v4+s26+$0x0 ss:$0x1], $0xffff;
	[tilespmem:s24+$0xFFFFFF60] =	vst v12;
	v12 =	vmul.f32 v19, v15;
	v15 =	vshll.u32 v18, $0x4  }
0x16f: {  	v11 =	vmul.f32 v11, v16;
	v17 =	vadd.f32 $1.000000010e-01, v17;
	[tilespmem:v21+s20+$0x0] =	vst.idx.add.f32.msk $0xffff, v13;
	v13 =	vor.u32 v1, v15  }
0x170: {  	s26 =	sor.u32 $0x10, s8;
	[tilespmem:v21+s21+$0x0] =	vst.idx.add.f32.msk $0xffff, v2;
	v15 =	vadd.s32 $0x8000, v12  }
0x171: {  	v16 =	vshll.u32 v24, $0x4;
	v11 =	vmul.f32 v17, v11;
	v17 =	vld.idx.msk [tilespmem:v6+s26+$0x0 ss:$0x1], $0xffff;
	v15 =	vand.u32 $0xFFFF0000, v15  }
0x172: {  	v16 =	vor.u32 v1, v16;
	v19 =	vld.idx.msk [tilespmem:v23+s7+$0x0], $0xffff;
	v15 =	vor.u32 v18, v15  }
0x173: {  	v21 =	vadd.s32 $0x8000, v11;
	v18 =	vld.idx.msk [tilespmem:v4+s23+$0x0 ss:$0x1], $0xffff;
	[tilespmem:s18+$0xFFFFFFB0] =	vst v15  }
0x174: {  	v15 =	vand.u32 $0xFFFF0000, v21;
	[tilespmem:v13+s20+$0x0] =	vst.idx.add.f32.msk $0xffff, v12  }
0x175: {  	s6 =	sor.u32 $0x60, s0;
	v12 =	vor.u32 v24, v15;
	[tilespmem:v13+s21+$0x0] =	vst.idx.add.f32.msk $0xffff, v2  }
0x176: {  	[tilespmem:s24+$0x0] =	vst v12;
	v12 =	vld.idx.msk [tilespmem:v6+s6+$0x0 ss:$0x1], $0xffff  }
0x177: {  	v13 =	vshll.u32 v19, $0x10;
	[tilespmem:v16+s20+$0x0] =	vst.idx.add.f32.msk $0xffff, v11  }
0x178: {  	v11 =	vmul.f32 v13, v20;
	[tilespmem:v16+s21+$0x0] =	vst.idx.add.f32.msk $0xffff, v2  }
0x179: {  	v13 =	vand.u32 $0xFFFF0000, v19;
	v15 =	vld.idx.msk [tilespmem:v17+s7+$0x0], $0xffff  }
0x17a: {  	v11 =	vadd.f32 v13, v11;
	v13 =	vld.idx.msk [tilespmem:v5+s26+$0x0 ss:$0x1], $0xffff  }
0x17b: {  	s4 =	sor.u32 $0x10, s9;
	v14 =	vadd.f32 $5.000000000e-01, v14;
	v16 =	vmul.f32 $6.499999760e-01, v18;
	v18 =	vld.idx.msk [tilespmem:v3+s26+$0x0 ss:$0x1], $0xffff  }
0x17c: {  	v19 =	vld.idx.msk [tilespmem:v6+s4+$0x0 ss:$0x1], $0xffff  }
0x17d: {  	v16 =	vadd.f32 $1.000000010e-01, v16;
	v11 =	vmul.f32 v11, v14;
	v14 =	vld.idx.msk [tilespmem:v4+s26+$0x0 ss:$0x1], $0xffff  }
0x17e: {  	[tilespmem:v26+s21+$0x0] =	vst.idx.add.f32.msk $0xffff, v2;
	v20 =	vshll.u32 v15, $0x10  }
0x17f: {  	v11 =	vmul.f32 v16, v11;
	v13 =	vmul.f32 v20, v13;
	v16 =	vld.idx.msk [tilespmem:v12+s7+$0x0], $0xffff  }
0x180: {  	v21 =	vld.idx.msk [tilespmem:v5+s6+$0x0 ss:$0x1], $0xffff;
	v15 =	vand.u32 $0xFFFF0000, v15;
	v20 =	vshll.u32 v23, $0x4  }
0x181: {  	v24 =	vld.idx.msk [tilespmem:v3+s6+$0x0 ss:$0x1], $0xffff;
	v22 =	vadd.s32 $0x8000, v11;
	v13 =	vadd.f32 v15, v13;
	v15 =	vadd.f32 $5.000000000e-01, v18  }
0x182: {  	v25 =	vld.idx.msk [tilespmem:v4+s6+$0x0 ss:$0x1], $0xffff;
	v14 =	vmul.f32 $6.499999760e-01, v14;
	v18 =	vor.u32 v1, v20;
	v20 =	vand.u32 $0xFFFF0000, v22  }
0x183: {  	v22 =	vld.idx.msk [tilespmem:v7+s7+$0x0], $0xffff;
	v20 =	vor.u32 v23, v20  }
0x184: {  	v23 =	vld.idx.msk [tilespmem:v5+s4+$0x0 ss:$0x1], $0xffff;
	v13 =	vmul.f32 v13, v15;
	v14 =	vadd.f32 $1.000000010e-01, v14;
	v15 =	vshll.u32 v16, $0x10  }
0x185: {  	v26 =	vshll.u32 v17, $0x4;
	[tilespmem:s18+$0x40] =	vst v20;
	v20 =	vld.idx.msk [tilespmem:v19+s7+$0x0], $0xffff;
	v15 =	vmul.f32 v15, v21  }
0x186: {  	v13 =	vmul.f32 v14, v13;
	v14 =	vor.u32 v1, v26;
	v16 =	vand.u32 $0xFFFF0000, v16;
	v26 =	vld.idx.msk [tilespmem:v4+s4+$0x0 ss:$0x1], $0xffff  }
0x187: {  	v21 =	vld.idx.msk [tilespmem:v3+s4+$0x0 ss:$0x1], $0xffff;
	v15 =	vadd.f32 v16, v15;
	v16 =	vadd.f32 $5.000000000e-01, v24;
	v24 =	vmul.f32 $6.499999760e-01, v25  }
0x188: {  	[tilespmem:v18+s20+$0x0] =	vst.idx.add.f32.msk $0xffff, v11;
	v25 =	vadd.s32 $0x8000, v13  }
0x189: {  	s10 =	sor.u32 $0x50, s1;
	[tilespmem:v18+s21+$0x0] =	vst.idx.add.f32.msk $0xffff, v2;
	v11 =	vand.u32 $0xFFFF0000, v25;
	v15 =	vmul.f32 v15, v16;
	v16 =	vadd.f32 $1.000000010e-01, v24  }
0x18a: {  	v18 =	vld.idx.msk [tilespmem:v5+s10+$0x0 ss:$0x1], $0xffff;
	v11 =	vor.u32 v17, v11  }
0x18b: {  	v17 =	vld.idx.msk [tilespmem:v6+s10+$0x0 ss:$0x1], $0xffff;
	[tilespmem:s24+$0xFFFFFF70] =	vst v11;
	v11 =	vmul.f32 v16, v15;
	v15 =	vshll.u32 v12, $0x4  }
0x18c: {  	[tilespmem:v14+s20+$0x0] =	vst.idx.add.f32.msk $0xffff, v13;
	v13 =	vor.u32 v1, v15  }
0x18d: {  	s11 =	sor.u32 $0x20, s8;
	v15 =	vshll.u32 v20, $0x10;
	[tilespmem:v14+s21+$0x0] =	vst.idx.add.f32.msk $0xffff, v2;
	v14 =	vadd.s32 $0x8000, v11  }
0x18e: {  	v15 =	vmul.f32 v15, v23;
	v16 =	vld.idx.msk [tilespmem:v6+s11+$0x0 ss:$0x1], $0xffff;
	v14 =	vand.u32 $0xFFFF0000, v14  }
0x18f: {  	v20 =	vand.u32 $0xFFFF0000, v20;
	v23 =	vld.idx.msk [tilespmem:v3+s10+$0x0 ss:$0x1], $0xffff;
	v12 =	vor.u32 v12, v14  }
0x190: {  	v14 =	vadd.f32 $5.000000000e-01, v21;
	v21 =	vmul.f32 $6.499999760e-01, v26;
	v15 =	vadd.f32 v20, v15;
	v20 =	vld.idx.msk [tilespmem:v4+s10+$0x0 ss:$0x1], $0xffff;
	[tilespmem:s18+$0xFFFFFFC0] =	vst v12  }
0x191: {  	[tilespmem:v13+s20+$0x0] =	vst.idx.add.f32.msk $0xffff, v11  }
0x192: {  	s23 =	sor.u32 $0x70, s0;
	v11 =	vshll.u32 v22, $0x10;
	v12 =	vadd.f32 $1.000000010e-01, v21;
	v14 =	vmul.f32 v15, v14;
	[tilespmem:v13+s21+$0x0] =	vst.idx.add.f32.msk $0xffff, v2  }
0x193: {  	v8 =	vmul.f32 v11, v8;
	v11 =	vld.idx.msk [tilespmem:v6+s23+$0x0 ss:$0x1], $0xffff  }
0x194: {  	v15 =	vshll.u32 v19, $0x4;
	v13 =	vand.u32 $0xFFFF0000, v22;
	v12 =	vmul.f32 v12, v14;
	v14 =	vld.idx.msk [tilespmem:v17+s7+$0x0], $0xffff  }
0x195: {  	v9 =	vadd.f32 $5.000000000e-01, v9;
	v25 =	vld.idx.msk [tilespmem:v5+s23+$0x0 ss:$0x1], $0xffff;
	v8 =	vadd.f32 v13, v8;
	v13 =	vor.u32 v1, v15  }
0x196: {  	v10 =	vmul.f32 $6.499999760e-01, v10;
	v15 =	vadd.s32 $0x8000, v12;
	v21 =	vld.idx.msk [tilespmem:v16+s7+$0x0], $0xffff  }
0x197: {  	v8 =	vmul.f32 v8, v9;
	v9 =	vand.u32 $0xFFFF0000, v15;
	v15 =	vld.idx.msk [tilespmem:v5+s11+$0x0 ss:$0x1], $0xffff  }
0x198: {  	v10 =	vadd.f32 $1.000000010e-01, v10;
	v9 =	vor.u32 v19, v9;
	v19 =	vld.idx.msk [tilespmem:v3+s11+$0x0 ss:$0x1], $0xffff  }
0x199: {  	[tilespmem:s24+$0x10] =	vst v9;
	v9 =	vld.idx.msk [tilespmem:v4+s11+$0x0 ss:$0x1], $0xffff  }
0x19a: {  	v8 =	vmul.f32 v10, v8;
	v26 =	vshll.u32 v14, $0x10;
	[tilespmem:v13+s20+$0x0] =	vst.idx.add.f32.msk $0xffff, v12  }
0x19b: {  	v20 =	vmul.f32 $6.499999760e-01, v20;
	v10 =	vshll.u32 v7, $0x4;
	v18 =	vmul.f32 v26, v18;
	v26 =	vld.idx.msk [tilespmem:v4+s23+$0x0 ss:$0x1], $0xffff  }
0x19c: {  	v14 =	vand.u32 $0xFFFF0000, v14;
	v12 =	vadd.s32 $0x8000, v8;
	v24 =	vshll.u32 v21, $0x10;
	v22 =	vld.idx.msk [tilespmem:v11+s7+$0x0], $0xffff  }
0x19d: {  	v10 =	vor.u32 v1, v10;
	[tilespmem:v13+s21+$0x0] =	vst.idx.add.f32.msk $0xffff, v2;
	v12 =	vand.u32 $0xFFFF0000, v12;
	v15 =	vmul.f32 v24, v15  }
0x19e: {  	s26 =	sor.u32 $0x20, s9;
	v21 =	vand.u32 $0xFFFF0000, v21;
	v24 =	vld.idx.msk [tilespmem:v3+s23+$0x0 ss:$0x1], $0xffff;
	v19 =	vadd.f32 $5.000000000e-01, v19;
	v7 =	vor.u32 v7, v12  }
0x19f: {  	v12 =	vadd.f32 v14, v18;
	v14 =	vld.idx.msk [tilespmem:v6+s26+$0x0 ss:$0x1], $0xffff;
	v15 =	vadd.f32 v21, v15;
	v9 =	vmul.f32 $6.499999760e-01, v9  }
0x1a0: {  	v23 =	vadd.f32 $5.000000000e-01, v23;
	v13 =	vadd.f32 $1.000000010e-01, v20  }
0x1a1: {  	[tilespmem:s25+$0x70] =	vst v7;
	v7 =	vmul.f32 v15, v19;
	v9 =	vadd.f32 $1.000000010e-01, v9;
	v15 =	vshll.u32 v22, $0x10  }
0x1a2: {  	[tilespmem:v10+s20+$0x0] =	vst.idx.add.f32.msk $0xffff, v8;
	v8 =	vmul.f32 v12, v23;
	v12 =	vshll.u32 v16, $0x4;
	v15 =	vmul.f32 v15, v25  }
0x1a3: {  	v18 =	vmul.f32 $6.499999760e-01, v26;
	[tilespmem:v10+s21+$0x0] =	vst.idx.add.f32.msk $0xffff, v2;
	v10 =	vand.u32 $0xFFFF0000, v22;
	v7 =	vmul.f32 v9, v7  }
0x1a4: {  	v20 =	vld.idx.msk [tilespmem:v5+s26+$0x0 ss:$0x1], $0xffff;
	v9 =	vor.u32 v1, v12;
	v10 =	vadd.f32 v10, v15;
	v15 =	vadd.f32 $5.000000000e-01, v24  }
0x1a5: {  	s2 =	sor.u32 $0x400, s5;
	v21 =	vld.idx.msk [tilespmem:v3+s26+$0x0 ss:$0x1], $0xffff;
	v19 =	vshll.u32 v17, $0x4;
	v8 =	vmul.f32 v13, v8;
	v13 =	vadd.s32 $0x8000, v7  }
0x1a6: {  	v12 =	vld.idx.msk [tilespmem:v6+s2+$0x0 ss:$0x1], $0xffff;
	v13 =	vand.u32 $0xFFFF0000, v13;
	v10 =	vmul.f32 v10, v15;
	v15 =	vadd.f32 $1.000000010e-01, v18  }
0x1a7: {  	v22 =	vld.idx.msk [tilespmem:v14+s7+$0x0], $0xffff;
	v18 =	vor.u32 v1, v19;
	v13 =	vor.u32 v16, v13  }
0x1a8: {  	v19 =	vld.idx.msk [tilespmem:v4+s26+$0x0 ss:$0x1], $0xffff;
	v16 =	vadd.s32 $0x8000, v8;
	[tilespmem:s24+$0xFFFFFF80] =	vst v13;
	v13 =	vshll.u32 v11, $0x4;
	v10 =	vmul.f32 v15, v10  }
0x1a9: {  	v15 =	vand.u32 $0xFFFF0000, v16;
	[tilespmem:v9+s20+$0x0] =	vst.idx.add.f32.msk $0xffff, v7;
	v7 =	vor.u32 v1, v13  }
0x1aa: {  	s4 =	sor.u32 $0x30, s8;
	v13 =	vor.u32 v17, v15;
	[tilespmem:v9+s21+$0x0] =	vst.idx.add.f32.msk $0xffff, v2;
	v9 =	vadd.s32 $0x8000, v10  }
0x1ab: {  	[tilespmem:s18+$0x50] =	vst v13;
	v15 =	vld.idx.msk [tilespmem:v6+s4+$0x0 ss:$0x1], $0xffff;
	v9 =	vand.u32 $0xFFFF0000, v9  }
0x1ac: {  	[tilespmem:v18+s20+$0x0] =	vst.idx.add.f32.msk $0xffff, v8;
	v8 =	vor.u32 v11, v9  }
0x1ad: {  	v17 =	vld.idx.msk [tilespmem:v5+s2+$0x0 ss:$0x1], $0xffff;
	[tilespmem:s18+$0xFFFFFFD0] =	vst v8  }
0x1ae: {  	[tilespmem:v7+s20+$0x0] =	vst.idx.add.f32.msk $0xffff, v10  }
0x1af: {  	s6 =	sor.u32 $0x400, s0;
	[tilespmem:v7+s21+$0x0] =	vst.idx.add.f32.msk $0xffff, v2  }
0x1b0: {  	v7 =	vshll.u32 v22, $0x10;
	v8 =	vld.idx.msk [tilespmem:v6+s6+$0x0 ss:$0x1], $0xffff  }
0x1b1: {  	[tilespmem:v18+s21+$0x0] =	vst.idx.add.f32.msk $0xffff, v2;
	v7 =	vmul.f32 v7, v20  }
0x1b2: {  	v18 =	vld.idx.msk [tilespmem:v5+s4+$0x0 ss:$0x1], $0xffff;
	v10 =	vand.u32 $0xFFFF0000, v22  }
0x1b3: {  	s10 =	sor.u32 $0x60, s1;
	v16 =	vmul.f32 $6.499999760e-01, v19;
	v11 =	vadd.f32 $5.000000000e-01, v21;
	v7 =	vadd.f32 v10, v7;
	v10 =	vld.idx.msk [tilespmem:v15+s7+$0x0], $0xffff  }
0x1b4: {  	v9 =	vld.idx.msk [tilespmem:v6+s10+$0x0 ss:$0x1], $0xffff  }
0x1b5: {  	v19 =	vld.idx.msk [tilespmem:v4+s4+$0x0 ss:$0x1], $0xffff;
	v16 =	vadd.f32 $1.000000010e-01, v16;
	v7 =	vmul.f32 v7, v11  }
0x1b6: {  	v11 =	vld.idx.msk [tilespmem:v3+s4+$0x0 ss:$0x1], $0xffff  }
0x1b7: {  	v13 =	vld.idx.msk [tilespmem:v12+s7+$0x0], $0xffff;
	v7 =	vmul.f32 v16, v7  }
0x1b8: {  	v20 =	vshll.u32 v10, $0x10;
	v16 =	vld.idx.msk [tilespmem:v8+s7+$0x0], $0xffff  }
0x1b9: {  	v21 =	vshll.u32 v14, $0x4;
	v23 =	vld.idx.msk [tilespmem:v5+s6+$0x0 ss:$0x1], $0xffff;
	v22 =	vadd.s32 $0x8000, v7;
	v18 =	vmul.f32 v20, v18  }
0x1ba: {  	v24 =	vld.idx.msk [tilespmem:v4+s6+$0x0 ss:$0x1], $0xffff;
	v10 =	vand.u32 $0xFFFF0000, v10;
	v20 =	vor.u32 v1, v21;
	v21 =	vand.u32 $0xFFFF0000, v22  }
0x1bb: {  	v22 =	vld.idx.msk [tilespmem:v3+s6+$0x0 ss:$0x1], $0xffff;
	v11 =	vadd.f32 $5.000000000e-01, v11;
	v10 =	vadd.f32 v10, v18;
	v18 =	vmul.f32 $6.499999760e-01, v19  }
0x1bc: {  	v25 =	vld.idx.msk [tilespmem:v9+s7+$0x0], $0xffff;
	v14 =	vor.u32 v14, v21  }
0x1bd: {  	v19 =	vld.idx.msk [tilespmem:v3+s2+$0x0 ss:$0x1], $0xffff;
	v10 =	vmul.f32 v10, v11;
	v11 =	vadd.f32 $1.000000010e-01, v18;
	v18 =	vshll.u32 v16, $0x10  }
0x1be: {  	v21 =	vld.idx.msk [tilespmem:v5+s10+$0x0 ss:$0x1], $0xffff;
	[tilespmem:s24+$0x20] =	vst v14;
	v14 =	vshll.u32 v15, $0x4;
	v18 =	vmul.f32 v18, v23  }
0x1bf: {  	[tilespmem:v20+s20+$0x0] =	vst.idx.add.f32.msk $0xffff, v7;
	v7 =	vmul.f32 v11, v10;
	v10 =	vor.u32 v1, v14;
	v11 =	vand.u32 $0xFFFF0000, v16  }
0x1c0: {  	[tilespmem:v20+s21+$0x0] =	vst.idx.add.f32.msk $0xffff, v2;
	v14 =	vadd.f32 $5.000000000e-01, v22;
	v16 =	vmul.f32 $6.499999760e-01, v24;
	v11 =	vadd.f32 v11, v18  }
0x1c1: {  	s3 =	sor.u32 $0x30, s9;
	v22 =	vld.idx.msk [tilespmem:v3+s10+$0x0 ss:$0x1], $0xffff;
	v20 =	vadd.s32 $0x8000, v7  }
0x1c2: {  	v18 =	vld.idx.msk [tilespmem:v6+s3+$0x0 ss:$0x1], $0xffff;
	v20 =	vand.u32 $0xFFFF0000, v20;
	v11 =	vmul.f32 v11, v14;
	v14 =	vadd.f32 $1.000000010e-01, v16  }
0x1c3: {  	v23 =	vld.idx.msk [tilespmem:v3+s3+$0x0 ss:$0x1], $0xffff;
	v15 =	vor.u32 v15, v20  }
0x1c4: {  	v20 =	vld.idx.msk [tilespmem:v4+s10+$0x0 ss:$0x1], $0xffff;
	[tilespmem:s24+$0xFFFFFF90] =	vst v15;
	v11 =	vmul.f32 v14, v11  }
0x1c5: {  	v14 =	vshll.u32 v8, $0x4;
	[tilespmem:v10+s20+$0x0] =	vst.idx.add.f32.msk $0xffff, v7  }
0x1c6: {  	s11 =	simm.s32 $0x140;
	s23 =	sor.u32 $0x40, s8;
	v7 =	vor.u32 v1, v14;
	v14 =	vshll.u32 v25, $0x10;
	[tilespmem:v10+s21+$0x0] =	vst.idx.add.f32.msk $0xffff, v2;
	v10 =	vadd.s32 $0x8000, v11  }
0x1c7: {  	s26 =	sand.u32 $0x3F80, s11;
	v14 =	vmul.f32 v14, v21;
	v21 =	vld.idx.msk [tilespmem:v6+s23+$0x0 ss:$0x1], $0xffff;
	v10 =	vand.u32 $0xFFFF0000, v10  }
0x1c8: {  	s4 =	sand.u32 $0x40, s11;
	v16 =	vld.idx.msk [tilespmem:v5+s3+$0x0 ss:$0x1], $0xffff;
	s10 =	sadd.s32 s26, s22;
	v15 =	vand.u32 $0xFFFF0000, v25;
	v8 =	vor.u32 v8, v10  }
0x1c9: {  	s4 =	sadd.s32 s4, s10;
	v25 =	vld.idx.msk [tilespmem:v3+s23+$0x0 ss:$0x1], $0xffff;
	v10 =	vadd.f32 $5.000000000e-01, v22;
	v14 =	vadd.f32 v15, v14;
	v15 =	vmul.f32 $6.499999760e-01, v20  }
0x1ca: {  	v20 =	vld.idx.msk [tilespmem:v18+s7+$0x0], $0xffff;
	[tilespmem:s4+$0x80] =	vst v8  }
0x1cb: {  	[tilespmem:v7+s20+$0x0] =	vst.idx.add.f32.msk $0xffff, v11;
	v8 =	vmul.f32 v14, v10;
	v10 =	vadd.f32 $1.000000010e-01, v15  }
0x1cc: {  	v14 =	vld.idx.msk [tilespmem:v4+s3+$0x0 ss:$0x1], $0xffff  }
0x1cd: {  	s0 =	sor.u32 $0x410, s0;
	[tilespmem:v7+s21+$0x0] =	vst.idx.add.f32.msk $0xffff, v2;
	v8 =	vmul.f32 v10, v8  }
0x1ce: {  	v11 =	vshll.u32 v9, $0x4;
	v7 =	vld.idx.msk [tilespmem:v6+s0+$0x0 ss:$0x1], $0xffff  }
0x1cf: {  	v15 =	vor.u32 v1, v11;
	v11 =	vshll.u32 v20, $0x10;
	v10 =	vadd.s32 $0x8000, v8;
	v24 =	vld.idx.msk [tilespmem:v21+s7+$0x0], $0xffff  }
0x1d0: {  	v11 =	vmul.f32 v11, v16;
	v16 =	vld.idx.msk [tilespmem:v5+s23+$0x0 ss:$0x1], $0xffff;
	v10 =	vand.u32 $0xFFFF0000, v10  }
0x1d1: {  	v22 =	vld.idx.msk [tilespmem:v4+s2+$0x0 ss:$0x1], $0xffff;
	v20 =	vand.u32 $0xFFFF0000, v20;
	v9 =	vor.u32 v9, v10  }
0x1d2: {  	v14 =	vmul.f32 $6.499999760e-01, v14;
	[tilespmem:s18+$0x60] =	vst v9;
	v9 =	vadd.f32 v20, v11;
	v20 =	vld.idx.msk [tilespmem:v4+s23+$0x0 ss:$0x1], $0xffff  }
0x1d3: {  	v10 =	vadd.f32 $5.000000000e-01, v23;
	v11 =	vld.idx.msk [tilespmem:v5+s0+$0x0 ss:$0x1], $0xffff  }
0x1d4: {  	[tilespmem:v15+s20+$0x0] =	vst.idx.add.f32.msk $0xffff, v8;
	v8 =	vadd.f32 $1.000000010e-01, v14;
	v14 =	vshll.u32 v24, $0x10  }
0x1d5: {  	v9 =	vmul.f32 v9, v10;
	[tilespmem:v15+s21+$0x0] =	vst.idx.add.f32.msk $0xffff, v2;
	v14 =	vmul.f32 v14, v16  }
0x1d6: {  	v25 =	vadd.f32 $5.000000000e-01, v25;
	v24 =	vand.u32 $0xFFFF0000, v24;
	v10 =	vld.idx.msk [tilespmem:v7+s7+$0x0], $0xffff;
	v16 =	vshll.u32 v18, $0x4  }
0x1d7: {  	s11 =	simm.s32 $0x300;
	v23 =	vmul.f32 v8, v9;
	v9 =	vld.idx.msk [tilespmem:v3+s0+$0x0 ss:$0x1], $0xffff;
	v24 =	vadd.f32 v24, v14;
	v20 =	vmul.f32 $6.499999760e-01, v20  }
0x1d8: {  	s10 =	sor.u32 $0x70, s1;
	s3 =	simm.s32 $0x600;
	s23 =	simm.s32 $0x380;
	v8 =	vld.idx.msk [tilespmem:v4+s0+$0x0 ss:$0x1], $0xffff;
	v26 =	vor.u32 v1, v16  }
0x1d9: {  	s2 =	sand.u32 $0x300, s11;
	s26 =	sand.u32 $0x3800, s3;
	s4 =	sand.u32 $0x380, s23;
	v16 =	vld.idx.msk [tilespmem:v5+s10+$0x0 ss:$0x1], $0xffff;
	v15 =	vadd.s32 $0x8000, v23;
	v24 =	vmul.f32 v24, v25;
	v20 =	vadd.f32 $1.000000010e-01, v20  }
0x1da: {  	s0 =	sor.u32 s2, s26;
	s2 =	sor.u32 s26, s4;
	v14 =	vld.idx.msk [tilespmem:v6+s10+$0x0 ss:$0x1], $0xffff;
	v15 =	vand.u32 $0xFFFF0000, v15  }
0x1db: {  	v27 =	vld.idx.msk [tilespmem:v6+s2+$0x0 ss:$0x1], $0xffff;
	v15 =	vor.u32 v18, v15;
	v20 =	vmul.f32 v20, v24;
	v24 =	vshll.u32 v21, $0x4  }
0x1dc: {  	v48 =	vld.idx.msk [tilespmem:v5+s0+$0x0 ss:$0x1], $0xffff;
	[tilespmem:s24+$0x30] =	vst v15;
	v24 =	vor.u32 v1, v24  }
0x1dd: {  	[tilespmem:v26+s20+$0x0] =	vst.idx.add.f32.msk $0xffff, v23;
	v23 =	vadd.s32 $0x8000, v20  }
0x1de: {  	v25 =	vld.idx.msk [tilespmem:v6+s0+$0x0 ss:$0x1], $0xffff;
	v23 =	vand.u32 $0xFFFF0000, v23  }
0x1df: {  	v18 =	vld.idx.msk [tilespmem:v3+s10+$0x0 ss:$0x1], $0xffff;
	v21 =	vor.u32 v21, v23  }
0x1e0: {  	v15 =	vld.idx.msk [tilespmem:v4+s10+$0x0 ss:$0x1], $0xffff;
	[tilespmem:s24+$0xFFFFFFA0] =	vst v21  }
0x1e1: {  	[tilespmem:v24+s20+$0x0] =	vst.idx.add.f32.msk $0xffff, v20  }
0x1e2: {  	s10 =	sor.u32 $0x50, s8;
	[tilespmem:v24+s21+$0x0] =	vst.idx.add.f32.msk $0xffff, v2  }
0x1e3: {  	v20 =	vshll.u32 v13, $0x10;
	v21 =	vld.idx.msk [tilespmem:v6+s10+$0x0 ss:$0x1], $0xffff  }
0x1e4: {  	v49 =	vld.idx.msk [tilespmem:v4+s0+$0x0 ss:$0x1], $0xffff;
	v17 =	vmul.f32 v20, v17  }
0x1e5: {  	[tilespmem:v26+s21+$0x0] =	vst.idx.add.f32.msk $0xffff, v2;
	v13 =	vand.u32 $0xFFFF0000, v13  }
0x1e6: {  	s23 =	sor.u32 $0x40, s9;
	v13 =	vadd.f32 v13, v17;
	v17 =	vmul.f32 $6.499999760e-01, v22;
	v22 =	vld.idx.msk [tilespmem:v25+s7+$0x0], $0xffff  }
0x1e7: {  	v19 =	vadd.f32 $5.000000000e-01, v19;
	v54 =	vld.idx.msk [tilespmem:v6+s23+$0x0 ss:$0x1], $0xffff  }
0x1e8: {  	v34 =	vld.idx.msk [tilespmem:v5+s10+$0x0 ss:$0x1], $0xffff  }
0x1e9: {  	v13 =	vmul.f32 v13, v19;
	v17 =	vadd.f32 $1.000000010e-01, v17;
	v19 =	vld.idx.msk [tilespmem:v3+s0+$0x0 ss:$0x1], $0xffff  }
0x1ea: {  	v52 =	vld.idx.msk [tilespmem:v3+s10+$0x0 ss:$0x1], $0xffff  }
0x1eb: {  	v32 =	vshll.u32 v12, $0x4;
	v13 =	vmul.f32 v17, v13;
	v31 =	vshll.u32 v22, $0x10;
	v30 =	vld.idx.msk [tilespmem:v21+s7+$0x0], $0xffff  }
0x1ec: {  	v50 =	vor.u32 v1, v32;
	v17 =	vld.idx.msk [tilespmem:v27+s7+$0x0], $0xffff;
	v28 =	vmul.f32 v31, v48  }
0x1ed: {  	v29 =	vmul.f32 $6.499999760e-01, v49;
	v23 =	vld.idx.msk [tilespmem:v5+s2+$0x0 ss:$0x1], $0xffff;
	v22 =	vand.u32 $0xFFFF0000, v22;
	v33 =	vadd.s32 $0x8000, v13  }
0x1ee: {  	v53 =	vld.idx.msk [tilespmem:v4+s10+$0x0 ss:$0x1], $0xffff;
	v51 =	vand.u32 $0xFFFF0000, v33;
	v19 =	vadd.f32 $5.000000000e-01, v19;
	v22 =	vadd.f32 v22, v28  }
0x1ef: {  	s11 =	simm.s32 $0xA0;
	v56 =	vshll.u32 v25, $0x4;
	v57 =	vld.idx.msk [tilespmem:v4+s23+$0x0 ss:$0x1], $0xffff;
	v58 =	vadd.f32 $5.000000000e-01, v52;
	v12 =	vor.u32 v12, v51  }
0x1f0: {  	s26 =	sand.u32 $0x3F80, s11;
	v20 =	vld.idx.msk [tilespmem:v3+s2+$0x0 ss:$0x1], $0xffff;
	v19 =	vmul.f32 v22, v19;
	v22 =	vadd.f32 $1.000000010e-01, v29;
	v55 =	vshll.u32 v30, $0x10  }
0x1f1: {  	s4 =	sand.u32 $0x60, s11;
	v24 =	vld.idx.msk [tilespmem:v4+s2+$0x0 ss:$0x1], $0xffff;
	s10 =	sadd.s32 s26, s22;
	v26 =	vand.u32 $0xFFFF0000, v17;
	v17 =	vshll.u32 v17, $0x10;
	v29 =	vmul.f32 v55, v34  }
0x1f2: {  	v59 =	vld.idx.msk [tilespmem:v14+s7+$0x0], $0xffff;
	s4 =	sadd.s32 s4, s10;
	v17 =	vmul.f32 v17, v23;
	v19 =	vmul.f32 v22, v19;
	v30 =	vand.u32 $0xFFFF0000, v30  }
0x1f3: {  	v28 =	vmul.f32 $6.499999760e-01, v53;
	[tilespmem:s4+$0x80] =	vst v12;
	v23 =	vld.idx.msk [tilespmem:v5+s23+$0x0 ss:$0x1], $0xffff;
	v34 =	vor.u32 v1, v56;
	v12 =	vadd.f32 v30, v29  }
0x1f4: {  	[tilespmem:v50+s20+$0x0] =	vst.idx.add.f32.msk $0xffff, v13;
	v17 =	vadd.f32 v26, v17;
	v13 =	vadd.s32 $0x8000, v19  }
0x1f5: {  	[tilespmem:v50+s21+$0x0] =	vst.idx.add.f32.msk $0xffff, v2;
	v26 =	vmul.f32 v12, v58;
	v12 =	vand.u32 $0xFFFF0000, v13;
	v13 =	vadd.f32 $1.000000010e-01, v28  }
0x1f6: {  	s26 =	sadd.s32 $0x140, s24;
	v20 =	vadd.f32 $5.000000000e-01, v20;
	v24 =	vmul.f32 $6.499999760e-01, v24;
	v22 =	vld.idx.msk [tilespmem:v3+s23+$0x0 ss:$0x1], $0xffff;
	v25 =	vor.u32 v25, v12  }
0x1f7: {  	[tilespmem:s26+$0xFFFFFF60] =	vst v25;
	v25 =	vmul.f32 v13, v26;
	v13 =	vshll.u32 v21, $0x4;
	v26 =	vld.idx.msk [tilespmem:v54+s7+$0x0], $0xffff  }
0x1f8: {  	v24 =	vadd.f32 $1.000000010e-01, v24;
	v17 =	vmul.f32 v17, v20;
	[tilespmem:v34+s20+$0x0] =	vst.idx.add.f32.msk $0xffff, v19;
	v19 =	vor.u32 v1, v13  }
0x1f9: {  	s10 =	sor.u32 $0x10, s0;
	[tilespmem:v34+s21+$0x0] =	vst.idx.add.f32.msk $0xffff, v2;
	v13 =	vadd.s32 $0x8000, v25  }
0x1fa: {  	s4 =	sor.u32 $0x410, s5;
	v20 =	vshll.u32 v27, $0x4;
	v17 =	vmul.f32 v24, v17;
	v24 =	vld.idx.msk [tilespmem:v6+s10+$0x0 ss:$0x1], $0xffff;
	v13 =	vand.u32 $0xFFFF0000, v13  }
0x1fb: {  	v20 =	vor.u32 v1, v20;
	v12 =	vld.idx.msk [tilespmem:v6+s4+$0x0 ss:$0x1], $0xffff;
	v21 =	vor.u32 v21, v13  }
0x1fc: {  	v60 =	vadd.s32 $0x8000, v17;
	v13 =	vld.idx.msk [tilespmem:v5+s4+$0x0 ss:$0x1], $0xffff;
	[tilespmem:s24+$0xFFFFFFB0] =	vst v21  }
0x1fd: {  	v21 =	vand.u32 $0xFFFF0000, v60;
	[tilespmem:v19+s20+$0x0] =	vst.idx.add.f32.msk $0xffff, v25  }
0x1fe: {  	s11 =	sor.u32 $0x60, s8;
	v21 =	vor.u32 v27, v21;
	[tilespmem:v19+s21+$0x0] =	vst.idx.add.f32.msk $0xffff, v2  }
0x1ff: {  	[tilespmem:s26+$0x0] =	vst v21;
	v21 =	vshll.u32 v26, $0x10;
	v19 =	vld.idx.msk [tilespmem:v6+s11+$0x0 ss:$0x1], $0xffff  }
0x200: {  	[tilespmem:v20+s20+$0x0] =	vst.idx.add.f32.msk $0xffff, v17;
	v17 =	vmul.f32 v21, v23  }
0x201: {  	v61 =	vshll.u32 v59, $0x10;
	[tilespmem:v20+s21+$0x0] =	vst.idx.add.f32.msk $0xffff, v2;
	v20 =	vand.u32 $0xFFFF0000, v26  }
0x202: {  	v22 =	vadd.f32 $5.000000000e-01, v22;
	v23 =	vmul.f32 $6.499999760e-01, v57;
	v17 =	vadd.f32 v20, v17;
	v21 =	vld.idx.msk [tilespmem:v24+s7+$0x0], $0xffff  }
0x203: {  	v15 =	vmul.f32 $6.499999760e-01, v15;
	v16 =	vmul.f32 v61, v16;
	v20 =	vld.idx.msk [tilespmem:v5+s10+$0x0 ss:$0x1], $0xffff  }
0x204: {  	s23 =	sor.u32 $0x10, s2;
	v30 =	vand.u32 $0xFFFF0000, v59;
	v25 =	vld.idx.msk [tilespmem:v3+s10+$0x0 ss:$0x1], $0xffff;
	v23 =	vadd.f32 $1.000000010e-01, v23;
	v17 =	vmul.f32 v17, v22  }
0x205: {  	v18 =	vadd.f32 $5.000000000e-01, v18;
	v16 =	vadd.f32 v30, v16;
	v26 =	vld.idx.msk [tilespmem:v6+s23+$0x0 ss:$0x1], $0xffff  }
0x206: {  	v15 =	vadd.f32 $1.000000010e-01, v15;
	v27 =	vshll.u32 v54, $0x4;
	v22 =	vld.idx.msk [tilespmem:v4+s10+$0x0 ss:$0x1], $0xffff;
	v17 =	vmul.f32 v23, v17  }
0x207: {  	v16 =	vmul.f32 v16, v18;
	v27 =	vor.u32 v1, v27;
	v63 =	vld.idx.msk [tilespmem:v5+s11+$0x0 ss:$0x1], $0xffff;
	v62 =	vshll.u32 v21, $0x10  }
0x208: {  	v23 =	vld.idx.msk [tilespmem:v19+s7+$0x0], $0xffff;
	v35 =	vadd.s32 $0x8000, v17;
	v20 =	vmul.f32 v62, v20  }
0x209: {  	v15 =	vmul.f32 v15, v16;
	v36 =	vld.idx.msk [tilespmem:v3+s11+$0x0 ss:$0x1], $0xffff;
	v21 =	vand.u32 $0xFFFF0000, v21;
	v37 =	vand.u32 $0xFFFF0000, v35  }
0x20a: {  	v38 =	vld.idx.msk [tilespmem:v4+s11+$0x0 ss:$0x1], $0xffff;
	v18 =	vor.u32 v54, v37;
	v20 =	vadd.f32 v21, v20;
	v21 =	vadd.f32 $5.000000000e-01, v25  }
0x20b: {  	v39 =	vld.idx.msk [tilespmem:v3+s23+$0x0 ss:$0x1], $0xffff;
	v22 =	vmul.f32 $6.499999760e-01, v22;
	[tilespmem:s24+$0x40] =	vst v18  }
0x20c: {  	v43 =	vadd.s32 $0x8000, v15;
	[tilespmem:v27+s20+$0x0] =	vst.idx.add.f32.msk $0xffff, v17;
	v20 =	vmul.f32 v20, v21  }
0x20d: {  	v21 =	vadd.f32 $1.000000010e-01, v22;
	v40 =	vshll.u32 v23, $0x10;
	[tilespmem:v27+s21+$0x0] =	vst.idx.add.f32.msk $0xffff, v2;
	v27 =	vshll.u32 v14, $0x4  }
0x20e: {  	v41 =	vld.idx.msk [tilespmem:v26+s7+$0x0], $0xffff;
	v18 =	vshll.u32 v24, $0x4;
	v29 =	vmul.f32 v40, v63;
	v27 =	vor.u32 v1, v27  }
0x20f: {  	v25 =	vld.idx.msk [tilespmem:v5+s23+$0x0 ss:$0x1], $0xffff;
	v20 =	vmul.f32 v21, v20;
	v21 =	vand.u32 $0xFFFF0000, v23;
	v23 =	vmul.f32 $6.499999760e-01, v38  }
0x210: {  	s10 =	sor.u32 $0x50, s9;
	v22 =	vld.idx.msk [tilespmem:v4+s23+$0x0 ss:$0x1], $0xffff;
	v17 =	vadd.f32 v21, v29;
	v21 =	vadd.f32 $5.000000000e-01, v36;
	v29 =	vand.u32 $0xFFFF0000, v43  }
0x211: {  	v18 =	vor.u32 v1, v18;
	v42 =	vld.idx.msk [tilespmem:v6+s10+$0x0 ss:$0x1], $0xffff;
	v16 =	vadd.s32 $0x8000, v20;
	v14 =	vor.u32 v14, v29  }
0x212: {  	v16 =	vand.u32 $0xFFFF0000, v16;
	v17 =	vmul.f32 v17, v21;
	v21 =	vadd.f32 $1.000000010e-01, v23;
	v23 =	vld.idx.msk [tilespmem:v5+s10+$0x0 ss:$0x1], $0xffff  }
0x213: {  	[tilespmem:s18+$0x70] =	vst v14;
	v16 =	vor.u32 v24, v16;
	v24 =	vld.idx.msk [tilespmem:v3+s10+$0x0 ss:$0x1], $0xffff  }
0x214: {  	[tilespmem:v27+s20+$0x0] =	vst.idx.add.f32.msk $0xffff, v15  }
0x215: {  	[tilespmem:s26+$0xFFFFFF70] =	vst v16;
	v16 =	vmul.f32 v21, v17;
	v21 =	vld.idx.msk [tilespmem:v4+s10+$0x0 ss:$0x1], $0xffff  }
0x216: {  	v17 =	vshll.u32 v19, $0x4;
	[tilespmem:v27+s21+$0x0] =	vst.idx.add.f32.msk $0xffff, v2  }
0x217: {  	[tilespmem:v18+s20+$0x0] =	vst.idx.add.f32.msk $0xffff, v20;
	v17 =	vor.u32 v1, v17  }
0x218: {  	s11 =	sor.u32 $0x20, s0;
	v20 =	vshll.u32 v41, $0x10;
	[tilespmem:v18+s21+$0x0] =	vst.idx.add.f32.msk $0xffff, v2;
	v18 =	vadd.s32 $0x8000, v16  }
0x219: {  	s5 =	sor.u32 $0x400, s1;
	v14 =	vmul.f32 v20, v25;
	v20 =	vld.idx.msk [tilespmem:v6+s11+$0x0 ss:$0x1], $0xffff;
	v18 =	vand.u32 $0xFFFF0000, v18  }
0x21a: {  	v50 =	vld.idx.msk [tilespmem:v5+s5+$0x0 ss:$0x1], $0xffff;
	v25 =	vand.u32 $0xFFFF0000, v41;
	v18 =	vor.u32 v19, v18  }
0x21b: {  	v15 =	vadd.f32 $5.000000000e-01, v39;
	v19 =	vmul.f32 $6.499999760e-01, v22;
	v14 =	vadd.f32 v25, v14;
	[tilespmem:s24+$0xFFFFFFC0] =	vst v18;
	v18 =	vld.idx.msk [tilespmem:v42+s7+$0x0], $0xffff  }
0x21c: {  	[tilespmem:v17+s20+$0x0] =	vst.idx.add.f32.msk $0xffff, v16  }
0x21d: {  	s23 =	sor.u32 $0x70, s8;
	v16 =	vadd.f32 $1.000000010e-01, v19;
	v14 =	vmul.f32 v14, v15;
	[tilespmem:v17+s21+$0x0] =	vst.idx.add.f32.msk $0xffff, v2  }
0x21e: {  	v17 =	vld.idx.msk [tilespmem:v6+s23+$0x0 ss:$0x1], $0xffff  }
0x21f: {  	v27 =	vld.idx.msk [tilespmem:v5+s11+$0x0 ss:$0x1], $0xffff;
	v15 =	vshll.u32 v26, $0x4;
	v14 =	vmul.f32 v16, v14  }
0x220: {  	v16 =	vor.u32 v1, v15;
	v15 =	vld.idx.msk [tilespmem:v6+s5+$0x0 ss:$0x1], $0xffff  }
0x221: {  	v19 =	vadd.s32 $0x8000, v14;
	v25 =	vshll.u32 v18, $0x10;
	v22 =	vld.idx.msk [tilespmem:v20+s7+$0x0], $0xffff  }
0x222: {  	v19 =	vand.u32 $0xFFFF0000, v19;
	v23 =	vmul.f32 v25, v23;
	v25 =	vld.idx.msk [tilespmem:v3+s11+$0x0 ss:$0x1], $0xffff  }
0x223: {  	v18 =	vand.u32 $0xFFFF0000, v18;
	v19 =	vor.u32 v26, v19;
	v26 =	vld.idx.msk [tilespmem:v3+s23+$0x0 ss:$0x1], $0xffff  }
0x224: {  	v24 =	vadd.f32 $5.000000000e-01, v24;
	v21 =	vmul.f32 $6.499999760e-01, v21;
	[tilespmem:s26+$0x10] =	vst v19;
	v19 =	vld.idx.msk [tilespmem:v4+s11+$0x0 ss:$0x1], $0xffff;
	v18 =	vadd.f32 v18, v23  }
0x225: {  	[tilespmem:v16+s20+$0x0] =	vst.idx.add.f32.msk $0xffff, v14  }
0x226: {  	v14 =	vadd.f32 $1.000000010e-01, v21;
	v18 =	vmul.f32 v18, v24;
	v23 =	vld.idx.msk [tilespmem:v17+s7+$0x0], $0xffff;
	v21 =	vshll.u32 v22, $0x10  }
0x227: {  	v24 =	vld.idx.msk [tilespmem:v5+s23+$0x0 ss:$0x1], $0xffff;
	v21 =	vmul.f32 v21, v27  }
0x228: {  	v25 =	vadd.f32 $5.000000000e-01, v25;
	v18 =	vmul.f32 v14, v18;
	v14 =	vand.u32 $0xFFFF0000, v22;
	v22 =	vld.idx.msk [tilespmem:v4+s23+$0x0 ss:$0x1], $0xffff  }
0x229: {  	s10 =	sor.u32 $0x20, s2;
	[tilespmem:v16+s21+$0x0] =	vst.idx.add.f32.msk $0xffff, v2;
	v27 =	vshll.u32 v42, $0x4;
	v19 =	vmul.f32 $6.499999760e-01, v19;
	v21 =	vadd.f32 v14, v21  }
0x22a: {  	v46 =	vshll.u32 v20, $0x4;
	v16 =	vor.u32 v1, v27;
	v27 =	vld.idx.msk [tilespmem:v6+s10+$0x0 ss:$0x1], $0xffff  }
0x22b: {  	v61 =	vld.idx.msk [tilespmem:v4+s5+$0x0 ss:$0x1], $0xffff;
	v19 =	vadd.f32 $1.000000010e-01, v19;
	v21 =	vmul.f32 v21, v25;
	v25 =	vshll.u32 v23, $0x10  }
0x22c: {  	v45 =	vld.idx.msk [tilespmem:v5+s10+$0x0 ss:$0x1], $0xffff;
	v44 =	vadd.s32 $0x8000, v18;
	v23 =	vand.u32 $0xFFFF0000, v23;
	v24 =	vmul.f32 v25, v24  }
0x22d: {  	v47 =	vld.idx.msk [tilespmem:v3+s10+$0x0 ss:$0x1], $0xffff;
	v25 =	vand.u32 $0xFFFF0000, v44;
	v22 =	vmul.f32 $6.499999760e-01, v22;
	v19 =	vmul.f32 v19, v21  }
0x22e: {  	v48 =	vld.idx.msk [tilespmem:v4+s10+$0x0 ss:$0x1], $0xffff;
	v21 =	vor.u32 v1, v46;
	v23 =	vadd.f32 v23, v24;
	v24 =	vadd.f32 $5.000000000e-01, v26  }
0x22f: {  	v14 =	vld.idx.msk [tilespmem:v3+s4+$0x0 ss:$0x1], $0xffff;
	v25 =	vor.u32 v42, v25;
	v49 =	vadd.s32 $0x8000, v19  }
0x230: {  	v26 =	vld.idx.msk [tilespmem:v15+s7+$0x0], $0xffff;
	v22 =	vadd.f32 $1.000000010e-01, v22;
	[tilespmem:s24+$0x50] =	vst v25;
	v32 =	vand.u32 $0xFFFF0000, v49;
	v23 =	vmul.f32 v23, v24  }
0x231: {  	[tilespmem:v16+s20+$0x0] =	vst.idx.add.f32.msk $0xffff, v18;
	v20 =	vor.u32 v20, v32  }
0x232: {  	v18 =	vld.idx.msk [tilespmem:v27+s7+$0x0], $0xffff;
	[tilespmem:s26+$0xFFFFFF80] =	vst v20;
	v20 =	vmul.f32 v22, v23;
	v22 =	vshll.u32 v17, $0x4  }
0x233: {  	[tilespmem:v21+s20+$0x0] =	vst.idx.add.f32.msk $0xffff, v19;
	v19 =	vor.u32 v1, v22  }
0x234: {  	s11 =	sor.u32 $0x30, s0;
	[tilespmem:v21+s21+$0x0] =	vst.idx.add.f32.msk $0xffff, v2;
	v21 =	vadd.s32 $0x8000, v20  }
0x235: {  	v22 =	vld.idx.msk [tilespmem:v6+s11+$0x0 ss:$0x1], $0xffff;
	v21 =	vand.u32 $0xFFFF0000, v21  }
0x236: {  	s6 =	sor.u32 $0x60, s9;
	[tilespmem:v16+s21+$0x0] =	vst.idx.add.f32.msk $0xffff, v2;
	v17 =	vor.u32 v17, v21  }
0x237: {  	v24 =	vld.idx.msk [tilespmem:v5+s6+$0x0 ss:$0x1], $0xffff;
	[tilespmem:s24+$0xFFFFFFD0] =	vst v17  }
0x238: {  	[tilespmem:v19+s20+$0x0] =	vst.idx.add.f32.msk $0xffff, v20  }
0x239: {  	s23 =	sor.u32 $0x400, s8;
	v16 =	vshll.u32 v18, $0x10;
	[tilespmem:v19+s21+$0x0] =	vst.idx.add.f32.msk $0xffff, v2  }
0x23a: {  	v25 =	vshll.u32 v10, $0x10;
	v17 =	vmul.f32 v16, v45;
	v19 =	vld.idx.msk [tilespmem:v6+s23+$0x0 ss:$0x1], $0xffff  }
0x23b: {  	v10 =	vand.u32 $0xFFFF0000, v10;
	v11 =	vmul.f32 v25, v11;
	v51 =	vld.idx.msk [tilespmem:v3+s6+$0x0 ss:$0x1], $0xffff;
	v18 =	vand.u32 $0xFFFF0000, v18  }
0x23c: {  	v23 =	vmul.f32 $6.499999760e-01, v48;
	v16 =	vld.idx.msk [tilespmem:v6+s6+$0x0 ss:$0x1], $0xffff;
	v20 =	vadd.f32 $5.000000000e-01, v47;
	v17 =	vadd.f32 v18, v17  }
0x23d: {  	v9 =	vadd.f32 $5.000000000e-01, v9;
	v8 =	vmul.f32 $6.499999760e-01, v8;
	v10 =	vadd.f32 v10, v11;
	v18 =	vld.idx.msk [tilespmem:v22+s7+$0x0], $0xffff  }
0x23e: {  	v23 =	vadd.f32 $1.000000010e-01, v23;
	v17 =	vmul.f32 v17, v20;
	v20 =	vld.idx.msk [tilespmem:v5+s11+$0x0 ss:$0x1], $0xffff  }
0x23f: {  	v8 =	vadd.f32 $1.000000010e-01, v8;
	v9 =	vmul.f32 v10, v9;
	v25 =	vld.idx.msk [tilespmem:v3+s11+$0x0 ss:$0x1], $0xffff  }
0x240: {  	v17 =	vmul.f32 v23, v17;
	v23 =	vld.idx.msk [tilespmem:v4+s11+$0x0 ss:$0x1], $0xffff  }
0x241: {  	v11 =	vshll.u32 v27, $0x4;
	v8 =	vmul.f32 v8, v9;
	v21 =	vld.idx.msk [tilespmem:v3+s5+$0x0 ss:$0x1], $0xffff  }
0x242: {  	v11 =	vor.u32 v1, v11;
	v53 =	vld.idx.msk [tilespmem:v19+s7+$0x0], $0xffff;
	v54 =	vshll.u32 v18, $0x10  }
0x243: {  	v58 =	vadd.s32 $0x8000, v8;
	v55 =	vld.idx.msk [tilespmem:v5+s23+$0x0 ss:$0x1], $0xffff;
	v52 =	vadd.s32 $0x8000, v17;
	v20 =	vmul.f32 v54, v20  }
0x244: {  	v25 =	vadd.f32 $5.000000000e-01, v25;
	v10 =	vld.idx.msk [tilespmem:v4+s23+$0x0 ss:$0x1], $0xffff;
	v30 =	vand.u32 $0xFFFF0000, v52;
	v18 =	vand.u32 $0xFFFF0000, v18  }
0x245: {  	v27 =	vor.u32 v27, v30;
	v23 =	vmul.f32 $6.499999760e-01, v23;
	v18 =	vadd.f32 v18, v20;
	v20 =	vld.idx.msk [tilespmem:v3+s23+$0x0 ss:$0x1], $0xffff  }
0x246: {  	v60 =	vand.u32 $0xFFFF0000, v58;
	v56 =	vld.idx.msk [tilespmem:v16+s7+$0x0], $0xffff;
	[tilespmem:s26+$0x20] =	vst v27  }
0x247: {  	[tilespmem:v11+s20+$0x0] =	vst.idx.add.f32.msk $0xffff, v17;
	v23 =	vadd.f32 $1.000000010e-01, v23;
	v17 =	vmul.f32 v18, v25;
	v18 =	vshll.u32 v53, $0x10  }
0x248: {  	v31 =	vor.u32 v7, v60;
	[tilespmem:v11+s21+$0x0] =	vst.idx.add.f32.msk $0xffff, v2;
	s23 =	sor.u32 $0x30, s2;
	v9 =	vmul.f32 v18, v55  }
0x249: {  	v11 =	vshll.u32 v22, $0x4;
	v27 =	vld.idx.msk [tilespmem:v3+s23+$0x0 ss:$0x1], $0xffff;
	v17 =	vmul.f32 v23, v17;
	v23 =	vand.u32 $0xFFFF0000, v53  }
0x24a: {  	v11 =	vor.u32 v1, v11;
	v59 =	vld.idx.msk [tilespmem:v4+s23+$0x0 ss:$0x1], $0xffff;
	v9 =	vadd.f32 v23, v9;
	v20 =	vadd.f32 $5.000000000e-01, v20  }
0x24b: {  	v10 =	vmul.f32 $6.499999760e-01, v10;
	v25 =	vld.idx.msk [tilespmem:v5+s23+$0x0 ss:$0x1], $0xffff;
	v23 =	vshll.u32 v7, $0x4;
	v57 =	vadd.s32 $0x8000, v17  }
0x24c: {  	v18 =	vld.idx.msk [tilespmem:v6+s23+$0x0 ss:$0x1], $0xffff;
	v23 =	vor.u32 v1, v23;
	v9 =	vmul.f32 v9, v20;
	v20 =	vand.u32 $0xFFFF0000, v57  }
0x24d: {  	[tilespmem:s18+$0xFFFFFFF0] =	vst v31;
	v10 =	vadd.f32 $1.000000010e-01, v10;
	v7 =	vshll.u32 v26, $0x10;
	v20 =	vor.u32 v22, v20;
	v22 =	vld.idx.msk [tilespmem:v4+s6+$0x0 ss:$0x1], $0xffff  }
0x24e: {  	v29 =	vadd.f32 $5.000000000e-01, v51;
	v7 =	vmul.f32 v7, v50;
	[tilespmem:s26+$0xFFFFFF90] =	vst v20;
	v20 =	vand.u32 $0xFFFF0000, v26;
	v26 =	vld.idx.msk [tilespmem:v12+s7+$0x0], $0xffff  }
0x24f: {  	v9 =	vmul.f32 v10, v9;
	v10 =	vshll.u32 v19, $0x4;
	[tilespmem:v11+s20+$0x0] =	vst.idx.add.f32.msk $0xffff, v17;
	v17 =	vshll.u32 v12, $0x4  }
0x250: {  	s11 =	simm.s32 $0x280;
	v10 =	vor.u32 v1, v10;
	v28 =	vadd.f32 v20, v7;
	v20 =	vshll.u32 v56, $0x10;
	[tilespmem:v11+s21+$0x0] =	vst.idx.add.f32.msk $0xffff, v2  }
0x251: {  	s5 =	sor.u32 $0x40, s0;
	s23 =	sand.u32 $0x3F80, s11;
	v11 =	vadd.s32 $0x8000, v9;
	v7 =	vor.u32 v1, v17;
	v17 =	vmul.f32 v20, v24;
	[tilespmem:v23+s20+$0x0] =	vst.idx.add.f32.msk $0xffff, v8  }
0x252: {  	v21 =	vadd.f32 $5.000000000e-01, v21;
	s10 =	sadd.s32 s23, s22;
	s6 =	sand.u32 $0x40, s11;
	v24 =	vand.u32 $0xFFFF0000, v56;
	v20 =	vld.idx.msk [tilespmem:v6+s5+$0x0 ss:$0x1], $0xffff;
	v11 =	vand.u32 $0xFFFF0000, v11  }
0x253: {  	s11 =	sadd.s32 s6, s10;
	[tilespmem:v23+s21+$0x0] =	vst.idx.add.f32.msk $0xffff, v2;
	v11 =	vor.u32 v19, v11;
	v17 =	vadd.f32 v24, v17;
	v22 =	vmul.f32 $6.499999760e-01, v22  }
0x254: {  	v24 =	vld.idx.msk [tilespmem:v18+s7+$0x0], $0xffff;
	[tilespmem:s11+$0x80] =	vst v11;
	v11 =	vmul.f32 v28, v21;
	v8 =	vand.u32 $0xFFFF0000, v26  }
0x255: {  	v19 =	vld.idx.msk [tilespmem:v4+s4+$0x0 ss:$0x1], $0xffff;
	v26 =	vshll.u32 v26, $0x10;
	v17 =	vmul.f32 v17, v29;
	v21 =	vadd.f32 $1.000000010e-01, v22  }
0x256: {  	[tilespmem:v10+s20+$0x0] =	vst.idx.add.f32.msk $0xffff, v9;
	v13 =	vmul.f32 v26, v13  }
0x257: {  	s4 =	sor.u32 $0x410, s8;
	[tilespmem:v10+s21+$0x0] =	vst.idx.add.f32.msk $0xffff, v2;
	v17 =	vmul.f32 v21, v17  }
0x258: {  	v10 =	vld.idx.msk [tilespmem:v6+s4+$0x0 ss:$0x1], $0xffff;
	v8 =	vadd.f32 v8, v13  }
0x259: {  	s19 =	smov.u32 s15;
	s28 =	smov.u32 s13;
	v21 =	vshll.u32 v24, $0x10;
	v13 =	vand.u32 $0xFFFF0000, v24;
	v24 =	vld.idx.msk [tilespmem:v5+s5+$0x0 ss:$0x1], $0xffff;
	v23 =	vadd.s32 $0x8000, v17  }
0x25a: {  	p1 =	por !p1, p0;
	s12 =	sadd.s32 s12, s16;
	s10 =	sadd.s32 @!p2 $0x1, s13;
	v26 =	vld.idx.msk [tilespmem:v20+s7+$0x0], $0xffff;
	v23 =	vand.u32 $0xFFFF0000, v23  }
0x25b: {  	s6 =	sadd.s32 @!p2 $0x1, s15;
	s13 =	smov.u32 @p1 s10;
	v9 =	vshll.u32 v16, $0x4;
	v16 =	vor.u32 v16, v23;
	v23 =	vld.idx.msk [tilespmem:v3+s5+$0x0 ss:$0x1], $0xffff;
	[dreg:$0x1f] =	wrdreg s16  }
0x25c: {  	s15 =	smov.u32 @p1 s6;
	s13 =	smov.u32 @p0 s28;
	[smem:$0x7FC] =	sst s12  }
0x25d: {  	s6 =	simm.s32 $0x0;
	s15 =	smov.u32 @p0 s19;
	v63 =	vor.u32 v1, v9;
	v9 =	vmul.f32 $6.499999760e-01, v61;
	[dreg:$0x13] =	wrdreg s13  }
0x25e: {  	v62 =	vshll.u32 v15, $0x4;
	s6 =	simm.s32 @p1 $0x1;
	s8 =	sadd.s32 @!p2 $0x1, s14;
	v21 =	vmul.f32 v21, v25;
	[dreg:$0x1c] =	wrdreg s15  }
0x25f: {  	s17 =	smov.u32 s14;
	v14 =	vadd.f32 $5.000000000e-01, v14;
	s6 =	simm.s32 @p0 $0x0;
	s14 =	smov.u32 @p1 s8;
	v9 =	vadd.f32 $1.000000010e-01, v9;
	v19 =	vmul.f32 $6.499999760e-01, v19;
	[tilespmem:s24+$0x60] =	vst v16  }
0x260: {  	s31 =	sor.u32 $0x40, s2;
	v22 =	vadd.f32 $5.000000000e-01, v27;
	s14 =	smov.u32 @p0 s17;
	v25 =	vmul.f32 $6.499999760e-01, v59;
	v13 =	vadd.f32 v13, v21;
	v21 =	vld.idx.msk [tilespmem:v4+s5+$0x0 ss:$0x1], $0xffff;
	[smem:$0x7FD] =	sst s6  }
0x261: {  	s30 =	sor.u32 $0x50, s2;
	s29 =	sor.u32 $0x60, s2;
	v8 =	vmul.f32 v8, v14;
	v11 =	vmul.f32 v9, v11;
	v19 =	vadd.f32 $1.000000010e-01, v19;
	[dreg:$0x1a] =	wrdreg s14  }
0x262: {  	s23 =	sor.u32 $0x70, s9;
	s28 =	sor.u32 $0x410, s1;
	s19 =	sor.u32 $0x410, s2;
	v9 =	vor.u32 v1, v62;
	v16 =	vadd.f32 $1.000000010e-01, v25;
	v13 =	vmul.f32 v13, v22;
	[tilespmem:v63+s20+$0x0] =	vst.idx.add.f32.msk $0xffff, v17  }
0x263: {  	s8 =	sor.u32 $0x400, s9;
	s16 =	sor.u32 $0x410, s9;
	v25 =	vshll.u32 v18, $0x4;
	v8 =	vmul.f32 v19, v8;
	s14 =	simm.s32 $0x1E0;
	v17 =	vadd.s32 $0x8000, v11;
	v14 =	vld.idx.msk [tilespmem:v10+s7+$0x0], $0xffff  }
0x264: {  	s11 =	simm.s32 $0x320;
	s15 =	sand.u32 $0x3F80, s14;
	v19 =	vand.u32 $0xFFFF0000, v17;
	v27 =	vshll.u32 v26, $0x10;
	v22 =	vmul.f32 v16, v13;
	v17 =	vld.idx.msk [tilespmem:v5+s4+$0x0 ss:$0x1], $0xffff;
	[dreg:$0x8] =	wrdreg s16  }
0x265: {  	s17 =	sand.u32 $0x3F80, s11;
	s5 =	sand.u32 $0x60, s14;
	s1 =	sadd.s32 s15, s22;
	v16 =	vadd.s32 $0x8000, v8;
	v13 =	vor.u32 v15, v19;
	v19 =	vmul.f32 v27, v24;
	v15 =	vld.idx.msk [tilespmem:v3+s4+$0x0 ss:$0x1], $0xffff  }
0x266: {  	v26 =	vand.u32 $0xFFFF0000, v26;
	s15 =	sor.u32 $0x70, s2;
	s16 =	sor.u32 $0x400, s2;
	s1 =	sadd.s32 s5, s1;
	v24 =	vand.u32 $0xFFFF0000, v16;
	v23 =	vadd.f32 $5.000000000e-01, v23;
	[tilespmem:v63+s21+$0x0] =	vst.idx.add.f32.msk $0xffff, v2  }
0x267: {  	v16 =	vld.idx.msk [tilespmem:v4+s4+$0x0 ss:$0x1], $0xffff;
	s21 =	sand.u32 $0x60, s11;
	s4 =	sadd.s32 s17, s22;
	v27 =	vadd.s32 $0x8000, v22;
	[dreg:$0x7] =	wrdreg s22;
	v19 =	vadd.f32 v26, v19;
	v26 =	vmul.f32 $6.499999760e-01, v21  }
0x268: {  	s2 =	simm.s32 $0x6;
	s7 =	simm.s32 $0x380;
	v12 =	vor.u32 v12, v24;
	s9 =	sadd.s32 s21, s4;
	v21 =	vor.u32 v1, v25;
	[tilespmem:s1+$0x80] =	vst v13;
	v25 =	vand.u32 $0xFFFF0000, v27;
	v13 =	vld.idx.msk [tilespmem:v6+s23+$0x0 ss:$0x1], $0xffff  }
0x269: {  	s21 =	simm.s32 $0x0;
	[tilespmem:s25+$0x90] =	vst v12;
	s25 =	simm.s32 $0x480;
	s1 =	smov.u32 s26;
	v23 =	vmul.f32 v19, v23;
	v24 =	vadd.f32 $1.000000010e-01, v26;
	v12 =	vshll.u32 v14, $0x10;
	v19 =	vld.idx.msk [tilespmem:v5+s23+$0x0 ss:$0x1], $0xffff  }
.LBB2_5:
0x26a: {  	v18 =	vor.u32 v18, v25  }
0x26b: {  	s4 =	sadd.s32 $0xFFFFFF80, s25;
	s3 =	sadd.s32 $0x200, s3;
	v12 =	vmul.f32 v12, v17;
	v17 =	vld.idx.msk [tilespmem:v3+s23+$0x0 ss:$0x1], $0xffff;
	[tilespmem:s26+$0x30] =	vst v18  }
0x26c: {  	s6 =	sand.u32 $0x3800, s3;
	s4 =	sand.u32 $0x300, s4;
	v23 =	vmul.f32 v24, v23;
	v24 =	vshll.u32 v20, $0x4;
	v18 =	vld.idx.msk [tilespmem:v4+s23+$0x0 ss:$0x1], $0xffff  }
0x26d: {  	s5 =	sand.u32 $0x380, s25;
	v14 =	vand.u32 $0xFFFF0000, v14;
	s4 =	sor.u32 s4, s6;
	v24 =	vor.u32 v1, v24;
	[tilespmem:v21+s20+$0x0] =	vst.idx.add.f32.msk $0xffff, v22  }
0x26e: {  	s14 =	sor.u32 s6, s5;
	v15 =	vadd.f32 $5.000000000e-01, v15;
	v16 =	vmul.f32 $6.499999760e-01, v16;
	v22 =	vld.idx.msk [tilespmem:v6+s4+$0x0 ss:$0x1], $0xffff;
	v12 =	vadd.f32 v14, v12  }
0x26f: {  	v25 =	vadd.s32 $0x8000, v23;
	v14 =	vld.idx.msk [tilespmem:v6+s14+$0x0 ss:$0x1], $0xffff  }
0x270: {  	[dreg:$0x9] =	wrdreg s18;
	s22 =	simm.s32 $0x80;
	v26 =	vld.idx.msk [tilespmem:v5+s14+$0x0 ss:$0x1], $0xffff;
	v12 =	vmul.f32 v12, v15;
	v15 =	vadd.f32 $1.000000010e-01, v16;
	v16 =	vand.u32 $0xFFFF0000, v25  }
0x271: {  	s17 =	smov.u32 s24;
	s13 =	sor.u32 $0x10, s14;
	s24 =	sor.u32 $0x30, s14;
	v27 =	vld.idx.msk [tilespmem:v3+s14+$0x0 ss:$0x1], $0xffff;
	v16 =	vor.u32 v20, v16  }
0x272: {  	s12 =	sor.u32 $0x40, s14;
	s5 =	sor.u32 $0x50, s14;
	s18 =	sor.u32 $0x60, s14;
	v20 =	vld.idx.msk [tilespmem:v4+s14+$0x0 ss:$0x1], $0xffff;
	v12 =	vmul.f32 v15, v12;
	v15 =	vshll.u32 v10, $0x4;
	[tilespmem:s26+$0xFFFFFFA0] =	vst v16  }
0x273: {  	s10 =	sor.u32 $0x400, s14;
	s6 =	sor.u32 $0x410, s14;
	s23 =	smov.u32 s15;
	v28 =	vor.u32 v1, v15;
	[tilespmem:v24+s22+$0x0] =	vst.idx.add.f32.msk $0xffff, v23  }
0x274: {  	s20 =	sor.u32 $0x20, s14;
	s15 =	sor.u32 $0x70, s14;
	s14 =	sor.u32 $0x50, s0;
	v15 =	vadd.f32 $5.000000000e-01, v17;
	v17 =	vmul.f32 $6.499999760e-01, v18;
	v18 =	vadd.s32 $0x8000, v12;
	[tilespmem:v24+s7+$0x0] =	vst.idx.add.f32.msk $0xffff, v2  }
0x275: {  	v18 =	vand.u32 $0xFFFF0000, v18;
	v24 =	vld.idx.msk [tilespmem:v6+s14+$0x0 ss:$0x1], $0xffff  }
0x276: {  	v10 =	vor.u32 v10, v18;
	v18 =	vld.idx.msk [tilespmem:v22+s21+$0x0], $0xffff  }
0x277: {  	v48 =	vld.idx.msk [tilespmem:v14+s21+$0x0], $0xffff;
	[tilespmem:s17+$0xFFFFFFF0] =	vst v10  }
0x278: {  	[tilespmem:v28+s22+$0x0] =	vst.idx.add.f32.msk $0xffff, v12  }
0x279: {  	[tilespmem:v28+s7+$0x0] =	vst.idx.add.f32.msk $0xffff, v2  }
0x27a: {  	v25 =	vshll.u32 v13, $0x4;
	v12 =	vmul.f32 $6.499999760e-01, v20;
	v20 =	vld.idx.msk [tilespmem:v5+s4+$0x0 ss:$0x1], $0xffff  }
0x27b: {  	v16 =	vor.u32 v1, v25;
	v25 =	vld.idx.msk [tilespmem:v3+s4+$0x0 ss:$0x1], $0xffff  }
0x27c: {  	v10 =	vadd.f32 $5.000000000e-01, v27;
	v27 =	vadd.f32 $1.000000010e-01, v12;
	v12 =	vld.idx.msk [tilespmem:v4+s4+$0x0 ss:$0x1], $0xffff  }
0x27d: {  	[tilespmem:v21+s7+$0x0] =	vst.idx.add.f32.msk $0xffff, v2  }
0x27e: {  	v30 =	vshll.u32 v18, $0x10;
	v29 =	vld.idx.msk [tilespmem:v24+s21+$0x0], $0xffff  }
0x27f: {  	v31 =	vld.idx.msk [tilespmem:v5+s14+$0x0 ss:$0x1], $0xffff;
	v20 =	vmul.f32 v30, v20  }
0x280: {  	v49 =	vld.idx.msk [tilespmem:v3+s14+$0x0 ss:$0x1], $0xffff;
	v18 =	vand.u32 $0xFFFF0000, v18  }
0x281: {  	v32 =	vld.idx.msk [tilespmem:v4+s14+$0x0 ss:$0x1], $0xffff;
	v12 =	vmul.f32 $6.499999760e-01, v12;
	v18 =	vadd.f32 v18, v20;
	v20 =	vadd.f32 $5.000000000e-01, v25  }
0x282: {  	v34 =	vshll.u32 v22, $0x4;
	v50 =	vld.idx.msk [tilespmem:v6+s31+$0x0 ss:$0x1], $0xffff  }
0x283: {  	v12 =	vadd.f32 $1.000000010e-01, v12;
	v18 =	vmul.f32 v18, v20;
	v20 =	vshll.u32 v29, $0x10  }
0x284: {  	v33 =	vld.idx.msk [tilespmem:v5+s31+$0x0 ss:$0x1], $0xffff;
	v21 =	vand.u32 $0xFFFF0000, v48;
	v25 =	vshll.u32 v48, $0x10;
	v20 =	vmul.f32 v20, v31  }
0x285: {  	v52 =	vld.idx.msk [tilespmem:v4+s31+$0x0 ss:$0x1], $0xffff;
	v25 =	vmul.f32 v25, v26;
	v18 =	vmul.f32 v12, v18;
	v12 =	vand.u32 $0xFFFF0000, v29  }
0x286: {  	v54 =	vld.idx.msk [tilespmem:v13+s21+$0x0], $0xffff;
	v53 =	vmul.f32 $6.499999760e-01, v32;
	v12 =	vadd.f32 v12, v20;
	v20 =	vadd.f32 $5.000000000e-01, v49  }
0x287: {  	v51 =	vor.u32 v1, v34;
	v26 =	vld.idx.msk [tilespmem:v3+s31+$0x0 ss:$0x1], $0xffff;
	v21 =	vadd.f32 v21, v25;
	v55 =	vadd.s32 $0x8000, v18  }
0x288: {  	[tilespmem:v9+s22+$0x0] =	vst.idx.add.f32.msk $0xffff, v11;
	v25 =	vadd.f32 $1.000000010e-01, v53;
	v11 =	vand.u32 $0xFFFF0000, v55;
	v20 =	vmul.f32 v12, v20  }
0x289: {  	s26 =	sadd.s32 $0x140, s26;
	[tilespmem:v9+s7+$0x0] =	vst.idx.add.f32.msk $0xffff, v2;
	v9 =	vor.u32 v22, v11  }
0x28a: {  	v10 =	vmul.f32 v21, v10;
	v21 =	vld.idx.msk [tilespmem:v50+s21+$0x0], $0xffff;
	[tilespmem:s26+$0xFFFFFF60] =	vst v9;
	v9 =	vmul.f32 v25, v20;
	v20 =	vshll.u32 v24, $0x4  }
0x28b: {  	v12 =	vld.idx.msk [tilespmem:v6+s28+$0x0 ss:$0x1], $0xffff;
	v20 =	vor.u32 v1, v20  }
0x28c: {  	v23 =	vshll.u32 v14, $0x4;
	[tilespmem:v51+s22+$0x0] =	vst.idx.add.f32.msk $0xffff, v18;
	v18 =	vmul.f32 v27, v10;
	v25 =	vadd.s32 $0x8000, v9  }
0x28d: {  	v23 =	vor.u32 v1, v23;
	s31 =	smov.u32 s12;
	s12 =	sor.u32 $0x10, s4;
	v10 =	vmul.f32 $6.499999760e-01, v52;
	[tilespmem:v51+s7+$0x0] =	vst.idx.add.f32.msk $0xffff, v2;
	v25 =	vand.u32 $0xFFFF0000, v25  }
0x28e: {  	v22 =	vadd.f32 $5.000000000e-01, v26;
	v27 =	vld.idx.msk [tilespmem:v6+s12+$0x0 ss:$0x1], $0xffff;
	v56 =	vadd.s32 $0x8000, v18;
	v24 =	vor.u32 v24, v25  }
0x28f: {  	v26 =	vshll.u32 v54, $0x10;
	v57 =	vadd.f32 $1.000000010e-01, v10;
	v10 =	vld.idx.msk [tilespmem:v5+s28+$0x0 ss:$0x1], $0xffff;
	v29 =	vand.u32 $0xFFFF0000, v56;
	[tilespmem:s1+$0xFFFFFFB0] =	vst v24  }
0x290: {  	v19 =	vmul.f32 v26, v19;
	v25 =	vor.u32 v14, v29;
	[tilespmem:v20+s22+$0x0] =	vst.idx.add.f32.msk $0xffff, v9  }
0x291: {  	v14 =	vand.u32 $0xFFFF0000, v54;
	v24 =	vld.idx.msk [tilespmem:v3+s28+$0x0 ss:$0x1], $0xffff;
	[tilespmem:s26+$0x0] =	vst v25  }
0x292: {  	v9 =	vand.u32 $0xFFFF0000, v21;
	v21 =	vshll.u32 v21, $0x10;
	v19 =	vadd.f32 v14, v19;
	[tilespmem:v20+s7+$0x0] =	vst.idx.add.f32.msk $0xffff, v2  }
0x293: {  	s14 =	sor.u32 $0x60, s0;
	v20 =	vmul.f32 v21, v33;
	[tilespmem:v23+s22+$0x0] =	vst.idx.add.f32.msk $0xffff, v18  }
0x294: {  	v17 =	vadd.f32 $1.000000010e-01, v17;
	v21 =	vld.idx.msk [tilespmem:v6+s14+$0x0 ss:$0x1], $0xffff;
	v15 =	vmul.f32 v19, v15  }
0x295: {  	[tilespmem:v23+s7+$0x0] =	vst.idx.add.f32.msk $0xffff, v2;
	v9 =	vadd.f32 v9, v20  }
0x296: {  	v19 =	vld.idx.msk [tilespmem:v5+s12+$0x0 ss:$0x1], $0xffff;
	v17 =	vmul.f32 v17, v15  }
0x297: {  	v18 =	vld.idx.msk [tilespmem:v27+s21+$0x0], $0xffff;
	v9 =	vmul.f32 v9, v22  }
0x298: {  	v23 =	vld.idx.msk [tilespmem:v4+s12+$0x0 ss:$0x1], $0xffff;
	v20 =	vadd.s32 $0x8000, v17  }
0x299: {  	v22 =	vld.idx.msk [tilespmem:v3+s12+$0x0 ss:$0x1], $0xffff;
	v9 =	vmul.f32 v57, v9;
	v20 =	vand.u32 $0xFFFF0000, v20  }
0x29a: {  	v26 =	vshll.u32 v12, $0x4;
	v13 =	vor.u32 v13, v20;
	v20 =	vld.idx.msk [tilespmem:v6+s13+$0x0 ss:$0x1], $0xffff  }
0x29b: {  	v14 =	vor.u32 v1, v26;
	v26 =	vld.idx.msk [tilespmem:v5+s14+$0x0 ss:$0x1], $0xffff;
	v15 =	vadd.f32 $5.000000000e-01, v24;
	v24 =	vadd.s32 $0x8000, v9  }
0x29c: {  	[tilespmem:s17+$0x70] =	vst v13;
	v13 =	vld.idx.msk [tilespmem:v21+s21+$0x0], $0xffff;
	v24 =	vand.u32 $0xFFFF0000, v24;
	v25 =	vshll.u32 v18, $0x10  }
0x29d: {  	v11 =	vshll.u32 v50, $0x4;
	v24 =	vor.u32 v50, v24;
	v19 =	vmul.f32 v25, v19;
	v25 =	vld.idx.msk [tilespmem:v3+s14+$0x0 ss:$0x1], $0xffff  }
0x29e: {  	v11 =	vor.u32 v1, v11;
	v18 =	vand.u32 $0xFFFF0000, v18;
	[tilespmem:s1+$0x40] =	vst v24;
	v24 =	vld.idx.msk [tilespmem:v4+s14+$0x0 ss:$0x1], $0xffff  }
0x29f: {  	v18 =	vadd.f32 v18, v19;
	v19 =	vadd.f32 $5.000000000e-01, v22;
	v22 =	vmul.f32 $6.499999760e-01, v23;
	v23 =	vld.idx.msk [tilespmem:v5+s13+$0x0 ss:$0x1], $0xffff  }
0x2a0: {  	v58 =	vld.idx.msk [tilespmem:v3+s13+$0x0 ss:$0x1], $0xffff  }
0x2a1: {  	v18 =	vmul.f32 v18, v19;
	v19 =	vadd.f32 $1.000000010e-01, v22;
	v22 =	vld.idx.msk [tilespmem:v4+s13+$0x0 ss:$0x1], $0xffff  }
0x2a2: {  	v60 =	vshll.u32 v13, $0x10;
	v62 =	vld.idx.msk [tilespmem:v20+s21+$0x0], $0xffff  }
0x2a3: {  	v26 =	vmul.f32 v60, v26;
	[tilespmem:v11+s22+$0x0] =	vst.idx.add.f32.msk $0xffff, v9  }
0x2a4: {  	v61 =	vshll.u32 v27, $0x4;
	v13 =	vand.u32 $0xFFFF0000, v13;
	v18 =	vmul.f32 v19, v18;
	[tilespmem:v11+s7+$0x0] =	vst.idx.add.f32.msk $0xffff, v2  }
0x2a5: {  	v24 =	vmul.f32 $6.499999760e-01, v24;
	v9 =	vadd.f32 v13, v26;
	v13 =	vadd.f32 $5.000000000e-01, v25;
	v25 =	vld.idx.msk [tilespmem:v6+s30+$0x0 ss:$0x1], $0xffff  }
0x2a6: {  	v19 =	vor.u32 v1, v61;
	v63 =	vld.idx.msk [tilespmem:v4+s30+$0x0 ss:$0x1], $0xffff;
	v11 =	vadd.s32 $0x8000, v18  }
0x2a7: {  	v11 =	vand.u32 $0xFFFF0000, v11;
	v9 =	vmul.f32 v9, v13;
	v13 =	vadd.f32 $1.000000010e-01, v24;
	v24 =	vld.idx.msk [tilespmem:v5+s30+$0x0 ss:$0x1], $0xffff  }
0x2a8: {  	v11 =	vor.u32 v27, v11;
	v27 =	vld.idx.msk [tilespmem:v3+s30+$0x0 ss:$0x1], $0xffff  }
0x2a9: {  	[tilespmem:v16+s22+$0x0] =	vst.idx.add.f32.msk $0xffff, v17  }
0x2aa: {  	v22 =	vmul.f32 $6.499999760e-01, v22;
	[tilespmem:s26+$0xFFFFFF70] =	vst v11  }
0x2ab: {  	v11 =	vshll.u32 v62, $0x10;
	v9 =	vmul.f32 v13, v9;
	v13 =	vshll.u32 v21, $0x4;
	[tilespmem:v19+s22+$0x0] =	vst.idx.add.f32.msk $0xffff, v18  }
0x2ac: {  	s12 =	sor.u32 $0x20, s4;
	v11 =	vmul.f32 v11, v23;
	v13 =	vor.u32 v1, v13;
	[tilespmem:v19+s7+$0x0] =	vst.idx.add.f32.msk $0xffff, v2  }
0x2ad: {  	v18 =	vand.u32 $0xFFFF0000, v62;
	v19 =	vadd.f32 $1.000000010e-01, v22;
	v22 =	vadd.s32 $0x8000, v9;
	v23 =	vld.idx.msk [tilespmem:v6+s12+$0x0 ss:$0x1], $0xffff  }
0x2ae: {  	v26 =	vadd.f32 $5.000000000e-01, v58;
	v11 =	vadd.f32 v18, v11;
	v18 =	vand.u32 $0xFFFF0000, v22;
	v17 =	vld.idx.msk [tilespmem:v25+s21+$0x0], $0xffff  }
0x2af: {  	v18 =	vor.u32 v21, v18;
	[tilespmem:v16+s7+$0x0] =	vst.idx.add.f32.msk $0xffff, v2  }
0x2b0: {  	v11 =	vmul.f32 v11, v26;
	[tilespmem:s1+$0xFFFFFFC0] =	vst v18  }
0x2b1: {  	[tilespmem:v13+s22+$0x0] =	vst.idx.add.f32.msk $0xffff, v9  }
0x2b2: {  	s13 =	sor.u32 $0x70, s0;
	v9 =	vmul.f32 $6.499999760e-01, v63;
	v11 =	vmul.f32 v19, v11;
	[tilespmem:v13+s7+$0x0] =	vst.idx.add.f32.msk $0xffff, v2  }
0x2b3: {  	v59 =	vshll.u32 v20, $0x4;
	v22 =	vshll.u32 v25, $0x4;
	v19 =	vld.idx.msk [tilespmem:v6+s13+$0x0 ss:$0x1], $0xffff  }
0x2b4: {  	v21 =	vor.u32 v1, v22;
	v13 =	vld.idx.msk [tilespmem:v6+s8+$0x0 ss:$0x1], $0xffff;
	v22 =	vadd.f32 $1.000000010e-01, v9;
	v9 =	vadd.s32 $0x8000, v11  }
0x2b5: {  	v29 =	vor.u32 v1, v59;
	v26 =	vld.idx.msk [tilespmem:v5+s12+$0x0 ss:$0x1], $0xffff;
	v9 =	vand.u32 $0xFFFF0000, v9  }
0x2b6: {  	v16 =	vld.idx.msk [tilespmem:v23+s21+$0x0], $0xffff;
	v9 =	vor.u32 v20, v9;
	v20 =	vand.u32 $0xFFFF0000, v17;
	v17 =	vshll.u32 v17, $0x10  }
0x2b7: {  	v18 =	vadd.f32 $5.000000000e-01, v27;
	v27 =	vld.idx.msk [tilespmem:v5+s13+$0x0 ss:$0x1], $0xffff;
	[tilespmem:s26+$0x10] =	vst v9;
	v9 =	vmul.f32 v17, v24  }
0x2b8: {  	v17 =	vld.idx.msk [tilespmem:v3+s12+$0x0 ss:$0x1], $0xffff  }
0x2b9: {  	v24 =	vld.idx.msk [tilespmem:v4+s12+$0x0 ss:$0x1], $0xffff;
	v9 =	vadd.f32 v20, v9  }
0x2ba: {  	[tilespmem:v29+s22+$0x0] =	vst.idx.add.f32.msk $0xffff, v11  }
0x2bb: {  	v11 =	vld.idx.msk [tilespmem:v19+s21+$0x0], $0xffff;
	v18 =	vmul.f32 v9, v18;
	v20 =	vshll.u32 v16, $0x10  }
0x2bc: {  	[tilespmem:v29+s7+$0x0] =	vst.idx.add.f32.msk $0xffff, v2;
	v20 =	vmul.f32 v20, v26  }
0x2bd: {  	v16 =	vand.u32 $0xFFFF0000, v16;
	v26 =	vld.idx.msk [tilespmem:v3+s13+$0x0 ss:$0x1], $0xffff;
	v18 =	vmul.f32 v22, v18  }
0x2be: {  	v17 =	vadd.f32 $5.000000000e-01, v17;
	v22 =	vld.idx.msk [tilespmem:v4+s13+$0x0 ss:$0x1], $0xffff;
	v16 =	vadd.f32 v16, v20;
	v20 =	vmul.f32 $6.499999760e-01, v24  }
0x2bf: {  	v35 =	vshll.u32 v23, $0x4;
	v24 =	vld.idx.msk [tilespmem:v6+s20+$0x0 ss:$0x1], $0xffff;
	v33 =	vadd.s32 $0x8000, v18  }
0x2c0: {  	v36 =	vld.idx.msk [tilespmem:v3+s20+$0x0 ss:$0x1], $0xffff;
	v16 =	vmul.f32 v16, v17;
	v17 =	vadd.f32 $1.000000010e-01, v20;
	v34 =	vshll.u32 v11, $0x10  }
0x2c1: {  	v37 =	vld.idx.msk [tilespmem:v4+s20+$0x0 ss:$0x1], $0xffff;
	v28 =	vand.u32 $0xFFFF0000, v33;
	v11 =	vand.u32 $0xFFFF0000, v11;
	v27 =	vmul.f32 v34, v27  }
0x2c2: {  	v39 =	vld.idx.msk [tilespmem:v5+s8+$0x0 ss:$0x1], $0xffff;
	v26 =	vadd.f32 $5.000000000e-01, v26;
	v25 =	vor.u32 v25, v28;
	v16 =	vmul.f32 v17, v16  }
0x2c3: {  	v20 =	vld.idx.msk [tilespmem:v5+s20+$0x0 ss:$0x1], $0xffff;
	v17 =	vor.u32 v1, v35;
	v22 =	vmul.f32 $6.499999760e-01, v22;
	v11 =	vadd.f32 v11, v27  }
0x2c4: {  	v27 =	vld.idx.msk [tilespmem:v13+s21+$0x0], $0xffff;
	[tilespmem:s1+$0x50] =	vst v25;
	v38 =	vadd.s32 $0x8000, v16  }
0x2c5: {  	s20 =	simm.s32 $0x80;
	v22 =	vadd.f32 $1.000000010e-01, v22;
	v25 =	vld.idx.msk [tilespmem:v3+s8+$0x0 ss:$0x1], $0xffff;
	v30 =	vand.u32 $0xFFFF0000, v38;
	v11 =	vmul.f32 v11, v26  }
0x2c6: {  	[tilespmem:v21+s20+$0x0] =	vst.idx.add.f32.msk $0xffff, v18;
	v23 =	vor.u32 v23, v30  }
0x2c7: {  	v18 =	vld.idx.msk [tilespmem:v24+s21+$0x0], $0xffff;
	[tilespmem:s26+$0xFFFFFF80] =	vst v23;
	v11 =	vmul.f32 v22, v11  }
0x2c8: {  	v22 =	vshll.u32 v19, $0x4;
	[tilespmem:v17+s20+$0x0] =	vst.idx.add.f32.msk $0xffff, v16;
	v16 =	vmul.f32 $6.499999760e-01, v37  }
0x2c9: {  	v22 =	vor.u32 v1, v22;
	[tilespmem:v17+s7+$0x0] =	vst.idx.add.f32.msk $0xffff, v2;
	v17 =	vadd.s32 $0x8000, v11  }
0x2ca: {  	s14 =	sor.u32 $0x30, s4;
	[tilespmem:v21+s7+$0x0] =	vst.idx.add.f32.msk $0xffff, v2;
	v42 =	vadd.f32 $1.000000010e-01, v16;
	v16 =	vand.u32 $0xFFFF0000, v17  }
0x2cb: {  	v40 =	vand.u32 $0xFFFF0000, v27;
	v41 =	vld.idx.msk [tilespmem:v6+s14+$0x0 ss:$0x1], $0xffff;
	v16 =	vor.u32 v19, v16  }
0x2cc: {  	v27 =	vshll.u32 v27, $0x10;
	v21 =	vand.u32 $0xFFFF0000, v18;
	v18 =	vshll.u32 v18, $0x10;
	[tilespmem:s1+$0xFFFFFFD0] =	vst v16;
	v16 =	vld.idx.msk [tilespmem:v6+s29+$0x0 ss:$0x1], $0xffff  }
0x2cd: {  	v17 =	vmul.f32 v27, v39;
	v18 =	vmul.f32 v18, v20;
	v20 =	vld.idx.msk [tilespmem:v5+s29+$0x0 ss:$0x1], $0xffff  }
0x2ce: {  	[tilespmem:v22+s20+$0x0] =	vst.idx.add.f32.msk $0xffff, v11  }
0x2cf: {  	v19 =	vadd.f32 $5.000000000e-01, v25;
	v17 =	vadd.f32 v40, v17;
	[tilespmem:v22+s7+$0x0] =	vst.idx.add.f32.msk $0xffff, v2  }
0x2d0: {  	s22 =	sor.u32 $0x400, s0;
	v18 =	vadd.f32 v21, v18;
	v21 =	vld.idx.msk [tilespmem:v3+s29+$0x0 ss:$0x1], $0xffff  }
0x2d1: {  	v23 =	vadd.f32 $5.000000000e-01, v36;
	v11 =	vmul.f32 v17, v19;
	v17 =	vld.idx.msk [tilespmem:v6+s22+$0x0 ss:$0x1], $0xffff  }
0x2d2: {  	v25 =	vld.idx.msk [tilespmem:v3+s14+$0x0 ss:$0x1], $0xffff  }
0x2d3: {  	v27 =	vld.idx.msk [tilespmem:v4+s14+$0x0 ss:$0x1], $0xffff;
	v18 =	vmul.f32 v18, v23  }
0x2d4: {  	v22 =	vld.idx.msk [tilespmem:v41+s21+$0x0], $0xffff  }
0x2d5: {  	v26 =	vshll.u32 v24, $0x4;
	v23 =	vld.idx.msk [tilespmem:v5+s14+$0x0 ss:$0x1], $0xffff;
	v18 =	vmul.f32 v42, v18  }
0x2d6: {  	v26 =	vor.u32 v1, v26;
	v47 =	vld.idx.msk [tilespmem:v5+s22+$0x0 ss:$0x1], $0xffff  }
0x2d7: {  	v48 =	vld.idx.msk [tilespmem:v4+s22+$0x0 ss:$0x1], $0xffff;
	v43 =	vadd.s32 $0x8000, v18  }
0x2d8: {  	v44 =	vld.idx.msk [tilespmem:v16+s21+$0x0], $0xffff;
	v28 =	vand.u32 $0xFFFF0000, v43  }
0x2d9: {  	v24 =	vor.u32 v24, v28;
	v45 =	vld.idx.msk [tilespmem:v17+s21+$0x0], $0xffff;
	v46 =	vshll.u32 v22, $0x10  }
0x2da: {  	[tilespmem:s26+$0x20] =	vst v24;
	v24 =	vld.idx.msk [tilespmem:v3+s22+$0x0 ss:$0x1], $0xffff;
	v23 =	vmul.f32 v46, v23  }
0x2db: {  	v22 =	vand.u32 $0xFFFF0000, v22;
	[tilespmem:v26+s20+$0x0] =	vst.idx.add.f32.msk $0xffff, v18  }
0x2dc: {  	[tilespmem:v26+s7+$0x0] =	vst.idx.add.f32.msk $0xffff, v2;
	v22 =	vadd.f32 v22, v23;
	v23 =	vadd.f32 $5.000000000e-01, v25;
	v25 =	vmul.f32 $6.499999760e-01, v27  }
0x2dd: {  	v49 =	vshll.u32 v41, $0x4;
	v18 =	vld.idx.msk [tilespmem:v6+s24+$0x0 ss:$0x1], $0xffff  }
0x2de: {  	v22 =	vmul.f32 v22, v23;
	v23 =	vadd.f32 $1.000000010e-01, v25;
	v25 =	vshll.u32 v45, $0x10  }
0x2df: {  	v53 =	vmul.f32 $6.499999760e-01, v48;
	v27 =	vshll.u32 v44, $0x10;
	v50 =	vld.idx.msk [tilespmem:v5+s24+$0x0 ss:$0x1], $0xffff;
	v25 =	vmul.f32 v25, v47  }
0x2e0: {  	v26 =	vand.u32 $0xFFFF0000, v44;
	v52 =	vld.idx.msk [tilespmem:v4+s24+$0x0 ss:$0x1], $0xffff;
	v20 =	vmul.f32 v27, v20;
	v51 =	vand.u32 $0xFFFF0000, v45  }
0x2e1: {  	v55 =	vld.idx.msk [tilespmem:v4+s8+$0x0 ss:$0x1], $0xffff;
	v24 =	vadd.f32 $5.000000000e-01, v24;
	v22 =	vmul.f32 v23, v22;
	v25 =	vadd.f32 v51, v25  }
0x2e2: {  	v27 =	vld.idx.msk [tilespmem:v3+s24+$0x0 ss:$0x1], $0xffff;
	v20 =	vadd.f32 v26, v20;
	v23 =	vor.u32 v1, v49  }
0x2e3: {  	s11 =	sadd.s32 $0x140, s11;
	v26 =	vld.idx.msk [tilespmem:v4+s29+$0x0 ss:$0x1], $0xffff;
	v54 =	vadd.s32 $0x8000, v22;
	v24 =	vmul.f32 v25, v24;
	v25 =	vadd.f32 $1.000000010e-01, v53  }
0x2e4: {  	s12 =	smov.u32 s19;
	s19 =	rddreg [dreg:$0x7];
	s14 =	sand.u32 $0x3F80, s11;
	v21 =	vadd.f32 $5.000000000e-01, v21;
	v58 =	vld.idx.msk [tilespmem:v12+s21+$0x0], $0xffff;
	v31 =	vand.u32 $0xFFFF0000, v54  }
0x2e5: {  	s8 =	smov.u32 s16;
	s16 =	smov.u32 s10;
	s10 =	rddreg [dreg:$0x8];
	v30 =	vor.u32 v41, v31;
	v60 =	vld.idx.msk [tilespmem:v18+s21+$0x0], $0xffff;
	v24 =	vmul.f32 v25, v24  }
0x2e6: {  	s13 =	sadd.s32 $0xFFFFFF60, s11;
	[dreg:$0x8] =	wrdreg s12;
	s12 =	sadd.s32 s14, s19;
	v57 =	vmul.f32 v20, v21;
	v20 =	vshll.u32 v17, $0x4;
	[tilespmem:s26+$0xFFFFFF90] =	vst v30;
	v25 =	vld.idx.msk [tilespmem:v4+s28+$0x0 ss:$0x1], $0xffff  }
0x2e7: {  	s24 =	sor.u32 $0x40, s4;
	s29 =	smov.u32 s18;
	s18 =	sand.u32 $0x3F80, s13;
	[tilespmem:v23+s20+$0x0] =	vst.idx.add.f32.msk $0xffff, v22;
	v22 =	vadd.f32 $5.000000000e-01, v27;
	v27 =	vor.u32 v1, v20;
	v59 =	vadd.s32 $0x8000, v24  }
0x2e8: {  	s14 =	sadd.s32 s18, s19;
	v26 =	vmul.f32 $6.499999760e-01, v26;
	s28 =	smov.u32 s10;
	s10 =	sand.u32 $0x40, s13;
	[tilespmem:v23+s7+$0x0] =	vst.idx.add.f32.msk $0xffff, v2;
	v29 =	vand.u32 $0xFFFF0000, v59  }
0x2e9: {  	s10 =	sadd.s32 s10, s14;
	v20 =	vld.idx.msk [tilespmem:v6+s24+$0x0 ss:$0x1], $0xffff;
	v17 =	vor.u32 v17, v29  }
0x2ea: {  	v28 =	vmul.f32 $6.499999760e-01, v55;
	[tilespmem:s10+$0x80] =	vst v17;
	v17 =	vadd.f32 $1.000000010e-01, v26  }
0x2eb: {  	v19 =	vshll.u32 v16, $0x4;
	v61 =	vshll.u32 v58, $0x10;
	[tilespmem:v7+s20+$0x0] =	vst.idx.add.f32.msk $0xffff, v8  }
0x2ec: {  	s22 =	sand.u32 $0x60, s11;
	v62 =	vmul.f32 v61, v10;
	[tilespmem:v27+s20+$0x0] =	vst.idx.add.f32.msk $0xffff, v24;
	v24 =	vadd.f32 $1.000000010e-01, v28;
	v17 =	vmul.f32 v17, v57  }
0x2ed: {  	v19 =	vor.u32 v1, v19;
	s12 =	sadd.s32 s22, s12;
	s22 =	sor.u32 $0x410, s0;
	v8 =	vand.u32 $0xFFFF0000, v60;
	v26 =	vand.u32 $0xFFFF0000, v58;
	[tilespmem:v27+s7+$0x0] =	vst.idx.add.f32.msk $0xffff, v2  }
0x2ee: {  	v10 =	vld.idx.msk [tilespmem:v6+s22+$0x0 ss:$0x1], $0xffff;
	v11 =	vmul.f32 v24, v11;
	v24 =	vadd.f32 v26, v62;
	v26 =	vadd.s32 $0x8000, v17  }
0x2ef: {  	[tilespmem:v7+s7+$0x0] =	vst.idx.add.f32.msk $0xffff, v2;
	v25 =	vmul.f32 $6.499999760e-01, v25;
	v27 =	vshll.u32 v60, $0x10;
	v26 =	vand.u32 $0xFFFF0000, v26  }
0x2f0: {  	v7 =	vmovc v14;
	v14 =	vmul.f32 v27, v50;
	v27 =	vld.idx.msk [tilespmem:v5+s24+$0x0 ss:$0x1], $0xffff;
	v16 =	vor.u32 v16, v26;
	v26 =	vadd.s32 $0x8000, v11  }
0x2f1: {  	v25 =	vadd.f32 $1.000000010e-01, v25;
	v15 =	vmul.f32 v24, v15;
	v63 =	vld.idx.msk [tilespmem:v20+s21+$0x0], $0xffff;
	[tilespmem:s1+$0x60] =	vst v16;
	v16 =	vand.u32 $0xFFFF0000, v26  }
0x2f2: {  	v23 =	vmul.f32 $6.499999760e-01, v52;
	v24 =	vld.idx.msk [tilespmem:v3+s24+$0x0 ss:$0x1], $0xffff;
	v14 =	vadd.f32 v8, v14;
	v8 =	vor.u32 v13, v16  }
0x2f3: {  	v9 =	vshll.u32 v13, $0x4;
	v13 =	vld.idx.msk [tilespmem:v4+s24+$0x0 ss:$0x1], $0xffff;
	[tilespmem:s9+$0x80] =	vst v8;
	v8 =	vmul.f32 v25, v15  }
0x2f4: {  	v23 =	vadd.f32 $1.000000010e-01, v23;
	v15 =	vmul.f32 v14, v22;
	[tilespmem:v19+s20+$0x0] =	vst.idx.add.f32.msk $0xffff, v17  }
0x2f5: {  	s2 =	sadd.s32 $0x2, s2;
	v17 =	vld.idx.msk [tilespmem:v5+s22+$0x0 ss:$0x1], $0xffff;
	v16 =	vadd.s32 $0x8000, v8  }
0x2f6: {  	p1 =	slt.u32 s2, $0x26;
	v14 =	vld.idx.msk [tilespmem:v10+s21+$0x0], $0xffff;
	v25 =	vshll.u32 v63, $0x10;
	v22 =	vmul.f32 v23, v15;
	v16 =	vand.u32 $0xFFFF0000, v16  }
.Ltmp1:
0x2f7: {  	s24 =	rddreg [dreg:$0x9];
	v15 =	vld.idx.msk [tilespmem:v3+s22+$0x0 ss:$0x1], $0xffff;
	v23 =	vmul.f32 v25, v27;
	v12 =	vor.u32 v12, v16;
	(pc) =	sbr.rel @p1 .LBB2_5-.Ltmp1, $4  }
0x2f8: {  	v56 =	vshll.u32 v18, $0x4;
	v25 =	vand.u32 $0xFFFF0000, v63;
	v26 =	vadd.s32 $0x8000, v22;
	v16 =	vld.idx.msk [tilespmem:v4+s22+$0x0 ss:$0x1], $0xffff;
	[tilespmem:s24+$0x90] =	vst v12  }
0x2f9: {  	s25 =	sadd.s32 $0x100, s25;
	s30 =	smov.u32 s5;
	v12 =	vadd.f32 v25, v23;
	v23 =	vadd.f32 $5.000000000e-01, v24;
	v24 =	vmul.f32 $6.499999760e-01, v13;
	[tilespmem:v19+s7+$0x0] =	vst.idx.add.f32.msk $0xffff, v2  }
0x2fa: {  	v9 =	vor.u32 v1, v9;
	s0 =	smov.u32 s4;
	s19 =	smov.u32 s6;
	s18 =	smov.u32 s17;
	v21 =	vor.u32 v1, v56;
	v25 =	vand.u32 $0xFFFF0000, v26;
	v13 =	vld.idx.msk [tilespmem:v6+s23+$0x0 ss:$0x1], $0xffff  }
0x2fb: {  	s9 =	smov.u32 s12;
	s24 =	smov.u32 s1;
	s1 =	smov.u32 s26;
	v23 =	vmul.f32 v12, v23;
	v24 =	vadd.f32 $1.000000010e-01, v24;
	v12 =	vshll.u32 v14, $0x10;
	v19 =	vld.idx.msk [tilespmem:v5+s23+$0x0 ss:$0x1], $0xffff  }
0x2fc: {  	_ =	sdelay $0x1  }
0x2fd: {  	v18 =	vor.u32 v18, v25  }
0x2fe: {  	[tilespmem:s26+$0x30] =	vst v18  }
0x2ff: {  	[tilespmem:v21+s20+$0x0] =	vst.idx.add.f32.msk $0xffff, v22  }
0x300: {  	[tilespmem:v21+s7+$0x0] =	vst.idx.add.f32.msk $0xffff, v2  }
0x301: {  	v18 =	vld.idx.msk [tilespmem:v6+s31+$0x0 ss:$0x1], $0xffff;
	_ =	sdelay $0x7  }
0x302: {  	v21 =	vld.idx.msk [tilespmem:v18+s21+$0x0], $0xffff  }
0x303: {  	v62 =	vshll.u32 v20, $0x4;
	v61 =	vmul.f32 v24, v23;
	v63 =	vld.idx.msk [tilespmem:v5+s31+$0x0 ss:$0x1], $0xffff  }
0x304: {  	v23 =	vor.u32 v1, v62;
	v30 =	vld.idx.msk [tilespmem:v3+s31+$0x0 ss:$0x1], $0xffff  }
0x305: {  	v27 =	vadd.s32 $0x8000, v61;
	v26 =	vld.idx.msk [tilespmem:v4+s31+$0x0 ss:$0x1], $0xffff  }
0x306: {  	v27 =	vand.u32 $0xFFFF0000, v27  }
0x307: {  	v31 =	vor.u32 v20, v27;
	v32 =	vshll.u32 v21, $0x10  }
0x308: {  	[tilespmem:s26+$0xFFFFFFA0] =	vst v31;
	v33 =	vmul.f32 v32, v63  }
0x309: {  	[tilespmem:v23+s20+$0x0] =	vst.idx.add.f32.msk $0xffff, v61;
	v21 =	vand.u32 $0xFFFF0000, v21  }
0x30a: {  	s2 =	sor.u32 $0x50, s0;
	[tilespmem:v23+s7+$0x0] =	vst.idx.add.f32.msk $0xffff, v2;
	v34 =	vadd.f32 $5.000000000e-01, v30;
	v35 =	vmul.f32 $6.499999760e-01, v26;
	v20 =	vadd.f32 v21, v33  }
0x30b: {  	v36 =	vld.idx.msk [tilespmem:v6+s2+$0x0 ss:$0x1], $0xffff  }
0x30c: {  	v23 =	vadd.f32 $1.000000010e-01, v35;
	v20 =	vmul.f32 v20, v34;
	_ =	sdelay $0x1  }
0x30d: {  	v37 =	vshll.u32 v18, $0x4;
	v20 =	vmul.f32 v23, v20  }
0x30e: {  	v22 =	vor.u32 v1, v37  }
0x30f: {  	v38 =	vld.idx.msk [tilespmem:v5+s2+$0x0 ss:$0x1], $0xffff;
	v39 =	vadd.s32 $0x8000, v20  }
0x310: {  	v40 =	vld.idx.msk [tilespmem:v3+s2+$0x0 ss:$0x1], $0xffff;
	v24 =	vand.u32 $0xFFFF0000, v39  }
0x311: {  	v41 =	vld.idx.msk [tilespmem:v4+s2+$0x0 ss:$0x1], $0xffff;
	v18 =	vor.u32 v18, v24  }
0x312: {  	v42 =	vld.idx.msk [tilespmem:v36+s21+$0x0], $0xffff;
	[tilespmem:s1+$0x40] =	vst v18  }
0x313: {  	[tilespmem:v22+s20+$0x0] =	vst.idx.add.f32.msk $0xffff, v20  }
0x314: {  	[tilespmem:v22+s7+$0x0] =	vst.idx.add.f32.msk $0xffff, v2  }
0x315: {  	v18 =	vld.idx.msk [tilespmem:v6+s30+$0x0 ss:$0x1], $0xffff;
	_ =	sdelay $0x1  }
0x316: {  	v43 =	vshll.u32 v42, $0x10  }
0x317: {  	v20 =	vmul.f32 v43, v38  }
0x318: {  	v44 =	vand.u32 $0xFFFF0000, v42  }
0x319: {  	v45 =	vadd.f32 $5.000000000e-01, v40;
	v46 =	vmul.f32 $6.499999760e-01, v41;
	v20 =	vadd.f32 v44, v20;
	_ =	sdelay $0x1  }
0x31a: {  	v47 =	vadd.f32 $1.000000010e-01, v46;
	v20 =	vmul.f32 v20, v45  }
0x31b: {  	v48 =	vld.idx.msk [tilespmem:v18+s21+$0x0], $0xffff  }
0x31c: {  	v49 =	vshll.u32 v36, $0x4;
	v50 =	vld.idx.msk [tilespmem:v5+s30+$0x0 ss:$0x1], $0xffff;
	v20 =	vmul.f32 v47, v20  }
0x31d: {  	v22 =	vor.u32 v1, v49;
	v51 =	vld.idx.msk [tilespmem:v3+s30+$0x0 ss:$0x1], $0xffff  }
0x31e: {  	v53 =	vld.idx.msk [tilespmem:v4+s30+$0x0 ss:$0x1], $0xffff;
	v52 =	vadd.s32 $0x8000, v20  }
0x31f: {  	v26 =	vand.u32 $0xFFFF0000, v52  }
0x320: {  	v21 =	vor.u32 v36, v26;
	v54 =	vshll.u32 v48, $0x10  }
0x321: {  	[tilespmem:s1+$0xFFFFFFB0] =	vst v21;
	v55 =	vmul.f32 v54, v50  }
0x322: {  	[tilespmem:v22+s20+$0x0] =	vst.idx.add.f32.msk $0xffff, v20;
	v56 =	vand.u32 $0xFFFF0000, v48  }
0x323: {  	s13 =	sor.u32 $0x60, s0;
	v57 =	vadd.f32 $5.000000000e-01, v51;
	v58 =	vmul.f32 $6.499999760e-01, v53;
	[tilespmem:v22+s7+$0x0] =	vst.idx.add.f32.msk $0xffff, v2;
	v20 =	vadd.f32 v56, v55  }
0x324: {  	v59 =	vld.idx.msk [tilespmem:v6+s13+$0x0 ss:$0x1], $0xffff  }
0x325: {  	v23 =	vadd.f32 $1.000000010e-01, v58;
	v20 =	vmul.f32 v20, v57;
	_ =	sdelay $0x1  }
0x326: {  	v60 =	vshll.u32 v18, $0x4;
	v20 =	vmul.f32 v23, v20  }
0x327: {  	v22 =	vor.u32 v1, v60  }
0x328: {  	v61 =	vld.idx.msk [tilespmem:v5+s13+$0x0 ss:$0x1], $0xffff;
	v62 =	vadd.s32 $0x8000, v20  }
0x329: {  	v63 =	vld.idx.msk [tilespmem:v3+s13+$0x0 ss:$0x1], $0xffff;
	v24 =	vand.u32 $0xFFFF0000, v62  }
0x32a: {  	v28 =	vld.idx.msk [tilespmem:v4+s13+$0x0 ss:$0x1], $0xffff;
	v18 =	vor.u32 v18, v24  }
0x32b: {  	v29 =	vld.idx.msk [tilespmem:v59+s21+$0x0], $0xffff;
	[tilespmem:s1+$0x50] =	vst v18  }
0x32c: {  	[tilespmem:v22+s20+$0x0] =	vst.idx.add.f32.msk $0xffff, v20  }
0x32d: {  	[tilespmem:v22+s7+$0x0] =	vst.idx.add.f32.msk $0xffff, v2  }
0x32e: {  	v18 =	vld.idx.msk [tilespmem:v6+s29+$0x0 ss:$0x1], $0xffff;
	_ =	sdelay $0x1  }
0x32f: {  	v30 =	vshll.u32 v29, $0x10  }
0x330: {  	v20 =	vmul.f32 v30, v61  }
0x331: {  	v31 =	vand.u32 $0xFFFF0000, v29  }
0x332: {  	v32 =	vadd.f32 $5.000000000e-01, v63;
	v33 =	vmul.f32 $6.499999760e-01, v28;
	v20 =	vadd.f32 v31, v20;
	_ =	sdelay $0x1  }
0x333: {  	v34 =	vadd.f32 $1.000000010e-01, v33;
	v20 =	vmul.f32 v20, v32  }
0x334: {  	v35 =	vld.idx.msk [tilespmem:v18+s21+$0x0], $0xffff  }
0x335: {  	v36 =	vshll.u32 v59, $0x4;
	v37 =	vld.idx.msk [tilespmem:v5+s29+$0x0 ss:$0x1], $0xffff;
	v20 =	vmul.f32 v34, v20  }
0x336: {  	v22 =	vor.u32 v1, v36;
	v38 =	vld.idx.msk [tilespmem:v3+s29+$0x0 ss:$0x1], $0xffff  }
0x337: {  	v40 =	vld.idx.msk [tilespmem:v4+s29+$0x0 ss:$0x1], $0xffff;
	v39 =	vadd.s32 $0x8000, v20  }
0x338: {  	v26 =	vand.u32 $0xFFFF0000, v39  }
0x339: {  	v21 =	vor.u32 v59, v26;
	v41 =	vshll.u32 v35, $0x10  }
0x33a: {  	[tilespmem:s1+$0xFFFFFFC0] =	vst v21;
	v42 =	vmul.f32 v41, v37  }
0x33b: {  	[tilespmem:v22+s20+$0x0] =	vst.idx.add.f32.msk $0xffff, v20;
	v43 =	vand.u32 $0xFFFF0000, v35  }
0x33c: {  	s14 =	sor.u32 $0x70, s0;
	v44 =	vadd.f32 $5.000000000e-01, v38;
	v45 =	vmul.f32 $6.499999760e-01, v40;
	[tilespmem:v22+s7+$0x0] =	vst.idx.add.f32.msk $0xffff, v2;
	v20 =	vadd.f32 v43, v42  }
0x33d: {  	v46 =	vld.idx.msk [tilespmem:v6+s14+$0x0 ss:$0x1], $0xffff  }
0x33e: {  	v21 =	vadd.f32 $1.000000010e-01, v45;
	v20 =	vmul.f32 v20, v44;
	_ =	sdelay $0x1  }
0x33f: {  	v47 =	vshll.u32 v18, $0x4;
	v20 =	vmul.f32 v21, v20  }
0x340: {  	v52 =	vld.idx.msk [tilespmem:v13+s21+$0x0], $0xffff;
	v22 =	vor.u32 v1, v47  }
0x341: {  	v48 =	vld.idx.msk [tilespmem:v5+s14+$0x0 ss:$0x1], $0xffff;
	v50 =	vadd.s32 $0x8000, v20  }
0x342: {  	v49 =	vld.idx.msk [tilespmem:v3+s14+$0x0 ss:$0x1], $0xffff;
	v25 =	vand.u32 $0xFFFF0000, v50  }
0x343: {  	v51 =	vld.idx.msk [tilespmem:v4+s14+$0x0 ss:$0x1], $0xffff;
	v18 =	vor.u32 v18, v25  }
0x344: {  	v53 =	vld.idx.msk [tilespmem:v46+s21+$0x0], $0xffff;
	[tilespmem:s1+$0x60] =	vst v18  }
0x345: {  	[tilespmem:v22+s20+$0x0] =	vst.idx.add.f32.msk $0xffff, v20  }
0x346: {  	[tilespmem:v22+s7+$0x0] =	vst.idx.add.f32.msk $0xffff, v2  }
0x347: {  	v18 =	vld.idx.msk [tilespmem:v6+s15+$0x0 ss:$0x1], $0xffff;
	_ =	sdelay $0x1  }
0x348: {  	v54 =	vld.idx.msk [tilespmem:v3+s23+$0x0 ss:$0x1], $0xffff;
	v55 =	vshll.u32 v53, $0x10  }
0x349: {  	v28 =	vld.idx.msk [tilespmem:v4+s23+$0x0 ss:$0x1], $0xffff;
	v21 =	vmul.f32 v55, v48  }
0x34a: {  	v56 =	vshll.u32 v52, $0x10;
	v25 =	vand.u32 $0xFFFF0000, v53  }
0x34b: {  	v24 =	vadd.f32 $5.000000000e-01, v49;
	v57 =	vmul.f32 $6.499999760e-01, v51;
	v21 =	vadd.f32 v25, v21  }
0x34c: {  	v19 =	vmul.f32 v56, v19  }
0x34d: {  	v58 =	vand.u32 $0xFFFF0000, v52;
	v59 =	vadd.f32 $1.000000010e-01, v57;
	v21 =	vmul.f32 v21, v24  }
0x34e: {  	v19 =	vadd.f32 v58, v19;
	v60 =	vmul.f32 $6.499999760e-01, v28;
	v20 =	vadd.f32 $5.000000000e-01, v54;
	v61 =	vld.idx.msk [tilespmem:v18+s21+$0x0], $0xffff  }
0x34f: {  	v62 =	vshll.u32 v46, $0x4;
	v63 =	vld.idx.msk [tilespmem:v5+s15+$0x0 ss:$0x1], $0xffff;
	v21 =	vmul.f32 v59, v21  }
0x350: {  	v32 =	vor.u32 v1, v62;
	v25 =	vadd.f32 $1.000000010e-01, v60;
	v19 =	vmul.f32 v19, v20;
	v33 =	vld.idx.msk [tilespmem:v3+s15+$0x0 ss:$0x1], $0xffff  }
0x351: {  	v35 =	vld.idx.msk [tilespmem:v4+s15+$0x0 ss:$0x1], $0xffff;
	v34 =	vadd.s32 $0x8000, v21  }
0x352: {  	v19 =	vmul.f32 v25, v19;
	v36 =	vand.u32 $0xFFFF0000, v34  }
0x353: {  	v37 =	vshll.u32 v13, $0x4;
	v23 =	vor.u32 v46, v36;
	v38 =	vshll.u32 v61, $0x10  }
0x354: {  	v27 =	vor.u32 v1, v37;
	v29 =	vadd.s32 $0x8000, v19;
	[tilespmem:s1+$0xFFFFFFD0] =	vst v23;
	v39 =	vmul.f32 v38, v63  }
0x355: {  	v40 =	vand.u32 $0xFFFF0000, v29;
	[tilespmem:v32+s20+$0x0] =	vst.idx.add.f32.msk $0xffff, v21;
	v41 =	vand.u32 $0xFFFF0000, v61  }
0x356: {  	s15 =	sor.u32 $0x400, s0;
	v42 =	vadd.f32 $5.000000000e-01, v33;
	v43 =	vmul.f32 $6.499999760e-01, v35;
	[tilespmem:v32+s7+$0x0] =	vst.idx.add.f32.msk $0xffff, v2;
	v21 =	vadd.f32 v41, v39  }
0x357: {  	v44 =	vor.u32 v13, v40;
	v45 =	vld.idx.msk [tilespmem:v6+s15+$0x0 ss:$0x1], $0xffff  }
0x358: {  	[tilespmem:s24+$0x70] =	vst v44;
	v46 =	vadd.f32 $1.000000010e-01, v43;
	v20 =	vmul.f32 v21, v42  }
0x359: {  	[tilespmem:v27+s20+$0x0] =	vst.idx.add.f32.msk $0xffff, v19  }
0x35a: {  	v47 =	vshll.u32 v18, $0x4;
	[tilespmem:v27+s7+$0x0] =	vst.idx.add.f32.msk $0xffff, v2;
	v13 =	vmul.f32 v46, v20  }
0x35b: {  	v19 =	vor.u32 v1, v47;
	v48 =	vld.idx.msk [tilespmem:v6+s8+$0x0 ss:$0x1], $0xffff  }
0x35c: {  	v55 =	vld.idx.msk [tilespmem:v5+s8+$0x0 ss:$0x1], $0xffff;
	v50 =	vadd.s32 $0x8000, v13  }
0x35d: {  	v56 =	vld.idx.msk [tilespmem:v3+s8+$0x0 ss:$0x1], $0xffff;
	v22 =	vand.u32 $0xFFFF0000, v50  }
0x35e: {  	v49 =	vld.idx.msk [tilespmem:v5+s15+$0x0 ss:$0x1], $0xffff;
	v18 =	vor.u32 v18, v22  }
0x35f: {  	v53 =	vld.idx.msk [tilespmem:v45+s21+$0x0], $0xffff;
	[tilespmem:s1+$0x70] =	vst v18  }
0x360: {  	[tilespmem:v19+s20+$0x0] =	vst.idx.add.f32.msk $0xffff, v13  }
0x361: {  	[tilespmem:v19+s7+$0x0] =	vst.idx.add.f32.msk $0xffff, v2  }
0x362: {  	v13 =	vld.idx.msk [tilespmem:v6+s16+$0x0 ss:$0x1], $0xffff  }
0x363: {  	v51 =	vld.idx.msk [tilespmem:v3+s15+$0x0 ss:$0x1], $0xffff  }
0x364: {  	v54 =	vld.idx.msk [tilespmem:v48+s21+$0x0], $0xffff  }
0x365: {  	v52 =	vld.idx.msk [tilespmem:v4+s15+$0x0 ss:$0x1], $0xffff  }
0x366: {  	v59 =	vld.idx.msk [tilespmem:v4+s8+$0x0 ss:$0x1], $0xffff  }
0x367: {  	[tilespmem:v9+s20+$0x0] =	vst.idx.add.f32.msk $0xffff, v11;
	v57 =	vshll.u32 v53, $0x10  }
0x368: {  	v11 =	vadd.f32 $5.000000000e-01, v56;
	v21 =	vmul.f32 v57, v49;
	v34 =	vld.idx.msk [tilespmem:v3+s16+$0x0 ss:$0x1], $0xffff  }
0x369: {  	v60 =	vadd.f32 $5.000000000e-01, v51;
	v58 =	vshll.u32 v54, $0x10;
	v22 =	vand.u32 $0xFFFF0000, v53;
	v35 =	vld.idx.msk [tilespmem:v4+s16+$0x0 ss:$0x1], $0xffff  }
0x36a: {  	v61 =	vmul.f32 $6.499999760e-01, v52;
	v19 =	vmul.f32 v58, v55;
	v21 =	vadd.f32 v22, v21;
	v62 =	vld.idx.msk [tilespmem:v13+s21+$0x0], $0xffff  }
0x36b: {  	v38 =	vmul.f32 $6.499999760e-01, v59;
	v37 =	vshll.u32 v45, $0x4;
	v18 =	vand.u32 $0xFFFF0000, v54;
	v63 =	vld.idx.msk [tilespmem:v5+s16+$0x0 ss:$0x1], $0xffff  }
0x36c: {  	[tilespmem:v9+s7+$0x0] =	vst.idx.add.f32.msk $0xffff, v2;
	v33 =	vadd.f32 $1.000000010e-01, v61;
	v18 =	vadd.f32 v18, v19;
	v32 =	vmul.f32 v21, v60  }
0x36d: {  	v9 =	vld.idx.msk [tilespmem:v6+s28+$0x0 ss:$0x1], $0xffff;
	v44 =	vshll.u32 v48, $0x4;
	v19 =	vor.u32 v1, v37  }
0x36e: {  	s17 =	sadd.s32 $0x140, s11;
	v21 =	vadd.f32 $1.000000010e-01, v38;
	v11 =	vmul.f32 v18, v11;
	v36 =	vmul.f32 v33, v32  }
0x36f: {  	s3 =	sadd.s32 $0xFFFFFF60, s17;
	v22 =	vadd.f32 $5.000000000e-01, v34;
	v24 =	vmul.f32 $6.499999760e-01, v35;
	v39 =	vshll.u32 v62, $0x10  }
0x370: {  	s4 =	sand.u32 $0x3F80, s3;
	s5 =	rddreg [dreg:$0x7];
	v11 =	vmul.f32 v21, v11;
	v40 =	vadd.s32 $0x8000, v36;
	v26 =	vmul.f32 v39, v63  }
0x371: {  	s3 =	sand.u32 $0x40, s3;
	v43 =	vld.idx.msk [tilespmem:v4+s28+$0x0 ss:$0x1], $0xffff;
	s4 =	sadd.s32 s4, s5;
	v21 =	vor.u32 v1, v44;
	v28 =	vand.u32 $0xFFFF0000, v40;
	v25 =	vand.u32 $0xFFFF0000, v62  }
0x372: {  	v41 =	vld.idx.msk [tilespmem:v5+s28+$0x0 ss:$0x1], $0xffff;
	s3 =	sadd.s32 s3, s4;
	v46 =	vadd.s32 $0x8000, v11;
	v23 =	vor.u32 v45, v28;
	v25 =	vadd.f32 v25, v26  }
0x373: {  	v42 =	vld.idx.msk [tilespmem:v3+s28+$0x0 ss:$0x1], $0xffff;
	v18 =	vand.u32 $0xFFFF0000, v46;
	[tilespmem:s3+$0x80] =	vst v23  }
0x374: {  	v24 =	vadd.f32 $1.000000010e-01, v24;
	v18 =	vor.u32 v48, v18;
	[tilespmem:v19+s20+$0x0] =	vst.idx.add.f32.msk $0xffff, v36;
	v22 =	vmul.f32 v25, v22  }
0x375: {  	v45 =	vld.idx.msk [tilespmem:v9+s21+$0x0], $0xffff;
	[tilespmem:s9+$0x80] =	vst v18  }
0x376: {  	v47 =	vshll.u32 v13, $0x4;
	[tilespmem:v19+s7+$0x0] =	vst.idx.add.f32.msk $0xffff, v2;
	v22 =	vmul.f32 v24, v22  }
0x377: {  	s22 =	sor.u32 $0x410, s0;
	v19 =	vor.u32 v1, v47;
	[tilespmem:v21+s20+$0x0] =	vst.idx.add.f32.msk $0xffff, v11  }
0x378: {  	s23 =	sand.u32 $0x3F80, s17;
	v48 =	vld.idx.msk [tilespmem:v5+s22+$0x0 ss:$0x1], $0xffff;
	v49 =	vadd.s32 $0x8000, v22  }
0x379: {  	s2 =	sand.u32 $0x60, s17;
	s3 =	sadd.s32 s23, s5;
	[tilespmem:v21+s7+$0x0] =	vst.idx.add.f32.msk $0xffff, v2;
	v50 =	vand.u32 $0xFFFF0000, v49  }
0x37a: {  	s2 =	sadd.s32 s2, s3;
	v24 =	vld.idx.msk [tilespmem:v6+s22+$0x0 ss:$0x1], $0xffff;
	v11 =	vor.u32 v13, v50  }
0x37b: {  	v51 =	vld.idx.msk [tilespmem:v3+s22+$0x0 ss:$0x1], $0xffff;
	[tilespmem:s2+$0x80] =	vst v11  }
0x37c: {  	s2 =	rddreg [dreg:$0x8];
	[tilespmem:v19+s20+$0x0] =	vst.idx.add.f32.msk $0xffff, v22  }
0x37d: {  	v12 =	vmul.f32 v12, v17;
	v11 =	vld.idx.msk [tilespmem:v6+s2+$0x0 ss:$0x1], $0xffff  }
0x37e: {  	v14 =	vand.u32 $0xFFFF0000, v14;
	v16 =	vmul.f32 $6.499999760e-01, v16;
	[tilespmem:v19+s7+$0x0] =	vst.idx.add.f32.msk $0xffff, v2  }
0x37f: {  	v12 =	vadd.f32 v14, v12;
	v53 =	vadd.f32 $5.000000000e-01, v15;
	v55 =	vshll.u32 v45, $0x10;
	v6 =	vld.idx.msk [tilespmem:v6+s19+$0x0 ss:$0x1], $0xffff  }
0x380: {  	v52 =	vld.idx.msk [tilespmem:v4+s22+$0x0 ss:$0x1], $0xffff;
	v57 =	vmul.f32 v55, v41  }
0x381: {  	v16 =	vadd.f32 $1.000000010e-01, v16;
	v12 =	vmul.f32 v12, v53;
	v60 =	vand.u32 $0xFFFF0000, v45;
	v56 =	vld.idx.msk [tilespmem:v5+s2+$0x0 ss:$0x1], $0xffff  }
0x382: {  	v63 =	vadd.f32 $5.000000000e-01, v42;
	v26 =	vmul.f32 $6.499999760e-01, v43;
	v14 =	vadd.f32 v60, v57;
	v54 =	vld.idx.msk [tilespmem:v24+s21+$0x0], $0xffff  }
0x383: {  	v61 =	vld.idx.msk [tilespmem:v3+s2+$0x0 ss:$0x1], $0xffff  }
0x384: {  	v12 =	vmul.f32 v16, v12;
	v32 =	vadd.f32 $1.000000010e-01, v26;
	v14 =	vmul.f32 v14, v63;
	v62 =	vld.idx.msk [tilespmem:v4+s2+$0x0 ss:$0x1], $0xffff  }
0x385: {  	v59 =	vshll.u32 v10, $0x4;
	v34 =	vld.idx.msk [tilespmem:v5+s19+$0x0 ss:$0x1], $0xffff  }
0x386: {  	v30 =	vor.u32 v1, v59;
	v35 =	vadd.s32 $0x8000, v12;
	v14 =	vmul.f32 v32, v14;
	v58 =	vld.idx.msk [tilespmem:v11+s21+$0x0], $0xffff  }
0x387: {  	v46 =	vand.u32 $0xFFFF0000, v35;
	v17 =	vmul.f32 $6.499999760e-01, v52;
	v33 =	vshll.u32 v54, $0x10;
	v31 =	vld.idx.msk [tilespmem:v6+s21+$0x0], $0xffff  }
0x388: {  	v60 =	vshll.u32 v9, $0x4;
	v43 =	vadd.s32 $0x8000, v14;
	v3 =	vld.idx.msk [tilespmem:v3+s19+$0x0 ss:$0x1], $0xffff;
	v18 =	vmul.f32 v33, v48  }
0x389: {  	v44 =	vadd.f32 $1.000000010e-01, v17;
	v47 =	vand.u32 $0xFFFF0000, v43;
	v37 =	vld.idx.msk [tilespmem:v4+s19+$0x0 ss:$0x1], $0xffff;
	v15 =	vand.u32 $0xFFFF0000, v54  }
0x38a: {  	v13 =	vadd.f32 $5.000000000e-01, v51;
	v50 =	vor.u32 v10, v46;
	v15 =	vadd.f32 v15, v18  }
0x38b: {  	v57 =	vshll.u32 v24, $0x4;
	v38 =	vadd.f32 $5.000000000e-01, v61;
	v39 =	vmul.f32 $6.499999760e-01, v62  }
0x38c: {  	v13 =	vmul.f32 v15, v13;
	v36 =	vshll.u32 v58, $0x10;
	v40 =	vshll.u32 v31, $0x10  }
0x38d: {  	v3 =	vadd.f32 $5.000000000e-01, v3;
	v20 =	vmul.f32 v36, v56;
	v5 =	vmul.f32 v40, v34  }
0x38e: {  	[tilespmem:v7+s20+$0x0] =	vst.idx.add.f32.msk $0xffff, v8;
	v4 =	vmul.f32 $6.499999760e-01, v37;
	v19 =	vand.u32 $0xFFFF0000, v58;
	v42 =	vand.u32 $0xFFFF0000, v31  }
0x38f: {  	[tilespmem:s24+$0xFFFFFFF0] =	vst v50;
	v13 =	vmul.f32 v44, v13;
	v19 =	vadd.f32 v19, v20;
	v5 =	vadd.f32 v42, v5  }
0x390: {  	v59 =	vor.u32 v1, v57;
	[tilespmem:v30+s20+$0x0] =	vst.idx.add.f32.msk $0xffff, v12;
	v41 =	vadd.f32 $1.000000010e-01, v39;
	v4 =	vadd.f32 $1.000000010e-01, v4  }
0x391: {  	[tilespmem:v7+s7+$0x0] =	vst.idx.add.f32.msk $0xffff, v2;
	v51 =	vadd.s32 $0x8000, v13;
	v18 =	vmul.f32 v19, v38;
	v3 =	vmul.f32 v5, v3  }
0x392: {  	[tilespmem:v30+s7+$0x0] =	vst.idx.add.f32.msk $0xffff, v2;
	v48 =	vor.u32 v9, v47;
	v53 =	vand.u32 $0xFFFF0000, v51;
	v5 =	vor.u32 v1, v60  }
0x393: {  	[tilespmem:s18+$0x90] =	vst v48;
	v45 =	vmul.f32 v41, v18;
	v3 =	vmul.f32 v4, v3;
	v4 =	vor.u32 v24, v53  }
0x394: {  	[tilespmem:s1+$0xFFFFFFF0] =	vst v4  }
0x395: {  	v61 =	vshll.u32 v11, $0x4;
	v49 =	vadd.s32 $0x8000, v45;
	[tilespmem:v59+s20+$0x0] =	vst.idx.add.f32.msk $0xffff, v13  }
0x396: {  	v62 =	vor.u32 v1, v61;
	v52 =	vand.u32 $0xFFFF0000, v49;
	v55 =	vadd.s32 $0x8000, v3;
	[tilespmem:v59+s7+$0x0] =	vst.idx.add.f32.msk $0xffff, v2  }
0x397: {  	v54 =	vor.u32 v11, v52;
	v56 =	vand.u32 $0xFFFF0000, v55;
	[tilespmem:v5+s20+$0x0] =	vst.idx.add.f32.msk $0xffff, v14  }
0x398: {  	[tilespmem:s24+$0x90] =	vst v54;
	v58 =	vor.u32 v6, v56;
	v6 =	vshll.u32 v6, $0x4  }
0x399: {  	[tilespmem:v5+s7+$0x0] =	vst.idx.add.f32.msk $0xffff, v2;
	v63 =	vor.u32 v1, v6  }
0x39a: {  	[tilespmem:s1+$0x90] =	vst v58  }
0x39b: {  	[tilespmem:v62+s20+$0x0] =	vst.idx.add.f32.msk $0xffff, v45  }
0x39c: {  	[tilespmem:v62+s7+$0x0] =	vst.idx.add.f32.msk $0xffff, v2  }
0x39d: {  	s12 =	rddreg [dreg:$0x1e]  }
0x39e: {  	s24 =	rddreg [dreg:$0x1f];
	[tilespmem:v63+s20+$0x0] =	vst.idx.add.f32.msk $0xffff, v3  }
0x39f: {  	[tilespmem:v63+s7+$0x0] =	vst.idx.add.f32.msk $0xffff, v2  }
0x3a0: {  	p1 =	sne.s32 s24, s12;
	s0 =	sld [smem:$0x7FC]  }
0x3a1: {  	p0 =	por p0, p1;
	_ =	strace $0x90000051  }
0x3a2: {  	_ =	strace @p0 $0x80000052  }
0x3a3: {  	s1 =	sld [smem:$0x7FB];
	s0 =	smul.u32 @p0 $0x1900, s0  }
0x3a4: {  	_ = 	snop  }
0x3a5: {  	s2 =	rddreg [dreg:$0xa];
	s0 =	sshrl.u32 @p0 s0, $0x3  }
0x3a6: {  	s1 =	sadd.s32 @p0 $0x9, s1;
	s0 =	sadd.s32 @p0 s2, s0;
	s2 =	simm.s32 @p0 $0x0  }
0x3a7: {  	[hbm4b:s0+s2] =	stream.linear.scatter @p0 [tilespmem:s5], [sflag:s1], $0x1900, $0x200038;
	[tilespmem:$0x17900] =	vst v63  }
0x3a8: {  	s21 =	simm.s32 $0x380;
	s25 =	rddreg [dreg:$0x1d];
	_ =	strace @p0 $0x90000052  }
0x3a9: {  	s16 =	smov.u32 s12;
	p1 =	seq.s32 s25, $0x0;
	s3 =	rddreg [dreg:$0x14]  }
0x3aa: {  	s7 =	simm.s32 $0x0;
	_ =	strace @!p1 $0x80000053;
	s0 =	sand.u32 @!p1 $0x1, s3  }
0x3ab: {  	p2 =	sne.s32 s25, $0x0;
	s26 =	rddreg [dreg:$0x17];
	s0 =	sadd.s32 @!p1 $0x9, s0  }
0x3ac: {  	s4 =	sadd.s32 $0x1, s25;
	s28 =	sld [smem:$0x7FD];
	_ =	swait.ge @!p1 [sflag:s0], $0x1900  }
0x3ad: {  	s1 =	simm.s32 $0x1;
	s2 =	simm.s32 $0x1;
	s6 =	rddreg [dreg:$0x15]  }
0x3ae: {  	s1 =	simm.s32 @!p0 $0x0;
	s2 =	simm.s32 @!p2 $0x0;
	s29 =	rddreg [dreg:$0x1b]  }
0x3af: {  	p0 =	sne.s32 s4, $0x28;
	[sflag:s0] =	ssyncset.done @!p1 $0x0;
	s10 =	rddreg [dreg:$0x19]  }
.Ltmp2:
0x3b0: {  	s30 =	rddreg [dreg:$0x18];
	[sflag:s0] =	ssyncadd.s32 @!p1 $0xFFFFE700;
	(pc) =	sbr.rel @p0 .LBB2_4-.Ltmp2, $4  }
0x3b1: {  	s3 =	sadd.s32 s2, s3;
	s31 =	rddreg [dreg:$0x16];
	_ =	strace @!p1 $0x90000053  }
0x3b2: {  	s8 =	sadd.s32 s26, s28;
	s6 =	sadd.s32 s1, s6;
	s13 =	rddreg [dreg:$0x13]  }
0x3b3: {  	s11 =	sadd.s32 s1, s29;
	s10 =	sadd.s32 s1, s10;
	s14 =	rddreg [dreg:$0x1a]  }
0x3b4: {  	s9 =	sadd.s32 s1, s30;
	s5 =	sadd.s32 s1, s31;
	s15 =	rddreg [dreg:$0x1c]  }
0x3b5: {  	v3 =	vmul.u32 $0x10, v1  }
0x3b6: {  	_ =	strace $0x80000054;
	s0 =	simm.s32 $0xA  }
0x3b7: {  	_ =	swait.ge [sflag:s0], $0x1900  }
0x3b8: {  	[sflag:s0] =	ssyncset.done $0x0;
	v4 =	vor.u32 $0x1, v3  }
0x3b9: {  	[sflag:s0] =	ssyncadd.s32 $0xFFFFE700  }
0x3ba: {  	v5 =	vor.u32 $0x2, v3;
	_ =	strace $0x90000054  }
0x3bb: {  	v6 =	vld.idx.msk [tilespmem:v3+s20+$0x0], $0xffff  }
0x3bc: {  	v8 =	vor.u32 $0x3, v3;
	v7 =	vld.idx.msk [tilespmem:v3+s21+$0x0], $0xffff  }
0x3bd: {  	v9 =	vld.idx.msk [tilespmem:v4+s20+$0x0], $0xffff  }
0x3be: {  	v10 =	vor.u32 $0x4, v3;
	v4 =	vld.idx.msk [tilespmem:v4+s21+$0x0], $0xffff  }
0x3bf: {  	v11 =	vld.idx.msk [tilespmem:v5+s20+$0x0], $0xffff  }
0x3c0: {  	v12 =	vor.u32 $0x5, v3;
	v5 =	vld.idx.msk [tilespmem:v5+s21+$0x0], $0xffff;
	v6 =	vadd.f32 $0.0e+00, v6  }
0x3c1: {  	v13 =	vld.idx.msk [tilespmem:v8+s20+$0x0], $0xffff;
	v7 =	vadd.f32 $0.0e+00, v7  }
0x3c2: {  	v56 =	vor.u32 $0x6, v3;
	v8 =	vld.idx.msk [tilespmem:v8+s21+$0x0], $0xffff;
	v6 =	vadd.f32 v9, v6  }
0x3c3: {  	v57 =	vld.idx.msk [tilespmem:v10+s20+$0x0], $0xffff;
	v4 =	vadd.f32 v4, v7  }
0x3c4: {  	v58 =	vor.u32 $0x7, v3;
	v10 =	vld.idx.msk [tilespmem:v10+s21+$0x0], $0xffff;
	v6 =	vadd.f32 v11, v6  }
0x3c5: {  	v59 =	vld.idx.msk [tilespmem:v12+s20+$0x0], $0xffff;
	v4 =	vadd.f32 v5, v4  }
0x3c6: {  	v60 =	vor.u32 $0x8, v3;
	v12 =	vld.idx.msk [tilespmem:v12+s21+$0x0], $0xffff;
	v6 =	vadd.f32 v13, v6  }
0x3c7: {  	v61 =	vld.idx.msk [tilespmem:v56+s20+$0x0], $0xffff;
	v4 =	vadd.f32 v8, v4  }
0x3c8: {  	v63 =	vor.u32 $0x9, v3;
	v62 =	vld.idx.msk [tilespmem:v56+s21+$0x0], $0xffff;
	v6 =	vadd.f32 v57, v6  }
0x3c9: {  	v16 =	vld.idx.msk [tilespmem:v58+s20+$0x0], $0xffff;
	v4 =	vadd.f32 v10, v4  }
0x3ca: {  	v18 =	vor.u32 $0xA, v3;
	v17 =	vld.idx.msk [tilespmem:v58+s21+$0x0], $0xffff;
	v5 =	vadd.f32 v59, v6  }
0x3cb: {  	v19 =	vld.idx.msk [tilespmem:v60+s20+$0x0], $0xffff;
	v4 =	vadd.f32 v12, v4  }
0x3cc: {  	v21 =	vor.u32 $0xB, v3;
	v20 =	vld.idx.msk [tilespmem:v60+s21+$0x0], $0xffff;
	v5 =	vadd.f32 v61, v5  }
0x3cd: {  	v22 =	vld.idx.msk [tilespmem:v63+s20+$0x0], $0xffff;
	v4 =	vadd.f32 v62, v4  }
0x3ce: {  	v23 =	vor.u32 $0xC, v3;
	v9 =	vld.idx.msk [tilespmem:v63+s21+$0x0], $0xffff;
	v5 =	vadd.f32 v16, v5  }
0x3cf: {  	v24 =	vld.idx.msk [tilespmem:v18+s20+$0x0], $0xffff;
	v4 =	vadd.f32 v17, v4  }
0x3d0: {  	v25 =	vor.u32 $0xD, v3;
	v11 =	vld.idx.msk [tilespmem:v18+s21+$0x0], $0xffff;
	v5 =	vadd.f32 v19, v5  }
0x3d1: {  	v26 =	vld.idx.msk [tilespmem:v21+s20+$0x0], $0xffff;
	v4 =	vadd.f32 v20, v4  }
0x3d2: {  	v28 =	vor.u32 $0xE, v3;
	v27 =	vld.idx.msk [tilespmem:v21+s21+$0x0], $0xffff;
	v5 =	vadd.f32 v22, v5  }
0x3d3: {  	v29 =	vld.idx.msk [tilespmem:v23+s20+$0x0], $0xffff;
	v4 =	vadd.f32 v9, v4  }
0x3d4: {  	v31 =	vor.u32 $0xF, v3;
	v30 =	vld.idx.msk [tilespmem:v23+s21+$0x0], $0xffff;
	v5 =	vadd.f32 v24, v5  }
0x3d5: {  	v32 =	vld.idx.msk [tilespmem:v25+s20+$0x0], $0xffff;
	v4 =	vadd.f32 v11, v4  }
0x3d6: {  	v33 =	vld.idx.msk [tilespmem:v25+s21+$0x0], $0xffff;
	v5 =	vadd.f32 v26, v5  }
0x3d7: {  	v34 =	vld.idx.msk [tilespmem:v28+s20+$0x0], $0xffff;
	v4 =	vadd.f32 v27, v4  }
0x3d8: {  	v35 =	vld.idx.msk [tilespmem:v28+s21+$0x0], $0xffff;
	v5 =	vadd.f32 v29, v5  }
0x3d9: {  	v36 =	vld.idx.msk [tilespmem:v31+s20+$0x0], $0xffff;
	v4 =	vadd.f32 v30, v4  }
0x3da: {  	v10 =	vld.idx.msk [tilespmem:v31+s21+$0x0], $0xffff;
	v5 =	vadd.f32 v32, v5  }
0x3db: {  	v4 =	vadd.f32 v33, v4  }
0x3dc: {  	v5 =	vadd.f32 v34, v5  }
0x3dd: {  	v37 =	vor.u32 $0x100, v3;
	v4 =	vadd.f32 v35, v4  }
0x3de: {  	v5 =	vadd.f32 v36, v5  }
0x3df: {  	v38 =	vor.u32 $0x101, v3;
	v4 =	vadd.f32 v10, v4  }
0x3e0: {  	[tilespmem:$0x680] =	vst v5  }
0x3e1: {  	v39 =	vor.u32 $0x102, v3;
	[tilespmem:$0x6B0] =	vst v4  }
0x3e2: {  	v5 =	vld.idx.msk [tilespmem:v37+s20+$0x0], $0xffff  }
0x3e3: {  	v40 =	vor.u32 $0x103, v3;
	v7 =	vld.idx.msk [tilespmem:v37+s21+$0x0], $0xffff  }
0x3e4: {  	v41 =	vld.idx.msk [tilespmem:v38+s20+$0x0], $0xffff  }
0x3e5: {  	v42 =	vor.u32 $0x104, v3;
	v6 =	vld.idx.msk [tilespmem:v38+s21+$0x0], $0xffff  }
0x3e6: {  	v43 =	vld.idx.msk [tilespmem:v39+s20+$0x0], $0xffff  }
0x3e7: {  	v44 =	vor.u32 $0x105, v3;
	v4 =	vld.idx.msk [tilespmem:v39+s21+$0x0], $0xffff;
	v5 =	vadd.f32 $0.0e+00, v5  }
0x3e8: {  	v45 =	vld.idx.msk [tilespmem:v40+s20+$0x0], $0xffff;
	v7 =	vadd.f32 $0.0e+00, v7  }
0x3e9: {  	v46 =	vor.u32 $0x106, v3;
	v8 =	vld.idx.msk [tilespmem:v40+s21+$0x0], $0xffff;
	v5 =	vadd.f32 v41, v5  }
0x3ea: {  	v47 =	vld.idx.msk [tilespmem:v42+s20+$0x0], $0xffff;
	v6 =	vadd.f32 v6, v7  }
0x3eb: {  	v48 =	vor.u32 $0x107, v3;
	v10 =	vld.idx.msk [tilespmem:v42+s21+$0x0], $0xffff;
	v5 =	vadd.f32 v43, v5  }
0x3ec: {  	v49 =	vld.idx.msk [tilespmem:v44+s20+$0x0], $0xffff;
	v4 =	vadd.f32 v4, v6  }
0x3ed: {  	v50 =	vor.u32 $0x108, v3;
	v12 =	vld.idx.msk [tilespmem:v44+s21+$0x0], $0xffff;
	v5 =	vadd.f32 v45, v5  }
0x3ee: {  	v51 =	vld.idx.msk [tilespmem:v46+s20+$0x0], $0xffff;
	v4 =	vadd.f32 v8, v4  }
0x3ef: {  	v53 =	vor.u32 $0x109, v3;
	v52 =	vld.idx.msk [tilespmem:v46+s21+$0x0], $0xffff;
	v5 =	vadd.f32 v47, v5  }
0x3f0: {  	v54 =	vld.idx.msk [tilespmem:v48+s20+$0x0], $0xffff;
	v4 =	vadd.f32 v10, v4  }
0x3f1: {  	v56 =	vor.u32 $0x10A, v3;
	v55 =	vld.idx.msk [tilespmem:v48+s21+$0x0], $0xffff;
	v5 =	vadd.f32 v49, v5  }
0x3f2: {  	v57 =	vld.idx.msk [tilespmem:v50+s20+$0x0], $0xffff;
	v4 =	vadd.f32 v12, v4  }
0x3f3: {  	v59 =	vor.u32 $0x10B, v3;
	v58 =	vld.idx.msk [tilespmem:v50+s21+$0x0], $0xffff;
	v5 =	vadd.f32 v51, v5  }
0x3f4: {  	v60 =	vld.idx.msk [tilespmem:v53+s20+$0x0], $0xffff;
	v4 =	vadd.f32 v52, v4  }
0x3f5: {  	v61 =	vor.u32 $0x10C, v3;
	v9 =	vld.idx.msk [tilespmem:v53+s21+$0x0], $0xffff;
	v5 =	vadd.f32 v54, v5  }
0x3f6: {  	v62 =	vld.idx.msk [tilespmem:v56+s20+$0x0], $0xffff;
	v4 =	vadd.f32 v55, v4  }
0x3f7: {  	v63 =	vor.u32 $0x10D, v3;
	v11 =	vld.idx.msk [tilespmem:v56+s21+$0x0], $0xffff;
	v5 =	vadd.f32 v57, v5  }
0x3f8: {  	v16 =	vld.idx.msk [tilespmem:v59+s20+$0x0], $0xffff;
	v4 =	vadd.f32 v58, v4  }
0x3f9: {  	v18 =	vor.u32 $0x10E, v3;
	v17 =	vld.idx.msk [tilespmem:v59+s21+$0x0], $0xffff;
	v5 =	vadd.f32 v60, v5  }
0x3fa: {  	v19 =	vld.idx.msk [tilespmem:v61+s20+$0x0], $0xffff;
	v4 =	vadd.f32 v9, v4  }
0x3fb: {  	v21 =	vor.u32 $0x10F, v3;
	v20 =	vld.idx.msk [tilespmem:v61+s21+$0x0], $0xffff;
	v5 =	vadd.f32 v62, v5  }
0x3fc: {  	v22 =	vld.idx.msk [tilespmem:v63+s20+$0x0], $0xffff;
	v4 =	vadd.f32 v11, v4  }
0x3fd: {  	v23 =	vld.idx.msk [tilespmem:v63+s21+$0x0], $0xffff;
	v5 =	vadd.f32 v16, v5  }
0x3fe: {  	v24 =	vld.idx.msk [tilespmem:v18+s20+$0x0], $0xffff;
	v4 =	vadd.f32 v17, v4  }
0x3ff: {  	v25 =	vld.idx.msk [tilespmem:v18+s21+$0x0], $0xffff;
	v5 =	vadd.f32 v19, v5  }
0x400: {  	v26 =	vld.idx.msk [tilespmem:v21+s20+$0x0], $0xffff;
	v4 =	vadd.f32 v20, v4  }
0x401: {  	v10 =	vld.idx.msk [tilespmem:v21+s21+$0x0], $0xffff;
	v5 =	vadd.f32 v22, v5  }
0x402: {  	v4 =	vadd.f32 v23, v4  }
0x403: {  	v5 =	vadd.f32 v24, v5  }
0x404: {  	v27 =	vor.u32 $0x200, v3;
	v4 =	vadd.f32 v25, v4  }
0x405: {  	v5 =	vadd.f32 v26, v5  }
0x406: {  	v28 =	vor.u32 $0x201, v3;
	v4 =	vadd.f32 v10, v4  }
0x407: {  	[tilespmem:$0x690] =	vst v5  }
0x408: {  	v29 =	vor.u32 $0x202, v3;
	[tilespmem:$0x6C0] =	vst v4  }
0x409: {  	v5 =	vld.idx.msk [tilespmem:v27+s20+$0x0], $0xffff  }
0x40a: {  	v30 =	vor.u32 $0x203, v3;
	v7 =	vld.idx.msk [tilespmem:v27+s21+$0x0], $0xffff  }
0x40b: {  	v31 =	vld.idx.msk [tilespmem:v28+s20+$0x0], $0xffff  }
0x40c: {  	v32 =	vor.u32 $0x204, v3;
	v6 =	vld.idx.msk [tilespmem:v28+s21+$0x0], $0xffff  }
0x40d: {  	v33 =	vld.idx.msk [tilespmem:v29+s20+$0x0], $0xffff  }
0x40e: {  	v34 =	vor.u32 $0x205, v3;
	v4 =	vld.idx.msk [tilespmem:v29+s21+$0x0], $0xffff;
	v5 =	vadd.f32 $0.0e+00, v5  }
0x40f: {  	v35 =	vld.idx.msk [tilespmem:v30+s20+$0x0], $0xffff;
	v7 =	vadd.f32 $0.0e+00, v7  }
0x410: {  	v36 =	vor.u32 $0x206, v3;
	v8 =	vld.idx.msk [tilespmem:v30+s21+$0x0], $0xffff;
	v5 =	vadd.f32 v31, v5  }
0x411: {  	v37 =	vld.idx.msk [tilespmem:v32+s20+$0x0], $0xffff;
	v6 =	vadd.f32 v6, v7  }
0x412: {  	v38 =	vor.u32 $0x207, v3;
	v10 =	vld.idx.msk [tilespmem:v32+s21+$0x0], $0xffff;
	v5 =	vadd.f32 v33, v5  }
0x413: {  	v39 =	vld.idx.msk [tilespmem:v34+s20+$0x0], $0xffff;
	v4 =	vadd.f32 v4, v6  }
0x414: {  	v40 =	vor.u32 $0x208, v3;
	v12 =	vld.idx.msk [tilespmem:v34+s21+$0x0], $0xffff;
	v5 =	vadd.f32 v35, v5  }
0x415: {  	v41 =	vld.idx.msk [tilespmem:v36+s20+$0x0], $0xffff;
	v4 =	vadd.f32 v8, v4  }
0x416: {  	v43 =	vor.u32 $0x209, v3;
	v42 =	vld.idx.msk [tilespmem:v36+s21+$0x0], $0xffff;
	v5 =	vadd.f32 v37, v5  }
0x417: {  	v44 =	vld.idx.msk [tilespmem:v38+s20+$0x0], $0xffff;
	v4 =	vadd.f32 v10, v4  }
0x418: {  	v46 =	vor.u32 $0x20A, v3;
	v45 =	vld.idx.msk [tilespmem:v38+s21+$0x0], $0xffff;
	v5 =	vadd.f32 v39, v5  }
0x419: {  	v47 =	vld.idx.msk [tilespmem:v40+s20+$0x0], $0xffff;
	v4 =	vadd.f32 v12, v4  }
0x41a: {  	v49 =	vor.u32 $0x20B, v3;
	v48 =	vld.idx.msk [tilespmem:v40+s21+$0x0], $0xffff;
	v5 =	vadd.f32 v41, v5  }
0x41b: {  	v50 =	vld.idx.msk [tilespmem:v43+s20+$0x0], $0xffff;
	v4 =	vadd.f32 v42, v4  }
0x41c: {  	v51 =	vor.u32 $0x20C, v3;
	v9 =	vld.idx.msk [tilespmem:v43+s21+$0x0], $0xffff;
	v5 =	vadd.f32 v44, v5  }
0x41d: {  	v52 =	vld.idx.msk [tilespmem:v46+s20+$0x0], $0xffff;
	v4 =	vadd.f32 v45, v4  }
0x41e: {  	v53 =	vor.u32 $0x20D, v3;
	v11 =	vld.idx.msk [tilespmem:v46+s21+$0x0], $0xffff;
	v5 =	vadd.f32 v47, v5  }
0x41f: {  	v54 =	vld.idx.msk [tilespmem:v49+s20+$0x0], $0xffff;
	v4 =	vadd.f32 v48, v4  }
0x420: {  	v56 =	vor.u32 $0x20E, v3;
	v55 =	vld.idx.msk [tilespmem:v49+s21+$0x0], $0xffff;
	v5 =	vadd.f32 v50, v5  }
0x421: {  	v57 =	vld.idx.msk [tilespmem:v51+s20+$0x0], $0xffff;
	v4 =	vadd.f32 v9, v4  }
0x422: {  	v3 =	vor.u32 $0x20F, v3;
	v58 =	vld.idx.msk [tilespmem:v51+s21+$0x0], $0xffff;
	v5 =	vadd.f32 v52, v5  }
0x423: {  	v59 =	vld.idx.msk [tilespmem:v53+s20+$0x0], $0xffff;
	v4 =	vadd.f32 v11, v4  }
0x424: {  	v60 =	vld.idx.msk [tilespmem:v53+s21+$0x0], $0xffff;
	v5 =	vadd.f32 v54, v5  }
0x425: {  	v61 =	vld.idx.msk [tilespmem:v56+s20+$0x0], $0xffff;
	v4 =	vadd.f32 v55, v4  }
0x426: {  	v62 =	vld.idx.msk [tilespmem:v56+s21+$0x0], $0xffff;
	v5 =	vadd.f32 v57, v5  }
0x427: {  	v63 =	vld.idx.msk [tilespmem:v3+s20+$0x0], $0xffff;
	v4 =	vadd.f32 v58, v4  }
0x428: {  	v3 =	vld.idx.msk [tilespmem:v3+s21+$0x0], $0xffff;
	v5 =	vadd.f32 v59, v5  }
0x429: {  	v4 =	vadd.f32 v60, v4  }
0x42a: {  	v5 =	vadd.f32 v61, v5  }
0x42b: {  	v4 =	vadd.f32 v62, v4  }
0x42c: {  	v5 =	vadd.f32 v63, v5  }
0x42d: {  	v3 =	vadd.f32 v3, v4  }
0x42e: {  	[tilespmem:$0x6A0] =	vst v5  }
0x42f: {  	s1 =	simm.s32 $0x680;
	s30 =	rddreg [dreg:$0x10];
	[tilespmem:$0x6D0] =	vst v3  }
0x430: {  	[hbm4b:s30+s7] =	stream.linear.scatter [tilespmem:s1], [sflag:$0x1], $0x60, $0x38;
	[tilespmem:$0x17900] =	vst v63  }
0x431: {  	s1 =	simm.s32 $0x1  }
0x432: {  	_ =	swait.ge [sflag:s1], $0x60  }
0x433: {  	s2 =	rddreg [dreg:$0x12]  }
0x434: {  	s31 =	rddreg [dreg:$0x11];
	s2 =	sadd.s32 $0x1, s2  }
0x435: {  	p0 =	sne.s32 s2, s31  }
.Ltmp3:
0x436: {  	_ = 	snop;
	(pc) =	sbr.rel @p0 .LBB2_1-.Ltmp3, $3  }
0x437: {  	_ =	sdelay $0x1  }
0x438: {  	[sflag:s1] =	ssyncset.done $0x0  }
0x439: {  	[sflag:s1] =	ssyncadd.s32 $0xFFFFFFA0  }
0x43a: {  	_ =	sfence.sel $0x180000  }
0x43b: {  	[bflag:$0x0] =	sbarrier.arrive $0xFFFF  }
0x43c: {  	_ =	strace $0x90000047  }
0x43d: {  	s0 =	stileid.u32;
	[bflag:$0x2] =	sbarrier.arrive $0xFFFF  }
0x43e: {  	p0 =	sne.s32 s0, $0x0;
	s0 =	rddreg [dreg:$0x6]  }
0x43f: {  	s0 =	sadd.s32 @!p0 $0x100000, s0  }
0x440: {  	[sflag:s0] =	ssyncadd.tile.s32 @!p0 $0x1;
	_ =	shalt  }
.Lfunc_end2:
_tile_overlayer_lowered:
.L_overlay_start_2:
0x441: {  	(tag) =	ssettag $0x2  }
0x442: {  	s0 =	rddreg [dreg:$0x0];
	s2 =	stileid.u32  }
0x443: {  	s1 =	rddreg [dreg:$0x1];
	p0 =	sne.s32 s2, $0x0  }
0x444: {  	s3 =	rddreg [dreg:$0x2];
	[bflag:$0x3] =	sbarrier.arrive $0xFFFF;
	s2 =	simm.s32 @!p0 $0x1C01  }
0x445: {  	[timem:s3], [sflag:s2] =	dma.local @!p0 [hbm:s0], s1  }
0x446: {  	s0 =	simm.s32 @!p0 $0x1  }
0x447: {  	_ =	swait.ge @!p0 [sflag:s0], s1  }
0x448: {  	s1 =	ssub.s32 @!p0 $0x0, s1;
	[sflag:s0] =	ssyncset.done @!p0 $0x0  }
0x449: {  	[sflag:s0] =	ssyncadd.s32 @!p0 s1  }
0x44a: {  	[bflag:$0x3] =	sbarrier.arrive $0xFFFF  }
0x44b: {  	_ =	shalt  }

// kernel: kernel.7.cloned.1.call-start
scs
__scs_entry_jumppad:
0x0: {  	(pc) =	sbr.rel $0x88, $3  }
0x1: {  	(tag) =	ssettag $0x0;
	lr =	simm.s32 $0x1  }
0x2: {  	[smem:$0x3F9A] =	sst lr;
	_ =	strace $0xD0000000  }
0x3: {  	_ = 	snop  }
0x4: {  	_ = 	snop  }
0x5: {  	_ = 	snop  }
0x6: {  	_ = 	snop  }
0x7: {  	_ = 	snop  }
__scs_overlays_trampoline_lowered:
0x8: {  	[smem:$0x3FA9] =	sst s0  }
0x9: {  	[smem:$0x3FAA] =	sst s1  }
0xa: {  	[smem:$0x3FAB] =	sst s2  }
0xb: {  	[smem:$0x3FAC] =	sst s3  }
0xc: {  	[smem:$0x3FAD] =	sst s4  }
0xd: {  	[smem:$0x3FAE] =	sst s5  }
0xe: {  	[smem:$0x3FAF] =	sst s6  }
0xf: {  	[smem:$0x3FB0] =	sst s7  }
0x10: {  	[smem:$0x3FB1] =	sst s8  }
0x11: {  	[smem:$0x3FB2] =	sst s9;
	s0 =	simm.s32 @!p0 $0x0  }
0x12: {  	s1 =	sld [smem:$0x3F98];
	s0 =	simm.s32 @p0 $0x1  }
0x13: {  	[smem:$0x3FB3] =	sst s0;
	s0 =	simm.s32 @!p1 $0x0  }
0x14: {  	s2 =	sld [smem:$0x3F97];
	s0 =	simm.s32 @p1 $0x1  }
0x15: {  	[smem:$0x3FB4] =	sst s0;
	s0 =	simm.s32 @!p2 $0x0  }
0x16: {  	s3 =	sld [smem:$0x3FDB];
	s0 =	simm.s32 @p2 $0x1  }
0x17: {  	s4 =	simm.s32 $0x1BF5;
	[smem:$0x3FB6] =	sst s0  }
0x18: {  	s0 =	sld [smem:$0x3F99];
	_ =	swait.ge [sflag:s4], $0x0  }
0x19: {  	s7 =	sld [smem:$0x3F9A]  }
0x1a: {  	s8 =	sadd.s32 $0xFFFFE003, lr  }
0x1b: {  	s9 =	sadd.s32 $0xFFFFFEF7, lr;
	s5 =	simm.s32 $0xFFFFFFFF;
	p2 =	slt.u32 s8, $0xFFFFF086  }
0x1c: {  	p1 =	slt.u32 s9, $0xF7A;
	s5 =	simm.s32 @!p2 $0x0  }
0x1d: {  	s5 =	simm.s32 @p1 $0x1;
	p0 =	seq.s32 s7, s2  }
0x1e: {  	s7 =	smul.u32 @!p0 $0xF7A, s2;
	p2 =	seq.s32 @!p0 s5, $0x0  }
0x1f: {  	s9 =	smul.u32 $0xF7A, s1;
	s8 =	simm.s32 @!p0 $0x1BF5;
	p2 =	por !p2, p0  }
0x20: {  	[sflag:s8] =	ssyncset.s32 @!p0 $0xFFFFF086;
	s6 =	sadd.s32 @!p0 s3, s7;
	s7 =	simm.s32 @!p0 $0x108  }
0x21: {  	s3 =	sadd.s32 s3, s9;
	s6 =	sadd.s32 @!p0 $0x88, s6;
	s7 =	simm.s32 @p2 $0x1082  }
0x22: {  	[simem:s7], [sflag:s8] =	dma.local @!p0 [hbm:s6], $0xF7A  }
0x23: {  	s9 =	sor.u32 $0xD0000000, s2;
	s6 =	simm.s32 $0x108;
	_ =	swait.ge @!p0 [sflag:s8], $0x0  }
0x24: {  	s3 =	sadd.s32 $0x88, s3;
	s6 =	simm.s32 @!p1 $0x1082;
	[sflag:s4] =	ssyncset.s32 $0xFFFFF086  }
0x25: {  	[simem:s6], [sflag:s4] =	dma.local [hbm:s3], $0xF7A  }
0x26: {  	[smem:$0x3F9A] =	sst s1;
	(tag) =	ssettag s2;
	_ =	strace s9  }
0x27: {  	s1 =	sld [smem:$0x3FAA]  }
0x28: {  	s2 =	sld [smem:$0x3FAB]  }
0x29: {  	s4 =	sld [smem:$0x3FAD]  }
0x2a: {  	p0 =	seq.s32 s5, $0x0;
	s5 =	sld [smem:$0x3FAE]  }
0x2b: {  	s6 =	sld [smem:$0x3FAF]  }
0x2c: {  	s7 =	sld [smem:$0x3FB0]  }
0x2d: {  	s3 =	simm.s32 $0x108;
	s8 =	sld [smem:$0x3FB1]  }
0x2e: {  	s3 =	simm.s32 @!p0 $0x1082;
	s9 =	sld [smem:$0x3FB2]  }
0x2f: {  	lr =	sadd.s32 s0, s3;
	s0 =	sld [smem:$0x3FA9]  }
0x30: {  	s3 =	sld [smem:$0x3FAC]  }
0x31: {  	[smem:$0x3FB5] =	sst s10  }
0x32: {  	s10 =	sld [smem:$0x3FB3];
	_ =	sdelay $0x3  }
0x33: {  	p0 =	seq.s32 s10, $0x1;
	s10 =	sld [smem:$0x3FB5];
	_ =	sdelay $0x3  }
0x34: {  	[smem:$0x3FB5] =	sst s10  }
0x35: {  	s10 =	sld [smem:$0x3FB4];
	_ =	sdelay $0x3  }
0x36: {  	p1 =	seq.s32 s10, $0x1;
	s10 =	sld [smem:$0x3FB5];
	_ =	sdelay $0x3  }
0x37: {  	[smem:$0x3FB5] =	sst s10  }
0x38: {  	s10 =	sld [smem:$0x3FB6]  }
0x39: {  	_ = 	snop;
	(pc) =	sbr.ind lr, $3  }
0x3a: {  	_ = 	snop  }
0x3b: {  	_ = 	snop  }
0x3c: {  	p2 =	seq.s32 s10, $0x1;
	s10 =	sld [smem:$0x3FB5]  }
0x3d: {  	_ =	shalt  }
0x3e: {  	_ =	shalt  }
0x3f: {  	_ =	shalt  }
0x40: {  	_ =	shalt  }
0x41: {  	_ =	shalt  }
0x42: {  	_ =	shalt  }
0x43: {  	_ =	shalt  }
0x44: {  	_ =	shalt  }
0x45: {  	_ =	shalt  }
0x46: {  	_ =	shalt  }
0x47: {  	_ =	shalt  }
0x48: {  	_ =	shalt  }
0x49: {  	_ =	shalt  }
0x4a: {  	_ =	shalt  }
0x4b: {  	_ =	shalt  }
0x4c: {  	_ =	shalt  }
0x4d: {  	_ =	shalt  }
0x4e: {  	_ =	shalt  }
0x4f: {  	_ =	shalt  }
0x50: {  	_ =	shalt  }
0x51: {  	_ =	shalt  }
0x52: {  	_ =	shalt  }
0x53: {  	_ =	shalt  }
0x54: {  	_ =	shalt  }
0x55: {  	_ =	shalt  }
0x56: {  	_ =	shalt  }
0x57: {  	_ =	shalt  }
0x58: {  	_ =	shalt  }
0x59: {  	_ =	shalt  }
0x5a: {  	_ =	shalt  }
0x5b: {  	_ =	shalt  }
0x5c: {  	_ =	shalt  }
0x5d: {  	_ =	shalt  }
0x5e: {  	_ =	shalt  }
0x5f: {  	_ =	shalt  }
0x60: {  	_ =	shalt  }
0x61: {  	_ =	shalt  }
0x62: {  	_ =	shalt  }
0x63: {  	_ =	shalt  }
0x64: {  	_ =	shalt  }
0x65: {  	_ =	shalt  }
0x66: {  	_ =	shalt  }
0x67: {  	_ =	shalt  }
0x68: {  	_ =	shalt  }
0x69: {  	_ =	shalt  }
0x6a: {  	_ =	shalt  }
0x6b: {  	_ =	shalt  }
0x6c: {  	_ =	shalt  }
0x6d: {  	_ =	shalt  }
0x6e: {  	_ =	shalt  }
0x6f: {  	_ =	shalt  }
0x70: {  	_ =	shalt  }
0x71: {  	_ =	shalt  }
0x72: {  	_ =	shalt  }
0x73: {  	_ =	shalt  }
0x74: {  	_ =	shalt  }
0x75: {  	_ =	shalt  }
0x76: {  	_ =	shalt  }
0x77: {  	_ =	shalt  }
0x78: {  	_ =	shalt  }
0x79: {  	_ =	shalt  }
0x7a: {  	_ =	shalt  }
0x7b: {  	_ =	shalt  }
0x7c: {  	_ =	shalt  }
0x7d: {  	_ =	shalt  }
0x7e: {  	_ =	shalt  }
0x7f: {  	_ =	shalt  }
0x80: {  	_ =	shalt  }
0x81: {  	_ =	shalt  }
0x82: {  	_ =	shalt  }
0x83: {  	_ =	shalt  }
0x84: {  	_ =	shalt  }
0x85: {  	_ =	shalt  }
0x86: {  	_ =	shalt  }
0x87: {  	_ =	shalt  }
.Lfunc_end0:
.L_simem_size_0:
called_computation.1_lowered:
.L_overlay_start_0:
0x88: {  	s2 =	sld [smem:$0x3FD9]  }
0x89: {  	s3 =	sld [smem:$0x3FFE];
	_ =	sdelay $0x1  }
0x8a: {  	s1 =	srdreg.scid  }
0x8b: {  	s0 =	sand.u32 $0x1, s1  }
0x8c: {  	s17 =	sshll.u32 s0, $0xA;
	s2 =	sadd.s32 s3, s2  }
0x8d: {  	s2 =	sadd.s32 s2, s17  }
0x8e: {  	[smem:$0x3FC1] =	sst s2  }
0x8f: {  	_ = 	snop  }
0x90: {  	s2 =	sld [smem:$0x3FD0];
	(tm) =	ssettm $0x1  }
0x91: {  	s18 =	sld [smem:$0x3FFB];
	_ =	sdelay $0x3  }
0x92: {  	_ =	strace s18  }
0x93: {  	s3 =	sld [smem:$0x3FFC];
	_ =	sdelay $0x3  }
0x94: {  	_ =	strace s3  }
0x95: {  	s3 =	sld [smem:$0x3FFD];
	_ =	sdelay $0x3  }
0x96: {  	_ =	strace s3  }
0x97: {  	_ =	strace $0x8FFFFFFF  }
0x98: {  	s19 =	sld [smem:$0x3FDB];
	_ =	sdelay $0x1  }
0x99: {  	s4 =	simm.s32 $_scs_section_size  }
0x9a: {  	s5 =	simm.s32 $_size__tile_overlayer_lowered;
	s6 =	simm.s32 $_tile_overlayer_lowered  }
0x9b: {  	s22 =	simm.s32 $0x1BFF;
	s21 =	sshll.u32 s6, $0x1;
	s3 =	sadd.s32 s4, s19  }
0x9c: {  	s7 =	simm.s32 $0x0;
	s20 =	sshll.u32 s5, $0x1;
	s5 =	sadd.s32 s21, s3  }
0x9d: {  	[timem:s7], [sflag:s22] =	dma.local [hbm:s5], s20  }
0x9e: {  	_ =	swait.ge [sflag:s22], s20  }
0x9f: {  	s4 =	ssub.s32 $0x0, s20;
	[sflag:s22] =	ssyncset.done $0x0  }
0xa0: {  	[sflag:s22] =	ssyncadd.s32 s4;
	_ =	sdelay $0x1  }
0xa1: {  	s23 =	simm.s32 $0x1B8B  }
0xa2: {  	_ =	swait.ge [sflag:s23], $0x1  }
0xa3: {  	[sflag:s23] =	ssyncset.done $0x0  }
0xa4: {  	s25 =	simm.s32 $0x1B8E;
	s24 =	sld [smem:$0x3FFE];
	[sflag:s23] =	ssyncadd.s32 $0xFFFFFFFF  }
0xa5: {  	s26 =	simm.s32 $execute0_lowered;
	[smem:$0x3FD2] =	sst s25  }
0xa6: {  	s5 =	sshll.u32 s26, $0x1;
	_ =	strace $0x80000056;
	[dreg:$0x1] =	wrdreg $0xFFFFFFFF  }
0xa7: {  	s28 =	simm.s32 $_size_execute0_lowered;
	s3 =	sadd.s32 s3, s5;
	[dreg:$0x0] =	wrdreg $0x0  }
0xa8: {  	s5 =	sshll.u32 s28, $0x1;
	[dreg:$0x2] =	wrdreg s3  }
0xa9: {  	[dreg:$0x3] =	wrdreg s5  }
0xaa: {  	[dreg:$0x4] =	wrdreg $0xC0  }
0xab: {  	_ =	task [dreg:s7], $0x5FFFF  }
0xac: {  	[dreg:$0x1] =	wrdreg $0xFFFFFFFF  }
0xad: {  	[dreg:$0x0] =	wrdreg $0x60  }
0xae: {  	[dreg:$0x2] =	wrdreg s24  }
0xaf: {  	[dreg:$0x3] =	wrdreg s2  }
0xb0: {  	[dreg:$0x4] =	wrdreg $0x9  }
0xb1: {  	_ =	task.clear_ibuf [dreg:s7], $0x5FFFF;
	_ =	strace $0x90000056  }
0xb2: {  	s29 =	simm.s32 $0x9;
	_ =	strace $0x8000005F  }
0xb3: {  	_ =	swait.ge [sflag:s29], $0x1  }
0xb4: {  	[sflag:s29] =	ssyncadd.s32 $0xFFFFFFFF  }
0xb5: {  	_ =	strace $0x9000005F  }
0xb6: {  	_ =	sfence  }
0xb7: {  	s30 =	sld [smem:$0x0];
	_ =	sdelay $0x2  }
0xb8: {  	s31 =	sshll.u32 s1, $0xD;
	s1 =	sshrl.u32 s1, $0x2  }
0xb9: {  	s3 =	sand.u32 $0x4000, s31;
	s1 =	sadd.s32 s1, s30  }
0xba: {  	s0 =	sor.u32 s3, s0;
	s1 =	sshll.u32 s1, $0x11  }
0xbb: {  	s0 =	sor.u32 s1, s0  }
0xbc: {  	s0 =	sadd.s32 $0x8F2B, s0  }
0xbd: {  	[sflag:s0] =	ssyncadd.remote.s32 $0x1  }
0xbe: {  	_ =	sfence.sel $0xFFFF  }
0xbf: {  	[dreg:$0x0] =	wrdreg $0xFFFFFFFF;
	(pc) =	sbr.abs _section_cstart, $3  }
0xc0: {  	[dreg:$0x1] =	wrdreg $0xFFFFFFFF  }
0xc1: {  	_ =	task.clear_ibuf [dreg:s7], $0x2FFFF;
	_ =	strace $0x9FFFFFFF  }
0xc2: {  	(tm) =	ssettm $0x7FFFFFFF  }
0xc3: {  	_ =	shalt  }
tec
execute0_lowered:
.L_overlay_start_1:
0x0: {  	(tag) =	ssettag $0x1  }
0x1: {  	s0 =	srdreg.scid;
	s3 =	stileid.u32  }
0x2: {  	s2 =	rddreg [dreg:$0x0];
	s4 =	simm.s32 $0x0;
	s0 =	sand.u32 $0x1, s0  }
0x3: {  	[smem:$0x7FF] =	sst s4;
	s29 =	sadd.s32 $0xFAE00, s2;
	s1 =	sshll.u32 s0, $0x4  }
0x4: {  	s5 =	sadd.s32 $0xFB000, s2;
	s2 =	sadd.s32 $0xE00, s2;
	s1 =	sor.u32 s3, s1  }
0x5: {  	_ =	strace $0x80000057;
	[dreg:$0x9] =	wrdreg s29;
	s3 =	smul.u32 $0xC, s1  }
0x6: {  	p0 =	seq.s32 s0, $0x0;
	[dreg:$0xa] =	wrdreg s5;
	s1 =	smul.u32 $0xD, s1  }
0x7: {  	s28 =	ssub.s32 $0x2, s0;
	[dreg:$0xb] =	wrdreg s2;
	s4 =	sadd.s32 $0x10, s3  }
0x8: {  	s30 =	sshrl.u32 s28, $0x1;
	s3 =	sxor.u32 $0xD, s0;
	s4 =	smov.u32 @p0 s1  }
0x9: {  	s1 =	ssub.s32 s28, s30;
	[dreg:$0x8] =	wrdreg s4;
	s4 =	smul.u32 $0xA00, s4  }
0xa: {  	[dreg:$0xc] =	wrdreg s3;
	s31 =	smax.u32 s1, $0x1  }
0xb: {  	[dreg:$0xf] =	wrdreg s31;
	s2 =	sadd.s32 s2, s4  }
0xc: {  	s4 =	ssub.s32 $0xC, s0;
	[dreg:$0xd] =	wrdreg s2  }
0xd: {  	v0 =	vlaneseq.u32;
	vm0 =	vmmov $0x1;
	s15 =	simm.s32 $0xC80;
	s1 =	simm.s32 $0x0;
	[dreg:$0xe] =	wrdreg s4  }
.LBB2_1:
0xe: {  	[dreg:$0x10] =	wrdreg s1  }
0xf: {  	s0 =	simm.s32 $0x0;
	s29 =	rddreg [dreg:$0x9];
	s2 =	simm.s32 $0x1  }
0x10: {  	[tilespmem:s0], [sflag:$0x1] =	stream.linear.gather [hbm4b:s29+s0], $0xC00, $0x38;
	[tilespmem:$0x1AD00] =	vst v63  }
0x11: {  	_ =	swait.ge [sflag:s2], $0xC00  }
0x12: {  	[sflag:s2] =	ssyncset.done $0x0  }
0x13: {  	s5 =	simm.s32 $0xC00;
	s30 =	rddreg [dreg:$0xa];
	[sflag:s2] =	ssyncadd.s32 $0xFFFFF400  }
0x14: {  	[tilespmem:s5], [sflag:$0x1] =	stream.linear.gather [hbm4b:s30+s0], $0x80, $0x38;
	[tilespmem:$0x1AD00] =	vst v63  }
0x15: {  	_ =	swait.ge [sflag:s2], $0x80  }
0x16: {  	[sflag:s2] =	ssyncset.done $0x0  }
0x17: {  	s31 =	simm.s32 $0x0;
	[sflag:s2] =	ssyncadd.s32 $0xFFFFFF80  }
0x18: {  	v4 =	vld [tilespmem:s31+$0x30]  }
0x19: {  	v2 =	vimm.f32 $0.0e+00;
	v1 =	vimm.f32 $0.0e+00;
	s0 =	simm.s32 $0x180;
	v3 =	vld [tilespmem:s31+$0x0]  }
.LBB2_2:
0x1a: {  	p0 =	sne.s32 s0, $0x2E80  }
.Ltmp0:
0x1b: {  	_ = 	snop;
	(pc) =	sbr.rel @p0 .LBB2_2-.Ltmp0, $4  }
0x1c: {  	_ = 	snop  }
0x1d: {  	s1 =	sshra.s32 s0, $0x2;
	s0 =	sadd.s32 $0x180, s0;
	v2 =	vadd.f32 v4, v2  }
0x1e: {  	v4 =	vld [tilespmem:s1+$0x30];
	v1 =	vadd.f32 v3, v1  }
0x1f: {  	v3 =	vld [tilespmem:s1+$0x0]  }
0x20: {  	_ =	sdelay $0x2  }
0x21: {  	v2 =	vadd.f32 v4, v2;
	_ =	sdelay $0x1  }
0x22: {  	v2 =	vmax.f32 v2, $1.000000000e+00  }
0x23: {  	(erf) = vrcp.f32 v2;
	_ =	sdelay $0x6  }
0x24: {  	v2 =	vld [tilespmem:$0xC00]  }
0x25: {  	v1 =	vadd.f32 v3, v1  }
0x26: {  	v3 =	vpop (erf)  }
0x27: {  	v1 =	vmul.f32 v3, v1;
	_ =	sdelay $0x1  }
0x28: {  	v1 =	vsub.f32 v1, v2  }
0x29: {  	vm1 =	veq.s32 v0, $0x0  }
0x2a: {  	v1 =	vsel vm1, $0x0, v1  }
0x2b: {  	s1 =	simm.s32 $0x0;
	[tilespmem:$0xC80] =	vst v1  }
0x2c: {  	v4 =	vld [tilespmem:s1+$0x40]  }
0x2d: {  	s0 =	simm.s32 $0x180;
	v2 =	vimm.f32 $0.0e+00;
	v1 =	vimm.f32 $0.0e+00;
	v3 =	vld [tilespmem:s1+$0x10]  }
.LBB2_4:
0x2e: {  	p0 =	sne.s32 s0, $0x2E80  }
.Ltmp1:
0x2f: {  	_ = 	snop;
	(pc) =	sbr.rel @p0 .LBB2_4-.Ltmp1, $4  }
0x30: {  	_ = 	snop  }
0x31: {  	s1 =	sshra.s32 s0, $0x2;
	s0 =	sadd.s32 $0x180, s0;
	v2 =	vadd.f32 v4, v2  }
0x32: {  	v4 =	vld [tilespmem:s1+$0x40];
	v1 =	vadd.f32 v3, v1  }
0x33: {  	v3 =	vld [tilespmem:s1+$0x10]  }
0x34: {  	_ =	sdelay $0x2  }
0x35: {  	v2 =	vadd.f32 v4, v2;
	_ =	sdelay $0x1  }
0x36: {  	v2 =	vmax.f32 v2, $1.000000000e+00  }
0x37: {  	(erf) = vrcp.f32 v2;
	_ =	sdelay $0x6  }
0x38: {  	v2 =	vld [tilespmem:$0xC10]  }
0x39: {  	v1 =	vadd.f32 v3, v1  }
0x3a: {  	v3 =	vpop (erf)  }
0x3b: {  	v1 =	vmul.f32 v3, v1;
	_ =	sdelay $0x1  }
0x3c: {  	v1 =	vsub.f32 v1, v2;
	_ =	sdelay $0x1  }
0x3d: {  	s1 =	simm.s32 $0x0;
	[tilespmem:$0xC90] =	vst v1  }
0x3e: {  	v4 =	vld [tilespmem:s1+$0x50]  }
0x3f: {  	s0 =	simm.s32 $0x180;
	v2 =	vimm.f32 $0.0e+00;
	v1 =	vimm.f32 $0.0e+00;
	v3 =	vld [tilespmem:s1+$0x20]  }
.LBB2_6:
0x40: {  	p0 =	sne.s32 s0, $0x2E80  }
.Ltmp2:
0x41: {  	_ = 	snop;
	(pc) =	sbr.rel @p0 .LBB2_6-.Ltmp2, $4  }
0x42: {  	_ = 	snop  }
0x43: {  	s1 =	sshra.s32 s0, $0x2;
	s0 =	sadd.s32 $0x180, s0;
	v2 =	vadd.f32 v4, v2  }
0x44: {  	v4 =	vld [tilespmem:s1+$0x50];
	v1 =	vadd.f32 v3, v1  }
0x45: {  	v3 =	vld [tilespmem:s1+$0x20]  }
0x46: {  	_ =	sdelay $0x2  }
0x47: {  	v2 =	vadd.f32 v4, v2;
	_ =	sdelay $0x1  }
0x48: {  	v2 =	vmax.f32 v2, $1.000000000e+00  }
0x49: {  	(erf) = vrcp.f32 v2;
	_ =	sdelay $0x6  }
0x4a: {  	v2 =	vld [tilespmem:$0xC20]  }
0x4b: {  	v1 =	vadd.f32 v3, v1  }
0x4c: {  	v3 =	vpop (erf)  }
0x4d: {  	v1 =	vmul.f32 v3, v1;
	_ =	sdelay $0x1  }
0x4e: {  	v1 =	vsub.f32 v1, v2;
	_ =	sdelay $0x1  }
0x4f: {  	v1 =	vnsel vm0, $0x0, v1  }
0x50: {  	s2 =	simm.s32 $0x0;
	s1 =	simm.s32 $0xD00;
	[tilespmem:$0xCA0] =	vst v1  }
0x51: {  	s5 =	simm.s32 $0x1;
	s8 =	simm.s32 $0x0;
	_ =	strace $0x80000058  }
0x52: {  	s7 =	simm.s32 $0x0;
	s9 =	simm.s32 $0x0;
	s0 =	rddreg [dreg:$0xd]  }
0x53: {  	[tilespmem:s1], [sflag:$0x1] =	stream.linear.gather [hbm4b:s0+s2], $0x5000, $0x200038;
	[tilespmem:$0x1AD00] =	vst v63  }
0x54: {  	s0 =	simm.s32 $0x0;
	s2 =	simm.s32 $0x0;
	_ =	strace $0x90000058  }
.LBB2_8:
0x55: {  	s6 =	sadd.s32 $0x1, s0  }
0x56: {  	p0 =	seq.s32 s6, s3  }
0x57: {  	s6 =	simm.s32 @p0 $0x0  }
0x58: {  	p6 =	slt.u32 s9, s4;
	p1 =	sne.s32 s0, s6  }
0x59: {  	[dreg:$0x12] =	wrdreg s2;
	p0 =	por !p6, !p1  }
0x5a: {  	[dreg:$0x16] =	wrdreg s9;
	p0 =	por !p0, !p0  }
0x5b: {  	s2 =	smov.u32 s0;
	s10 =	rddreg [dreg:$0x8];
	s0 =	sand.u32 @p0 $0x1, s5  }
0x5c: {  	[dreg:$0x11] =	wrdreg s5;
	s3 =	sadd.s32 @p0 s10, s6;
	s1 =	smul.u32 @p0 $0x14000, s0  }
0x5d: {  	[dreg:$0x13] =	wrdreg s6;
	s3 =	smul.u32 @p0 $0x5000, s3  }
0x5e: {  	_ =	strace @p0 $0x80000059;
	s0 =	sadd.s32 @p0 $0x1, s0  }
0x5f: {  	s4 =	rddreg [dreg:$0xb];
	s1 =	sshrl.u32 @p0 s1, $0x2;
	s3 =	sshrl.u32 @p0 s3, $0x3  }
0x60: {  	s1 =	sor.u32 @p0 $0xD00, s1;
	s3 =	sadd.s32 @p0 s4, s3;
	s4 =	simm.s32 @p0 $0x0  }
0x61: {  	[tilespmem:s1], [sflag:s0] =	stream.linear.gather @p0 [hbm4b:s3+s4], $0x5000, $0x200038;
	[tilespmem:$0x1AD00] =	vst v63  }
0x62: {  	s19 =	sand.u32 $0x1, s7;
	_ =	strace @p0 $0x90000059;
	[dreg:$0x15] =	wrdreg s7  }
0x63: {  	s20 =	sadd.s32 $0x1, s19;
	_ =	strace $0x8000005A  }
0x64: {  	_ =	swait.ge [sflag:s20], $0x5000  }
0x65: {  	[sflag:s20] =	ssyncset.done $0x0  }
0x66: {  	p2 =	seq.s32 s19, $0x1;
	s7 =	simm.s32 $0x5000;
	[sflag:s20] =	ssyncadd.s32 $0xFFFFB000  }
0x67: {  	s7 =	simm.s32 @!p2 $0x0;
	_ =	strace $0x9000005A  }
0x68: {  	s4 =	sor.u32 $0xD50, s7;
	_ =	strace $0x8000005B  }
0x69: {  	v1 =	vld [tilespmem:s4+$0xFFFFFFB0];
	_ =	sdelay $0x4  }
0x6a: {  	v2 =	vand.u32 $0xFF, v1;
	_ =	sdelay $0x4  }
0x6b: {  	v2 =	vld.idx.msk [tilespmem:v2+s15+$0x0], $0xffff;
	_ =	sdelay $0x1  }
0x6c: {  	s21 =	sand.u32 $0x1, s8  }
0x6d: {  	s11 =	simm.s32 $0x0;
	s0 =	sshll.u32 s21, $0xF  }
0x6e: {  	s22 =	sand.u32 $0x7800, s11;
	s17 =	sadd.s32 $0xAD00, s0;
	v1 =	vand.u32 $0xFFFF0000, v1  }
0x6f: {  	s23 =	sand.u32 $0x380, s11;
	s0 =	sadd.s32 s22, s17;
	[dreg:$0x14] =	wrdreg s8;
	v1 =	vsub.f32 v1, v2  }
0x70: {  	s19 =	sadd.s32 s23, s0;
	[dreg:$0x17] =	wrdreg s21  }
0x71: {  	[tilespmem:s19+$0x0] =	vst v1  }
0x72: {  	s1 =	sadd.s32 $0xA0, s4;
	v1 =	vld [tilespmem:s4+$0xFFFFFFC0]  }
0x73: {  	v2 =	vld [tilespmem:s1+$0xFFFFFFB0];
	_ =	sdelay $0x3  }
0x74: {  	v3 =	vand.u32 $0xFF, v1  }
0x75: {  	v4 =	vand.u32 $0xFF, v2;
	_ =	sdelay $0x3  }
0x76: {  	v3 =	vld.idx.msk [tilespmem:v3+s15+$0x0], $0xffff  }
0x77: {  	v4 =	vld.idx.msk [tilespmem:v4+s15+$0x0], $0xffff;
	_ =	sdelay $0x2  }
0x78: {  	s24 =	simm.s32 $0x100;
	v1 =	vand.u32 $0xFFFF0000, v1  }
0x79: {  	s25 =	simm.s32 $0x80;
	s0 =	sand.u32 $0x7800, s24;
	v2 =	vand.u32 $0xFFFF0000, v2;
	v1 =	vsub.f32 v1, v3  }
0x7a: {  	s3 =	sand.u32 $0x380, s25;
	s0 =	sadd.s32 s0, s17;
	v2 =	vsub.f32 v2, v4  }
0x7b: {  	s20 =	sadd.s32 s3, s0;
	[tilespmem:s19+$0x10] =	vst v1  }
0x7c: {  	[tilespmem:s20+$0x0] =	vst v2;
	v1 =	vld [tilespmem:s4+$0xFFFFFFD0]  }
0x7d: {  	s18 =	sadd.s32 $0xA0, s1;
	v2 =	vld [tilespmem:s1+$0xFFFFFFC0]  }
0x7e: {  	v3 =	vld [tilespmem:s18+$0xFFFFFFB0];
	_ =	sdelay $0x2  }
0x7f: {  	v4 =	vand.u32 $0xFF, v1  }
0x80: {  	v5 =	vand.u32 $0xFF, v2  }
0x81: {  	v6 =	vand.u32 $0xFF, v3;
	_ =	sdelay $0x2  }
0x82: {  	v4 =	vld.idx.msk [tilespmem:v4+s15+$0x0], $0xffff  }
0x83: {  	v5 =	vld.idx.msk [tilespmem:v5+s15+$0x0], $0xffff  }
0x84: {  	v6 =	vld.idx.msk [tilespmem:v6+s15+$0x0], $0xffff;
	_ =	sdelay $0x1  }
0x85: {  	v1 =	vand.u32 $0xFFFF0000, v1  }
0x86: {  	s26 =	simm.s32 $0x200;
	v2 =	vand.u32 $0xFFFF0000, v2;
	v1 =	vsub.f32 v1, v4  }
0x87: {  	s30 =	simm.s32 $0x100;
	s0 =	sand.u32 $0x7800, s26;
	v3 =	vand.u32 $0xFFFF0000, v3;
	v2 =	vsub.f32 v2, v5  }
0x88: {  	s3 =	sand.u32 $0x380, s30;
	s0 =	sadd.s32 s0, s17;
	v3 =	vsub.f32 v3, v6;
	[tilespmem:s19+$0x20] =	vst v1  }
0x89: {  	s12 =	sadd.s32 s3, s0;
	[tilespmem:s20+$0x10] =	vst v2;
	v1 =	vld [tilespmem:s4+$0xFFFFFFE0]  }
0x8a: {  	[tilespmem:s12+$0x0] =	vst v3;
	v2 =	vld [tilespmem:s1+$0xFFFFFFD0]  }
0x8b: {  	s0 =	sadd.s32 $0xA0, s18;
	v3 =	vld [tilespmem:s18+$0xFFFFFFC0]  }
0x8c: {  	v4 =	vld [tilespmem:s0+$0xFFFFFFB0];
	_ =	sdelay $0x1  }
0x8d: {  	v5 =	vand.u32 $0xFF, v1  }
0x8e: {  	v6 =	vand.u32 $0xFF, v2  }
0x8f: {  	v7 =	vand.u32 $0xFF, v3  }
0x90: {  	v8 =	vand.u32 $0xFF, v4;
	_ =	sdelay $0x1  }
0x91: {  	v5 =	vld.idx.msk [tilespmem:v5+s15+$0x0], $0xffff  }
0x92: {  	v6 =	vld.idx.msk [tilespmem:v6+s15+$0x0], $0xffff  }
0x93: {  	v7 =	vld.idx.msk [tilespmem:v7+s15+$0x0], $0xffff  }
0x94: {  	v8 =	vld.idx.msk [tilespmem:v8+s15+$0x0], $0xffff  }
0x95: {  	v1 =	vand.u32 $0xFFFF0000, v1  }
0x96: {  	v2 =	vand.u32 $0xFFFF0000, v2;
	v1 =	vsub.f32 v1, v5  }
0x97: {  	s5 =	simm.s32 $0x300;
	v3 =	vand.u32 $0xFFFF0000, v3;
	v2 =	vsub.f32 v2, v6  }
0x98: {  	s6 =	simm.s32 $0x180;
	s3 =	sand.u32 $0x7800, s5;
	v4 =	vand.u32 $0xFFFF0000, v4;
	v3 =	vsub.f32 v3, v7;
	[tilespmem:s19+$0x30] =	vst v1  }
0x99: {  	s5 =	sand.u32 $0x380, s6;
	s3 =	sadd.s32 s3, s17;
	[tilespmem:s20+$0x20] =	vst v2;
	v1 =	vsub.f32 v4, v8;
	v2 =	vld [tilespmem:s4+$0xFFFFFFF0]  }
0x9a: {  	s31 =	sadd.s32 s5, s3;
	[tilespmem:s12+$0x10] =	vst v3;
	v3 =	vld [tilespmem:s1+$0xFFFFFFE0]  }
0x9b: {  	[tilespmem:s31+$0x0] =	vst v1;
	v1 =	vld [tilespmem:s18+$0xFFFFFFD0]  }
0x9c: {  	s24 =	sadd.s32 $0xA0, s0;
	v4 =	vld [tilespmem:s0+$0xFFFFFFC0]  }
0x9d: {  	v5 =	vld [tilespmem:s24+$0xFFFFFFB0]  }
0x9e: {  	v6 =	vand.u32 $0xFF, v2  }
0x9f: {  	v7 =	vand.u32 $0xFF, v3  }
0xa0: {  	v8 =	vand.u32 $0xFF, v1  }
0xa1: {  	v9 =	vand.u32 $0xFF, v4  }
0xa2: {  	v10 =	vand.u32 $0xFF, v5  }
0xa3: {  	v6 =	vld.idx.msk [tilespmem:v6+s15+$0x0], $0xffff  }
0xa4: {  	v7 =	vld.idx.msk [tilespmem:v7+s15+$0x0], $0xffff  }
0xa5: {  	v8 =	vld.idx.msk [tilespmem:v8+s15+$0x0], $0xffff  }
0xa6: {  	v9 =	vld.idx.msk [tilespmem:v9+s15+$0x0], $0xffff  }
0xa7: {  	v2 =	vand.u32 $0xFFFF0000, v2;
	v10 =	vld.idx.msk [tilespmem:v10+s15+$0x0], $0xffff  }
0xa8: {  	v3 =	vand.u32 $0xFFFF0000, v3;
	v2 =	vsub.f32 v2, v6  }
0xa9: {  	v1 =	vand.u32 $0xFFFF0000, v1;
	v3 =	vsub.f32 v3, v7  }
0xaa: {  	s8 =	simm.s32 $0x400;
	v4 =	vand.u32 $0xFFFF0000, v4;
	v1 =	vsub.f32 v1, v8;
	[tilespmem:s19+$0x40] =	vst v2  }
0xab: {  	s9 =	simm.s32 $0x200;
	s3 =	sand.u32 $0x7800, s8;
	[tilespmem:s20+$0x30] =	vst v3;
	v2 =	vand.u32 $0xFFFF0000, v5;
	v4 =	vsub.f32 v4, v9;
	v3 =	vld [tilespmem:s4+$0x0]  }
0xac: {  	s5 =	sand.u32 $0x380, s9;
	s3 =	sadd.s32 s3, s17;
	v2 =	vsub.f32 v2, v10;
	[tilespmem:s12+$0x20] =	vst v1;
	v1 =	vld [tilespmem:s1+$0xFFFFFFF0]  }
0xad: {  	s21 =	sadd.s32 s5, s3;
	[tilespmem:s31+$0x10] =	vst v4;
	v4 =	vld [tilespmem:s18+$0xFFFFFFE0]  }
0xae: {  	[tilespmem:s21+$0x0] =	vst v2;
	v2 =	vld [tilespmem:s0+$0xFFFFFFD0]  }
0xaf: {  	v5 =	vld [tilespmem:s24+$0xFFFFFFC0]  }
0xb0: {  	s25 =	sadd.s32 $0xA0, s24;
	v7 =	vand.u32 $0xFF, v3  }
0xb1: {  	v6 =	vld [tilespmem:s25+$0xFFFFFFB0];
	v8 =	vand.u32 $0xFF, v1  }
0xb2: {  	v9 =	vand.u32 $0xFF, v4  }
0xb3: {  	v10 =	vand.u32 $0xFF, v2  }
0xb4: {  	v11 =	vand.u32 $0xFF, v5  }
0xb5: {  	v7 =	vld.idx.msk [tilespmem:v7+s15+$0x0], $0xffff  }
0xb6: {  	v12 =	vand.u32 $0xFF, v6;
	v8 =	vld.idx.msk [tilespmem:v8+s15+$0x0], $0xffff  }
0xb7: {  	v9 =	vld.idx.msk [tilespmem:v9+s15+$0x0], $0xffff  }
0xb8: {  	v10 =	vld.idx.msk [tilespmem:v10+s15+$0x0], $0xffff  }
0xb9: {  	v3 =	vand.u32 $0xFFFF0000, v3;
	v11 =	vld.idx.msk [tilespmem:v11+s15+$0x0], $0xffff  }
0xba: {  	v1 =	vand.u32 $0xFFFF0000, v1;
	v3 =	vsub.f32 v3, v7  }
0xbb: {  	v4 =	vand.u32 $0xFFFF0000, v4;
	v12 =	vld.idx.msk [tilespmem:v12+s15+$0x0], $0xffff;
	v1 =	vsub.f32 v1, v8  }
0xbc: {  	v2 =	vand.u32 $0xFFFF0000, v2;
	v4 =	vsub.f32 v4, v9;
	[tilespmem:s19+$0x50] =	vst v3  }
0xbd: {  	v3 =	vand.u32 $0xFFFF0000, v5;
	v2 =	vsub.f32 v2, v10;
	[tilespmem:s20+$0x40] =	vst v1;
	v1 =	vld [tilespmem:s4+$0x10]  }
0xbe: {  	s13 =	simm.s32 $0x500;
	v3 =	vsub.f32 v3, v11;
	[tilespmem:s12+$0x30] =	vst v4;
	v4 =	vld [tilespmem:s1+$0x0]  }
0xbf: {  	s14 =	simm.s32 $0x280;
	s3 =	sand.u32 $0x7800, s13;
	v5 =	vand.u32 $0xFFFF0000, v6;
	[tilespmem:s31+$0x20] =	vst v2;
	v2 =	vld [tilespmem:s18+$0xFFFFFFF0]  }
0xc0: {  	s6 =	sand.u32 $0x380, s14;
	s3 =	sadd.s32 s3, s17;
	v5 =	vsub.f32 v5, v12;
	[tilespmem:s21+$0x10] =	vst v3;
	v3 =	vld [tilespmem:s0+$0xFFFFFFE0]  }
0xc1: {  	s5 =	sadd.s32 s6, s3  }
0xc2: {  	[tilespmem:s5+$0x0] =	vst v5;
	v5 =	vld [tilespmem:s24+$0xFFFFFFD0];
	v7 =	vand.u32 $0xFF, v1  }
0xc3: {  	s26 =	sadd.s32 $0xA0, s25;
	v6 =	vld [tilespmem:s25+$0xFFFFFFC0];
	v9 =	vand.u32 $0xFF, v4  }
0xc4: {  	v8 =	vld [tilespmem:s26+$0xFFFFFFB0];
	v10 =	vand.u32 $0xFF, v2  }
0xc5: {  	v11 =	vand.u32 $0xFF, v3;
	_ =	sdelay $0x1  }
0xc6: {  	v12 =	vand.u32 $0xFF, v5;
	v7 =	vld.idx.msk [tilespmem:v7+s15+$0x0], $0xffff  }
0xc7: {  	v13 =	vand.u32 $0xFF, v6;
	v9 =	vld.idx.msk [tilespmem:v9+s15+$0x0], $0xffff  }
0xc8: {  	v14 =	vand.u32 $0xFF, v8;
	v10 =	vld.idx.msk [tilespmem:v10+s15+$0x0], $0xffff  }
0xc9: {  	v11 =	vld.idx.msk [tilespmem:v11+s15+$0x0], $0xffff  }
0xca: {  	v1 =	vand.u32 $0xFFFF0000, v1  }
0xcb: {  	v4 =	vand.u32 $0xFFFF0000, v4;
	v12 =	vld.idx.msk [tilespmem:v12+s15+$0x0], $0xffff;
	v1 =	vsub.f32 v1, v7  }
0xcc: {  	v2 =	vand.u32 $0xFFFF0000, v2;
	v13 =	vld.idx.msk [tilespmem:v13+s15+$0x0], $0xffff;
	v4 =	vsub.f32 v4, v9  }
0xcd: {  	v3 =	vand.u32 $0xFFFF0000, v3;
	v7 =	vld.idx.msk [tilespmem:v14+s15+$0x0], $0xffff;
	v2 =	vsub.f32 v2, v10;
	[tilespmem:s19+$0x60] =	vst v1  }
0xce: {  	v3 =	vsub.f32 v3, v11;
	[tilespmem:s20+$0x50] =	vst v4;
	v4 =	vld [tilespmem:s4+$0x20]  }
0xcf: {  	[tilespmem:s12+$0x40] =	vst v2;
	v2 =	vld [tilespmem:s1+$0x10]  }
0xd0: {  	v1 =	vand.u32 $0xFFFF0000, v5;
	[tilespmem:s31+$0x30] =	vst v3;
	v3 =	vld [tilespmem:s18+$0x0]  }
0xd1: {  	s16 =	simm.s32 $0x600;
	v5 =	vand.u32 $0xFFFF0000, v6;
	v1 =	vsub.f32 v1, v12  }
0xd2: {  	s22 =	simm.s32 $0x300;
	s6 =	sand.u32 $0x7800, s16;
	v6 =	vand.u32 $0xFFFF0000, v8;
	v5 =	vsub.f32 v5, v13  }
0xd3: {  	s8 =	sand.u32 $0x380, s22;
	s6 =	sadd.s32 s6, s17;
	v6 =	vsub.f32 v6, v7;
	[tilespmem:s21+$0x20] =	vst v1;
	v1 =	vld [tilespmem:s0+$0xFFFFFFF0];
	v7 =	vand.u32 $0xFF, v4  }
0xd4: {  	s9 =	sadd.s32 s8, s6;
	[tilespmem:s5+$0x10] =	vst v5;
	v5 =	vld [tilespmem:s24+$0xFFFFFFE0];
	v9 =	vand.u32 $0xFF, v2  }
0xd5: {  	[tilespmem:s9+$0x0] =	vst v6;
	v6 =	vld [tilespmem:s25+$0xFFFFFFD0];
	v11 =	vand.u32 $0xFF, v3  }
0xd6: {  	s28 =	sadd.s32 $0xA0, s26;
	v8 =	vld [tilespmem:s26+$0xFFFFFFC0]  }
0xd7: {  	v10 =	vld [tilespmem:s28+$0xFFFFFFB0]  }
0xd8: {  	v12 =	vand.u32 $0xFF, v1;
	v7 =	vld.idx.msk [tilespmem:v7+s15+$0x0], $0xffff  }
0xd9: {  	v13 =	vand.u32 $0xFF, v5;
	v9 =	vld.idx.msk [tilespmem:v9+s15+$0x0], $0xffff  }
0xda: {  	v14 =	vand.u32 $0xFF, v6;
	v11 =	vld.idx.msk [tilespmem:v11+s15+$0x0], $0xffff  }
0xdb: {  	v15 =	vand.u32 $0xFF, v8  }
0xdc: {  	v16 =	vand.u32 $0xFF, v10;
	v4 =	vand.u32 $0xFFFF0000, v4  }
0xdd: {  	v2 =	vand.u32 $0xFFFF0000, v2;
	v12 =	vld.idx.msk [tilespmem:v12+s15+$0x0], $0xffff;
	v4 =	vsub.f32 v4, v7  }
0xde: {  	v3 =	vand.u32 $0xFFFF0000, v3;
	v13 =	vld.idx.msk [tilespmem:v13+s15+$0x0], $0xffff;
	v2 =	vsub.f32 v2, v9  }
0xdf: {  	s23 =	sor.u32 $0xD00, s7;
	s30 =	sand.u32 $0x7F80, s11;
	v14 =	vld.idx.msk [tilespmem:v14+s15+$0x0], $0xffff;
	v3 =	vsub.f32 v3, v11;
	[tilespmem:s19+$0x70] =	vst v4  }
0xe0: {  	s7 =	sadd.s32 s30, s23;
	s6 =	sand.u32 $0x60, s11;
	v7 =	vld.idx.msk [tilespmem:v15+s15+$0x0], $0xffff;
	[tilespmem:s20+$0x60] =	vst v2  }
0xe1: {  	s7 =	sadd.s32 s6, s7;
	v1 =	vand.u32 $0xFFFF0000, v1;
	v9 =	vld.idx.msk [tilespmem:v16+s15+$0x0], $0xffff;
	[tilespmem:s12+$0x50] =	vst v3  }
0xe2: {  	v4 =	vand.u32 $0xFFFF0000, v5;
	v1 =	vsub.f32 v1, v12;
	v2 =	vld [tilespmem:s7+$0x80];
	[dreg:$0x4] =	wrdreg s1  }
0xe3: {  	v5 =	vand.u32 $0xFFFF0000, v6;
	v4 =	vsub.f32 v4, v13;
	v3 =	vld [tilespmem:s1+$0x20]  }
0xe4: {  	s8 =	simm.s32 $0x700;
	v6 =	vand.u32 $0xFFFF0000, v8;
	v5 =	vsub.f32 v5, v14;
	[tilespmem:s31+$0x40] =	vst v1;
	v1 =	vld [tilespmem:s18+$0x10]  }
0xe5: {  	s11 =	simm.s32 $0x380;
	v8 =	vand.u32 $0xFFFF0000, v10;
	s7 =	sand.u32 $0x7800, s8;
	v6 =	vsub.f32 v6, v7;
	[tilespmem:s21+$0x30] =	vst v4;
	v4 =	vld [tilespmem:s0+$0x0]  }
0xe6: {  	s8 =	sand.u32 $0x380, s11;
	s7 =	sadd.s32 s7, s17;
	v7 =	vsub.f32 v8, v9;
	[tilespmem:s5+$0x20] =	vst v5;
	v5 =	vld [tilespmem:s24+$0xFFFFFFF0]  }
0xe7: {  	s1 =	sadd.s32 s8, s7;
	[tilespmem:s9+$0x10] =	vst v6;
	v6 =	vld [tilespmem:s25+$0xFFFFFFE0];
	v8 =	vand.u32 $0xFF, v2  }
0xe8: {  	[tilespmem:s1+$0x0] =	vst v7;
	v7 =	vld [tilespmem:s26+$0xFFFFFFD0];
	v9 =	vand.u32 $0xFF, v3  }
0xe9: {  	s16 =	sadd.s32 $0xA0, s28;
	v10 =	vld [tilespmem:s28+$0xFFFFFFC0];
	v11 =	vand.u32 $0xFF, v1  }
0xea: {  	v12 =	vld [tilespmem:s16+$0xFFFFFFB0];
	v13 =	vand.u32 $0xFF, v4  }
0xeb: {  	v14 =	vand.u32 $0xFF, v5  }
0xec: {  	v15 =	vand.u32 $0xFF, v6;
	v8 =	vld.idx.msk [tilespmem:v8+s15+$0x0], $0xffff  }
0xed: {  	v16 =	vand.u32 $0xFF, v7;
	v9 =	vld.idx.msk [tilespmem:v9+s15+$0x0], $0xffff  }
0xee: {  	v17 =	vand.u32 $0xFF, v10;
	v11 =	vld.idx.msk [tilespmem:v11+s15+$0x0], $0xffff  }
0xef: {  	v18 =	vand.u32 $0xFF, v12;
	v13 =	vld.idx.msk [tilespmem:v13+s15+$0x0], $0xffff  }
0xf0: {  	v14 =	vld.idx.msk [tilespmem:v14+s15+$0x0], $0xffff  }
0xf1: {  	v15 =	vld.idx.msk [tilespmem:v15+s15+$0x0], $0xffff  }
0xf2: {  	v2 =	vand.u32 $0xFFFF0000, v2;
	v16 =	vld.idx.msk [tilespmem:v16+s15+$0x0], $0xffff  }
0xf3: {  	v3 =	vand.u32 $0xFFFF0000, v3;
	v2 =	vsub.f32 v2, v8;
	v8 =	vld.idx.msk [tilespmem:v17+s15+$0x0], $0xffff  }
0xf4: {  	v3 =	vsub.f32 v3, v9;
	v9 =	vld.idx.msk [tilespmem:v18+s15+$0x0], $0xffff;
	[dreg:$0x7] =	wrdreg s23  }
0xf5: {  	v1 =	vand.u32 $0xFFFF0000, v1;
	[dreg:$0x6] =	wrdreg s19  }
0xf6: {  	s13 =	simm.s32 $0xA0;
	v4 =	vand.u32 $0xFFFF0000, v4;
	v11 =	vsub.f32 v1, v11;
	[tilespmem:s19+$0x400] =	vst v2  }
0xf7: {  	s14 =	sand.u32 $0x7F80, s13;
	v4 =	vsub.f32 v4, v13;
	[tilespmem:s20+$0x70] =	vst v3  }
0xf8: {  	s7 =	sand.u32 $0x60, s13;
	s8 =	sadd.s32 s14, s23;
	v2 =	vand.u32 $0xFFFF0000, v5;
	[tilespmem:s12+$0x60] =	vst v11  }
0xf9: {  	s7 =	sadd.s32 s7, s8;
	v1 =	vld [tilespmem:s4+$0x40];
	v3 =	vand.u32 $0xFFFF0000, v6;
	v5 =	vsub.f32 v2, v14;
	[tilespmem:s31+$0x50] =	vst v4  }
0xfa: {  	s30 =	sadd.s32 s10, s2;
	s2 =	simm.s32 $0x3C0;
	v2 =	vld [tilespmem:s7+$0x80];
	v3 =	vsub.f32 v3, v15;
	[dreg:$0x5] =	wrdreg s18  }
0xfb: {  	s10 =	simm.s32 $0x5A0;
	s29 =	smov.u32 s12;
	s22 =	smov.u32 s24;
	v6 =	vand.u32 $0xFFFF0000, v7;
	v4 =	vld [tilespmem:s18+$0x20];
	[tilespmem:s21+$0x40] =	vst v5  }
0xfc: {  	s3 =	smov.u32 s5;
	s6 =	smov.u32 s9;
	s11 =	smov.u32 s0;
	v7 =	vand.u32 $0xFFFF0000, v10;
	v10 =	vsub.f32 v6, v16;
	v6 =	vld [tilespmem:s0+$0x10];
	[tilespmem:s5+$0x30] =	vst v3  }
0xfd: {  	s13 =	smov.u32 s20;
	s14 =	smov.u32 s21;
	v8 =	vsub.f32 v7, v8;
	v7 =	vld [tilespmem:s24+$0x0];
	[dreg:$0x3] =	wrdreg s17  }
0xfe: {  	s8 =	sadd.s32 $0xA0, s16;
	s23 =	simm.s32 $0x400;
	s18 =	simm.s32 $0x800;
	v5 =	vand.u32 $0xFFFF0000, v12;
	[tilespmem:s9+$0x20] =	vst v10  }
0xff: {  	s19 =	simm.s32 $0x1E0;
	s21 =	sand.u32 $0x7800, s18;
	v3 =	vsub.f32 v5, v9;
	v9 =	vld [tilespmem:s25+$0xFFFFFFF0];
	[dreg:$0x18] =	wrdreg s30  }
0x100: {  	s20 =	simm.s32 $0x140;
	s24 =	sand.u32 $0x380, s23;
	s4 =	sadd.s32 s21, s17;
	v11 =	vld [tilespmem:s26+$0xFFFFFFE0]  }
0x101: {  	s12 =	smov.u32 s1;
	s0 =	simm.s32 $0x280;
	s4 =	sadd.s32 s24, s4;
	[tilespmem:s1+$0x10] =	vst v8;
	v15 =	vld [tilespmem:s8+$0xFFFFFFB0]  }
0x102: {  	s9 =	smov.u32 s25;
	s21 =	simm.s32 $0x320;
	s25 =	simm.s32 $0x460;
	v5 =	vand.u32 $0xFF, v2;
	[tilespmem:s4+$0x0] =	vst v3;
	v3 =	vand.u32 $0xFF, v1;
	v12 =	vld [tilespmem:s28+$0xFFFFFFD0]  }
0x103: {  	s17 =	simm.s32 $0x500;
	s24 =	simm.s32 $0x640;
	s1 =	smov.u32 s26;
	v14 =	vld [tilespmem:s16+$0xFFFFFFC0];
	v8 =	vand.u32 $0xFF, v4;
	v10 =	vand.u32 $0xFF, v6;
	v13 =	vand.u32 $0xFF, v7  }
.LBB2_9:
0x104: {  	_ =	sdelay $0x1  }
0x105: {  	s26 =	simm.s32 $0xC80  }
0x106: {  	v3 =	vld.idx.msk [tilespmem:v3+s26+$0x0], $0xffff;
	v16 =	vand.u32 $0xFF, v9  }
0x107: {  	v5 =	vld.idx.msk [tilespmem:v5+s26+$0x0], $0xffff;
	v17 =	vand.u32 $0xFF, v11  }
0x108: {  	v8 =	vld.idx.msk [tilespmem:v8+s26+$0x0], $0xffff;
	v18 =	vand.u32 $0xFF, v12  }
0x109: {  	p2 =	sne.s32 s24, $0x4F60;
	s7 =	smov.u32 s10;
	v10 =	vld.idx.msk [tilespmem:v10+s26+$0x0], $0xffff;
	v19 =	vand.u32 $0xFF, v14  }
0x10a: {  	s30 =	smov.u32 s17;
	s17 =	smov.u32 s24;
	s15 =	sand.u32 $0x7F80, s20;
	v13 =	vld.idx.msk [tilespmem:v13+s26+$0x0], $0xffff;
	v20 =	vand.u32 $0xFF, v15  }
0x10b: {  	v1 =	vand.u32 $0xFFFF0000, v1;
	s5 =	rddreg [dreg:$0x6];
	s10 =	smov.u32 s16;
	s16 =	smov.u32 s28;
	v16 =	vld.idx.msk [tilespmem:v16+s26+$0x0], $0xffff  }
0x10c: {  	v2 =	vand.u32 $0xFFFF0000, v2;
	s28 =	smov.u32 s13;
	s13 =	smov.u32 s31;
	s31 =	smov.u32 s29;
	v1 =	vsub.f32 v1, v3;
	v17 =	vld.idx.msk [tilespmem:v17+s26+$0x0], $0xffff  }
0x10d: {  	s20 =	sand.u32 $0x60, s20;
	s18 =	sadd.s32 $0x100, s18;
	s23 =	sadd.s32 $0x80, s23;
	v2 =	vsub.f32 v2, v5;
	v3 =	vld.idx.msk [tilespmem:v18+s26+$0x0], $0xffff  }
0x10e: {  	v4 =	vand.u32 $0xFFFF0000, v4;
	s24 =	sadd.s32 $0xA0, s24;
	[dreg:$0x6] =	wrdreg s28;
	v5 =	vld.idx.msk [tilespmem:v19+s26+$0x0], $0xffff;
	[tilespmem:s5+$0x410] =	vst v1;
	s5 =	smov.u32 s6  }
0x10f: {  	v6 =	vand.u32 $0xFFFF0000, v6;
	v4 =	vsub.f32 v4, v8;
	s6 =	smov.u32 s9;
	v8 =	vld.idx.msk [tilespmem:v20+s26+$0x0], $0xffff;
	s26 =	rddreg [dreg:$0x7];
	[tilespmem:s28+$0x400] =	vst v2;
	s28 =	smov.u32 s4  }
0x110: {  	v6 =	vsub.f32 v6, v10;
	s4 =	smov.u32 s22;
	s22 =	smov.u32 s6;
	s15 =	sadd.s32 s15, s26  }
0x111: {  	v1 =	vand.u32 $0xFFFF0000, v7;
	[tilespmem:s31+$0x70] =	vst v4;
	s26 =	smov.u32 s13;
	s15 =	sadd.s32 s20, s15;
	s20 =	rddreg [dreg:$0x4]  }
0x112: {  	v7 =	vsub.f32 v1, v13;
	s29 =	smov.u32 s26;
	v1 =	vld [tilespmem:s20+$0x40];
	[tilespmem:s26+$0x60] =	vst v6;
	s26 =	smov.u32 s12;
	s12 =	rddreg [dreg:$0x5]  }
0x113: {  	v2 =	vand.u32 $0xFFFF0000, v9;
	s13 =	smov.u32 s31;
	s31 =	smov.u32 s14;
	s14 =	smov.u32 s12  }
0x114: {  	v4 =	vand.u32 $0xFFFF0000, v11;
	v9 =	vsub.f32 v2, v16;
	s20 =	smov.u32 s3;
	v2 =	vld [tilespmem:s15+$0x80];
	s15 =	smov.u32 s11;
	[dreg:$0x4] =	wrdreg s14  }
0x115: {  	v6 =	vand.u32 $0xFFFF0000, v12;
	v10 =	vsub.f32 v4, v17;
	s3 =	smov.u32 s5;
	[tilespmem:s31+$0x50] =	vst v7;
	s12 =	sand.u32 $0x7800, s18;
	[dreg:$0x5] =	wrdreg s15  }
0x116: {  	v7 =	vand.u32 $0xFFFF0000, v14;
	v3 =	vsub.f32 v6, v3;
	v4 =	vld [tilespmem:s11+$0x20];
	s14 =	smov.u32 s20;
	[tilespmem:s20+$0x40] =	vst v9;
	s11 =	smov.u32 s4;
	s20 =	smov.u32 s1  }
0x117: {  	v9 =	vand.u32 $0xFFFF0000, v15;
	v5 =	vsub.f32 v7, v5;
	s1 =	sand.u32 $0x380, s23;
	v6 =	vld [tilespmem:s4+$0x10];
	[tilespmem:s5+$0x30] =	vst v10;
	s5 =	smov.u32 s16;
	s16 =	rddreg [dreg:$0x3]  }
0x118: {  	v8 =	vsub.f32 v9, v8;
	s9 =	smov.u32 s20;
	v7 =	vld [tilespmem:s6+$0x0];
	s4 =	sadd.s32 s12, s16;
	s6 =	smov.u32 s26;
	[tilespmem:s26+$0x20] =	vst v3  }
.Ltmp3:
0x119: {  	s12 =	smov.u32 s28;
	v9 =	vld [tilespmem:s20+$0xFFFFFFF0];
	s4 =	sadd.s32 s1, s4;
	[tilespmem:s28+$0x10] =	vst v5;
	(pc) =	sbr.rel @p2 .LBB2_9-.Ltmp3, $4  }
0x11a: {  	s16 =	smov.u32 s8;
	s8 =	sadd.s32 $0xA0, s8;
	s28 =	smov.u32 s10;
	v11 =	vld [tilespmem:s5+$0xFFFFFFE0];
	[tilespmem:s4+$0x0] =	vst v8  }
0x11b: {  	s1 =	smov.u32 s5;
	s10 =	smov.u32 s17;
	s20 =	smov.u32 s19;
	v12 =	vld [tilespmem:s28+$0xFFFFFFD0]  }
0x11c: {  	v3 =	vand.u32 $0xFF, v1;
	s19 =	smov.u32 s0;
	s0 =	smov.u32 s21;
	s21 =	smov.u32 s2;
	v5 =	vand.u32 $0xFF, v2;
	v14 =	vld [tilespmem:s16+$0xFFFFFFC0]  }
0x11d: {  	s2 =	smov.u32 s25;
	s25 =	smov.u32 s30;
	s17 =	smov.u32 s7;
	v8 =	vand.u32 $0xFF, v4;
	v15 =	vld [tilespmem:s8+$0xFFFFFFB0];
	v10 =	vand.u32 $0xFF, v6;
	v13 =	vand.u32 $0xFF, v7  }
0x11e: {  	_ =	sdelay $0x3  }
0x11f: {  	v16 =	vand.u32 $0xFF, v15;
	_ =	sdelay $0x3  }
0x120: {  	s30 =	simm.s32 $0xC80  }
0x121: {  	v16 =	vld.idx.msk [tilespmem:v16+s30+$0x0], $0xffff;
	_ =	sdelay $0x2  }
0x122: {  	s7 =	sadd.s32 $0x100, s18  }
0x123: {  	s15 =	sadd.s32 $0x80, s23;
	s23 =	rddreg [dreg:$0x3];
	s7 =	sand.u32 $0x7800, s7;
	v36 =	vand.u32 $0xFFFF0000, v15  }
0x124: {  	s15 =	sand.u32 $0x380, s15;
	s7 =	sadd.s32 s7, s23;
	v15 =	vsub.f32 v36, v16  }
0x125: {  	s18 =	sadd.s32 s15, s7  }
0x126: {  	[tilespmem:s18+$0x0] =	vst v15  }
0x127: {  	v15 =	vld [tilespmem:s8+$0xFFFFFFC0];
	_ =	sdelay $0x1  }
0x128: {  	v37 =	vand.u32 $0xFF, v14;
	_ =	sdelay $0x2  }
0x129: {  	v17 =	vand.u32 $0xFF, v15;
	_ =	sdelay $0x1  }
0x12a: {  	v16 =	vld.idx.msk [tilespmem:v37+s30+$0x0], $0xffff;
	_ =	sdelay $0x2  }
0x12b: {  	v17 =	vld.idx.msk [tilespmem:v17+s30+$0x0], $0xffff  }
0x12c: {  	v38 =	vand.u32 $0xFFFF0000, v14  }
0x12d: {  	v14 =	vsub.f32 v38, v16;
	_ =	sdelay $0x1  }
0x12e: {  	[tilespmem:s4+$0x10] =	vst v14;
	v15 =	vand.u32 $0xFFFF0000, v15  }
0x12f: {  	v14 =	vld [tilespmem:s16+$0xFFFFFFD0];
	v15 =	vsub.f32 v15, v17;
	_ =	sdelay $0x1  }
0x130: {  	v39 =	vand.u32 $0xFF, v12;
	[tilespmem:s18+$0x10] =	vst v15  }
0x131: {  	v15 =	vld [tilespmem:s8+$0xFFFFFFD0];
	_ =	sdelay $0x1  }
0x132: {  	v40 =	vand.u32 $0xFF, v14;
	_ =	sdelay $0x1  }
0x133: {  	v16 =	vld.idx.msk [tilespmem:v39+s30+$0x0], $0xffff  }
0x134: {  	v18 =	vand.u32 $0xFF, v15;
	_ =	sdelay $0x1  }
0x135: {  	v17 =	vld.idx.msk [tilespmem:v40+s30+$0x0], $0xffff  }
0x136: {  	v41 =	vand.u32 $0xFFFF0000, v12  }
0x137: {  	v12 =	vsub.f32 v41, v16  }
0x138: {  	v18 =	vld.idx.msk [tilespmem:v18+s30+$0x0], $0xffff  }
0x139: {  	[tilespmem:s12+$0x20] =	vst v12;
	v14 =	vand.u32 $0xFFFF0000, v14  }
0x13a: {  	v43 =	vld [tilespmem:s28+$0xFFFFFFE0];
	v14 =	vsub.f32 v14, v17;
	_ =	sdelay $0x1  }
0x13b: {  	[tilespmem:s4+$0x20] =	vst v14;
	v15 =	vand.u32 $0xFFFF0000, v15  }
0x13c: {  	v14 =	vld [tilespmem:s16+$0xFFFFFFE0];
	v42 =	vsub.f32 v15, v18;
	_ =	sdelay $0x1  }
0x13d: {  	v45 =	vand.u32 $0xFF, v43;
	[tilespmem:s18+$0x20] =	vst v42  }
0x13e: {  	v44 =	vand.u32 $0xFF, v11;
	v12 =	vld [tilespmem:s8+$0xFFFFFFE0];
	_ =	sdelay $0x1  }
0x13f: {  	v46 =	vand.u32 $0xFF, v14;
	_ =	sdelay $0x1  }
0x140: {  	v17 =	vld.idx.msk [tilespmem:v45+s30+$0x0], $0xffff  }
0x141: {  	v16 =	vld.idx.msk [tilespmem:v44+s30+$0x0], $0xffff;
	v19 =	vand.u32 $0xFF, v12;
	_ =	sdelay $0x1  }
0x142: {  	v18 =	vld.idx.msk [tilespmem:v46+s30+$0x0], $0xffff  }
0x143: {  	v15 =	vand.u32 $0xFFFF0000, v43  }
0x144: {  	v47 =	vand.u32 $0xFFFF0000, v11;
	v15 =	vsub.f32 v15, v17  }
0x145: {  	v11 =	vsub.f32 v47, v16;
	v19 =	vld.idx.msk [tilespmem:v19+s30+$0x0], $0xffff  }
0x146: {  	v14 =	vand.u32 $0xFFFF0000, v14;
	[tilespmem:s12+$0x30] =	vst v15  }
0x147: {  	[tilespmem:s6+$0x30] =	vst v11;
	v15 =	vld [tilespmem:s28+$0xFFFFFFF0];
	v48 =	vsub.f32 v14, v18  }
0x148: {  	v49 =	vld [tilespmem:s1+$0xFFFFFFF0]  }
0x149: {  	[tilespmem:s4+$0x30] =	vst v48;
	v12 =	vand.u32 $0xFFFF0000, v12  }
0x14a: {  	v11 =	vld [tilespmem:s16+$0xFFFFFFF0];
	v12 =	vsub.f32 v12, v19  }
0x14b: {  	v50 =	vand.u32 $0xFF, v9  }
0x14c: {  	v52 =	vand.u32 $0xFF, v15;
	[tilespmem:s18+$0x30] =	vst v12  }
0x14d: {  	v51 =	vand.u32 $0xFF, v49;
	v12 =	vld [tilespmem:s8+$0xFFFFFFF0];
	_ =	sdelay $0x1  }
0x14e: {  	v53 =	vand.u32 $0xFF, v11  }
0x14f: {  	v16 =	vld.idx.msk [tilespmem:v50+s30+$0x0], $0xffff  }
0x150: {  	v18 =	vld.idx.msk [tilespmem:v52+s30+$0x0], $0xffff  }
0x151: {  	v17 =	vld.idx.msk [tilespmem:v51+s30+$0x0], $0xffff;
	v20 =	vand.u32 $0xFF, v12;
	_ =	sdelay $0x1  }
0x152: {  	v54 =	vand.u32 $0xFFFF0000, v9;
	v19 =	vld.idx.msk [tilespmem:v53+s30+$0x0], $0xffff  }
0x153: {  	v9 =	vsub.f32 v54, v16;
	v15 =	vand.u32 $0xFFFF0000, v15  }
0x154: {  	v14 =	vand.u32 $0xFFFF0000, v49;
	v55 =	vsub.f32 v15, v18  }
0x155: {  	[tilespmem:s3+$0x40] =	vst v9;
	v14 =	vsub.f32 v14, v17;
	v20 =	vld.idx.msk [tilespmem:v20+s30+$0x0], $0xffff  }
0x156: {  	v56 =	vld [tilespmem:s9+$0x0];
	v11 =	vand.u32 $0xFFFF0000, v11;
	[tilespmem:s12+$0x40] =	vst v55  }
0x157: {  	[tilespmem:s6+$0x40] =	vst v14;
	v58 =	vld [tilespmem:s28+$0x0];
	v11 =	vsub.f32 v11, v19  }
0x158: {  	v14 =	vld [tilespmem:s1+$0x0]  }
0x159: {  	[tilespmem:s4+$0x40] =	vst v11;
	v12 =	vand.u32 $0xFFFF0000, v12  }
0x15a: {  	v11 =	vld [tilespmem:s16+$0x0];
	v57 =	vsub.f32 v12, v20  }
0x15b: {  	v59 =	vand.u32 $0xFF, v56  }
0x15c: {  	v61 =	vand.u32 $0xFF, v58;
	[tilespmem:s18+$0x40] =	vst v57  }
0x15d: {  	v60 =	vand.u32 $0xFF, v14;
	v9 =	vld [tilespmem:s8+$0x0]  }
0x15e: {  	v13 =	vld.idx.msk [tilespmem:v13+s30+$0x0], $0xffff  }
0x15f: {  	v62 =	vand.u32 $0xFF, v11  }
0x160: {  	v16 =	vld.idx.msk [tilespmem:v59+s30+$0x0], $0xffff  }
0x161: {  	v18 =	vld.idx.msk [tilespmem:v61+s30+$0x0], $0xffff  }
0x162: {  	v7 =	vand.u32 $0xFFFF0000, v7;
	v17 =	vld.idx.msk [tilespmem:v60+s30+$0x0], $0xffff;
	v63 =	vand.u32 $0xFF, v9  }
0x163: {  	v7 =	vsub.f32 v7, v13  }
0x164: {  	v21 =	vand.u32 $0xFFFF0000, v56;
	v19 =	vld.idx.msk [tilespmem:v62+s30+$0x0], $0xffff  }
0x165: {  	[tilespmem:s14+$0x50] =	vst v7;
	v13 =	vsub.f32 v21, v16;
	v12 =	vand.u32 $0xFFFF0000, v58  }
0x166: {  	v24 =	vld [tilespmem:s22+$0x10];
	v14 =	vand.u32 $0xFFFF0000, v14;
	v12 =	vsub.f32 v12, v18  }
0x167: {  	[tilespmem:s3+$0x50] =	vst v13;
	v23 =	vsub.f32 v14, v17;
	v22 =	vld.idx.msk [tilespmem:v63+s30+$0x0], $0xffff  }
0x168: {  	v13 =	vld [tilespmem:s9+$0x10];
	v11 =	vand.u32 $0xFFFF0000, v11;
	[tilespmem:s12+$0x50] =	vst v12  }
0x169: {  	[tilespmem:s6+$0x50] =	vst v23;
	v12 =	vld [tilespmem:s28+$0x10];
	v25 =	vsub.f32 v11, v19  }
0x16a: {  	v26 =	vld [tilespmem:s1+$0x10]  }
0x16b: {  	v27 =	vand.u32 $0xFF, v24;
	[tilespmem:s4+$0x50] =	vst v25;
	v9 =	vand.u32 $0xFFFF0000, v9  }
0x16c: {  	v7 =	vld [tilespmem:s16+$0x10];
	v9 =	vsub.f32 v9, v22  }
0x16d: {  	v10 =	vld.idx.msk [tilespmem:v10+s30+$0x0], $0xffff;
	v29 =	vand.u32 $0xFF, v13  }
0x16e: {  	v31 =	vand.u32 $0xFF, v12;
	[tilespmem:s18+$0x50] =	vst v9  }
0x16f: {  	v30 =	vand.u32 $0xFF, v26;
	v28 =	vld [tilespmem:s8+$0x10]  }
0x170: {  	v9 =	vld.idx.msk [tilespmem:v27+s30+$0x0], $0xffff  }
0x171: {  	v6 =	vand.u32 $0xFFFF0000, v6;
	v32 =	vand.u32 $0xFF, v7  }
0x172: {  	v6 =	vsub.f32 v6, v10;
	v16 =	vld.idx.msk [tilespmem:v29+s30+$0x0], $0xffff  }
0x173: {  	v34 =	vld.idx.msk [tilespmem:v31+s30+$0x0], $0xffff  }
0x174: {  	[tilespmem:s31+$0x60] =	vst v6;
	v14 =	vand.u32 $0xFFFF0000, v24;
	v17 =	vld.idx.msk [tilespmem:v30+s30+$0x0], $0xffff;
	v33 =	vand.u32 $0xFF, v28  }
0x175: {  	v39 =	vld [tilespmem:s11+$0x20];
	v36 =	vsub.f32 v14, v9  }
0x176: {  	v37 =	vand.u32 $0xFFFF0000, v13;
	v35 =	vld.idx.msk [tilespmem:v32+s30+$0x0], $0xffff  }
0x177: {  	v41 =	vand.u32 $0xFFFF0000, v12;
	v9 =	vsub.f32 v37, v16;
	[tilespmem:s14+$0x60] =	vst v36  }
0x178: {  	v11 =	vand.u32 $0xFFFF0000, v26;
	v43 =	vsub.f32 v41, v34;
	v42 =	vld [tilespmem:s22+$0x20]  }
0x179: {  	v40 =	vsub.f32 v11, v17;
	[tilespmem:s3+$0x60] =	vst v9;
	v38 =	vld.idx.msk [tilespmem:v33+s30+$0x0], $0xffff  }
0x17a: {  	v7 =	vand.u32 $0xFFFF0000, v7;
	[tilespmem:s12+$0x60] =	vst v43;
	v44 =	vld [tilespmem:s9+$0x20]  }
0x17b: {  	v48 =	vand.u32 $0xFF, v39;
	[tilespmem:s6+$0x60] =	vst v40;
	v49 =	vld [tilespmem:s28+$0x20];
	v45 =	vsub.f32 v7, v35  }
0x17c: {  	v47 =	vld [tilespmem:s1+$0x20]  }
0x17d: {  	[tilespmem:s4+$0x60] =	vst v45;
	v46 =	vand.u32 $0xFFFF0000, v28;
	v50 =	vand.u32 $0xFF, v42  }
0x17e: {  	v6 =	vld [tilespmem:s16+$0x20];
	v7 =	vsub.f32 v46, v38  }
0x17f: {  	v8 =	vld.idx.msk [tilespmem:v8+s30+$0x0], $0xffff;
	v52 =	vand.u32 $0xFF, v44  }
0x180: {  	v54 =	vld.idx.msk [tilespmem:v48+s30+$0x0], $0xffff;
	v55 =	vand.u32 $0xFF, v49;
	[tilespmem:s18+$0x60] =	vst v7  }
0x181: {  	v53 =	vand.u32 $0xFF, v47;
	v51 =	vld [tilespmem:s8+$0x20]  }
0x182: {  	v7 =	vld.idx.msk [tilespmem:v50+s30+$0x0], $0xffff  }
0x183: {  	v4 =	vand.u32 $0xFFFF0000, v4;
	v5 =	vld.idx.msk [tilespmem:v5+s30+$0x0], $0xffff;
	v57 =	vand.u32 $0xFF, v6  }
0x184: {  	s5 =	smov.u32 s6;
	s24 =	sand.u32 $0x7F80, s20;
	v4 =	vsub.f32 v4, v8;
	v8 =	vld.idx.msk [tilespmem:v52+s30+$0x0], $0xffff;
	s6 =	rddreg [dreg:$0x7]  }
0x185: {  	s26 =	sand.u32 $0x60, s20;
	v14 =	vand.u32 $0xFFFF0000, v39;
	v9 =	vld.idx.msk [tilespmem:v55+s30+$0x0], $0xffff;
	s7 =	sadd.s32 s24, s6  }
0x186: {  	s20 =	sand.u32 $0x7F80, s0;
	s15 =	sand.u32 $0x7F80, s19;
	v16 =	vld.idx.msk [tilespmem:v53+s30+$0x0], $0xffff;
	v12 =	vand.u32 $0xFFFF0000, v42;
	[tilespmem:s29+$0x70] =	vst v4;
	v4 =	vsub.f32 v14, v54;
	s7 =	sadd.s32 s26, s7;
	v58 =	vand.u32 $0xFF, v51  }
0x187: {  	s19 =	sand.u32 $0x60, s19;
	s24 =	sand.u32 $0x60, s0;
	v56 =	vld [tilespmem:s7+$0x80];
	s7 =	sadd.s32 s15, s6;
	v60 =	vsub.f32 v12, v7  }
0x188: {  	v61 =	vand.u32 $0xFFFF0000, v44;
	v59 =	vld.idx.msk [tilespmem:v57+s30+$0x0], $0xffff;
	s26 =	sand.u32 $0x7F80, s21;
	[tilespmem:s31+$0x70] =	vst v4;
	s15 =	sadd.s32 s20, s6;
	s7 =	sadd.s32 s19, s7  }
0x189: {  	v22 =	vand.u32 $0xFFFF0000, v49;
	s0 =	sand.u32 $0x60, s21;
	s20 =	sadd.s32 s26, s6;
	s19 =	sadd.s32 s24, s15;
	v7 =	vsub.f32 v61, v8;
	v63 =	vld [tilespmem:s7+$0x80];
	[tilespmem:s14+$0x70] =	vst v60  }
0x18a: {  	v20 =	vand.u32 $0xFFFF0000, v47;
	v24 =	vsub.f32 v22, v9;
	s15 =	sadd.s32 s0, s20;
	s0 =	sand.u32 $0x7F80, s25;
	v23 =	vld [tilespmem:s19+$0x80]  }
0x18b: {  	v21 =	vsub.f32 v20, v16;
	s21 =	sand.u32 $0x60, s25;
	s24 =	sand.u32 $0x7F80, s2;
	s20 =	sadd.s32 s0, s6;
	[tilespmem:s3+$0x70] =	vst v7;
	v62 =	vld.idx.msk [tilespmem:v58+s30+$0x0], $0xffff  }
0x18c: {  	v6 =	vand.u32 $0xFFFF0000, v6;
	[tilespmem:s12+$0x70] =	vst v24;
	s26 =	sand.u32 $0x60, s2;
	s19 =	sadd.s32 s24, s6;
	v25 =	vld [tilespmem:s15+$0x80];
	s24 =	sadd.s32 s21, s20  }
0x18d: {  	[tilespmem:s5+$0x70] =	vst v21;
	v26 =	vsub.f32 v6, v59;
	s25 =	sand.u32 $0x7F80, s17;
	s2 =	sadd.s32 s26, s19;
	v7 =	vld [tilespmem:s24+$0x80];
	v29 =	vand.u32 $0xFF, v56  }
0x18e: {  	v2 =	vand.u32 $0xFFFF0000, v2;
	s15 =	sadd.s32 s25, s6;
	s26 =	sand.u32 $0x60, s17;
	v28 =	vld [tilespmem:s2+$0x80]  }
0x18f: {  	v2 =	vsub.f32 v2, v5;
	[tilespmem:s4+$0x70] =	vst v26;
	v27 =	vand.u32 $0xFFFF0000, v51;
	s2 =	sadd.s32 s26, s15;
	v30 =	vand.u32 $0xFF, v63  }
0x190: {  	s0 =	sand.u32 $0x7F80, s10;
	v4 =	vld [tilespmem:s2+$0x80];
	v31 =	vand.u32 $0xFF, v23;
	v6 =	vsub.f32 v27, v62  }
0x191: {  	[tilespmem:s13+$0x400] =	vst v2;
	s20 =	sand.u32 $0x60, s10;
	s19 =	sadd.s32 s0, s6;
	v2 =	vand.u32 $0xFF, v25  }
0x192: {  	s21 =	sadd.s32 s20, s19;
	v10 =	vld.idx.msk [tilespmem:v29+s30+$0x0], $0xffff;
	v34 =	vand.u32 $0xFF, v7;
	[tilespmem:s18+$0x70] =	vst v6  }
0x193: {  	v33 =	vand.u32 $0xFF, v28;
	v6 =	vld [tilespmem:s21+$0x80]  }
0x194: {  	v5 =	vld.idx.msk [tilespmem:v30+s30+$0x0], $0xffff  }
0x195: {  	v35 =	vand.u32 $0xFF, v4;
	v13 =	vld.idx.msk [tilespmem:v31+s30+$0x0], $0xffff  }
0x196: {  	v17 =	vand.u32 $0xFFFF0000, v56;
	v2 =	vld.idx.msk [tilespmem:v2+s30+$0x0], $0xffff  }
0x197: {  	v10 =	vsub.f32 v17, v10;
	v16 =	vld.idx.msk [tilespmem:v34+s30+$0x0], $0xffff  }
0x198: {  	v12 =	vand.u32 $0xFFFF0000, v63;
	s24 =	rddreg [dreg:$0x4];
	v15 =	vld.idx.msk [tilespmem:v33+s30+$0x0], $0xffff;
	v36 =	vand.u32 $0xFF, v6  }
0x199: {  	v32 =	vld [tilespmem:s24+$0x40];
	v5 =	vsub.f32 v12, v5;
	[tilespmem:s29+$0x400] =	vst v10  }
0x19a: {  	v11 =	vand.u32 $0xFFFF0000, v23;
	v37 =	vld.idx.msk [tilespmem:v35+s30+$0x0], $0xffff;
	s25 =	rddreg [dreg:$0x5]  }
0x19b: {  	v8 =	vand.u32 $0xFFFF0000, v25;
	v38 =	vsub.f32 v11, v13;
	v40 =	vld [tilespmem:s25+$0x40];
	[tilespmem:s31+$0x400] =	vst v5  }
0x19c: {  	v41 =	vand.u32 $0xFFFF0000, v28;
	v2 =	vsub.f32 v8, v2;
	v42 =	vld [tilespmem:s11+$0x40]  }
0x19d: {  	v7 =	vand.u32 $0xFFFF0000, v7;
	[tilespmem:s14+$0x400] =	vst v38;
	v5 =	vsub.f32 v41, v15;
	v39 =	vld.idx.msk [tilespmem:v36+s30+$0x0], $0xffff  }
0x19e: {  	v4 =	vand.u32 $0xFFFF0000, v4;
	[tilespmem:s3+$0x400] =	vst v2;
	v2 =	vsub.f32 v7, v16;
	v43 =	vld [tilespmem:s22+$0x40]  }
0x19f: {  	v47 =	vand.u32 $0xFF, v32;
	v44 =	vld [tilespmem:s9+$0x40];
	v4 =	vsub.f32 v4, v37;
	[tilespmem:s5+$0x400] =	vst v5  }
0x1a0: {  	[tilespmem:s12+$0x400] =	vst v2;
	v46 =	vld [tilespmem:s1+$0x40]  }
0x1a1: {  	v45 =	vand.u32 $0xFFFF0000, v6;
	v48 =	vld [tilespmem:s28+$0x40];
	v49 =	vand.u32 $0xFF, v40;
	[tilespmem:s4+$0x400] =	vst v4  }
0x1a2: {  	v4 =	vld [tilespmem:s16+$0x40];
	v50 =	vand.u32 $0xFF, v42;
	v2 =	vsub.f32 v45, v39  }
0x1a3: {  	v3 =	vld.idx.msk [tilespmem:v3+s30+$0x0], $0xffff;
	v51 =	vand.u32 $0xFF, v43  }
0x1a4: {  	v10 =	vld.idx.msk [tilespmem:v47+s30+$0x0], $0xffff;
	v52 =	vand.u32 $0xFF, v44;
	[tilespmem:s18+$0x400] =	vst v2  }
0x1a5: {  	v53 =	vand.u32 $0xFF, v46;
	v2 =	vld [tilespmem:s8+$0x40]  }
0x1a6: {  	v11 =	vld.idx.msk [tilespmem:v49+s30+$0x0], $0xffff;
	v54 =	vand.u32 $0xFF, v48  }
0x1a7: {  	v12 =	vld.idx.msk [tilespmem:v50+s30+$0x0], $0xffff;
	v55 =	vand.u32 $0xFF, v4  }
0x1a8: {  	v1 =	vand.u32 $0xFFFF0000, v1;
	v15 =	vld.idx.msk [tilespmem:v51+s30+$0x0], $0xffff  }
0x1a9: {  	v1 =	vsub.f32 v1, v3;
	v3 =	vand.u32 $0xFFFF0000, v32;
	v57 =	vld.idx.msk [tilespmem:v52+s30+$0x0], $0xffff  }
0x1aa: {  	v58 =	vand.u32 $0xFFFF0000, v40;
	v3 =	vsub.f32 v3, v10;
	s26 =	rddreg [dreg:$0x6];
	v59 =	vld.idx.msk [tilespmem:v53+s30+$0x0], $0xffff;
	v56 =	vand.u32 $0xFF, v2  }
0x1ab: {  	v8 =	vand.u32 $0xFFFF0000, v42;
	[tilespmem:s26+$0x410] =	vst v1;
	v1 =	vsub.f32 v58, v11;
	v60 =	vld.idx.msk [tilespmem:v54+s30+$0x0], $0xffff  }
0x1ac: {  	v61 =	vand.u32 $0xFFFF0000, v43;
	[tilespmem:s13+$0x410] =	vst v3;
	v3 =	vsub.f32 v8, v12;
	v62 =	vld.idx.msk [tilespmem:v55+s30+$0x0], $0xffff  }
0x1ad: {  	v7 =	vand.u32 $0xFFFF0000, v44;
	[tilespmem:s29+$0x410] =	vst v1;
	v1 =	vsub.f32 v61, v15  }
0x1ae: {  	v6 =	vand.u32 $0xFFFF0000, v46;
	[tilespmem:s31+$0x410] =	vst v3;
	v3 =	vsub.f32 v7, v57  }
0x1af: {  	v5 =	vand.u32 $0xFFFF0000, v48;
	[tilespmem:s14+$0x410] =	vst v1;
	v1 =	vsub.f32 v6, v59;
	v63 =	vld.idx.msk [tilespmem:v56+s30+$0x0], $0xffff  }
0x1b0: {  	v4 =	vand.u32 $0xFFFF0000, v4;
	[tilespmem:s3+$0x410] =	vst v3;
	v3 =	vsub.f32 v5, v60  }
0x1b1: {  	[tilespmem:s5+$0x410] =	vst v1;
	v1 =	vsub.f32 v4, v62  }
0x1b2: {  	[tilespmem:s12+$0x410] =	vst v3  }
0x1b3: {  	v2 =	vand.u32 $0xFFFF0000, v2;
	[tilespmem:s4+$0x410] =	vst v1  }
0x1b4: {  	s4 =	rddreg [dreg:$0xe];
	v2 =	vsub.f32 v2, v63  }
0x1b5: {  	s28 =	rddreg [dreg:$0x16]  }
0x1b6: {  	p2 =	seq.s32 s28, s4;
	[tilespmem:s18+$0x410] =	vst v2  }
0x1b7: {  	p1 =	por p2, p1;
	_ =	strace $0x9000005B  }
0x1b8: {  	s0 =	rddreg [dreg:$0x18];
	_ =	strace @p1 $0x8000005C  }
0x1b9: {  	s0 =	sshll.u32 @p1 s0, $0xC;
	s1 =	rddreg [dreg:$0x17]  }
0x1ba: {  	s2 =	rddreg [dreg:$0x1];
	s0 =	sand.u32 @p1 $0x1FFFF000, s0  }
0x1bb: {  	s1 =	sadd.s32 @p1 $0x3, s1;
	s0 =	sadd.s32 @p1 s2, s0;
	s2 =	simm.s32 @p1 $0x0  }
0x1bc: {  	[hbm4b:s0+s2] =	stream.linear.scatter @p1 [tilespmem:s23], [sflag:s1], $0x8000, $0x200038;
	[tilespmem:$0x1AD00] =	vst v63  }
0x1bd: {  	_ =	strace @p1 $0x9000005C  }
0x1be: {  	p2 =	seq.s32 s28, $0x0;
	s2 =	rddreg [dreg:$0x12]  }
0x1bf: {  	s0 =	sand.u32 @!p2 $0x1, s2  }
0x1c0: {  	_ =	strace @!p2 $0x8000005D;
	s0 =	sadd.s32 @!p2 $0x3, s0  }
0x1c1: {  	s9 =	sadd.s32 $0x1, s28;
	s1 =	simm.s32 $0x1;
	_ =	swait.ge @!p2 [sflag:s0], $0x8000  }
0x1c2: {  	s1 =	simm.s32 @!p0 $0x0;
	p0 =	sne.s32 s28, $0x0;
	[sflag:s0] =	ssyncset.done @!p2 $0x0  }
0x1c3: {  	s3 =	rddreg [dreg:$0xc];
	[sflag:s0] =	ssyncadd.s32 @!p2 $0xFFFF8000;
	s0 =	simm.s32 $0x1  }
0x1c4: {  	s0 =	simm.s32 @!p0 $0x0;
	p0 =	sne.s32 s9, s3  }
.Ltmp4:
0x1c5: {  	s29 =	rddreg [dreg:$0x11];
	(pc) =	sbr.rel @p0 .LBB2_8-.Ltmp4, $4  }
0x1c6: {  	s15 =	simm.s32 $0xC80;
	s30 =	rddreg [dreg:$0x14]  }
0x1c7: {  	s31 =	rddreg [dreg:$0x15];
	s5 =	sadd.s32 s1, s29;
	s1 =	simm.s32 $0x1  }
0x1c8: {  	s1 =	simm.s32 @!p1 $0x0;
	_ =	strace @!p2 $0x9000005D;
	s2 =	sadd.s32 s0, s2  }
0x1c9: {  	s8 =	sadd.s32 s1, s30;
	s7 =	sadd.s32 s1, s31;
	s0 =	rddreg [dreg:$0x13]  }
0x1ca: {  	s0 =	sand.u32 $0x1, s2  }
0x1cb: {  	_ =	strace $0x8000005E;
	s0 =	sadd.s32 $0x3, s0  }
0x1cc: {  	_ =	swait.ge [sflag:s0], $0x8000  }
0x1cd: {  	s1 =	rddreg [dreg:$0x10]  }
0x1ce: {  	s31 =	rddreg [dreg:$0xf];
	s1 =	sadd.s32 $0x1, s1  }
0x1cf: {  	p0 =	sne.s32 s1, s31  }
.Ltmp5:
0x1d0: {  	_ = 	snop;
	(pc) =	sbr.rel @p0 .LBB2_1-.Ltmp5, $4  }
0x1d1: {  	_ = 	snop  }
0x1d2: {  	[sflag:s0] =	ssyncset.done $0x0  }
0x1d3: {  	[sflag:s0] =	ssyncadd.s32 $0xFFFF8000  }
0x1d4: {  	_ =	strace $0x9000005E  }
0x1d5: {  	_ =	sfence.sel $0x180000  }
0x1d6: {  	[bflag:$0x0] =	sbarrier.arrive $0xFFFF  }
0x1d7: {  	_ =	strace $0x90000057  }
0x1d8: {  	s0 =	stileid.u32;
	[bflag:$0x2] =	sbarrier.arrive $0xFFFF  }
0x1d9: {  	p0 =	sne.s32 s0, $0x0;
	s0 =	rddreg [dreg:$0x2]  }
0x1da: {  	s0 =	sadd.s32 @!p0 $0x100000, s0  }
0x1db: {  	[sflag:s0] =	ssyncadd.tile.s32 @!p0 $0x1;
	_ =	shalt  }
.Lfunc_end2:
_tile_overlayer_lowered:
.L_overlay_start_2:
0x1dc: {  	(tag) =	ssettag $0x2  }
0x1dd: {  	s0 =	rddreg [dreg:$0x0];
	s2 =	stileid.u32  }
0x1de: {  	s1 =	rddreg [dreg:$0x1];
	p0 =	sne.s32 s2, $0x0  }
0x1df: {  	s3 =	rddreg [dreg:$0x2];
	[bflag:$0x3] =	sbarrier.arrive $0xFFFF;
	s2 =	simm.s32 @!p0 $0x1C01  }
0x1e0: {  	[timem:s3], [sflag:s2] =	dma.local @!p0 [hbm:s0], s1  }
0x1e1: {  	s0 =	simm.s32 @!p0 $0x1  }
0x1e2: {  	_ =	swait.ge @!p0 [sflag:s0], s1  }
0x1e3: {  	s1 =	ssub.s32 @!p0 $0x0, s1;
	[sflag:s0] =	ssyncset.done @!p0 $0x0  }
0x1e4: {  	[sflag:s0] =	ssyncadd.s32 @!p0 s1  }
0x1e5: {  	[bflag:$0x3] =	sbarrier.arrive $0xFFFF  }
0x1e6: {  	_ =	shalt  }

</sc_bundles>
